<compile_context>
chip_gen: v7x
topology: tpu7x:2x2x1
jax: 0.10.2.dev20260603
libtpu: 0.0.44.dev20260713+nightly
codegen_flags: <defaults>
</compile_context>

<pallas_src>
import functools
import math

import jax
import jax.numpy as jnp
from jax import lax
from jax.experimental import pallas as pl
from jax.experimental.pallas import tpu as pltpu
from jax.experimental.pallas import tpu_sc as plsc

_EMBED_DIM = 1024
_PADDING_IDX = 1


def _build_table(num_embeddings: int, embed_dim: int, padding_idx: int):
    half = embed_dim // 2
    scale = math.log(10000.0) / (half - 1)
    inv = jnp.exp(jnp.arange(half, dtype=jnp.float32) * -scale)
    pos = jnp.arange(num_embeddings, dtype=jnp.float32)
    ang = pos[:, None] * inv[None, :]
    emb = jnp.concatenate([jnp.sin(ang), jnp.cos(ang)], axis=1)
    emb = emb.at[padding_idx, :].set(0.0)
    return emb


def kernel(x):
    bsz, seq_len = x.shape
    n_rows = bsz * seq_len
    table = _build_table(_PADDING_IDX + 1 + seq_len, _EMBED_DIM, _PADDING_IDX)
    xf = x.reshape(n_rows)

    info = plsc.get_sparse_core_info()
    nc, ns, lanes = info.num_cores, info.num_subcores, info.num_lanes
    nw = nc * ns
    rows_per_w = n_rows // nw
    chunk = 32
    n_chunks = rows_per_w // chunk
    nbuf = 3

    mesh = plsc.VectorSubcoreMesh(core_axis_name="c", subcore_axis_name="s")

    @functools.partial(
        pl.kernel,
        mesh=mesh,
        out_type=jax.ShapeDtypeStruct((n_rows, _EMBED_DIM), jnp.float32),
        scratch_types=[
            pltpu.VMEM((rows_per_w,), jnp.int32),
            pltpu.VMEM((n_chunks, chunk), jnp.int32),
            pltpu.VMEM((nbuf, chunk, _EMBED_DIM), jnp.float32),
            pltpu.SemaphoreType.DMA,
            pltpu.SemaphoreType.DMA,
        ],
    )
    def sc_kernel(table_hbm, x_hbm, out_hbm, xv, idxv, buf, gsem, ssem):
        wid = lax.axis_index("s") * nc + lax.axis_index("c")
        wbase = wid * rows_per_w
        tbase = lax.rem(wbase, seq_len)

        pltpu.sync_copy(x_hbm.at[pl.ds(wbase, rows_per_w)], xv)
        for i in range(rows_per_w // lanes):
            toks = xv[pl.ds(i * lanes, lanes)]
            seq_pos = lax.iota(jnp.int32, lanes) + (
                tbase + i * lanes + _PADDING_IDX + 1
            )
            p = jnp.where(toks != _PADDING_IDX, seq_pos, _PADDING_IDX)
            ci, j = divmod(i * lanes, chunk)
            idxv[ci, pl.ds(j, lanes)] = p

        def gather(ci):
            return pltpu.make_async_copy(
                table_hbm.at[idxv.at[ci]], buf.at[ci % nbuf], gsem
            )

        def scatter(ci):
            return pltpu.make_async_copy(
                buf.at[ci % nbuf],
                out_hbm.at[pl.ds(wbase + ci * chunk, chunk)],
                ssem,
            )

        for ci in range(min(2, n_chunks)):
            gather(ci).start()
        for ci in range(n_chunks):
            gather(ci).wait()
            scatter(ci).start()
            if ci + 2 < n_chunks:
                if ci >= 1:
                    scatter(ci - 1).wait()
                gather(ci + 2).start()
        for ci in range(max(0, n_chunks - 3), n_chunks):
            scatter(ci).wait()

    out = sc_kernel(table, xf)
    return out.reshape(bsz, seq_len, _EMBED_DIM)

# --- scband reference (transcript-rebuilt; emitter-appended) ---
"""Pipeline reference for scband-sinusoidal-positional-embedding-24618752541347 (READ-ONLY COPY).

The authoritative reference and input builder live on the scoring server;
editing this copy changes nothing except your own understanding.
"""

import math
import jax, jax.numpy as jnp
import numpy as np

EMBED_DIM = 1024
PADDING_IDX = 1
BATCH = 4
SEQ_LEN = 8192
VOCAB = 32000


def get_embedding(num_embeddings, embed_dim, padding_idx):
    half_dim = embed_dim // 2
    emb_scale = math.log(10000.0) / (half_dim - 1)
    emb = jnp.exp(jnp.arange(half_dim, dtype=jnp.float32) * -emb_scale)
    positions = jnp.arange(num_embeddings, dtype=jnp.float32)
    emb = positions[:, None] * emb[None, :]
    emb = jnp.concatenate([jnp.sin(emb), jnp.cos(emb)], axis=1)
    if embed_dim % 2 == 1:
        emb = jnp.concatenate([emb, jnp.zeros((num_embeddings, 1), dtype=jnp.float32)], axis=1)
    emb = emb.at[padding_idx, :].set(0.0)
    return emb


def setup_inputs(seed: int = 0) -> dict:
    key = jax.random.key(seed)
    x = jax.random.randint(key, (BATCH, SEQ_LEN), 0, VOCAB, dtype=jnp.int32)
    return {"x": x}


def reference(x):
    bsz, seq_len = x.shape
    max_pos = PADDING_IDX + 1 + seq_len
    weights = get_embedding(max_pos, EMBED_DIM, PADDING_IDX)
    # make_positions
    mask = (x != PADDING_IDX)
    range_buf = jnp.arange(seq_len, dtype=jnp.int32) + PADDING_IDX + 1
    positions = jnp.broadcast_to(range_buf[None, :], x.shape)
    m = mask.astype(jnp.int32)
    positions = positions * m + PADDING_IDX * (1 - m)
    # gather rows from the sinusoidal table (embedding lookup)
    out = jnp.take(weights, positions.reshape(-1), axis=0)
    out = out.reshape(bsz, seq_len, EMBED_DIM)
    return out

if __name__ == "__main__":
    import jax
    _d = setup_inputs()
    print(jax.jit(kernel)(*tuple(_d.values())))

</pallas_src>

<mosaic_0001>
#map = affine_map<(d0, d1) -> (0, 0)>
#map1 = affine_map<(d0, d1) -> (0)>
module attributes {stable_mosaic.version = 14 : i64} {
  func.func @sc_kernel(%arg0: i32, %arg1: i32, %arg2: memref<8194x1024xf32, #tpu.memory_space<hbm>>, %arg3: memref<32768xi32, #tpu.memory_space<hbm>>, %arg4: memref<32768x1024xf32, #tpu.memory_space<hbm>>, %arg5: memref<1024xi32, #tpu.memory_space<vmem>>, %arg6: memref<32x32xi32, #tpu.memory_space<vmem>>, %arg7: memref<3x32x1024xf32, #tpu.memory_space<vmem>>, %arg8: memref<!tpu.dma_semaphore, #tpu.memory_space<semaphore_mem>>, %arg9: memref<!tpu.dma_semaphore, #tpu.memory_space<semaphore_mem>>) attributes {dimension_semantics = [#tpu.dimension_semantics<core_parallel>, #tpu.dimension_semantics<subcore_parallel>], iteration_bounds = array<i64: 2, 16>, scalar_prefetch = 0 : i64, scratch_operands = 5 : i64, tpu.core_type = #tpu.core_type<sc_vector_subcore>, window_params = [{transform_indices = #map}, {transform_indices = #map1}, {transform_indices = #map}]} {
    %mul3A = arith.constant 2 : i32
    %mul3A_0 = arith.muli %arg1, %mul3A : i32
    %add3A = arith.addi %mul3A_0, %arg0 : i32
    %mul3A_1 = arith.constant 1024 : i32
    %mul3A_2 = arith.muli %add3A, %mul3A_1 : i32
    %rem3A = arith.constant 8192 : i32
    %rem3A_3 = arith.remsi %mul3A_2, %rem3A : i32
    "tpu.region"() ({
      %run_scoped3A = tpu.sem_alloc : memref<!tpu.dma_semaphore, #tpu.memory_space<semaphore_mem>>
      %dma_start3A_3259 = tpu.memref_slice %arg3[%mul3A_2] : memref<32768xi32, #tpu.memory_space<hbm>> -> memref<1024xi32, #tpu.memory_space<hbm>>
      %dma_start3A_3260 = tpu.memref_slice %arg3[%mul3A_2] : memref<32768xi32, #tpu.memory_space<hbm>> -> memref<1024xi32, #tpu.memory_space<hbm>>
      tpu.enqueue_dma source(%dma_start3A_3260 : memref<1024xi32, #tpu.memory_space<hbm>>) target(%arg5 : memref<1024xi32, #tpu.memory_space<vmem>>) target_semaphore(%run_scoped3A : memref<!tpu.dma_semaphore, #tpu.memory_space<semaphore_mem>>)
      %dma_wait3A_3261 = tpu.memref_slice %arg3[%mul3A_2] : memref<32768xi32, #tpu.memory_space<hbm>> -> memref<1024xi32, #tpu.memory_space<hbm>>
      %dma_wait3A_3262 = tpu.memref_slice %arg3[%mul3A_2] : memref<32768xi32, #tpu.memory_space<hbm>> -> memref<1024xi32, #tpu.memory_space<hbm>>
      tpu.wait_dma2 semaphore(%run_scoped3A : memref<!tpu.dma_semaphore, #tpu.memory_space<semaphore_mem>>) src(%dma_wait3A_3262 : memref<1024xi32, #tpu.memory_space<hbm>>) dst(%arg5 : memref<1024xi32, #tpu.memory_space<vmem>>)
      tpu.yield
    }) : () -> ()
    %get3A = arith.constant 0 : index
    %get3A_4 = tpu.vector_load %arg5[%get3A] {strides = array<i32>} : memref<1024xi32, #tpu.memory_space<vmem>>, vector<16xi32>,
    %get3A_5 = vector.shape_cast %get3A_4 : vector<16xi32> to vector<16xi32>
    %iota3A = tpu.iota {dimensions = array<i32: 0>} : vector<16xi32>
    %add3A_6 = arith.constant 0 : i32
    %add3A_7 = arith.addi %rem3A_3, %add3A_6 : i32
    %add3A_8 = arith.constant 1 : i32
    %add3A_9 = arith.addi %add3A_7, %add3A_8 : i32
    %add3A_10 = arith.constant 1 : i32
    %add3A_11 = arith.addi %add3A_9, %add3A_10 : i32
    %add3A_12 = vector.broadcast %add3A_11 : i32 to vector<16xi32>
    %add3A_13 = arith.addi %iota3A, %add3A_12 : vector<16xi32>
    %ne3A = arith.constant 1 : i32
    %ne3A_14 = vector.broadcast %ne3A : i32 to vector<16xi32>
    %ne3A_15 = arith.cmpi ne, %get3A_5, %ne3A_14 : vector<16xi32>
    %jit3A = arith.constant 1 : i32
    %broadcast_in_dim3A = vector.broadcast %jit3A : i32 to vector<16xi32>
    %select_n3A = arith.select %ne3A_15, %add3A_13, %broadcast_in_dim3A : vector<16xi1>, vector<16xi32>
    %swap3A = arith.constant 0 : i32
    %swap3A_16 = arith.index_cast %swap3A : i32 to index
    %swap3A_17 = arith.constant 0 : index
    %swap3A_18 = tpu.vector_load %arg6[%swap3A_16, %swap3A_17] {strides = array<i32>} : memref<32x32xi32, #tpu.memory_space<vmem>>, vector<1x16xi32>,
    %swap3A_19 = vector.shape_cast %swap3A_18 : vector<1x16xi32> to vector<16xi32>
    %swap3A_20 = vector.shape_cast %select_n3A : vector<16xi32> to vector<1x16xi32>
    tpu.vector_store %arg6[%swap3A_16, %swap3A_17], %swap3A_20 {strides = array<i32>} : memref<32x32xi32, #tpu.memory_space<vmem>>, vector<1x16xi32>,
    %get3A_21 = arith.constant 16 : index
    %get3A_22 = tpu.vector_load %arg5[%get3A_21] {strides = array<i32>} : memref<1024xi32, #tpu.memory_space<vmem>>, vector<16xi32>,
    %get3A_23 = vector.shape_cast %get3A_22 : vector<16xi32> to vector<16xi32>
    %iota3A_24 = tpu.iota {dimensions = array<i32: 0>} : vector<16xi32>
    %add3A_25 = arith.constant 16 : i32
    %add3A_26 = arith.addi %rem3A_3, %add3A_25 : i32
    %add3A_27 = arith.constant 1 : i32
    %add3A_28 = arith.addi %add3A_26, %add3A_27 : i32
    %add3A_29 = arith.constant 1 : i32
    %add3A_30 = arith.addi %add3A_28, %add3A_29 : i32
    %add3A_31 = vector.broadcast %add3A_30 : i32 to vector<16xi32>
    %add3A_32 = arith.addi %iota3A_24, %add3A_31 : vector<16xi32>
    %ne3A_33 = arith.constant 1 : i32
    %ne3A_34 = vector.broadcast %ne3A_33 : i32 to vector<16xi32>
    %ne3A_35 = arith.cmpi ne, %get3A_23, %ne3A_34 : vector<16xi32>
    %jit3A_36 = arith.constant 1 : i32
    %broadcast_in_dim3A_37 = vector.broadcast %jit3A_36 : i32 to vector<16xi32>
    %select_n3A_38 = arith.select %ne3A_35, %add3A_32, %broadcast_in_dim3A_37 : vector<16xi1>, vector<16xi32>
    %swap3A_39 = arith.constant 0 : i32
    %swap3A_40 = arith.index_cast %swap3A_39 : i32 to index
    %swap3A_41 = arith.constant 16 : index
    %swap3A_42 = tpu.vector_load %arg6[%swap3A_40, %swap3A_41] {strides = array<i32>} : memref<32x32xi32, #tpu.memory_space<vmem>>, vector<1x16xi32>,
    %swap3A_43 = vector.shape_cast %swap3A_42 : vector<1x16xi32> to vector<16xi32>
    %swap3A_44 = vector.shape_cast %select_n3A_38 : vector<16xi32> to vector<1x16xi32>
    tpu.vector_store %arg6[%swap3A_40, %swap3A_41], %swap3A_44 {strides = array<i32>} : memref<32x32xi32, #tpu.memory_space<vmem>>, vector<1x16xi32>,
    %get3A_45 = arith.constant 32 : index
    %get3A_46 = tpu.vector_load %arg5[%get3A_45] {strides = array<i32>} : memref<1024xi32, #tpu.memory_space<vmem>>, vector<16xi32>,
    %get3A_47 = vector.shape_cast %get3A_46 : vector<16xi32> to vector<16xi32>
    %iota3A_48 = tpu.iota {dimensions = array<i32: 0>} : vector<16xi32>
    %add3A_49 = arith.constant 32 : i32
    %add3A_50 = arith.addi %rem3A_3, %add3A_49 : i32
    %add3A_51 = arith.constant 1 : i32
    %add3A_52 = arith.addi %add3A_50, %add3A_51 : i32
    %add3A_53 = arith.constant 1 : i32
    %add3A_54 = arith.addi %add3A_52, %add3A_53 : i32
    %add3A_55 = vector.broadcast %add3A_54 : i32 to vector<16xi32>
    %add3A_56 = arith.addi %iota3A_48, %add3A_55 : vector<16xi32>
    %ne3A_57 = arith.constant 1 : i32
    %ne3A_58 = vector.broadcast %ne3A_57 : i32 to vector<16xi32>
    %ne3A_59 = arith.cmpi ne, %get3A_47, %ne3A_58 : vector<16xi32>
    %jit3A_60 = arith.constant 1 : i32
    %broadcast_in_dim3A_61 = vector.broadcast %jit3A_60 : i32 to vector<16xi32>
    %select_n3A_62 = arith.select %ne3A_59, %add3A_56, %broadcast_in_dim3A_61 : vector<16xi1>, vector<16xi32>
    %swap3A_63 = arith.constant 1 : i32
    %swap3A_64 = arith.index_cast %swap3A_63 : i32 to index
    %swap3A_65 = arith.constant 0 : index
    %swap3A_66 = tpu.vector_load %arg6[%swap3A_64, %swap3A_65] {strides = array<i32>} : memref<32x32xi32, #tpu.memory_space<vmem>>, vector<1x16xi32>,
    %swap3A_67 = vector.shape_cast %swap3A_66 : vector<1x16xi32> to vector<16xi32>
    %swap3A_68 = vector.shape_cast %select_n3A_62 : vector<16xi32> to vector<1x16xi32>
    tpu.vector_store %arg6[%swap3A_64, %swap3A_65], %swap3A_68 {strides = array<i32>} : memref<32x32xi32, #tpu.memory_space<vmem>>, vector<1x16xi32>,
    %get3A_69 = arith.constant 48 : index
    %get3A_70 = tpu.vector_load %arg5[%get3A_69] {strides = array<i32>} : memref<1024xi32, #tpu.memory_space<vmem>>, vector<16xi32>,
    %get3A_71 = vector.shape_cast %get3A_70 : vector<16xi32> to vector<16xi32>
    %iota3A_72 = tpu.iota {dimensions = array<i32: 0>} : vector<16xi32>
    %add3A_73 = arith.constant 48 : i32
    %add3A_74 = arith.addi %rem3A_3, %add3A_73 : i32
    %add3A_75 = arith.constant 1 : i32
    %add3A_76 = arith.addi %add3A_74, %add3A_75 : i32
    %add3A_77 = arith.constant 1 : i32
    %add3A_78 = arith.addi %add3A_76, %add3A_77 : i32
    %add3A_79 = vector.broadcast %add3A_78 : i32 to vector<16xi32>
    %add3A_80 = arith.addi %iota3A_72, %add3A_79 : vector<16xi32>
    %ne3A_81 = arith.constant 1 : i32
    %ne3A_82 = vector.broadcast %ne3A_81 : i32 to vector<16xi32>
    %ne3A_83 = arith.cmpi ne, %get3A_71, %ne3A_82 : vector<16xi32>
    %jit3A_84 = arith.constant 1 : i32
    %broadcast_in_dim3A_85 = vector.broadcast %jit3A_84 : i32 to vector<16xi32>
    %select_n3A_86 = arith.select %ne3A_83, %add3A_80, %broadcast_in_dim3A_85 : vector<16xi1>, vector<16xi32>
    %swap3A_87 = arith.constant 1 : i32
    %swap3A_88 = arith.index_cast %swap3A_87 : i32 to index
    %swap3A_89 = arith.constant 16 : index
    %swap3A_90 = tpu.vector_load %arg6[%swap3A_88, %swap3A_89] {strides = array<i32>} : memref<32x32xi32, #tpu.memory_space<vmem>>, vector<1x16xi32>,
    %swap3A_91 = vector.shape_cast %swap3A_90 : vector<1x16xi32> to vector<16xi32>
    %swap3A_92 = vector.shape_cast %select_n3A_86 : vector<16xi32> to vector<1x16xi32>
    tpu.vector_store %arg6[%swap3A_88, %swap3A_89], %swap3A_92 {strides = array<i32>} : memref<32x32xi32, #tpu.memory_space<vmem>>, vector<1x16xi32>,
    %get3A_93 = arith.constant 64 : index
    %get3A_94 = tpu.vector_load %arg5[%get3A_93] {strides = array<i32>} : memref<1024xi32, #tpu.memory_space<vmem>>, vector<16xi32>,
    %get3A_95 = vector.shape_cast %get3A_94 : vector<16xi32> to vector<16xi32>
    %iota3A_96 = tpu.iota {dimensions = array<i32: 0>} : vector<16xi32>
    %add3A_97 = arith.constant 64 : i32
    %add3A_98 = arith.addi %rem3A_3, %add3A_97 : i32
    %add3A_99 = arith.constant 1 : i32
    %add3A_100 = arith.addi %add3A_98, %add3A_99 : i32
    %add3A_101 = arith.constant 1 : i32
    %add3A_102 = arith.addi %add3A_100, %add3A_101 : i32
    %add3A_103 = vector.broadcast %add3A_102 : i32 to vector<16xi32>
    %add3A_104 = arith.addi %iota3A_96, %add3A_103 : vector<16xi32>
    %ne3A_105 = arith.constant 1 : i32
    %ne3A_106 = vector.broadcast %ne3A_105 : i32 to vector<16xi32>
    %ne3A_107 = arith.cmpi ne, %get3A_95, %ne3A_106 : vector<16xi32>
    %jit3A_108 = arith.constant 1 : i32
    %broadcast_in_dim3A_109 = vector.broadcast %jit3A_108 : i32 to vector<16xi32>
    %select_n3A_110 = arith.select %ne3A_107, %add3A_104, %broadcast_in_dim3A_109 : vector<16xi1>, vector<16xi32>
    %swap3A_111 = arith.constant 2 : i32
    %swap3A_112 = arith.index_cast %swap3A_111 : i32 to index
    %swap3A_113 = arith.constant 0 : index
    %swap3A_114 = tpu.vector_load %arg6[%swap3A_112, %swap3A_113] {strides = array<i32>} : memref<32x32xi32, #tpu.memory_space<vmem>>, vector<1x16xi32>,
    %swap3A_115 = vector.shape_cast %swap3A_114 : vector<1x16xi32> to vector<16xi32>
    %swap3A_116 = vector.shape_cast %select_n3A_110 : vector<16xi32> to vector<1x16xi32>
    tpu.vector_store %arg6[%swap3A_112, %swap3A_113], %swap3A_116 {strides = array<i32>} : memref<32x32xi32, #tpu.memory_space<vmem>>, vector<1x16xi32>,
    %get3A_117 = arith.constant 80 : index
    %get3A_118 = tpu.vector_load %arg5[%get3A_117] {strides = array<i32>} : memref<1024xi32, #tpu.memory_space<vmem>>, vector<16xi32>,
    %get3A_119 = vector.shape_cast %get3A_118 : vector<16xi32> to vector<16xi32>
    %iota3A_120 = tpu.iota {dimensions = array<i32: 0>} : vector<16xi32>
    %add3A_121 = arith.constant 80 : i32
    %add3A_122 = arith.addi %rem3A_3, %add3A_121 : i32
    %add3A_123 = arith.constant 1 : i32
    %add3A_124 = arith.addi %add3A_122, %add3A_123 : i32
    %add3A_125 = arith.constant 1 : i32
    %add3A_126 = arith.addi %add3A_124, %add3A_125 : i32
    %add3A_127 = vector.broadcast %add3A_126 : i32 to vector<16xi32>
    %add3A_128 = arith.addi %iota3A_120, %add3A_127 : vector<16xi32>
    %ne3A_129 = arith.constant 1 : i32
    %ne3A_130 = vector.broadcast %ne3A_129 : i32 to vector<16xi32>
    %ne3A_131 = arith.cmpi ne, %get3A_119, %ne3A_130 : vector<16xi32>
    %jit3A_132 = arith.constant 1 : i32
    %broadcast_in_dim3A_133 = vector.broadcast %jit3A_132 : i32 to vector<16xi32>
    %select_n3A_134 = arith.select %ne3A_131, %add3A_128, %broadcast_in_dim3A_133 : vector<16xi1>, vector<16xi32>
    %swap3A_135 = arith.constant 2 : i32
    %swap3A_136 = arith.index_cast %swap3A_135 : i32 to index
    %swap3A_137 = arith.constant 16 : index
    %swap3A_138 = tpu.vector_load %arg6[%swap3A_136, %swap3A_137] {strides = array<i32>} : memref<32x32xi32, #tpu.memory_space<vmem>>, vector<1x16xi32>,
    %swap3A_139 = vector.shape_cast %swap3A_138 : vector<1x16xi32> to vector<16xi32>
    %swap3A_140 = vector.shape_cast %select_n3A_134 : vector<16xi32> to vector<1x16xi32>
    tpu.vector_store %arg6[%swap3A_136, %swap3A_137], %swap3A_140 {strides = array<i32>} : memref<32x32xi32, #tpu.memory_space<vmem>>, vector<1x16xi32>,
    %get3A_141 = arith.constant 96 : index
    %get3A_142 = tpu.vector_load %arg5[%get3A_141] {strides = array<i32>} : memref<1024xi32, #tpu.memory_space<vmem>>, vector<16xi32>,
    %get3A_143 = vector.shape_cast %get3A_142 : vector<16xi32> to vector<16xi32>
    %iota3A_144 = tpu.iota {dimensions = array<i32: 0>} : vector<16xi32>
    %add3A_145 = arith.constant 96 : i32
    %add3A_146 = arith.addi %rem3A_3, %add3A_145 : i32
    %add3A_147 = arith.constant 1 : i32
    %add3A_148 = arith.addi %add3A_146, %add3A_147 : i32
    %add3A_149 = arith.constant 1 : i32
    %add3A_150 = arith.addi %add3A_148, %add3A_149 : i32
    %add3A_151 = vector.broadcast %add3A_150 : i32 to vector<16xi32>
    %add3A_152 = arith.addi %iota3A_144, %add3A_151 : vector<16xi32>
    %ne3A_153 = arith.constant 1 : i32
    %ne3A_154 = vector.broadcast %ne3A_153 : i32 to vector<16xi32>
    %ne3A_155 = arith.cmpi ne, %get3A_143, %ne3A_154 : vector<16xi32>
    %jit3A_156 = arith.constant 1 : i32
    %broadcast_in_dim3A_157 = vector.broadcast %jit3A_156 : i32 to vector<16xi32>
    %select_n3A_158 = arith.select %ne3A_155, %add3A_152, %broadcast_in_dim3A_157 : vector<16xi1>, vector<16xi32>
    %swap3A_159 = arith.constant 3 : i32
    %swap3A_160 = arith.index_cast %swap3A_159 : i32 to index
    %swap3A_161 = arith.constant 0 : index
    %swap3A_162 = tpu.vector_load %arg6[%swap3A_160, %swap3A_161] {strides = array<i32>} : memref<32x32xi32, #tpu.memory_space<vmem>>, vector<1x16xi32>,
    %swap3A_163 = vector.shape_cast %swap3A_162 : vector<1x16xi32> to vector<16xi32>
    %swap3A_164 = vector.shape_cast %select_n3A_158 : vector<16xi32> to vector<1x16xi32>
    tpu.vector_store %arg6[%swap3A_160, %swap3A_161], %swap3A_164 {strides = array<i32>} : memref<32x32xi32, #tpu.memory_space<vmem>>, vector<1x16xi32>,
    %get3A_165 = arith.constant 112 : index
    %get3A_166 = tpu.vector_load %arg5[%get3A_165] {strides = array<i32>} : memref<1024xi32, #tpu.memory_space<vmem>>, vector<16xi32>,
    %get3A_167 = vector.shape_cast %get3A_166 : vector<16xi32> to vector<16xi32>
    %iota3A_168 = tpu.iota {dimensions = array<i32: 0>} : vector<16xi32>
    %add3A_169 = arith.constant 112 : i32
    %add3A_170 = arith.addi %rem3A_3, %add3A_169 : i32
    %add3A_171 = arith.constant 1 : i32
    %add3A_172 = arith.addi %add3A_170, %add3A_171 : i32
    %add3A_173 = arith.constant 1 : i32
    %add3A_174 = arith.addi %add3A_172, %add3A_173 : i32
    %add3A_175 = vector.broadcast %add3A_174 : i32 to vector<16xi32>
    %add3A_176 = arith.addi %iota3A_168, %add3A_175 : vector<16xi32>
    %ne3A_177 = arith.constant 1 : i32
    %ne3A_178 = vector.broadcast %ne3A_177 : i32 to vector<16xi32>
    %ne3A_179 = arith.cmpi ne, %get3A_167, %ne3A_178 : vector<16xi32>
    %jit3A_180 = arith.constant 1 : i32
    %broadcast_in_dim3A_181 = vector.broadcast %jit3A_180 : i32 to vector<16xi32>
    %select_n3A_182 = arith.select %ne3A_179, %add3A_176, %broadcast_in_dim3A_181 : vector<16xi1>, vector<16xi32>
    %swap3A_183 = arith.constant 3 : i32
    %swap3A_184 = arith.index_cast %swap3A_183 : i32 to index
    %swap3A_185 = arith.constant 16 : index
    %swap3A_186 = tpu.vector_load %arg6[%swap3A_184, %swap3A_185] {strides = array<i32>} : memref<32x32xi32, #tpu.memory_space<vmem>>, vector<1x16xi32>,
    %swap3A_187 = vector.shape_cast %swap3A_186 : vector<1x16xi32> to vector<16xi32>
    %swap3A_188 = vector.shape_cast %select_n3A_182 : vector<16xi32> to vector<1x16xi32>
    tpu.vector_store %arg6[%swap3A_184, %swap3A_185], %swap3A_188 {strides = array<i32>} : memref<32x32xi32, #tpu.memory_space<vmem>>, vector<1x16xi32>,
    %get3A_189 = arith.constant 128 : index
    %get3A_190 = tpu.vector_load %arg5[%get3A_189] {strides = array<i32>} : memref<1024xi32, #tpu.memory_space<vmem>>, vector<16xi32>,
    %get3A_191 = vector.shape_cast %get3A_190 : vector<16xi32> to vector<16xi32>
    %iota3A_192 = tpu.iota {dimensions = array<i32: 0>} : vector<16xi32>
    %add3A_193 = arith.constant 128 : i32
    %add3A_194 = arith.addi %rem3A_3, %add3A_193 : i32
    %add3A_195 = arith.constant 1 : i32
    %add3A_196 = arith.addi %add3A_194, %add3A_195 : i32
    %add3A_197 = arith.constant 1 : i32
    %add3A_198 = arith.addi %add3A_196, %add3A_197 : i32
    %add3A_199 = vector.broadcast %add3A_198 : i32 to vector<16xi32>
    %add3A_200 = arith.addi %iota3A_192, %add3A_199 : vector<16xi32>
    %ne3A_201 = arith.constant 1 : i32
    %ne3A_202 = vector.broadcast %ne3A_201 : i32 to vector<16xi32>
    %ne3A_203 = arith.cmpi ne, %get3A_191, %ne3A_202 : vector<16xi32>
    %jit3A_204 = arith.constant 1 : i32
    %broadcast_in_dim3A_205 = vector.broadcast %jit3A_204 : i32 to vector<16xi32>
    %select_n3A_206 = arith.select %ne3A_203, %add3A_200, %broadcast_in_dim3A_205 : vector<16xi1>, vector<16xi32>
    %swap3A_207 = arith.constant 4 : i32
    %swap3A_208 = arith.index_cast %swap3A_207 : i32 to index
    %swap3A_209 = arith.constant 0 : index
    %swap3A_210 = tpu.vector_load %arg6[%swap3A_208, %swap3A_209] {strides = array<i32>} : memref<32x32xi32, #tpu.memory_space<vmem>>, vector<1x16xi32>,
    %swap3A_211 = vector.shape_cast %swap3A_210 : vector<1x16xi32> to vector<16xi32>
    %swap3A_212 = vector.shape_cast %select_n3A_206 : vector<16xi32> to vector<1x16xi32>
    tpu.vector_store %arg6[%swap3A_208, %swap3A_209], %swap3A_212 {strides = array<i32>} : memref<32x32xi32, #tpu.memory_space<vmem>>, vector<1x16xi32>,
    %get3A_213 = arith.constant 144 : index
    %get3A_214 = tpu.vector_load %arg5[%get3A_213] {strides = array<i32>} : memref<1024xi32, #tpu.memory_space<vmem>>, vector<16xi32>,
    %get3A_215 = vector.shape_cast %get3A_214 : vector<16xi32> to vector<16xi32>
    %iota3A_216 = tpu.iota {dimensions = array<i32: 0>} : vector<16xi32>
    %add3A_217 = arith.constant 144 : i32
    %add3A_218 = arith.addi %rem3A_3, %add3A_217 : i32
    %add3A_219 = arith.constant 1 : i32
    %add3A_220 = arith.addi %add3A_218, %add3A_219 : i32
    %add3A_221 = arith.constant 1 : i32
    %add3A_222 = arith.addi %add3A_220, %add3A_221 : i32
    %add3A_223 = vector.broadcast %add3A_222 : i32 to vector<16xi32>
    %add3A_224 = arith.addi %iota3A_216, %add3A_223 : vector<16xi32>
    %ne3A_225 = arith.constant 1 : i32
    %ne3A_226 = vector.broadcast %ne3A_225 : i32 to vector<16xi32>
    %ne3A_227 = arith.cmpi ne, %get3A_215, %ne3A_226 : vector<16xi32>
    %jit3A_228 = arith.constant 1 : i32
    %broadcast_in_dim3A_229 = vector.broadcast %jit3A_228 : i32 to vector<16xi32>
    %select_n3A_230 = arith.select %ne3A_227, %add3A_224, %broadcast_in_dim3A_229 : vector<16xi1>, vector<16xi32>
    %swap3A_231 = arith.constant 4 : i32
    %swap3A_232 = arith.index_cast %swap3A_231 : i32 to index
    %swap3A_233 = arith.constant 16 : index
    %swap3A_234 = tpu.vector_load %arg6[%swap3A_232, %swap3A_233] {strides = array<i32>} : memref<32x32xi32, #tpu.memory_space<vmem>>, vector<1x16xi32>,
    %swap3A_235 = vector.shape_cast %swap3A_234 : vector<1x16xi32> to vector<16xi32>
    %swap3A_236 = vector.shape_cast %select_n3A_230 : vector<16xi32> to vector<1x16xi32>
    tpu.vector_store %arg6[%swap3A_232, %swap3A_233], %swap3A_236 {strides = array<i32>} : memref<32x32xi32, #tpu.memory_space<vmem>>, vector<1x16xi32>,
    %get3A_237 = arith.constant 160 : index
    %get3A_238 = tpu.vector_load %arg5[%get3A_237] {strides = array<i32>} : memref<1024xi32, #tpu.memory_space<vmem>>, vector<16xi32>,
    %get3A_239 = vector.shape_cast %get3A_238 : vector<16xi32> to vector<16xi32>
    %iota3A_240 = tpu.iota {dimensions = array<i32: 0>} : vector<16xi32>
    %add3A_241 = arith.constant 160 : i32
    %add3A_242 = arith.addi %rem3A_3, %add3A_241 : i32
    %add3A_243 = arith.constant 1 : i32
    %add3A_244 = arith.addi %add3A_242, %add3A_243 : i32
    %add3A_245 = arith.constant 1 : i32
    %add3A_246 = arith.addi %add3A_244, %add3A_245 : i32
    %add3A_247 = vector.broadcast %add3A_246 : i32 to vector<16xi32>
    %add3A_248 = arith.addi %iota3A_240, %add3A_247 : vector<16xi32>
    %ne3A_249 = arith.constant 1 : i32
    %ne3A_250 = vector.broadcast %ne3A_249 : i32 to vector<16xi32>
    %ne3A_251 = arith.cmpi ne, %get3A_239, %ne3A_250 : vector<16xi32>
    %jit3A_252 = arith.constant 1 : i32
    %broadcast_in_dim3A_253 = vector.broadcast %jit3A_252 : i32 to vector<16xi32>
    %select_n3A_254 = arith.select %ne3A_251, %add3A_248, %broadcast_in_dim3A_253 : vector<16xi1>, vector<16xi32>
    %swap3A_255 = arith.constant 5 : i32
    %swap3A_256 = arith.index_cast %swap3A_255 : i32 to index
    %swap3A_257 = arith.constant 0 : index
    %swap3A_258 = tpu.vector_load %arg6[%swap3A_256, %swap3A_257] {strides = array<i32>} : memref<32x32xi32, #tpu.memory_space<vmem>>, vector<1x16xi32>,
    %swap3A_259 = vector.shape_cast %swap3A_258 : vector<1x16xi32> to vector<16xi32>
    %swap3A_260 = vector.shape_cast %select_n3A_254 : vector<16xi32> to vector<1x16xi32>
    tpu.vector_store %arg6[%swap3A_256, %swap3A_257], %swap3A_260 {strides = array<i32>} : memref<32x32xi32, #tpu.memory_space<vmem>>, vector<1x16xi32>,
    %get3A_261 = arith.constant 176 : index
    %get3A_262 = tpu.vector_load %arg5[%get3A_261] {strides = array<i32>} : memref<1024xi32, #tpu.memory_space<vmem>>, vector<16xi32>,
    %get3A_263 = vector.shape_cast %get3A_262 : vector<16xi32> to vector<16xi32>
    %iota3A_264 = tpu.iota {dimensions = array<i32: 0>} : vector<16xi32>
    %add3A_265 = arith.constant 176 : i32
    %add3A_266 = arith.addi %rem3A_3, %add3A_265 : i32
    %add3A_267 = arith.constant 1 : i32
    %add3A_268 = arith.addi %add3A_266, %add3A_267 : i32
    %add3A_269 = arith.constant 1 : i32
    %add3A_270 = arith.addi %add3A_268, %add3A_269 : i32
    %add3A_271 = vector.broadcast %add3A_270 : i32 to vector<16xi32>
    %add3A_272 = arith.addi %iota3A_264, %add3A_271 : vector<16xi32>
    %ne3A_273 = arith.constant 1 : i32
    %ne3A_274 = vector.broadcast %ne3A_273 : i32 to vector<16xi32>
    %ne3A_275 = arith.cmpi ne, %get3A_263, %ne3A_274 : vector<16xi32>
    %jit3A_276 = arith.constant 1 : i32
    %broadcast_in_dim3A_277 = vector.broadcast %jit3A_276 : i32 to vector<16xi32>
    %select_n3A_278 = arith.select %ne3A_275, %add3A_272, %broadcast_in_dim3A_277 : vector<16xi1>, vector<16xi32>
    %swap3A_279 = arith.constant 5 : i32
    %swap3A_280 = arith.index_cast %swap3A_279 : i32 to index
    %swap3A_281 = arith.constant 16 : index
    %swap3A_282 = tpu.vector_load %arg6[%swap3A_280, %swap3A_281] {strides = array<i32>} : memref<32x32xi32, #tpu.memory_space<vmem>>, vector<1x16xi32>,
    %swap3A_283 = vector.shape_cast %swap3A_282 : vector<1x16xi32> to vector<16xi32>
    %swap3A_284 = vector.shape_cast %select_n3A_278 : vector<16xi32> to vector<1x16xi32>
    tpu.vector_store %arg6[%swap3A_280, %swap3A_281], %swap3A_284 {strides = array<i32>} : memref<32x32xi32, #tpu.memory_space<vmem>>, vector<1x16xi32>,
    %get3A_285 = arith.constant 192 : index
    %get3A_286 = tpu.vector_load %arg5[%get3A_285] {strides = array<i32>} : memref<1024xi32, #tpu.memory_space<vmem>>, vector<16xi32>,
    %get3A_287 = vector.shape_cast %get3A_286 : vector<16xi32> to vector<16xi32>
    %iota3A_288 = tpu.iota {dimensions = array<i32: 0>} : vector<16xi32>
    %add3A_289 = arith.constant 192 : i32
    %add3A_290 = arith.addi %rem3A_3, %add3A_289 : i32
    %add3A_291 = arith.constant 1 : i32
    %add3A_292 = arith.addi %add3A_290, %add3A_291 : i32
    %add3A_293 = arith.constant 1 : i32
    %add3A_294 = arith.addi %add3A_292, %add3A_293 : i32
    %add3A_295 = vector.broadcast %add3A_294 : i32 to vector<16xi32>
    %add3A_296 = arith.addi %iota3A_288, %add3A_295 : vector<16xi32>
    %ne3A_297 = arith.constant 1 : i32
    %ne3A_298 = vector.broadcast %ne3A_297 : i32 to vector<16xi32>
    %ne3A_299 = arith.cmpi ne, %get3A_287, %ne3A_298 : vector<16xi32>
    %jit3A_300 = arith.constant 1 : i32
    %broadcast_in_dim3A_301 = vector.broadcast %jit3A_300 : i32 to vector<16xi32>
    %select_n3A_302 = arith.select %ne3A_299, %add3A_296, %broadcast_in_dim3A_301 : vector<16xi1>, vector<16xi32>
    %swap3A_303 = arith.constant 6 : i32
    %swap3A_304 = arith.index_cast %swap3A_303 : i32 to index
    %swap3A_305 = arith.constant 0 : index
    %swap3A_306 = tpu.vector_load %arg6[%swap3A_304, %swap3A_305] {strides = array<i32>} : memref<32x32xi32, #tpu.memory_space<vmem>>, vector<1x16xi32>,
    %swap3A_307 = vector.shape_cast %swap3A_306 : vector<1x16xi32> to vector<16xi32>
    %swap3A_308 = vector.shape_cast %select_n3A_302 : vector<16xi32> to vector<1x16xi32>
    tpu.vector_store %arg6[%swap3A_304, %swap3A_305], %swap3A_308 {strides = array<i32>} : memref<32x32xi32, #tpu.memory_space<vmem>>, vector<1x16xi32>,
    %get3A_309 = arith.constant 208 : index
    %get3A_310 = tpu.vector_load %arg5[%get3A_309] {strides = array<i32>} : memref<1024xi32, #tpu.memory_space<vmem>>, vector<16xi32>,
    %get3A_311 = vector.shape_cast %get3A_310 : vector<16xi32> to vector<16xi32>
    %iota3A_312 = tpu.iota {dimensions = array<i32: 0>} : vector<16xi32>
    %add3A_313 = arith.constant 208 : i32
    %add3A_314 = arith.addi %rem3A_3, %add3A_313 : i32
    %add3A_315 = arith.constant 1 : i32
    %add3A_316 = arith.addi %add3A_314, %add3A_315 : i32
    %add3A_317 = arith.constant 1 : i32
    %add3A_318 = arith.addi %add3A_316, %add3A_317 : i32
    %add3A_319 = vector.broadcast %add3A_318 : i32 to vector<16xi32>
    %add3A_320 = arith.addi %iota3A_312, %add3A_319 : vector<16xi32>
    %ne3A_321 = arith.constant 1 : i32
    %ne3A_322 = vector.broadcast %ne3A_321 : i32 to vector<16xi32>
    %ne3A_323 = arith.cmpi ne, %get3A_311, %ne3A_322 : vector<16xi32>
    %jit3A_324 = arith.constant 1 : i32
    %broadcast_in_dim3A_325 = vector.broadcast %jit3A_324 : i32 to vector<16xi32>
    %select_n3A_326 = arith.select %ne3A_323, %add3A_320, %broadcast_in_dim3A_325 : vector<16xi1>, vector<16xi32>
    %swap3A_327 = arith.constant 6 : i32
    %swap3A_328 = arith.index_cast %swap3A_327 : i32 to index
    %swap3A_329 = arith.constant 16 : index
    %swap3A_330 = tpu.vector_load %arg6[%swap3A_328, %swap3A_329] {strides = array<i32>} : memref<32x32xi32, #tpu.memory_space<vmem>>, vector<1x16xi32>,
    %swap3A_331 = vector.shape_cast %swap3A_330 : vector<1x16xi32> to vector<16xi32>
    %swap3A_332 = vector.shape_cast %select_n3A_326 : vector<16xi32> to vector<1x16xi32>
    tpu.vector_store %arg6[%swap3A_328, %swap3A_329], %swap3A_332 {strides = array<i32>} : memref<32x32xi32, #tpu.memory_space<vmem>>, vector<1x16xi32>,
    %get3A_333 = arith.constant 224 : index
    %get3A_334 = tpu.vector_load %arg5[%get3A_333] {strides = array<i32>} : memref<1024xi32, #tpu.memory_space<vmem>>, vector<16xi32>,
    %get3A_335 = vector.shape_cast %get3A_334 : vector<16xi32> to vector<16xi32>
    %iota3A_336 = tpu.iota {dimensions = array<i32: 0>} : vector<16xi32>
    %add3A_337 = arith.constant 224 : i32
    %add3A_338 = arith.addi %rem3A_3, %add3A_337 : i32
    %add3A_339 = arith.constant 1 : i32
    %add3A_340 = arith.addi %add3A_338, %add3A_339 : i32
    %add3A_341 = arith.constant 1 : i32
    %add3A_342 = arith.addi %add3A_340, %add3A_341 : i32
    %add3A_343 = vector.broadcast %add3A_342 : i32 to vector<16xi32>
    %add3A_344 = arith.addi %iota3A_336, %add3A_343 : vector<16xi32>
    %ne3A_345 = arith.constant 1 : i32
    %ne3A_346 = vector.broadcast %ne3A_345 : i32 to vector<16xi32>
    %ne3A_347 = arith.cmpi ne, %get3A_335, %ne3A_346 : vector<16xi32>
    %jit3A_348 = arith.constant 1 : i32
    %broadcast_in_dim3A_349 = vector.broadcast %jit3A_348 : i32 to vector<16xi32>
    %select_n3A_350 = arith.select %ne3A_347, %add3A_344, %broadcast_in_dim3A_349 : vector<16xi1>, vector<16xi32>
    %swap3A_351 = arith.constant 7 : i32
    %swap3A_352 = arith.index_cast %swap3A_351 : i32 to index
    %swap3A_353 = arith.constant 0 : index
    %swap3A_354 = tpu.vector_load %arg6[%swap3A_352, %swap3A_353] {strides = array<i32>} : memref<32x32xi32, #tpu.memory_space<vmem>>, vector<1x16xi32>,
    %swap3A_355 = vector.shape_cast %swap3A_354 : vector<1x16xi32> to vector<16xi32>
    %swap3A_356 = vector.shape_cast %select_n3A_350 : vector<16xi32> to vector<1x16xi32>
    tpu.vector_store %arg6[%swap3A_352, %swap3A_353], %swap3A_356 {strides = array<i32>} : memref<32x32xi32, #tpu.memory_space<vmem>>, vector<1x16xi32>,
    %get3A_357 = arith.constant 240 : index
    %get3A_358 = tpu.vector_load %arg5[%get3A_357] {strides = array<i32>} : memref<1024xi32, #tpu.memory_space<vmem>>, vector<16xi32>,
    %get3A_359 = vector.shape_cast %get3A_358 : vector<16xi32> to vector<16xi32>
    %iota3A_360 = tpu.iota {dimensions = array<i32: 0>} : vector<16xi32>
    %add3A_361 = arith.constant 240 : i32
    %add3A_362 = arith.addi %rem3A_3, %add3A_361 : i32
    %add3A_363 = arith.constant 1 : i32
    %add3A_364 = arith.addi %add3A_362, %add3A_363 : i32
    %add3A_365 = arith.constant 1 : i32
    %add3A_366 = arith.addi %add3A_364, %add3A_365 : i32
    %add3A_367 = vector.broadcast %add3A_366 : i32 to vector<16xi32>
    %add3A_368 = arith.addi %iota3A_360, %add3A_367 : vector<16xi32>
    %ne3A_369 = arith.constant 1 : i32
    %ne3A_370 = vector.broadcast %ne3A_369 : i32 to vector<16xi32>
    %ne3A_371 = arith.cmpi ne, %get3A_359, %ne3A_370 : vector<16xi32>
    %jit3A_372 = arith.constant 1 : i32
    %broadcast_in_dim3A_373 = vector.broadcast %jit3A_372 : i32 to vector<16xi32>
    %select_n3A_374 = arith.select %ne3A_371, %add3A_368, %broadcast_in_dim3A_373 : vector<16xi1>, vector<16xi32>
    %swap3A_375 = arith.constant 7 : i32
    %swap3A_376 = arith.index_cast %swap3A_375 : i32 to index
    %swap3A_377 = arith.constant 16 : index
    %swap3A_378 = tpu.vector_load %arg6[%swap3A_376, %swap3A_377] {strides = array<i32>} : memref<32x32xi32, #tpu.memory_space<vmem>>, vector<1x16xi32>,
    %swap3A_379 = vector.shape_cast %swap3A_378 : vector<1x16xi32> to vector<16xi32>
    %swap3A_380 = vector.shape_cast %select_n3A_374 : vector<16xi32> to vector<1x16xi32>
    tpu.vector_store %arg6[%swap3A_376, %swap3A_377], %swap3A_380 {strides = array<i32>} : memref<32x32xi32, #tpu.memory_space<vmem>>, vector<1x16xi32>,
    %get3A_381 = arith.constant 256 : index
    %get3A_382 = tpu.vector_load %arg5[%get3A_381] {strides = array<i32>} : memref<1024xi32, #tpu.memory_space<vmem>>, vector<16xi32>,
    %get3A_383 = vector.shape_cast %get3A_382 : vector<16xi32> to vector<16xi32>
    %iota3A_384 = tpu.iota {dimensions = array<i32: 0>} : vector<16xi32>
    %add3A_385 = arith.constant 256 : i32
    %add3A_386 = arith.addi %rem3A_3, %add3A_385 : i32
    %add3A_387 = arith.constant 1 : i32
    %add3A_388 = arith.addi %add3A_386, %add3A_387 : i32
    %add3A_389 = arith.constant 1 : i32
    %add3A_390 = arith.addi %add3A_388, %add3A_389 : i32
    %add3A_391 = vector.broadcast %add3A_390 : i32 to vector<16xi32>
    %add3A_392 = arith.addi %iota3A_384, %add3A_391 : vector<16xi32>
    %ne3A_393 = arith.constant 1 : i32
    %ne3A_394 = vector.broadcast %ne3A_393 : i32 to vector<16xi32>
    %ne3A_395 = arith.cmpi ne, %get3A_383, %ne3A_394 : vector<16xi32>
    %jit3A_396 = arith.constant 1 : i32
    %broadcast_in_dim3A_397 = vector.broadcast %jit3A_396 : i32 to vector<16xi32>
    %select_n3A_398 = arith.select %ne3A_395, %add3A_392, %broadcast_in_dim3A_397 : vector<16xi1>, vector<16xi32>
    %swap3A_399 = arith.constant 8 : i32
    %swap3A_400 = arith.index_cast %swap3A_399 : i32 to index
    %swap3A_401 = arith.constant 0 : index
    %swap3A_402 = tpu.vector_load %arg6[%swap3A_400, %swap3A_401] {strides = array<i32>} : memref<32x32xi32, #tpu.memory_space<vmem>>, vector<1x16xi32>,
    %swap3A_403 = vector.shape_cast %swap3A_402 : vector<1x16xi32> to vector<16xi32>
    %swap3A_404 = vector.shape_cast %select_n3A_398 : vector<16xi32> to vector<1x16xi32>
    tpu.vector_store %arg6[%swap3A_400, %swap3A_401], %swap3A_404 {strides = array<i32>} : memref<32x32xi32, #tpu.memory_space<vmem>>, vector<1x16xi32>,
    %get3A_405 = arith.constant 272 : index
    %get3A_406 = tpu.vector_load %arg5[%get3A_405] {strides = array<i32>} : memref<1024xi32, #tpu.memory_space<vmem>>, vector<16xi32>,
    %get3A_407 = vector.shape_cast %get3A_406 : vector<16xi32> to vector<16xi32>
    %iota3A_408 = tpu.iota {dimensions = array<i32: 0>} : vector<16xi32>
    %add3A_409 = arith.constant 272 : i32
    %add3A_410 = arith.addi %rem3A_3, %add3A_409 : i32
    %add3A_411 = arith.constant 1 : i32
    %add3A_412 = arith.addi %add3A_410, %add3A_411 : i32
    %add3A_413 = arith.constant 1 : i32
    %add3A_414 = arith.addi %add3A_412, %add3A_413 : i32
    %add3A_415 = vector.broadcast %add3A_414 : i32 to vector<16xi32>
    %add3A_416 = arith.addi %iota3A_408, %add3A_415 : vector<16xi32>
    %ne3A_417 = arith.constant 1 : i32
    %ne3A_418 = vector.broadcast %ne3A_417 : i32 to vector<16xi32>
    %ne3A_419 = arith.cmpi ne, %get3A_407, %ne3A_418 : vector<16xi32>
    %jit3A_420 = arith.constant 1 : i32
    %broadcast_in_dim3A_421 = vector.broadcast %jit3A_420 : i32 to vector<16xi32>
    %select_n3A_422 = arith.select %ne3A_419, %add3A_416, %broadcast_in_dim3A_421 : vector<16xi1>, vector<16xi32>
    %swap3A_423 = arith.constant 8 : i32
    %swap3A_424 = arith.index_cast %swap3A_423 : i32 to index
    %swap3A_425 = arith.constant 16 : index
    %swap3A_426 = tpu.vector_load %arg6[%swap3A_424, %swap3A_425] {strides = array<i32>} : memref<32x32xi32, #tpu.memory_space<vmem>>, vector<1x16xi32>,
    %swap3A_427 = vector.shape_cast %swap3A_426 : vector<1x16xi32> to vector<16xi32>
    %swap3A_428 = vector.shape_cast %select_n3A_422 : vector<16xi32> to vector<1x16xi32>
    tpu.vector_store %arg6[%swap3A_424, %swap3A_425], %swap3A_428 {strides = array<i32>} : memref<32x32xi32, #tpu.memory_space<vmem>>, vector<1x16xi32>,
    %get3A_429 = arith.constant 288 : index
    %get3A_430 = tpu.vector_load %arg5[%get3A_429] {strides = array<i32>} : memref<1024xi32, #tpu.memory_space<vmem>>, vector<16xi32>,
    %get3A_431 = vector.shape_cast %get3A_430 : vector<16xi32> to vector<16xi32>
    %iota3A_432 = tpu.iota {dimensions = array<i32: 0>} : vector<16xi32>
    %add3A_433 = arith.constant 288 : i32
    %add3A_434 = arith.addi %rem3A_3, %add3A_433 : i32
    %add3A_435 = arith.constant 1 : i32
    %add3A_436 = arith.addi %add3A_434, %add3A_435 : i32
    %add3A_437 = arith.constant 1 : i32
    %add3A_438 = arith.addi %add3A_436, %add3A_437 : i32
    %add3A_439 = vector.broadcast %add3A_438 : i32 to vector<16xi32>
    %add3A_440 = arith.addi %iota3A_432, %add3A_439 : vector<16xi32>
    %ne3A_441 = arith.constant 1 : i32
    %ne3A_442 = vector.broadcast %ne3A_441 : i32 to vector<16xi32>
    %ne3A_443 = arith.cmpi ne, %get3A_431, %ne3A_442 : vector<16xi32>
    %jit3A_444 = arith.constant 1 : i32
    %broadcast_in_dim3A_445 = vector.broadcast %jit3A_444 : i32 to vector<16xi32>
    %select_n3A_446 = arith.select %ne3A_443, %add3A_440, %broadcast_in_dim3A_445 : vector<16xi1>, vector<16xi32>
    %swap3A_447 = arith.constant 9 : i32
    %swap3A_448 = arith.index_cast %swap3A_447 : i32 to index
    %swap3A_449 = arith.constant 0 : index
    %swap3A_450 = tpu.vector_load %arg6[%swap3A_448, %swap3A_449] {strides = array<i32>} : memref<32x32xi32, #tpu.memory_space<vmem>>, vector<1x16xi32>,
    %swap3A_451 = vector.shape_cast %swap3A_450 : vector<1x16xi32> to vector<16xi32>
    %swap3A_452 = vector.shape_cast %select_n3A_446 : vector<16xi32> to vector<1x16xi32>
    tpu.vector_store %arg6[%swap3A_448, %swap3A_449], %swap3A_452 {strides = array<i32>} : memref<32x32xi32, #tpu.memory_space<vmem>>, vector<1x16xi32>,
    %get3A_453 = arith.constant 304 : index
    %get3A_454 = tpu.vector_load %arg5[%get3A_453] {strides = array<i32>} : memref<1024xi32, #tpu.memory_space<vmem>>, vector<16xi32>,
    %get3A_455 = vector.shape_cast %get3A_454 : vector<16xi32> to vector<16xi32>
    %iota3A_456 = tpu.iota {dimensions = array<i32: 0>} : vector<16xi32>
    %add3A_457 = arith.constant 304 : i32
    %add3A_458 = arith.addi %rem3A_3, %add3A_457 : i32
    %add3A_459 = arith.constant 1 : i32
    %add3A_460 = arith.addi %add3A_458, %add3A_459 : i32
    %add3A_461 = arith.constant 1 : i32
    %add3A_462 = arith.addi %add3A_460, %add3A_461 : i32
    %add3A_463 = vector.broadcast %add3A_462 : i32 to vector<16xi32>
    %add3A_464 = arith.addi %iota3A_456, %add3A_463 : vector<16xi32>
    %ne3A_465 = arith.constant 1 : i32
    %ne3A_466 = vector.broadcast %ne3A_465 : i32 to vector<16xi32>
    %ne3A_467 = arith.cmpi ne, %get3A_455, %ne3A_466 : vector<16xi32>
    %jit3A_468 = arith.constant 1 : i32
    %broadcast_in_dim3A_469 = vector.broadcast %jit3A_468 : i32 to vector<16xi32>
    %select_n3A_470 = arith.select %ne3A_467, %add3A_464, %broadcast_in_dim3A_469 : vector<16xi1>, vector<16xi32>
    %swap3A_471 = arith.constant 9 : i32
    %swap3A_472 = arith.index_cast %swap3A_471 : i32 to index
    %swap3A_473 = arith.constant 16 : index
    %swap3A_474 = tpu.vector_load %arg6[%swap3A_472, %swap3A_473] {strides = array<i32>} : memref<32x32xi32, #tpu.memory_space<vmem>>, vector<1x16xi32>,
    %swap3A_475 = vector.shape_cast %swap3A_474 : vector<1x16xi32> to vector<16xi32>
    %swap3A_476 = vector.shape_cast %select_n3A_470 : vector<16xi32> to vector<1x16xi32>
    tpu.vector_store %arg6[%swap3A_472, %swap3A_473], %swap3A_476 {strides = array<i32>} : memref<32x32xi32, #tpu.memory_space<vmem>>, vector<1x16xi32>,
    %get3A_477 = arith.constant 320 : index
    %get3A_478 = tpu.vector_load %arg5[%get3A_477] {strides = array<i32>} : memref<1024xi32, #tpu.memory_space<vmem>>, vector<16xi32>,
    %get3A_479 = vector.shape_cast %get3A_478 : vector<16xi32> to vector<16xi32>
    %iota3A_480 = tpu.iota {dimensions = array<i32: 0>} : vector<16xi32>
    %add3A_481 = arith.constant 320 : i32
    %add3A_482 = arith.addi %rem3A_3, %add3A_481 : i32
    %add3A_483 = arith.constant 1 : i32
    %add3A_484 = arith.addi %add3A_482, %add3A_483 : i32
    %add3A_485 = arith.constant 1 : i32
    %add3A_486 = arith.addi %add3A_484, %add3A_485 : i32
    %add3A_487 = vector.broadcast %add3A_486 : i32 to vector<16xi32>
    %add3A_488 = arith.addi %iota3A_480, %add3A_487 : vector<16xi32>
    %ne3A_489 = arith.constant 1 : i32
    %ne3A_490 = vector.broadcast %ne3A_489 : i32 to vector<16xi32>
    %ne3A_491 = arith.cmpi ne, %get3A_479, %ne3A_490 : vector<16xi32>
    %jit3A_492 = arith.constant 1 : i32
    %broadcast_in_dim3A_493 = vector.broadcast %jit3A_492 : i32 to vector<16xi32>
    %select_n3A_494 = arith.select %ne3A_491, %add3A_488, %broadcast_in_dim3A_493 : vector<16xi1>, vector<16xi32>
    %swap3A_495 = arith.constant 10 : i32
    %swap3A_496 = arith.index_cast %swap3A_495 : i32 to index
    %swap3A_497 = arith.constant 0 : index
    %swap3A_498 = tpu.vector_load %arg6[%swap3A_496, %swap3A_497] {strides = array<i32>} : memref<32x32xi32, #tpu.memory_space<vmem>>, vector<1x16xi32>,
    %swap3A_499 = vector.shape_cast %swap3A_498 : vector<1x16xi32> to vector<16xi32>
    %swap3A_500 = vector.shape_cast %select_n3A_494 : vector<16xi32> to vector<1x16xi32>
    tpu.vector_store %arg6[%swap3A_496, %swap3A_497], %swap3A_500 {strides = array<i32>} : memref<32x32xi32, #tpu.memory_space<vmem>>, vector<1x16xi32>,
    %get3A_501 = arith.constant 336 : index
    %get3A_502 = tpu.vector_load %arg5[%get3A_501] {strides = array<i32>} : memref<1024xi32, #tpu.memory_space<vmem>>, vector<16xi32>,
    %get3A_503 = vector.shape_cast %get3A_502 : vector<16xi32> to vector<16xi32>
    %iota3A_504 = tpu.iota {dimensions = array<i32: 0>} : vector<16xi32>
    %add3A_505 = arith.constant 336 : i32
    %add3A_506 = arith.addi %rem3A_3, %add3A_505 : i32
    %add3A_507 = arith.constant 1 : i32
    %add3A_508 = arith.addi %add3A_506, %add3A_507 : i32
    %add3A_509 = arith.constant 1 : i32
    %add3A_510 = arith.addi %add3A_508, %add3A_509 : i32
    %add3A_511 = vector.broadcast %add3A_510 : i32 to vector<16xi32>
    %add3A_512 = arith.addi %iota3A_504, %add3A_511 : vector<16xi32>
    %ne3A_513 = arith.constant 1 : i32
    %ne3A_514 = vector.broadcast %ne3A_513 : i32 to vector<16xi32>
    %ne3A_515 = arith.cmpi ne, %get3A_503, %ne3A_514 : vector<16xi32>
    %jit3A_516 = arith.constant 1 : i32
    %broadcast_in_dim3A_517 = vector.broadcast %jit3A_516 : i32 to vector<16xi32>
    %select_n3A_518 = arith.select %ne3A_515, %add3A_512, %broadcast_in_dim3A_517 : vector<16xi1>, vector<16xi32>
    %swap3A_519 = arith.constant 10 : i32
    %swap3A_520 = arith.index_cast %swap3A_519 : i32 to index
    %swap3A_521 = arith.constant 16 : index
    %swap3A_522 = tpu.vector_load %arg6[%swap3A_520, %swap3A_521] {strides = array<i32>} : memref<32x32xi32, #tpu.memory_space<vmem>>, vector<1x16xi32>,
    %swap3A_523 = vector.shape_cast %swap3A_522 : vector<1x16xi32> to vector<16xi32>
    %swap3A_524 = vector.shape_cast %select_n3A_518 : vector<16xi32> to vector<1x16xi32>
    tpu.vector_store %arg6[%swap3A_520, %swap3A_521], %swap3A_524 {strides = array<i32>} : memref<32x32xi32, #tpu.memory_space<vmem>>, vector<1x16xi32>,
    %get3A_525 = arith.constant 352 : index
    %get3A_526 = tpu.vector_load %arg5[%get3A_525] {strides = array<i32>} : memref<1024xi32, #tpu.memory_space<vmem>>, vector<16xi32>,
    %get3A_527 = vector.shape_cast %get3A_526 : vector<16xi32> to vector<16xi32>
    %iota3A_528 = tpu.iota {dimensions = array<i32: 0>} : vector<16xi32>
    %add3A_529 = arith.constant 352 : i32
    %add3A_530 = arith.addi %rem3A_3, %add3A_529 : i32
    %add3A_531 = arith.constant 1 : i32
    %add3A_532 = arith.addi %add3A_530, %add3A_531 : i32
    %add3A_533 = arith.constant 1 : i32
    %add3A_534 = arith.addi %add3A_532, %add3A_533 : i32
    %add3A_535 = vector.broadcast %add3A_534 : i32 to vector<16xi32>
    %add3A_536 = arith.addi %iota3A_528, %add3A_535 : vector<16xi32>
    %ne3A_537 = arith.constant 1 : i32
    %ne3A_538 = vector.broadcast %ne3A_537 : i32 to vector<16xi32>
    %ne3A_539 = arith.cmpi ne, %get3A_527, %ne3A_538 : vector<16xi32>
    %jit3A_540 = arith.constant 1 : i32
    %broadcast_in_dim3A_541 = vector.broadcast %jit3A_540 : i32 to vector<16xi32>
    %select_n3A_542 = arith.select %ne3A_539, %add3A_536, %broadcast_in_dim3A_541 : vector<16xi1>, vector<16xi32>
    %swap3A_543 = arith.constant 11 : i32
    %swap3A_544 = arith.index_cast %swap3A_543 : i32 to index
    %swap3A_545 = arith.constant 0 : index
    %swap3A_546 = tpu.vector_load %arg6[%swap3A_544, %swap3A_545] {strides = array<i32>} : memref<32x32xi32, #tpu.memory_space<vmem>>, vector<1x16xi32>,
    %swap3A_547 = vector.shape_cast %swap3A_546 : vector<1x16xi32> to vector<16xi32>
    %swap3A_548 = vector.shape_cast %select_n3A_542 : vector<16xi32> to vector<1x16xi32>
    tpu.vector_store %arg6[%swap3A_544, %swap3A_545], %swap3A_548 {strides = array<i32>} : memref<32x32xi32, #tpu.memory_space<vmem>>, vector<1x16xi32>,
    %get3A_549 = arith.constant 368 : index
    %get3A_550 = tpu.vector_load %arg5[%get3A_549] {strides = array<i32>} : memref<1024xi32, #tpu.memory_space<vmem>>, vector<16xi32>,
    %get3A_551 = vector.shape_cast %get3A_550 : vector<16xi32> to vector<16xi32>
    %iota3A_552 = tpu.iota {dimensions = array<i32: 0>} : vector<16xi32>
    %add3A_553 = arith.constant 368 : i32
    %add3A_554 = arith.addi %rem3A_3, %add3A_553 : i32
    %add3A_555 = arith.constant 1 : i32
    %add3A_556 = arith.addi %add3A_554, %add3A_555 : i32
    %add3A_557 = arith.constant 1 : i32
    %add3A_558 = arith.addi %add3A_556, %add3A_557 : i32
    %add3A_559 = vector.broadcast %add3A_558 : i32 to vector<16xi32>
    %add3A_560 = arith.addi %iota3A_552, %add3A_559 : vector<16xi32>
    %ne3A_561 = arith.constant 1 : i32
    %ne3A_562 = vector.broadcast %ne3A_561 : i32 to vector<16xi32>
    %ne3A_563 = arith.cmpi ne, %get3A_551, %ne3A_562 : vector<16xi32>
    %jit3A_564 = arith.constant 1 : i32
    %broadcast_in_dim3A_565 = vector.broadcast %jit3A_564 : i32 to vector<16xi32>
    %select_n3A_566 = arith.select %ne3A_563, %add3A_560, %broadcast_in_dim3A_565 : vector<16xi1>, vector<16xi32>
    %swap3A_567 = arith.constant 11 : i32
    %swap3A_568 = arith.index_cast %swap3A_567 : i32 to index
    %swap3A_569 = arith.constant 16 : index
    %swap3A_570 = tpu.vector_load %arg6[%swap3A_568, %swap3A_569] {strides = array<i32>} : memref<32x32xi32, #tpu.memory_space<vmem>>, vector<1x16xi32>,
    %swap3A_571 = vector.shape_cast %swap3A_570 : vector<1x16xi32> to vector<16xi32>
    %swap3A_572 = vector.shape_cast %select_n3A_566 : vector<16xi32> to vector<1x16xi32>
    tpu.vector_store %arg6[%swap3A_568, %swap3A_569], %swap3A_572 {strides = array<i32>} : memref<32x32xi32, #tpu.memory_space<vmem>>, vector<1x16xi32>,
    %get3A_573 = arith.constant 384 : index
    %get3A_574 = tpu.vector_load %arg5[%get3A_573] {strides = array<i32>} : memref<1024xi32, #tpu.memory_space<vmem>>, vector<16xi32>,
    %get3A_575 = vector.shape_cast %get3A_574 : vector<16xi32> to vector<16xi32>
    %iota3A_576 = tpu.iota {dimensions = array<i32: 0>} : vector<16xi32>
    %add3A_577 = arith.constant 384 : i32
    %add3A_578 = arith.addi %rem3A_3, %add3A_577 : i32
    %add3A_579 = arith.constant 1 : i32
    %add3A_580 = arith.addi %add3A_578, %add3A_579 : i32
    %add3A_581 = arith.constant 1 : i32
    %add3A_582 = arith.addi %add3A_580, %add3A_581 : i32
    %add3A_583 = vector.broadcast %add3A_582 : i32 to vector<16xi32>
    %add3A_584 = arith.addi %iota3A_576, %add3A_583 : vector<16xi32>
    %ne3A_585 = arith.constant 1 : i32
    %ne3A_586 = vector.broadcast %ne3A_585 : i32 to vector<16xi32>
    %ne3A_587 = arith.cmpi ne, %get3A_575, %ne3A_586 : vector<16xi32>
    %jit3A_588 = arith.constant 1 : i32
    %broadcast_in_dim3A_589 = vector.broadcast %jit3A_588 : i32 to vector<16xi32>
    %select_n3A_590 = arith.select %ne3A_587, %add3A_584, %broadcast_in_dim3A_589 : vector<16xi1>, vector<16xi32>
    %swap3A_591 = arith.constant 12 : i32
    %swap3A_592 = arith.index_cast %swap3A_591 : i32 to index
    %swap3A_593 = arith.constant 0 : index
    %swap3A_594 = tpu.vector_load %arg6[%swap3A_592, %swap3A_593] {strides = array<i32>} : memref<32x32xi32, #tpu.memory_space<vmem>>, vector<1x16xi32>,
    %swap3A_595 = vector.shape_cast %swap3A_594 : vector<1x16xi32> to vector<16xi32>
    %swap3A_596 = vector.shape_cast %select_n3A_590 : vector<16xi32> to vector<1x16xi32>
    tpu.vector_store %arg6[%swap3A_592, %swap3A_593], %swap3A_596 {strides = array<i32>} : memref<32x32xi32, #tpu.memory_space<vmem>>, vector<1x16xi32>,
    %get3A_597 = arith.constant 400 : index
    %get3A_598 = tpu.vector_load %arg5[%get3A_597] {strides = array<i32>} : memref<1024xi32, #tpu.memory_space<vmem>>, vector<16xi32>,
    %get3A_599 = vector.shape_cast %get3A_598 : vector<16xi32> to vector<16xi32>
    %iota3A_600 = tpu.iota {dimensions = array<i32: 0>} : vector<16xi32>
    %add3A_601 = arith.constant 400 : i32
    %add3A_602 = arith.addi %rem3A_3, %add3A_601 : i32
    %add3A_603 = arith.constant 1 : i32
    %add3A_604 = arith.addi %add3A_602, %add3A_603 : i32
    %add3A_605 = arith.constant 1 : i32
    %add3A_606 = arith.addi %add3A_604, %add3A_605 : i32
    %add3A_607 = vector.broadcast %add3A_606 : i32 to vector<16xi32>
    %add3A_608 = arith.addi %iota3A_600, %add3A_607 : vector<16xi32>
    %ne3A_609 = arith.constant 1 : i32
    %ne3A_610 = vector.broadcast %ne3A_609 : i32 to vector<16xi32>
    %ne3A_611 = arith.cmpi ne, %get3A_599, %ne3A_610 : vector<16xi32>
    %jit3A_612 = arith.constant 1 : i32
    %broadcast_in_dim3A_613 = vector.broadcast %jit3A_612 : i32 to vector<16xi32>
    %select_n3A_614 = arith.select %ne3A_611, %add3A_608, %broadcast_in_dim3A_613 : vector<16xi1>, vector<16xi32>
    %swap3A_615 = arith.constant 12 : i32
    %swap3A_616 = arith.index_cast %swap3A_615 : i32 to index
    %swap3A_617 = arith.constant 16 : index
    %swap3A_618 = tpu.vector_load %arg6[%swap3A_616, %swap3A_617] {strides = array<i32>} : memref<32x32xi32, #tpu.memory_space<vmem>>, vector<1x16xi32>,
    %swap3A_619 = vector.shape_cast %swap3A_618 : vector<1x16xi32> to vector<16xi32>
    %swap3A_620 = vector.shape_cast %select_n3A_614 : vector<16xi32> to vector<1x16xi32>
    tpu.vector_store %arg6[%swap3A_616, %swap3A_617], %swap3A_620 {strides = array<i32>} : memref<32x32xi32, #tpu.memory_space<vmem>>, vector<1x16xi32>,
    %get3A_621 = arith.constant 416 : index
    %get3A_622 = tpu.vector_load %arg5[%get3A_621] {strides = array<i32>} : memref<1024xi32, #tpu.memory_space<vmem>>, vector<16xi32>,
    %get3A_623 = vector.shape_cast %get3A_622 : vector<16xi32> to vector<16xi32>
    %iota3A_624 = tpu.iota {dimensions = array<i32: 0>} : vector<16xi32>
    %add3A_625 = arith.constant 416 : i32
    %add3A_626 = arith.addi %rem3A_3, %add3A_625 : i32
    %add3A_627 = arith.constant 1 : i32
    %add3A_628 = arith.addi %add3A_626, %add3A_627 : i32
    %add3A_629 = arith.constant 1 : i32
    %add3A_630 = arith.addi %add3A_628, %add3A_629 : i32
    %add3A_631 = vector.broadcast %add3A_630 : i32 to vector<16xi32>
    %add3A_632 = arith.addi %iota3A_624, %add3A_631 : vector<16xi32>
    %ne3A_633 = arith.constant 1 : i32
    %ne3A_634 = vector.broadcast %ne3A_633 : i32 to vector<16xi32>
    %ne3A_635 = arith.cmpi ne, %get3A_623, %ne3A_634 : vector<16xi32>
    %jit3A_636 = arith.constant 1 : i32
    %broadcast_in_dim3A_637 = vector.broadcast %jit3A_636 : i32 to vector<16xi32>
    %select_n3A_638 = arith.select %ne3A_635, %add3A_632, %broadcast_in_dim3A_637 : vector<16xi1>, vector<16xi32>
    %swap3A_639 = arith.constant 13 : i32
    %swap3A_640 = arith.index_cast %swap3A_639 : i32 to index
    %swap3A_641 = arith.constant 0 : index
    %swap3A_642 = tpu.vector_load %arg6[%swap3A_640, %swap3A_641] {strides = array<i32>} : memref<32x32xi32, #tpu.memory_space<vmem>>, vector<1x16xi32>,
    %swap3A_643 = vector.shape_cast %swap3A_642 : vector<1x16xi32> to vector<16xi32>
    %swap3A_644 = vector.shape_cast %select_n3A_638 : vector<16xi32> to vector<1x16xi32>
    tpu.vector_store %arg6[%swap3A_640, %swap3A_641], %swap3A_644 {strides = array<i32>} : memref<32x32xi32, #tpu.memory_space<vmem>>, vector<1x16xi32>,
    %get3A_645 = arith.constant 432 : index
    %get3A_646 = tpu.vector_load %arg5[%get3A_645] {strides = array<i32>} : memref<1024xi32, #tpu.memory_space<vmem>>, vector<16xi32>,
    %get3A_647 = vector.shape_cast %get3A_646 : vector<16xi32> to vector<16xi32>
    %iota3A_648 = tpu.iota {dimensions = array<i32: 0>} : vector<16xi32>
    %add3A_649 = arith.constant 432 : i32
    %add3A_650 = arith.addi %rem3A_3, %add3A_649 : i32
    %add3A_651 = arith.constant 1 : i32
    %add3A_652 = arith.addi %add3A_650, %add3A_651 : i32
    %add3A_653 = arith.constant 1 : i32
    %add3A_654 = arith.addi %add3A_652, %add3A_653 : i32
    %add3A_655 = vector.broadcast %add3A_654 : i32 to vector<16xi32>
    %add3A_656 = arith.addi %iota3A_648, %add3A_655 : vector<16xi32>
    %ne3A_657 = arith.constant 1 : i32
    %ne3A_658 = vector.broadcast %ne3A_657 : i32 to vector<16xi32>
    %ne3A_659 = arith.cmpi ne, %get3A_647, %ne3A_658 : vector<16xi32>
    %jit3A_660 = arith.constant 1 : i32
    %broadcast_in_dim3A_661 = vector.broadcast %jit3A_660 : i32 to vector<16xi32>
    %select_n3A_662 = arith.select %ne3A_659, %add3A_656, %broadcast_in_dim3A_661 : vector<16xi1>, vector<16xi32>
    %swap3A_663 = arith.constant 13 : i32
    %swap3A_664 = arith.index_cast %swap3A_663 : i32 to index
    %swap3A_665 = arith.constant 16 : index
    %swap3A_666 = tpu.vector_load %arg6[%swap3A_664, %swap3A_665] {strides = array<i32>} : memref<32x32xi32, #tpu.memory_space<vmem>>, vector<1x16xi32>,
    %swap3A_667 = vector.shape_cast %swap3A_666 : vector<1x16xi32> to vector<16xi32>
    %swap3A_668 = vector.shape_cast %select_n3A_662 : vector<16xi32> to vector<1x16xi32>
    tpu.vector_store %arg6[%swap3A_664, %swap3A_665], %swap3A_668 {strides = array<i32>} : memref<32x32xi32, #tpu.memory_space<vmem>>, vector<1x16xi32>,
    %get3A_669 = arith.constant 448 : index
    %get3A_670 = tpu.vector_load %arg5[%get3A_669] {strides = array<i32>} : memref<1024xi32, #tpu.memory_space<vmem>>, vector<16xi32>,
    %get3A_671 = vector.shape_cast %get3A_670 : vector<16xi32> to vector<16xi32>
    %iota3A_672 = tpu.iota {dimensions = array<i32: 0>} : vector<16xi32>
    %add3A_673 = arith.constant 448 : i32
    %add3A_674 = arith.addi %rem3A_3, %add3A_673 : i32
    %add3A_675 = arith.constant 1 : i32
    %add3A_676 = arith.addi %add3A_674, %add3A_675 : i32
    %add3A_677 = arith.constant 1 : i32
    %add3A_678 = arith.addi %add3A_676, %add3A_677 : i32
    %add3A_679 = vector.broadcast %add3A_678 : i32 to vector<16xi32>
    %add3A_680 = arith.addi %iota3A_672, %add3A_679 : vector<16xi32>
    %ne3A_681 = arith.constant 1 : i32
    %ne3A_682 = vector.broadcast %ne3A_681 : i32 to vector<16xi32>
    %ne3A_683 = arith.cmpi ne, %get3A_671, %ne3A_682 : vector<16xi32>
    %jit3A_684 = arith.constant 1 : i32
    %broadcast_in_dim3A_685 = vector.broadcast %jit3A_684 : i32 to vector<16xi32>
    %select_n3A_686 = arith.select %ne3A_683, %add3A_680, %broadcast_in_dim3A_685 : vector<16xi1>, vector<16xi32>
    %swap3A_687 = arith.constant 14 : i32
    %swap3A_688 = arith.index_cast %swap3A_687 : i32 to index
    %swap3A_689 = arith.constant 0 : index
    %swap3A_690 = tpu.vector_load %arg6[%swap3A_688, %swap3A_689] {strides = array<i32>} : memref<32x32xi32, #tpu.memory_space<vmem>>, vector<1x16xi32>,
    %swap3A_691 = vector.shape_cast %swap3A_690 : vector<1x16xi32> to vector<16xi32>
    %swap3A_692 = vector.shape_cast %select_n3A_686 : vector<16xi32> to vector<1x16xi32>
    tpu.vector_store %arg6[%swap3A_688, %swap3A_689], %swap3A_692 {strides = array<i32>} : memref<32x32xi32, #tpu.memory_space<vmem>>, vector<1x16xi32>,
    %get3A_693 = arith.constant 464 : index
    %get3A_694 = tpu.vector_load %arg5[%get3A_693] {strides = array<i32>} : memref<1024xi32, #tpu.memory_space<vmem>>, vector<16xi32>,
    %get3A_695 = vector.shape_cast %get3A_694 : vector<16xi32> to vector<16xi32>
    %iota3A_696 = tpu.iota {dimensions = array<i32: 0>} : vector<16xi32>
    %add3A_697 = arith.constant 464 : i32
    %add3A_698 = arith.addi %rem3A_3, %add3A_697 : i32
    %add3A_699 = arith.constant 1 : i32
    %add3A_700 = arith.addi %add3A_698, %add3A_699 : i32
    %add3A_701 = arith.constant 1 : i32
    %add3A_702 = arith.addi %add3A_700, %add3A_701 : i32
    %add3A_703 = vector.broadcast %add3A_702 : i32 to vector<16xi32>
    %add3A_704 = arith.addi %iota3A_696, %add3A_703 : vector<16xi32>
    %ne3A_705 = arith.constant 1 : i32
    %ne3A_706 = vector.broadcast %ne3A_705 : i32 to vector<16xi32>
    %ne3A_707 = arith.cmpi ne, %get3A_695, %ne3A_706 : vector<16xi32>
    %jit3A_708 = arith.constant 1 : i32
    %broadcast_in_dim3A_709 = vector.broadcast %jit3A_708 : i32 to vector<16xi32>
    %select_n3A_710 = arith.select %ne3A_707, %add3A_704, %broadcast_in_dim3A_709 : vector<16xi1>, vector<16xi32>
    %swap3A_711 = arith.constant 14 : i32
    %swap3A_712 = arith.index_cast %swap3A_711 : i32 to index
    %swap3A_713 = arith.constant 16 : index
    %swap3A_714 = tpu.vector_load %arg6[%swap3A_712, %swap3A_713] {strides = array<i32>} : memref<32x32xi32, #tpu.memory_space<vmem>>, vector<1x16xi32>,
    %swap3A_715 = vector.shape_cast %swap3A_714 : vector<1x16xi32> to vector<16xi32>
    %swap3A_716 = vector.shape_cast %select_n3A_710 : vector<16xi32> to vector<1x16xi32>
    tpu.vector_store %arg6[%swap3A_712, %swap3A_713], %swap3A_716 {strides = array<i32>} : memref<32x32xi32, #tpu.memory_space<vmem>>, vector<1x16xi32>,
    %get3A_717 = arith.constant 480 : index
    %get3A_718 = tpu.vector_load %arg5[%get3A_717] {strides = array<i32>} : memref<1024xi32, #tpu.memory_space<vmem>>, vector<16xi32>,
    %get3A_719 = vector.shape_cast %get3A_718 : vector<16xi32> to vector<16xi32>
    %iota3A_720 = tpu.iota {dimensions = array<i32: 0>} : vector<16xi32>
    %add3A_721 = arith.constant 480 : i32
    %add3A_722 = arith.addi %rem3A_3, %add3A_721 : i32
    %add3A_723 = arith.constant 1 : i32
    %add3A_724 = arith.addi %add3A_722, %add3A_723 : i32
    %add3A_725 = arith.constant 1 : i32
    %add3A_726 = arith.addi %add3A_724, %add3A_725 : i32
    %add3A_727 = vector.broadcast %add3A_726 : i32 to vector<16xi32>
    %add3A_728 = arith.addi %iota3A_720, %add3A_727 : vector<16xi32>
    %ne3A_729 = arith.constant 1 : i32
    %ne3A_730 = vector.broadcast %ne3A_729 : i32 to vector<16xi32>
    %ne3A_731 = arith.cmpi ne, %get3A_719, %ne3A_730 : vector<16xi32>
    %jit3A_732 = arith.constant 1 : i32
    %broadcast_in_dim3A_733 = vector.broadcast %jit3A_732 : i32 to vector<16xi32>
    %select_n3A_734 = arith.select %ne3A_731, %add3A_728, %broadcast_in_dim3A_733 : vector<16xi1>, vector<16xi32>
    %swap3A_735 = arith.constant 15 : i32
    %swap3A_736 = arith.index_cast %swap3A_735 : i32 to index
    %swap3A_737 = arith.constant 0 : index
    %swap3A_738 = tpu.vector_load %arg6[%swap3A_736, %swap3A_737] {strides = array<i32>} : memref<32x32xi32, #tpu.memory_space<vmem>>, vector<1x16xi32>,
    %swap3A_739 = vector.shape_cast %swap3A_738 : vector<1x16xi32> to vector<16xi32>
    %swap3A_740 = vector.shape_cast %select_n3A_734 : vector<16xi32> to vector<1x16xi32>
    tpu.vector_store %arg6[%swap3A_736, %swap3A_737], %swap3A_740 {strides = array<i32>} : memref<32x32xi32, #tpu.memory_space<vmem>>, vector<1x16xi32>,
    %get3A_741 = arith.constant 496 : index
    %get3A_742 = tpu.vector_load %arg5[%get3A_741] {strides = array<i32>} : memref<1024xi32, #tpu.memory_space<vmem>>, vector<16xi32>,
    %get3A_743 = vector.shape_cast %get3A_742 : vector<16xi32> to vector<16xi32>
    %iota3A_744 = tpu.iota {dimensions = array<i32: 0>} : vector<16xi32>
    %add3A_745 = arith.constant 496 : i32
    %add3A_746 = arith.addi %rem3A_3, %add3A_745 : i32
    %add3A_747 = arith.constant 1 : i32
    %add3A_748 = arith.addi %add3A_746, %add3A_747 : i32
    %add3A_749 = arith.constant 1 : i32
    %add3A_750 = arith.addi %add3A_748, %add3A_749 : i32
    %add3A_751 = vector.broadcast %add3A_750 : i32 to vector<16xi32>
    %add3A_752 = arith.addi %iota3A_744, %add3A_751 : vector<16xi32>
    %ne3A_753 = arith.constant 1 : i32
    %ne3A_754 = vector.broadcast %ne3A_753 : i32 to vector<16xi32>
    %ne3A_755 = arith.cmpi ne, %get3A_743, %ne3A_754 : vector<16xi32>
    %jit3A_756 = arith.constant 1 : i32
    %broadcast_in_dim3A_757 = vector.broadcast %jit3A_756 : i32 to vector<16xi32>
    %select_n3A_758 = arith.select %ne3A_755, %add3A_752, %broadcast_in_dim3A_757 : vector<16xi1>, vector<16xi32>
    %swap3A_759 = arith.constant 15 : i32
    %swap3A_760 = arith.index_cast %swap3A_759 : i32 to index
    %swap3A_761 = arith.constant 16 : index
    %swap3A_762 = tpu.vector_load %arg6[%swap3A_760, %swap3A_761] {strides = array<i32>} : memref<32x32xi32, #tpu.memory_space<vmem>>, vector<1x16xi32>,
    %swap3A_763 = vector.shape_cast %swap3A_762 : vector<1x16xi32> to vector<16xi32>
    %swap3A_764 = vector.shape_cast %select_n3A_758 : vector<16xi32> to vector<1x16xi32>
    tpu.vector_store %arg6[%swap3A_760, %swap3A_761], %swap3A_764 {strides = array<i32>} : memref<32x32xi32, #tpu.memory_space<vmem>>, vector<1x16xi32>,
    %get3A_765 = arith.constant 512 : index
    %get3A_766 = tpu.vector_load %arg5[%get3A_765] {strides = array<i32>} : memref<1024xi32, #tpu.memory_space<vmem>>, vector<16xi32>,
    %get3A_767 = vector.shape_cast %get3A_766 : vector<16xi32> to vector<16xi32>
    %iota3A_768 = tpu.iota {dimensions = array<i32: 0>} : vector<16xi32>
    %add3A_769 = arith.constant 512 : i32
    %add3A_770 = arith.addi %rem3A_3, %add3A_769 : i32
    %add3A_771 = arith.constant 1 : i32
    %add3A_772 = arith.addi %add3A_770, %add3A_771 : i32
    %add3A_773 = arith.constant 1 : i32
    %add3A_774 = arith.addi %add3A_772, %add3A_773 : i32
    %add3A_775 = vector.broadcast %add3A_774 : i32 to vector<16xi32>
    %add3A_776 = arith.addi %iota3A_768, %add3A_775 : vector<16xi32>
    %ne3A_777 = arith.constant 1 : i32
    %ne3A_778 = vector.broadcast %ne3A_777 : i32 to vector<16xi32>
    %ne3A_779 = arith.cmpi ne, %get3A_767, %ne3A_778 : vector<16xi32>
    %jit3A_780 = arith.constant 1 : i32
    %broadcast_in_dim3A_781 = vector.broadcast %jit3A_780 : i32 to vector<16xi32>
    %select_n3A_782 = arith.select %ne3A_779, %add3A_776, %broadcast_in_dim3A_781 : vector<16xi1>, vector<16xi32>
    %swap3A_783 = arith.constant 16 : i32
    %swap3A_784 = arith.index_cast %swap3A_783 : i32 to index
    %swap3A_785 = arith.constant 0 : index
    %swap3A_786 = tpu.vector_load %arg6[%swap3A_784, %swap3A_785] {strides = array<i32>} : memref<32x32xi32, #tpu.memory_space<vmem>>, vector<1x16xi32>,
    %swap3A_787 = vector.shape_cast %swap3A_786 : vector<1x16xi32> to vector<16xi32>
    %swap3A_788 = vector.shape_cast %select_n3A_782 : vector<16xi32> to vector<1x16xi32>
    tpu.vector_store %arg6[%swap3A_784, %swap3A_785], %swap3A_788 {strides = array<i32>} : memref<32x32xi32, #tpu.memory_space<vmem>>, vector<1x16xi32>,
    %get3A_789 = arith.constant 528 : index
    %get3A_790 = tpu.vector_load %arg5[%get3A_789] {strides = array<i32>} : memref<1024xi32, #tpu.memory_space<vmem>>, vector<16xi32>,
    %get3A_791 = vector.shape_cast %get3A_790 : vector<16xi32> to vector<16xi32>
    %iota3A_792 = tpu.iota {dimensions = array<i32: 0>} : vector<16xi32>
    %add3A_793 = arith.constant 528 : i32
    %add3A_794 = arith.addi %rem3A_3, %add3A_793 : i32
    %add3A_795 = arith.constant 1 : i32
    %add3A_796 = arith.addi %add3A_794, %add3A_795 : i32
    %add3A_797 = arith.constant 1 : i32
    %add3A_798 = arith.addi %add3A_796, %add3A_797 : i32
    %add3A_799 = vector.broadcast %add3A_798 : i32 to vector<16xi32>
    %add3A_800 = arith.addi %iota3A_792, %add3A_799 : vector<16xi32>
    %ne3A_801 = arith.constant 1 : i32
    %ne3A_802 = vector.broadcast %ne3A_801 : i32 to vector<16xi32>
    %ne3A_803 = arith.cmpi ne, %get3A_791, %ne3A_802 : vector<16xi32>
    %jit3A_804 = arith.constant 1 : i32
    %broadcast_in_dim3A_805 = vector.broadcast %jit3A_804 : i32 to vector<16xi32>
    %select_n3A_806 = arith.select %ne3A_803, %add3A_800, %broadcast_in_dim3A_805 : vector<16xi1>, vector<16xi32>
    %swap3A_807 = arith.constant 16 : i32
    %swap3A_808 = arith.index_cast %swap3A_807 : i32 to index
    %swap3A_809 = arith.constant 16 : index
    %swap3A_810 = tpu.vector_load %arg6[%swap3A_808, %swap3A_809] {strides = array<i32>} : memref<32x32xi32, #tpu.memory_space<vmem>>, vector<1x16xi32>,
    %swap3A_811 = vector.shape_cast %swap3A_810 : vector<1x16xi32> to vector<16xi32>
    %swap3A_812 = vector.shape_cast %select_n3A_806 : vector<16xi32> to vector<1x16xi32>
    tpu.vector_store %arg6[%swap3A_808, %swap3A_809], %swap3A_812 {strides = array<i32>} : memref<32x32xi32, #tpu.memory_space<vmem>>, vector<1x16xi32>,
    %get3A_813 = arith.constant 544 : index
    %get3A_814 = tpu.vector_load %arg5[%get3A_813] {strides = array<i32>} : memref<1024xi32, #tpu.memory_space<vmem>>, vector<16xi32>,
    %get3A_815 = vector.shape_cast %get3A_814 : vector<16xi32> to vector<16xi32>
    %iota3A_816 = tpu.iota {dimensions = array<i32: 0>} : vector<16xi32>
    %add3A_817 = arith.constant 544 : i32
    %add3A_818 = arith.addi %rem3A_3, %add3A_817 : i32
    %add3A_819 = arith.constant 1 : i32
    %add3A_820 = arith.addi %add3A_818, %add3A_819 : i32
    %add3A_821 = arith.constant 1 : i32
    %add3A_822 = arith.addi %add3A_820, %add3A_821 : i32
    %add3A_823 = vector.broadcast %add3A_822 : i32 to vector<16xi32>
    %add3A_824 = arith.addi %iota3A_816, %add3A_823 : vector<16xi32>
    %ne3A_825 = arith.constant 1 : i32
    %ne3A_826 = vector.broadcast %ne3A_825 : i32 to vector<16xi32>
    %ne3A_827 = arith.cmpi ne, %get3A_815, %ne3A_826 : vector<16xi32>
    %jit3A_828 = arith.constant 1 : i32
    %broadcast_in_dim3A_829 = vector.broadcast %jit3A_828 : i32 to vector<16xi32>
    %select_n3A_830 = arith.select %ne3A_827, %add3A_824, %broadcast_in_dim3A_829 : vector<16xi1>, vector<16xi32>
    %swap3A_831 = arith.constant 17 : i32
    %swap3A_832 = arith.index_cast %swap3A_831 : i32 to index
    %swap3A_833 = arith.constant 0 : index
    %swap3A_834 = tpu.vector_load %arg6[%swap3A_832, %swap3A_833] {strides = array<i32>} : memref<32x32xi32, #tpu.memory_space<vmem>>, vector<1x16xi32>,
    %swap3A_835 = vector.shape_cast %swap3A_834 : vector<1x16xi32> to vector<16xi32>
    %swap3A_836 = vector.shape_cast %select_n3A_830 : vector<16xi32> to vector<1x16xi32>
    tpu.vector_store %arg6[%swap3A_832, %swap3A_833], %swap3A_836 {strides = array<i32>} : memref<32x32xi32, #tpu.memory_space<vmem>>, vector<1x16xi32>,
    %get3A_837 = arith.constant 560 : index
    %get3A_838 = tpu.vector_load %arg5[%get3A_837] {strides = array<i32>} : memref<1024xi32, #tpu.memory_space<vmem>>, vector<16xi32>,
    %get3A_839 = vector.shape_cast %get3A_838 : vector<16xi32> to vector<16xi32>
    %iota3A_840 = tpu.iota {dimensions = array<i32: 0>} : vector<16xi32>
    %add3A_841 = arith.constant 560 : i32
    %add3A_842 = arith.addi %rem3A_3, %add3A_841 : i32
    %add3A_843 = arith.constant 1 : i32
    %add3A_844 = arith.addi %add3A_842, %add3A_843 : i32
    %add3A_845 = arith.constant 1 : i32
    %add3A_846 = arith.addi %add3A_844, %add3A_845 : i32
    %add3A_847 = vector.broadcast %add3A_846 : i32 to vector<16xi32>
    %add3A_848 = arith.addi %iota3A_840, %add3A_847 : vector<16xi32>
    %ne3A_849 = arith.constant 1 : i32
    %ne3A_850 = vector.broadcast %ne3A_849 : i32 to vector<16xi32>
    %ne3A_851 = arith.cmpi ne, %get3A_839, %ne3A_850 : vector<16xi32>
    %jit3A_852 = arith.constant 1 : i32
    %broadcast_in_dim3A_853 = vector.broadcast %jit3A_852 : i32 to vector<16xi32>
    %select_n3A_854 = arith.select %ne3A_851, %add3A_848, %broadcast_in_dim3A_853 : vector<16xi1>, vector<16xi32>
    %swap3A_855 = arith.constant 17 : i32
    %swap3A_856 = arith.index_cast %swap3A_855 : i32 to index
    %swap3A_857 = arith.constant 16 : index
    %swap3A_858 = tpu.vector_load %arg6[%swap3A_856, %swap3A_857] {strides = array<i32>} : memref<32x32xi32, #tpu.memory_space<vmem>>, vector<1x16xi32>,
    %swap3A_859 = vector.shape_cast %swap3A_858 : vector<1x16xi32> to vector<16xi32>
    %swap3A_860 = vector.shape_cast %select_n3A_854 : vector<16xi32> to vector<1x16xi32>
    tpu.vector_store %arg6[%swap3A_856, %swap3A_857], %swap3A_860 {strides = array<i32>} : memref<32x32xi32, #tpu.memory_space<vmem>>, vector<1x16xi32>,
    %get3A_861 = arith.constant 576 : index
    %get3A_862 = tpu.vector_load %arg5[%get3A_861] {strides = array<i32>} : memref<1024xi32, #tpu.memory_space<vmem>>, vector<16xi32>,
    %get3A_863 = vector.shape_cast %get3A_862 : vector<16xi32> to vector<16xi32>
    %iota3A_864 = tpu.iota {dimensions = array<i32: 0>} : vector<16xi32>
    %add3A_865 = arith.constant 576 : i32
    %add3A_866 = arith.addi %rem3A_3, %add3A_865 : i32
    %add3A_867 = arith.constant 1 : i32
    %add3A_868 = arith.addi %add3A_866, %add3A_867 : i32
    %add3A_869 = arith.constant 1 : i32
    %add3A_870 = arith.addi %add3A_868, %add3A_869 : i32
    %add3A_871 = vector.broadcast %add3A_870 : i32 to vector<16xi32>
    %add3A_872 = arith.addi %iota3A_864, %add3A_871 : vector<16xi32>
    %ne3A_873 = arith.constant 1 : i32
    %ne3A_874 = vector.broadcast %ne3A_873 : i32 to vector<16xi32>
    %ne3A_875 = arith.cmpi ne, %get3A_863, %ne3A_874 : vector<16xi32>
    %jit3A_876 = arith.constant 1 : i32
    %broadcast_in_dim3A_877 = vector.broadcast %jit3A_876 : i32 to vector<16xi32>
    %select_n3A_878 = arith.select %ne3A_875, %add3A_872, %broadcast_in_dim3A_877 : vector<16xi1>, vector<16xi32>
    %swap3A_879 = arith.constant 18 : i32
    %swap3A_880 = arith.index_cast %swap3A_879 : i32 to index
    %swap3A_881 = arith.constant 0 : index
    %swap3A_882 = tpu.vector_load %arg6[%swap3A_880, %swap3A_881] {strides = array<i32>} : memref<32x32xi32, #tpu.memory_space<vmem>>, vector<1x16xi32>,
    %swap3A_883 = vector.shape_cast %swap3A_882 : vector<1x16xi32> to vector<16xi32>
    %swap3A_884 = vector.shape_cast %select_n3A_878 : vector<16xi32> to vector<1x16xi32>
    tpu.vector_store %arg6[%swap3A_880, %swap3A_881], %swap3A_884 {strides = array<i32>} : memref<32x32xi32, #tpu.memory_space<vmem>>, vector<1x16xi32>,
    %get3A_885 = arith.constant 592 : index
    %get3A_886 = tpu.vector_load %arg5[%get3A_885] {strides = array<i32>} : memref<1024xi32, #tpu.memory_space<vmem>>, vector<16xi32>,
    %get3A_887 = vector.shape_cast %get3A_886 : vector<16xi32> to vector<16xi32>
    %iota3A_888 = tpu.iota {dimensions = array<i32: 0>} : vector<16xi32>
    %add3A_889 = arith.constant 592 : i32
    %add3A_890 = arith.addi %rem3A_3, %add3A_889 : i32
    %add3A_891 = arith.constant 1 : i32
    %add3A_892 = arith.addi %add3A_890, %add3A_891 : i32
    %add3A_893 = arith.constant 1 : i32
    %add3A_894 = arith.addi %add3A_892, %add3A_893 : i32
    %add3A_895 = vector.broadcast %add3A_894 : i32 to vector<16xi32>
    %add3A_896 = arith.addi %iota3A_888, %add3A_895 : vector<16xi32>
    %ne3A_897 = arith.constant 1 : i32
    %ne3A_898 = vector.broadcast %ne3A_897 : i32 to vector<16xi32>
    %ne3A_899 = arith.cmpi ne, %get3A_887, %ne3A_898 : vector<16xi32>
    %jit3A_900 = arith.constant 1 : i32
    %broadcast_in_dim3A_901 = vector.broadcast %jit3A_900 : i32 to vector<16xi32>
    %select_n3A_902 = arith.select %ne3A_899, %add3A_896, %broadcast_in_dim3A_901 : vector<16xi1>, vector<16xi32>
    %swap3A_903 = arith.constant 18 : i32
    %swap3A_904 = arith.index_cast %swap3A_903 : i32 to index
    %swap3A_905 = arith.constant 16 : index
    %swap3A_906 = tpu.vector_load %arg6[%swap3A_904, %swap3A_905] {strides = array<i32>} : memref<32x32xi32, #tpu.memory_space<vmem>>, vector<1x16xi32>,
    %swap3A_907 = vector.shape_cast %swap3A_906 : vector<1x16xi32> to vector<16xi32>
    %swap3A_908 = vector.shape_cast %select_n3A_902 : vector<16xi32> to vector<1x16xi32>
    tpu.vector_store %arg6[%swap3A_904, %swap3A_905], %swap3A_908 {strides = array<i32>} : memref<32x32xi32, #tpu.memory_space<vmem>>, vector<1x16xi32>,
    %get3A_909 = arith.constant 608 : index
    %get3A_910 = tpu.vector_load %arg5[%get3A_909] {strides = array<i32>} : memref<1024xi32, #tpu.memory_space<vmem>>, vector<16xi32>,
    %get3A_911 = vector.shape_cast %get3A_910 : vector<16xi32> to vector<16xi32>
    %iota3A_912 = tpu.iota {dimensions = array<i32: 0>} : vector<16xi32>
    %add3A_913 = arith.constant 608 : i32
    %add3A_914 = arith.addi %rem3A_3, %add3A_913 : i32
    %add3A_915 = arith.constant 1 : i32
    %add3A_916 = arith.addi %add3A_914, %add3A_915 : i32
    %add3A_917 = arith.constant 1 : i32
    %add3A_918 = arith.addi %add3A_916, %add3A_917 : i32
    %add3A_919 = vector.broadcast %add3A_918 : i32 to vector<16xi32>
    %add3A_920 = arith.addi %iota3A_912, %add3A_919 : vector<16xi32>
    %ne3A_921 = arith.constant 1 : i32
    %ne3A_922 = vector.broadcast %ne3A_921 : i32 to vector<16xi32>
    %ne3A_923 = arith.cmpi ne, %get3A_911, %ne3A_922 : vector<16xi32>
    %jit3A_924 = arith.constant 1 : i32
    %broadcast_in_dim3A_925 = vector.broadcast %jit3A_924 : i32 to vector<16xi32>
    %select_n3A_926 = arith.select %ne3A_923, %add3A_920, %broadcast_in_dim3A_925 : vector<16xi1>, vector<16xi32>
    %swap3A_927 = arith.constant 19 : i32
    %swap3A_928 = arith.index_cast %swap3A_927 : i32 to index
    %swap3A_929 = arith.constant 0 : index
    %swap3A_930 = tpu.vector_load %arg6[%swap3A_928, %swap3A_929] {strides = array<i32>} : memref<32x32xi32, #tpu.memory_space<vmem>>, vector<1x16xi32>,
    %swap3A_931 = vector.shape_cast %swap3A_930 : vector<1x16xi32> to vector<16xi32>
    %swap3A_932 = vector.shape_cast %select_n3A_926 : vector<16xi32> to vector<1x16xi32>
    tpu.vector_store %arg6[%swap3A_928, %swap3A_929], %swap3A_932 {strides = array<i32>} : memref<32x32xi32, #tpu.memory_space<vmem>>, vector<1x16xi32>,
    %get3A_933 = arith.constant 624 : index
    %get3A_934 = tpu.vector_load %arg5[%get3A_933] {strides = array<i32>} : memref<1024xi32, #tpu.memory_space<vmem>>, vector<16xi32>,
    %get3A_935 = vector.shape_cast %get3A_934 : vector<16xi32> to vector<16xi32>
    %iota3A_936 = tpu.iota {dimensions = array<i32: 0>} : vector<16xi32>
    %add3A_937 = arith.constant 624 : i32
    %add3A_938 = arith.addi %rem3A_3, %add3A_937 : i32
    %add3A_939 = arith.constant 1 : i32
    %add3A_940 = arith.addi %add3A_938, %add3A_939 : i32
    %add3A_941 = arith.constant 1 : i32
    %add3A_942 = arith.addi %add3A_940, %add3A_941 : i32
    %add3A_943 = vector.broadcast %add3A_942 : i32 to vector<16xi32>
    %add3A_944 = arith.addi %iota3A_936, %add3A_943 : vector<16xi32>
    %ne3A_945 = arith.constant 1 : i32
    %ne3A_946 = vector.broadcast %ne3A_945 : i32 to vector<16xi32>
    %ne3A_947 = arith.cmpi ne, %get3A_935, %ne3A_946 : vector<16xi32>
    %jit3A_948 = arith.constant 1 : i32
    %broadcast_in_dim3A_949 = vector.broadcast %jit3A_948 : i32 to vector<16xi32>
    %select_n3A_950 = arith.select %ne3A_947, %add3A_944, %broadcast_in_dim3A_949 : vector<16xi1>, vector<16xi32>
    %swap3A_951 = arith.constant 19 : i32
    %swap3A_952 = arith.index_cast %swap3A_951 : i32 to index
    %swap3A_953 = arith.constant 16 : index
    %swap3A_954 = tpu.vector_load %arg6[%swap3A_952, %swap3A_953] {strides = array<i32>} : memref<32x32xi32, #tpu.memory_space<vmem>>, vector<1x16xi32>,
    %swap3A_955 = vector.shape_cast %swap3A_954 : vector<1x16xi32> to vector<16xi32>
    %swap3A_956 = vector.shape_cast %select_n3A_950 : vector<16xi32> to vector<1x16xi32>
    tpu.vector_store %arg6[%swap3A_952, %swap3A_953], %swap3A_956 {strides = array<i32>} : memref<32x32xi32, #tpu.memory_space<vmem>>, vector<1x16xi32>,
    %get3A_957 = arith.constant 640 : index
    %get3A_958 = tpu.vector_load %arg5[%get3A_957] {strides = array<i32>} : memref<1024xi32, #tpu.memory_space<vmem>>, vector<16xi32>,
    %get3A_959 = vector.shape_cast %get3A_958 : vector<16xi32> to vector<16xi32>
    %iota3A_960 = tpu.iota {dimensions = array<i32: 0>} : vector<16xi32>
    %add3A_961 = arith.constant 640 : i32
    %add3A_962 = arith.addi %rem3A_3, %add3A_961 : i32
    %add3A_963 = arith.constant 1 : i32
    %add3A_964 = arith.addi %add3A_962, %add3A_963 : i32
    %add3A_965 = arith.constant 1 : i32
    %add3A_966 = arith.addi %add3A_964, %add3A_965 : i32
    %add3A_967 = vector.broadcast %add3A_966 : i32 to vector<16xi32>
    %add3A_968 = arith.addi %iota3A_960, %add3A_967 : vector<16xi32>
    %ne3A_969 = arith.constant 1 : i32
    %ne3A_970 = vector.broadcast %ne3A_969 : i32 to vector<16xi32>
    %ne3A_971 = arith.cmpi ne, %get3A_959, %ne3A_970 : vector<16xi32>
    %jit3A_972 = arith.constant 1 : i32
    %broadcast_in_dim3A_973 = vector.broadcast %jit3A_972 : i32 to vector<16xi32>
    %select_n3A_974 = arith.select %ne3A_971, %add3A_968, %broadcast_in_dim3A_973 : vector<16xi1>, vector<16xi32>
    %swap3A_975 = arith.constant 20 : i32
    %swap3A_976 = arith.index_cast %swap3A_975 : i32 to index
    %swap3A_977 = arith.constant 0 : index
    %swap3A_978 = tpu.vector_load %arg6[%swap3A_976, %swap3A_977] {strides = array<i32>} : memref<32x32xi32, #tpu.memory_space<vmem>>, vector<1x16xi32>,
    %swap3A_979 = vector.shape_cast %swap3A_978 : vector<1x16xi32> to vector<16xi32>
    %swap3A_980 = vector.shape_cast %select_n3A_974 : vector<16xi32> to vector<1x16xi32>
    tpu.vector_store %arg6[%swap3A_976, %swap3A_977], %swap3A_980 {strides = array<i32>} : memref<32x32xi32, #tpu.memory_space<vmem>>, vector<1x16xi32>,
    %get3A_981 = arith.constant 656 : index
    %get3A_982 = tpu.vector_load %arg5[%get3A_981] {strides = array<i32>} : memref<1024xi32, #tpu.memory_space<vmem>>, vector<16xi32>,
    %get3A_983 = vector.shape_cast %get3A_982 : vector<16xi32> to vector<16xi32>
    %iota3A_984 = tpu.iota {dimensions = array<i32: 0>} : vector<16xi32>
    %add3A_985 = arith.constant 656 : i32
    %add3A_986 = arith.addi %rem3A_3, %add3A_985 : i32
    %add3A_987 = arith.constant 1 : i32
    %add3A_988 = arith.addi %add3A_986, %add3A_987 : i32
    %add3A_989 = arith.constant 1 : i32
    %add3A_990 = arith.addi %add3A_988, %add3A_989 : i32
    %add3A_991 = vector.broadcast %add3A_990 : i32 to vector<16xi32>
    %add3A_992 = arith.addi %iota3A_984, %add3A_991 : vector<16xi32>
    %ne3A_993 = arith.constant 1 : i32
    %ne3A_994 = vector.broadcast %ne3A_993 : i32 to vector<16xi32>
    %ne3A_995 = arith.cmpi ne, %get3A_983, %ne3A_994 : vector<16xi32>
    %jit3A_996 = arith.constant 1 : i32
    %broadcast_in_dim3A_997 = vector.broadcast %jit3A_996 : i32 to vector<16xi32>
    %select_n3A_998 = arith.select %ne3A_995, %add3A_992, %broadcast_in_dim3A_997 : vector<16xi1>, vector<16xi32>
    %swap3A_999 = arith.constant 20 : i32
    %swap3A_1000 = arith.index_cast %swap3A_999 : i32 to index
    %swap3A_1001 = arith.constant 16 : index
    %swap3A_1002 = tpu.vector_load %arg6[%swap3A_1000, %swap3A_1001] {strides = array<i32>} : memref<32x32xi32, #tpu.memory_space<vmem>>, vector<1x16xi32>,
    %swap3A_1003 = vector.shape_cast %swap3A_1002 : vector<1x16xi32> to vector<16xi32>
    %swap3A_1004 = vector.shape_cast %select_n3A_998 : vector<16xi32> to vector<1x16xi32>
    tpu.vector_store %arg6[%swap3A_1000, %swap3A_1001], %swap3A_1004 {strides = array<i32>} : memref<32x32xi32, #tpu.memory_space<vmem>>, vector<1x16xi32>,
    %get3A_1005 = arith.constant 672 : index
    %get3A_1006 = tpu.vector_load %arg5[%get3A_1005] {strides = array<i32>} : memref<1024xi32, #tpu.memory_space<vmem>>, vector<16xi32>,
    %get3A_1007 = vector.shape_cast %get3A_1006 : vector<16xi32> to vector<16xi32>
    %iota3A_1008 = tpu.iota {dimensions = array<i32: 0>} : vector<16xi32>
    %add3A_1009 = arith.constant 672 : i32
    %add3A_1010 = arith.addi %rem3A_3, %add3A_1009 : i32
    %add3A_1011 = arith.constant 1 : i32
    %add3A_1012 = arith.addi %add3A_1010, %add3A_1011 : i32
    %add3A_1013 = arith.constant 1 : i32
    %add3A_1014 = arith.addi %add3A_1012, %add3A_1013 : i32
    %add3A_1015 = vector.broadcast %add3A_1014 : i32 to vector<16xi32>
    %add3A_1016 = arith.addi %iota3A_1008, %add3A_1015 : vector<16xi32>
    %ne3A_1017 = arith.constant 1 : i32
    %ne3A_1018 = vector.broadcast %ne3A_1017 : i32 to vector<16xi32>
    %ne3A_1019 = arith.cmpi ne, %get3A_1007, %ne3A_1018 : vector<16xi32>
    %jit3A_1020 = arith.constant 1 : i32
    %broadcast_in_dim3A_1021 = vector.broadcast %jit3A_1020 : i32 to vector<16xi32>
    %select_n3A_1022 = arith.select %ne3A_1019, %add3A_1016, %broadcast_in_dim3A_1021 : vector<16xi1>, vector<16xi32>
    %swap3A_1023 = arith.constant 21 : i32
    %swap3A_1024 = arith.index_cast %swap3A_1023 : i32 to index
    %swap3A_1025 = arith.constant 0 : index
    %swap3A_1026 = tpu.vector_load %arg6[%swap3A_1024, %swap3A_1025] {strides = array<i32>} : memref<32x32xi32, #tpu.memory_space<vmem>>, vector<1x16xi32>,
    %swap3A_1027 = vector.shape_cast %swap3A_1026 : vector<1x16xi32> to vector<16xi32>
    %swap3A_1028 = vector.shape_cast %select_n3A_1022 : vector<16xi32> to vector<1x16xi32>
    tpu.vector_store %arg6[%swap3A_1024, %swap3A_1025], %swap3A_1028 {strides = array<i32>} : memref<32x32xi32, #tpu.memory_space<vmem>>, vector<1x16xi32>,
    %get3A_1029 = arith.constant 688 : index
    %get3A_1030 = tpu.vector_load %arg5[%get3A_1029] {strides = array<i32>} : memref<1024xi32, #tpu.memory_space<vmem>>, vector<16xi32>,
    %get3A_1031 = vector.shape_cast %get3A_1030 : vector<16xi32> to vector<16xi32>
    %iota3A_1032 = tpu.iota {dimensions = array<i32: 0>} : vector<16xi32>
    %add3A_1033 = arith.constant 688 : i32
    %add3A_1034 = arith.addi %rem3A_3, %add3A_1033 : i32
    %add3A_1035 = arith.constant 1 : i32
    %add3A_1036 = arith.addi %add3A_1034, %add3A_1035 : i32
    %add3A_1037 = arith.constant 1 : i32
    %add3A_1038 = arith.addi %add3A_1036, %add3A_1037 : i32
    %add3A_1039 = vector.broadcast %add3A_1038 : i32 to vector<16xi32>
    %add3A_1040 = arith.addi %iota3A_1032, %add3A_1039 : vector<16xi32>
    %ne3A_1041 = arith.constant 1 : i32
    %ne3A_1042 = vector.broadcast %ne3A_1041 : i32 to vector<16xi32>
    %ne3A_1043 = arith.cmpi ne, %get3A_1031, %ne3A_1042 : vector<16xi32>
    %jit3A_1044 = arith.constant 1 : i32
    %broadcast_in_dim3A_1045 = vector.broadcast %jit3A_1044 : i32 to vector<16xi32>
    %select_n3A_1046 = arith.select %ne3A_1043, %add3A_1040, %broadcast_in_dim3A_1045 : vector<16xi1>, vector<16xi32>
    %swap3A_1047 = arith.constant 21 : i32
    %swap3A_1048 = arith.index_cast %swap3A_1047 : i32 to index
    %swap3A_1049 = arith.constant 16 : index
    %swap3A_1050 = tpu.vector_load %arg6[%swap3A_1048, %swap3A_1049] {strides = array<i32>} : memref<32x32xi32, #tpu.memory_space<vmem>>, vector<1x16xi32>,
    %swap3A_1051 = vector.shape_cast %swap3A_1050 : vector<1x16xi32> to vector<16xi32>
    %swap3A_1052 = vector.shape_cast %select_n3A_1046 : vector<16xi32> to vector<1x16xi32>
    tpu.vector_store %arg6[%swap3A_1048, %swap3A_1049], %swap3A_1052 {strides = array<i32>} : memref<32x32xi32, #tpu.memory_space<vmem>>, vector<1x16xi32>,
    %get3A_1053 = arith.constant 704 : index
    %get3A_1054 = tpu.vector_load %arg5[%get3A_1053] {strides = array<i32>} : memref<1024xi32, #tpu.memory_space<vmem>>, vector<16xi32>,
    %get3A_1055 = vector.shape_cast %get3A_1054 : vector<16xi32> to vector<16xi32>
    %iota3A_1056 = tpu.iota {dimensions = array<i32: 0>} : vector<16xi32>
    %add3A_1057 = arith.constant 704 : i32
    %add3A_1058 = arith.addi %rem3A_3, %add3A_1057 : i32
    %add3A_1059 = arith.constant 1 : i32
    %add3A_1060 = arith.addi %add3A_1058, %add3A_1059 : i32
    %add3A_1061 = arith.constant 1 : i32
    %add3A_1062 = arith.addi %add3A_1060, %add3A_1061 : i32
    %add3A_1063 = vector.broadcast %add3A_1062 : i32 to vector<16xi32>
    %add3A_1064 = arith.addi %iota3A_1056, %add3A_1063 : vector<16xi32>
    %ne3A_1065 = arith.constant 1 : i32
    %ne3A_1066 = vector.broadcast %ne3A_1065 : i32 to vector<16xi32>
    %ne3A_1067 = arith.cmpi ne, %get3A_1055, %ne3A_1066 : vector<16xi32>
    %jit3A_1068 = arith.constant 1 : i32
    %broadcast_in_dim3A_1069 = vector.broadcast %jit3A_1068 : i32 to vector<16xi32>
    %select_n3A_1070 = arith.select %ne3A_1067, %add3A_1064, %broadcast_in_dim3A_1069 : vector<16xi1>, vector<16xi32>
    %swap3A_1071 = arith.constant 22 : i32
    %swap3A_1072 = arith.index_cast %swap3A_1071 : i32 to index
    %swap3A_1073 = arith.constant 0 : index
    %swap3A_1074 = tpu.vector_load %arg6[%swap3A_1072, %swap3A_1073] {strides = array<i32>} : memref<32x32xi32, #tpu.memory_space<vmem>>, vector<1x16xi32>,
    %swap3A_1075 = vector.shape_cast %swap3A_1074 : vector<1x16xi32> to vector<16xi32>
    %swap3A_1076 = vector.shape_cast %select_n3A_1070 : vector<16xi32> to vector<1x16xi32>
    tpu.vector_store %arg6[%swap3A_1072, %swap3A_1073], %swap3A_1076 {strides = array<i32>} : memref<32x32xi32, #tpu.memory_space<vmem>>, vector<1x16xi32>,
    %get3A_1077 = arith.constant 720 : index
    %get3A_1078 = tpu.vector_load %arg5[%get3A_1077] {strides = array<i32>} : memref<1024xi32, #tpu.memory_space<vmem>>, vector<16xi32>,
    %get3A_1079 = vector.shape_cast %get3A_1078 : vector<16xi32> to vector<16xi32>
    %iota3A_1080 = tpu.iota {dimensions = array<i32: 0>} : vector<16xi32>
    %add3A_1081 = arith.constant 720 : i32
    %add3A_1082 = arith.addi %rem3A_3, %add3A_1081 : i32
    %add3A_1083 = arith.constant 1 : i32
    %add3A_1084 = arith.addi %add3A_1082, %add3A_1083 : i32
    %add3A_1085 = arith.constant 1 : i32
    %add3A_1086 = arith.addi %add3A_1084, %add3A_1085 : i32
    %add3A_1087 = vector.broadcast %add3A_1086 : i32 to vector<16xi32>
    %add3A_1088 = arith.addi %iota3A_1080, %add3A_1087 : vector<16xi32>
    %ne3A_1089 = arith.constant 1 : i32
    %ne3A_1090 = vector.broadcast %ne3A_1089 : i32 to vector<16xi32>
    %ne3A_1091 = arith.cmpi ne, %get3A_1079, %ne3A_1090 : vector<16xi32>
    %jit3A_1092 = arith.constant 1 : i32
    %broadcast_in_dim3A_1093 = vector.broadcast %jit3A_1092 : i32 to vector<16xi32>
    %select_n3A_1094 = arith.select %ne3A_1091, %add3A_1088, %broadcast_in_dim3A_1093 : vector<16xi1>, vector<16xi32>
    %swap3A_1095 = arith.constant 22 : i32
    %swap3A_1096 = arith.index_cast %swap3A_1095 : i32 to index
    %swap3A_1097 = arith.constant 16 : index
    %swap3A_1098 = tpu.vector_load %arg6[%swap3A_1096, %swap3A_1097] {strides = array<i32>} : memref<32x32xi32, #tpu.memory_space<vmem>>, vector<1x16xi32>,
    %swap3A_1099 = vector.shape_cast %swap3A_1098 : vector<1x16xi32> to vector<16xi32>
    %swap3A_1100 = vector.shape_cast %select_n3A_1094 : vector<16xi32> to vector<1x16xi32>
    tpu.vector_store %arg6[%swap3A_1096, %swap3A_1097], %swap3A_1100 {strides = array<i32>} : memref<32x32xi32, #tpu.memory_space<vmem>>, vector<1x16xi32>,
    %get3A_1101 = arith.constant 736 : index
    %get3A_1102 = tpu.vector_load %arg5[%get3A_1101] {strides = array<i32>} : memref<1024xi32, #tpu.memory_space<vmem>>, vector<16xi32>,
    %get3A_1103 = vector.shape_cast %get3A_1102 : vector<16xi32> to vector<16xi32>
    %iota3A_1104 = tpu.iota {dimensions = array<i32: 0>} : vector<16xi32>
    %add3A_1105 = arith.constant 736 : i32
    %add3A_1106 = arith.addi %rem3A_3, %add3A_1105 : i32
    %add3A_1107 = arith.constant 1 : i32
    %add3A_1108 = arith.addi %add3A_1106, %add3A_1107 : i32
    %add3A_1109 = arith.constant 1 : i32
    %add3A_1110 = arith.addi %add3A_1108, %add3A_1109 : i32
    %add3A_1111 = vector.broadcast %add3A_1110 : i32 to vector<16xi32>
    %add3A_1112 = arith.addi %iota3A_1104, %add3A_1111 : vector<16xi32>
    %ne3A_1113 = arith.constant 1 : i32
    %ne3A_1114 = vector.broadcast %ne3A_1113 : i32 to vector<16xi32>
    %ne3A_1115 = arith.cmpi ne, %get3A_1103, %ne3A_1114 : vector<16xi32>
    %jit3A_1116 = arith.constant 1 : i32
    %broadcast_in_dim3A_1117 = vector.broadcast %jit3A_1116 : i32 to vector<16xi32>
    %select_n3A_1118 = arith.select %ne3A_1115, %add3A_1112, %broadcast_in_dim3A_1117 : vector<16xi1>, vector<16xi32>
    %swap3A_1119 = arith.constant 23 : i32
    %swap3A_1120 = arith.index_cast %swap3A_1119 : i32 to index
    %swap3A_1121 = arith.constant 0 : index
    %swap3A_1122 = tpu.vector_load %arg6[%swap3A_1120, %swap3A_1121] {strides = array<i32>} : memref<32x32xi32, #tpu.memory_space<vmem>>, vector<1x16xi32>,
    %swap3A_1123 = vector.shape_cast %swap3A_1122 : vector<1x16xi32> to vector<16xi32>
    %swap3A_1124 = vector.shape_cast %select_n3A_1118 : vector<16xi32> to vector<1x16xi32>
    tpu.vector_store %arg6[%swap3A_1120, %swap3A_1121], %swap3A_1124 {strides = array<i32>} : memref<32x32xi32, #tpu.memory_space<vmem>>, vector<1x16xi32>,
    %get3A_1125 = arith.constant 752 : index
    %get3A_1126 = tpu.vector_load %arg5[%get3A_1125] {strides = array<i32>} : memref<1024xi32, #tpu.memory_space<vmem>>, vector<16xi32>,
    %get3A_1127 = vector.shape_cast %get3A_1126 : vector<16xi32> to vector<16xi32>
    %iota3A_1128 = tpu.iota {dimensions = array<i32: 0>} : vector<16xi32>
    %add3A_1129 = arith.constant 752 : i32
    %add3A_1130 = arith.addi %rem3A_3, %add3A_1129 : i32
    %add3A_1131 = arith.constant 1 : i32
    %add3A_1132 = arith.addi %add3A_1130, %add3A_1131 : i32
    %add3A_1133 = arith.constant 1 : i32
    %add3A_1134 = arith.addi %add3A_1132, %add3A_1133 : i32
    %add3A_1135 = vector.broadcast %add3A_1134 : i32 to vector<16xi32>
    %add3A_1136 = arith.addi %iota3A_1128, %add3A_1135 : vector<16xi32>
    %ne3A_1137 = arith.constant 1 : i32
    %ne3A_1138 = vector.broadcast %ne3A_1137 : i32 to vector<16xi32>
    %ne3A_1139 = arith.cmpi ne, %get3A_1127, %ne3A_1138 : vector<16xi32>
    %jit3A_1140 = arith.constant 1 : i32
    %broadcast_in_dim3A_1141 = vector.broadcast %jit3A_1140 : i32 to vector<16xi32>
    %select_n3A_1142 = arith.select %ne3A_1139, %add3A_1136, %broadcast_in_dim3A_1141 : vector<16xi1>, vector<16xi32>
    %swap3A_1143 = arith.constant 23 : i32
    %swap3A_1144 = arith.index_cast %swap3A_1143 : i32 to index
    %swap3A_1145 = arith.constant 16 : index
    %swap3A_1146 = tpu.vector_load %arg6[%swap3A_1144, %swap3A_1145] {strides = array<i32>} : memref<32x32xi32, #tpu.memory_space<vmem>>, vector<1x16xi32>,
    %swap3A_1147 = vector.shape_cast %swap3A_1146 : vector<1x16xi32> to vector<16xi32>
    %swap3A_1148 = vector.shape_cast %select_n3A_1142 : vector<16xi32> to vector<1x16xi32>
    tpu.vector_store %arg6[%swap3A_1144, %swap3A_1145], %swap3A_1148 {strides = array<i32>} : memref<32x32xi32, #tpu.memory_space<vmem>>, vector<1x16xi32>,
    %get3A_1149 = arith.constant 768 : index
    %get3A_1150 = tpu.vector_load %arg5[%get3A_1149] {strides = array<i32>} : memref<1024xi32, #tpu.memory_space<vmem>>, vector<16xi32>,
    %get3A_1151 = vector.shape_cast %get3A_1150 : vector<16xi32> to vector<16xi32>
    %iota3A_1152 = tpu.iota {dimensions = array<i32: 0>} : vector<16xi32>
    %add3A_1153 = arith.constant 768 : i32
    %add3A_1154 = arith.addi %rem3A_3, %add3A_1153 : i32
    %add3A_1155 = arith.constant 1 : i32
    %add3A_1156 = arith.addi %add3A_1154, %add3A_1155 : i32
    %add3A_1157 = arith.constant 1 : i32
    %add3A_1158 = arith.addi %add3A_1156, %add3A_1157 : i32
    %add3A_1159 = vector.broadcast %add3A_1158 : i32 to vector<16xi32>
    %add3A_1160 = arith.addi %iota3A_1152, %add3A_1159 : vector<16xi32>
    %ne3A_1161 = arith.constant 1 : i32
    %ne3A_1162 = vector.broadcast %ne3A_1161 : i32 to vector<16xi32>
    %ne3A_1163 = arith.cmpi ne, %get3A_1151, %ne3A_1162 : vector<16xi32>
    %jit3A_1164 = arith.constant 1 : i32
    %broadcast_in_dim3A_1165 = vector.broadcast %jit3A_1164 : i32 to vector<16xi32>
    %select_n3A_1166 = arith.select %ne3A_1163, %add3A_1160, %broadcast_in_dim3A_1165 : vector<16xi1>, vector<16xi32>
    %swap3A_1167 = arith.constant 24 : i32
    %swap3A_1168 = arith.index_cast %swap3A_1167 : i32 to index
    %swap3A_1169 = arith.constant 0 : index
    %swap3A_1170 = tpu.vector_load %arg6[%swap3A_1168, %swap3A_1169] {strides = array<i32>} : memref<32x32xi32, #tpu.memory_space<vmem>>, vector<1x16xi32>,
    %swap3A_1171 = vector.shape_cast %swap3A_1170 : vector<1x16xi32> to vector<16xi32>
    %swap3A_1172 = vector.shape_cast %select_n3A_1166 : vector<16xi32> to vector<1x16xi32>
    tpu.vector_store %arg6[%swap3A_1168, %swap3A_1169], %swap3A_1172 {strides = array<i32>} : memref<32x32xi32, #tpu.memory_space<vmem>>, vector<1x16xi32>,
    %get3A_1173 = arith.constant 784 : index
    %get3A_1174 = tpu.vector_load %arg5[%get3A_1173] {strides = array<i32>} : memref<1024xi32, #tpu.memory_space<vmem>>, vector<16xi32>,
    %get3A_1175 = vector.shape_cast %get3A_1174 : vector<16xi32> to vector<16xi32>
    %iota3A_1176 = tpu.iota {dimensions = array<i32: 0>} : vector<16xi32>
    %add3A_1177 = arith.constant 784 : i32
    %add3A_1178 = arith.addi %rem3A_3, %add3A_1177 : i32
    %add3A_1179 = arith.constant 1 : i32
    %add3A_1180 = arith.addi %add3A_1178, %add3A_1179 : i32
    %add3A_1181 = arith.constant 1 : i32
    %add3A_1182 = arith.addi %add3A_1180, %add3A_1181 : i32
    %add3A_1183 = vector.broadcast %add3A_1182 : i32 to vector<16xi32>
    %add3A_1184 = arith.addi %iota3A_1176, %add3A_1183 : vector<16xi32>
    %ne3A_1185 = arith.constant 1 : i32
    %ne3A_1186 = vector.broadcast %ne3A_1185 : i32 to vector<16xi32>
    %ne3A_1187 = arith.cmpi ne, %get3A_1175, %ne3A_1186 : vector<16xi32>
    %jit3A_1188 = arith.constant 1 : i32
    %broadcast_in_dim3A_1189 = vector.broadcast %jit3A_1188 : i32 to vector<16xi32>
    %select_n3A_1190 = arith.select %ne3A_1187, %add3A_1184, %broadcast_in_dim3A_1189 : vector<16xi1>, vector<16xi32>
    %swap3A_1191 = arith.constant 24 : i32
    %swap3A_1192 = arith.index_cast %swap3A_1191 : i32 to index
    %swap3A_1193 = arith.constant 16 : index
    %swap3A_1194 = tpu.vector_load %arg6[%swap3A_1192, %swap3A_1193] {strides = array<i32>} : memref<32x32xi32, #tpu.memory_space<vmem>>, vector<1x16xi32>,
    %swap3A_1195 = vector.shape_cast %swap3A_1194 : vector<1x16xi32> to vector<16xi32>
    %swap3A_1196 = vector.shape_cast %select_n3A_1190 : vector<16xi32> to vector<1x16xi32>
    tpu.vector_store %arg6[%swap3A_1192, %swap3A_1193], %swap3A_1196 {strides = array<i32>} : memref<32x32xi32, #tpu.memory_space<vmem>>, vector<1x16xi32>,
    %get3A_1197 = arith.constant 800 : index
    %get3A_1198 = tpu.vector_load %arg5[%get3A_1197] {strides = array<i32>} : memref<1024xi32, #tpu.memory_space<vmem>>, vector<16xi32>,
    %get3A_1199 = vector.shape_cast %get3A_1198 : vector<16xi32> to vector<16xi32>
    %iota3A_1200 = tpu.iota {dimensions = array<i32: 0>} : vector<16xi32>
    %add3A_1201 = arith.constant 800 : i32
    %add3A_1202 = arith.addi %rem3A_3, %add3A_1201 : i32
    %add3A_1203 = arith.constant 1 : i32
    %add3A_1204 = arith.addi %add3A_1202, %add3A_1203 : i32
    %add3A_1205 = arith.constant 1 : i32
    %add3A_1206 = arith.addi %add3A_1204, %add3A_1205 : i32
    %add3A_1207 = vector.broadcast %add3A_1206 : i32 to vector<16xi32>
    %add3A_1208 = arith.addi %iota3A_1200, %add3A_1207 : vector<16xi32>
    %ne3A_1209 = arith.constant 1 : i32
    %ne3A_1210 = vector.broadcast %ne3A_1209 : i32 to vector<16xi32>
    %ne3A_1211 = arith.cmpi ne, %get3A_1199, %ne3A_1210 : vector<16xi32>
    %jit3A_1212 = arith.constant 1 : i32
    %broadcast_in_dim3A_1213 = vector.broadcast %jit3A_1212 : i32 to vector<16xi32>
    %select_n3A_1214 = arith.select %ne3A_1211, %add3A_1208, %broadcast_in_dim3A_1213 : vector<16xi1>, vector<16xi32>
    %swap3A_1215 = arith.constant 25 : i32
    %swap3A_1216 = arith.index_cast %swap3A_1215 : i32 to index
    %swap3A_1217 = arith.constant 0 : index
    %swap3A_1218 = tpu.vector_load %arg6[%swap3A_1216, %swap3A_1217] {strides = array<i32>} : memref<32x32xi32, #tpu.memory_space<vmem>>, vector<1x16xi32>,
    %swap3A_1219 = vector.shape_cast %swap3A_1218 : vector<1x16xi32> to vector<16xi32>
    %swap3A_1220 = vector.shape_cast %select_n3A_1214 : vector<16xi32> to vector<1x16xi32>
    tpu.vector_store %arg6[%swap3A_1216, %swap3A_1217], %swap3A_1220 {strides = array<i32>} : memref<32x32xi32, #tpu.memory_space<vmem>>, vector<1x16xi32>,
    %get3A_1221 = arith.constant 816 : index
    %get3A_1222 = tpu.vector_load %arg5[%get3A_1221] {strides = array<i32>} : memref<1024xi32, #tpu.memory_space<vmem>>, vector<16xi32>,
    %get3A_1223 = vector.shape_cast %get3A_1222 : vector<16xi32> to vector<16xi32>
    %iota3A_1224 = tpu.iota {dimensions = array<i32: 0>} : vector<16xi32>
    %add3A_1225 = arith.constant 816 : i32
    %add3A_1226 = arith.addi %rem3A_3, %add3A_1225 : i32
    %add3A_1227 = arith.constant 1 : i32
    %add3A_1228 = arith.addi %add3A_1226, %add3A_1227 : i32
    %add3A_1229 = arith.constant 1 : i32
    %add3A_1230 = arith.addi %add3A_1228, %add3A_1229 : i32
    %add3A_1231 = vector.broadcast %add3A_1230 : i32 to vector<16xi32>
    %add3A_1232 = arith.addi %iota3A_1224, %add3A_1231 : vector<16xi32>
    %ne3A_1233 = arith.constant 1 : i32
    %ne3A_1234 = vector.broadcast %ne3A_1233 : i32 to vector<16xi32>
    %ne3A_1235 = arith.cmpi ne, %get3A_1223, %ne3A_1234 : vector<16xi32>
    %jit3A_1236 = arith.constant 1 : i32
    %broadcast_in_dim3A_1237 = vector.broadcast %jit3A_1236 : i32 to vector<16xi32>
    %select_n3A_1238 = arith.select %ne3A_1235, %add3A_1232, %broadcast_in_dim3A_1237 : vector<16xi1>, vector<16xi32>
    %swap3A_1239 = arith.constant 25 : i32
    %swap3A_1240 = arith.index_cast %swap3A_1239 : i32 to index
    %swap3A_1241 = arith.constant 16 : index
    %swap3A_1242 = tpu.vector_load %arg6[%swap3A_1240, %swap3A_1241] {strides = array<i32>} : memref<32x32xi32, #tpu.memory_space<vmem>>, vector<1x16xi32>,
    %swap3A_1243 = vector.shape_cast %swap3A_1242 : vector<1x16xi32> to vector<16xi32>
    %swap3A_1244 = vector.shape_cast %select_n3A_1238 : vector<16xi32> to vector<1x16xi32>
    tpu.vector_store %arg6[%swap3A_1240, %swap3A_1241], %swap3A_1244 {strides = array<i32>} : memref<32x32xi32, #tpu.memory_space<vmem>>, vector<1x16xi32>,
    %get3A_1245 = arith.constant 832 : index
    %get3A_1246 = tpu.vector_load %arg5[%get3A_1245] {strides = array<i32>} : memref<1024xi32, #tpu.memory_space<vmem>>, vector<16xi32>,
    %get3A_1247 = vector.shape_cast %get3A_1246 : vector<16xi32> to vector<16xi32>
    %iota3A_1248 = tpu.iota {dimensions = array<i32: 0>} : vector<16xi32>
    %add3A_1249 = arith.constant 832 : i32
    %add3A_1250 = arith.addi %rem3A_3, %add3A_1249 : i32
    %add3A_1251 = arith.constant 1 : i32
    %add3A_1252 = arith.addi %add3A_1250, %add3A_1251 : i32
    %add3A_1253 = arith.constant 1 : i32
    %add3A_1254 = arith.addi %add3A_1252, %add3A_1253 : i32
    %add3A_1255 = vector.broadcast %add3A_1254 : i32 to vector<16xi32>
    %add3A_1256 = arith.addi %iota3A_1248, %add3A_1255 : vector<16xi32>
    %ne3A_1257 = arith.constant 1 : i32
    %ne3A_1258 = vector.broadcast %ne3A_1257 : i32 to vector<16xi32>
    %ne3A_1259 = arith.cmpi ne, %get3A_1247, %ne3A_1258 : vector<16xi32>
    %jit3A_1260 = arith.constant 1 : i32
    %broadcast_in_dim3A_1261 = vector.broadcast %jit3A_1260 : i32 to vector<16xi32>
    %select_n3A_1262 = arith.select %ne3A_1259, %add3A_1256, %broadcast_in_dim3A_1261 : vector<16xi1>, vector<16xi32>
    %swap3A_1263 = arith.constant 26 : i32
    %swap3A_1264 = arith.index_cast %swap3A_1263 : i32 to index
    %swap3A_1265 = arith.constant 0 : index
    %swap3A_1266 = tpu.vector_load %arg6[%swap3A_1264, %swap3A_1265] {strides = array<i32>} : memref<32x32xi32, #tpu.memory_space<vmem>>, vector<1x16xi32>,
    %swap3A_1267 = vector.shape_cast %swap3A_1266 : vector<1x16xi32> to vector<16xi32>
    %swap3A_1268 = vector.shape_cast %select_n3A_1262 : vector<16xi32> to vector<1x16xi32>
    tpu.vector_store %arg6[%swap3A_1264, %swap3A_1265], %swap3A_1268 {strides = array<i32>} : memref<32x32xi32, #tpu.memory_space<vmem>>, vector<1x16xi32>,
    %get3A_1269 = arith.constant 848 : index
    %get3A_1270 = tpu.vector_load %arg5[%get3A_1269] {strides = array<i32>} : memref<1024xi32, #tpu.memory_space<vmem>>, vector<16xi32>,
    %get3A_1271 = vector.shape_cast %get3A_1270 : vector<16xi32> to vector<16xi32>
    %iota3A_1272 = tpu.iota {dimensions = array<i32: 0>} : vector<16xi32>
    %add3A_1273 = arith.constant 848 : i32
    %add3A_1274 = arith.addi %rem3A_3, %add3A_1273 : i32
    %add3A_1275 = arith.constant 1 : i32
    %add3A_1276 = arith.addi %add3A_1274, %add3A_1275 : i32
    %add3A_1277 = arith.constant 1 : i32
    %add3A_1278 = arith.addi %add3A_1276, %add3A_1277 : i32
    %add3A_1279 = vector.broadcast %add3A_1278 : i32 to vector<16xi32>
    %add3A_1280 = arith.addi %iota3A_1272, %add3A_1279 : vector<16xi32>
    %ne3A_1281 = arith.constant 1 : i32
    %ne3A_1282 = vector.broadcast %ne3A_1281 : i32 to vector<16xi32>
    %ne3A_1283 = arith.cmpi ne, %get3A_1271, %ne3A_1282 : vector<16xi32>
    %jit3A_1284 = arith.constant 1 : i32
    %broadcast_in_dim3A_1285 = vector.broadcast %jit3A_1284 : i32 to vector<16xi32>
    %select_n3A_1286 = arith.select %ne3A_1283, %add3A_1280, %broadcast_in_dim3A_1285 : vector<16xi1>, vector<16xi32>
    %swap3A_1287 = arith.constant 26 : i32
    %swap3A_1288 = arith.index_cast %swap3A_1287 : i32 to index
    %swap3A_1289 = arith.constant 16 : index
    %swap3A_1290 = tpu.vector_load %arg6[%swap3A_1288, %swap3A_1289] {strides = array<i32>} : memref<32x32xi32, #tpu.memory_space<vmem>>, vector<1x16xi32>,
    %swap3A_1291 = vector.shape_cast %swap3A_1290 : vector<1x16xi32> to vector<16xi32>
    %swap3A_1292 = vector.shape_cast %select_n3A_1286 : vector<16xi32> to vector<1x16xi32>
    tpu.vector_store %arg6[%swap3A_1288, %swap3A_1289], %swap3A_1292 {strides = array<i32>} : memref<32x32xi32, #tpu.memory_space<vmem>>, vector<1x16xi32>,
    %get3A_1293 = arith.constant 864 : index
    %get3A_1294 = tpu.vector_load %arg5[%get3A_1293] {strides = array<i32>} : memref<1024xi32, #tpu.memory_space<vmem>>, vector<16xi32>,
    %get3A_1295 = vector.shape_cast %get3A_1294 : vector<16xi32> to vector<16xi32>
    %iota3A_1296 = tpu.iota {dimensions = array<i32: 0>} : vector<16xi32>
    %add3A_1297 = arith.constant 864 : i32
    %add3A_1298 = arith.addi %rem3A_3, %add3A_1297 : i32
    %add3A_1299 = arith.constant 1 : i32
    %add3A_1300 = arith.addi %add3A_1298, %add3A_1299 : i32
    %add3A_1301 = arith.constant 1 : i32
    %add3A_1302 = arith.addi %add3A_1300, %add3A_1301 : i32
    %add3A_1303 = vector.broadcast %add3A_1302 : i32 to vector<16xi32>
    %add3A_1304 = arith.addi %iota3A_1296, %add3A_1303 : vector<16xi32>
    %ne3A_1305 = arith.constant 1 : i32
    %ne3A_1306 = vector.broadcast %ne3A_1305 : i32 to vector<16xi32>
    %ne3A_1307 = arith.cmpi ne, %get3A_1295, %ne3A_1306 : vector<16xi32>
    %jit3A_1308 = arith.constant 1 : i32
    %broadcast_in_dim3A_1309 = vector.broadcast %jit3A_1308 : i32 to vector<16xi32>
    %select_n3A_1310 = arith.select %ne3A_1307, %add3A_1304, %broadcast_in_dim3A_1309 : vector<16xi1>, vector<16xi32>
    %swap3A_1311 = arith.constant 27 : i32
    %swap3A_1312 = arith.index_cast %swap3A_1311 : i32 to index
    %swap3A_1313 = arith.constant 0 : index
    %swap3A_1314 = tpu.vector_load %arg6[%swap3A_1312, %swap3A_1313] {strides = array<i32>} : memref<32x32xi32, #tpu.memory_space<vmem>>, vector<1x16xi32>,
    %swap3A_1315 = vector.shape_cast %swap3A_1314 : vector<1x16xi32> to vector<16xi32>
    %swap3A_1316 = vector.shape_cast %select_n3A_1310 : vector<16xi32> to vector<1x16xi32>
    tpu.vector_store %arg6[%swap3A_1312, %swap3A_1313], %swap3A_1316 {strides = array<i32>} : memref<32x32xi32, #tpu.memory_space<vmem>>, vector<1x16xi32>,
    %get3A_1317 = arith.constant 880 : index
    %get3A_1318 = tpu.vector_load %arg5[%get3A_1317] {strides = array<i32>} : memref<1024xi32, #tpu.memory_space<vmem>>, vector<16xi32>,
    %get3A_1319 = vector.shape_cast %get3A_1318 : vector<16xi32> to vector<16xi32>
    %iota3A_1320 = tpu.iota {dimensions = array<i32: 0>} : vector<16xi32>
    %add3A_1321 = arith.constant 880 : i32
    %add3A_1322 = arith.addi %rem3A_3, %add3A_1321 : i32
    %add3A_1323 = arith.constant 1 : i32
    %add3A_1324 = arith.addi %add3A_1322, %add3A_1323 : i32
    %add3A_1325 = arith.constant 1 : i32
    %add3A_1326 = arith.addi %add3A_1324, %add3A_1325 : i32
    %add3A_1327 = vector.broadcast %add3A_1326 : i32 to vector<16xi32>
    %add3A_1328 = arith.addi %iota3A_1320, %add3A_1327 : vector<16xi32>
    %ne3A_1329 = arith.constant 1 : i32
    %ne3A_1330 = vector.broadcast %ne3A_1329 : i32 to vector<16xi32>
    %ne3A_1331 = arith.cmpi ne, %get3A_1319, %ne3A_1330 : vector<16xi32>
    %jit3A_1332 = arith.constant 1 : i32
    %broadcast_in_dim3A_1333 = vector.broadcast %jit3A_1332 : i32 to vector<16xi32>
    %select_n3A_1334 = arith.select %ne3A_1331, %add3A_1328, %broadcast_in_dim3A_1333 : vector<16xi1>, vector<16xi32>
    %swap3A_1335 = arith.constant 27 : i32
    %swap3A_1336 = arith.index_cast %swap3A_1335 : i32 to index
    %swap3A_1337 = arith.constant 16 : index
    %swap3A_1338 = tpu.vector_load %arg6[%swap3A_1336, %swap3A_1337] {strides = array<i32>} : memref<32x32xi32, #tpu.memory_space<vmem>>, vector<1x16xi32>,
    %swap3A_1339 = vector.shape_cast %swap3A_1338 : vector<1x16xi32> to vector<16xi32>
    %swap3A_1340 = vector.shape_cast %select_n3A_1334 : vector<16xi32> to vector<1x16xi32>
    tpu.vector_store %arg6[%swap3A_1336, %swap3A_1337], %swap3A_1340 {strides = array<i32>} : memref<32x32xi32, #tpu.memory_space<vmem>>, vector<1x16xi32>,
    %get3A_1341 = arith.constant 896 : index
    %get3A_1342 = tpu.vector_load %arg5[%get3A_1341] {strides = array<i32>} : memref<1024xi32, #tpu.memory_space<vmem>>, vector<16xi32>,
    %get3A_1343 = vector.shape_cast %get3A_1342 : vector<16xi32> to vector<16xi32>
    %iota3A_1344 = tpu.iota {dimensions = array<i32: 0>} : vector<16xi32>
    %add3A_1345 = arith.constant 896 : i32
    %add3A_1346 = arith.addi %rem3A_3, %add3A_1345 : i32
    %add3A_1347 = arith.constant 1 : i32
    %add3A_1348 = arith.addi %add3A_1346, %add3A_1347 : i32
    %add3A_1349 = arith.constant 1 : i32
    %add3A_1350 = arith.addi %add3A_1348, %add3A_1349 : i32
    %add3A_1351 = vector.broadcast %add3A_1350 : i32 to vector<16xi32>
    %add3A_1352 = arith.addi %iota3A_1344, %add3A_1351 : vector<16xi32>
    %ne3A_1353 = arith.constant 1 : i32
    %ne3A_1354 = vector.broadcast %ne3A_1353 : i32 to vector<16xi32>
    %ne3A_1355 = arith.cmpi ne, %get3A_1343, %ne3A_1354 : vector<16xi32>
    %jit3A_1356 = arith.constant 1 : i32
    %broadcast_in_dim3A_1357 = vector.broadcast %jit3A_1356 : i32 to vector<16xi32>
    %select_n3A_1358 = arith.select %ne3A_1355, %add3A_1352, %broadcast_in_dim3A_1357 : vector<16xi1>, vector<16xi32>
    %swap3A_1359 = arith.constant 28 : i32
    %swap3A_1360 = arith.index_cast %swap3A_1359 : i32 to index
    %swap3A_1361 = arith.constant 0 : index
    %swap3A_1362 = tpu.vector_load %arg6[%swap3A_1360, %swap3A_1361] {strides = array<i32>} : memref<32x32xi32, #tpu.memory_space<vmem>>, vector<1x16xi32>,
    %swap3A_1363 = vector.shape_cast %swap3A_1362 : vector<1x16xi32> to vector<16xi32>
    %swap3A_1364 = vector.shape_cast %select_n3A_1358 : vector<16xi32> to vector<1x16xi32>
    tpu.vector_store %arg6[%swap3A_1360, %swap3A_1361], %swap3A_1364 {strides = array<i32>} : memref<32x32xi32, #tpu.memory_space<vmem>>, vector<1x16xi32>,
    %get3A_1365 = arith.constant 912 : index
    %get3A_1366 = tpu.vector_load %arg5[%get3A_1365] {strides = array<i32>} : memref<1024xi32, #tpu.memory_space<vmem>>, vector<16xi32>,
    %get3A_1367 = vector.shape_cast %get3A_1366 : vector<16xi32> to vector<16xi32>
    %iota3A_1368 = tpu.iota {dimensions = array<i32: 0>} : vector<16xi32>
    %add3A_1369 = arith.constant 912 : i32
    %add3A_1370 = arith.addi %rem3A_3, %add3A_1369 : i32
    %add3A_1371 = arith.constant 1 : i32
    %add3A_1372 = arith.addi %add3A_1370, %add3A_1371 : i32
    %add3A_1373 = arith.constant 1 : i32
    %add3A_1374 = arith.addi %add3A_1372, %add3A_1373 : i32
    %add3A_1375 = vector.broadcast %add3A_1374 : i32 to vector<16xi32>
    %add3A_1376 = arith.addi %iota3A_1368, %add3A_1375 : vector<16xi32>
    %ne3A_1377 = arith.constant 1 : i32
    %ne3A_1378 = vector.broadcast %ne3A_1377 : i32 to vector<16xi32>
    %ne3A_1379 = arith.cmpi ne, %get3A_1367, %ne3A_1378 : vector<16xi32>
    %jit3A_1380 = arith.constant 1 : i32
    %broadcast_in_dim3A_1381 = vector.broadcast %jit3A_1380 : i32 to vector<16xi32>
    %select_n3A_1382 = arith.select %ne3A_1379, %add3A_1376, %broadcast_in_dim3A_1381 : vector<16xi1>, vector<16xi32>
    %swap3A_1383 = arith.constant 28 : i32
    %swap3A_1384 = arith.index_cast %swap3A_1383 : i32 to index
    %swap3A_1385 = arith.constant 16 : index
    %swap3A_1386 = tpu.vector_load %arg6[%swap3A_1384, %swap3A_1385] {strides = array<i32>} : memref<32x32xi32, #tpu.memory_space<vmem>>, vector<1x16xi32>,
    %swap3A_1387 = vector.shape_cast %swap3A_1386 : vector<1x16xi32> to vector<16xi32>
    %swap3A_1388 = vector.shape_cast %select_n3A_1382 : vector<16xi32> to vector<1x16xi32>
    tpu.vector_store %arg6[%swap3A_1384, %swap3A_1385], %swap3A_1388 {strides = array<i32>} : memref<32x32xi32, #tpu.memory_space<vmem>>, vector<1x16xi32>,
    %get3A_1389 = arith.constant 928 : index
    %get3A_1390 = tpu.vector_load %arg5[%get3A_1389] {strides = array<i32>} : memref<1024xi32, #tpu.memory_space<vmem>>, vector<16xi32>,
    %get3A_1391 = vector.shape_cast %get3A_1390 : vector<16xi32> to vector<16xi32>
    %iota3A_1392 = tpu.iota {dimensions = array<i32: 0>} : vector<16xi32>
    %add3A_1393 = arith.constant 928 : i32
    %add3A_1394 = arith.addi %rem3A_3, %add3A_1393 : i32
    %add3A_1395 = arith.constant 1 : i32
    %add3A_1396 = arith.addi %add3A_1394, %add3A_1395 : i32
    %add3A_1397 = arith.constant 1 : i32
    %add3A_1398 = arith.addi %add3A_1396, %add3A_1397 : i32
    %add3A_1399 = vector.broadcast %add3A_1398 : i32 to vector<16xi32>
    %add3A_1400 = arith.addi %iota3A_1392, %add3A_1399 : vector<16xi32>
    %ne3A_1401 = arith.constant 1 : i32
    %ne3A_1402 = vector.broadcast %ne3A_1401 : i32 to vector<16xi32>
    %ne3A_1403 = arith.cmpi ne, %get3A_1391, %ne3A_1402 : vector<16xi32>
    %jit3A_1404 = arith.constant 1 : i32
    %broadcast_in_dim3A_1405 = vector.broadcast %jit3A_1404 : i32 to vector<16xi32>
    %select_n3A_1406 = arith.select %ne3A_1403, %add3A_1400, %broadcast_in_dim3A_1405 : vector<16xi1>, vector<16xi32>
    %swap3A_1407 = arith.constant 29 : i32
    %swap3A_1408 = arith.index_cast %swap3A_1407 : i32 to index
    %swap3A_1409 = arith.constant 0 : index
    %swap3A_1410 = tpu.vector_load %arg6[%swap3A_1408, %swap3A_1409] {strides = array<i32>} : memref<32x32xi32, #tpu.memory_space<vmem>>, vector<1x16xi32>,
    %swap3A_1411 = vector.shape_cast %swap3A_1410 : vector<1x16xi32> to vector<16xi32>
    %swap3A_1412 = vector.shape_cast %select_n3A_1406 : vector<16xi32> to vector<1x16xi32>
    tpu.vector_store %arg6[%swap3A_1408, %swap3A_1409], %swap3A_1412 {strides = array<i32>} : memref<32x32xi32, #tpu.memory_space<vmem>>, vector<1x16xi32>,
    %get3A_1413 = arith.constant 944 : index
    %get3A_1414 = tpu.vector_load %arg5[%get3A_1413] {strides = array<i32>} : memref<1024xi32, #tpu.memory_space<vmem>>, vector<16xi32>,
    %get3A_1415 = vector.shape_cast %get3A_1414 : vector<16xi32> to vector<16xi32>
    %iota3A_1416 = tpu.iota {dimensions = array<i32: 0>} : vector<16xi32>
    %add3A_1417 = arith.constant 944 : i32
    %add3A_1418 = arith.addi %rem3A_3, %add3A_1417 : i32
    %add3A_1419 = arith.constant 1 : i32
    %add3A_1420 = arith.addi %add3A_1418, %add3A_1419 : i32
    %add3A_1421 = arith.constant 1 : i32
    %add3A_1422 = arith.addi %add3A_1420, %add3A_1421 : i32
    %add3A_1423 = vector.broadcast %add3A_1422 : i32 to vector<16xi32>
    %add3A_1424 = arith.addi %iota3A_1416, %add3A_1423 : vector<16xi32>
    %ne3A_1425 = arith.constant 1 : i32
    %ne3A_1426 = vector.broadcast %ne3A_1425 : i32 to vector<16xi32>
    %ne3A_1427 = arith.cmpi ne, %get3A_1415, %ne3A_1426 : vector<16xi32>
    %jit3A_1428 = arith.constant 1 : i32
    %broadcast_in_dim3A_1429 = vector.broadcast %jit3A_1428 : i32 to vector<16xi32>
    %select_n3A_1430 = arith.select %ne3A_1427, %add3A_1424, %broadcast_in_dim3A_1429 : vector<16xi1>, vector<16xi32>
    %swap3A_1431 = arith.constant 29 : i32
    %swap3A_1432 = arith.index_cast %swap3A_1431 : i32 to index
    %swap3A_1433 = arith.constant 16 : index
    %swap3A_1434 = tpu.vector_load %arg6[%swap3A_1432, %swap3A_1433] {strides = array<i32>} : memref<32x32xi32, #tpu.memory_space<vmem>>, vector<1x16xi32>,
    %swap3A_1435 = vector.shape_cast %swap3A_1434 : vector<1x16xi32> to vector<16xi32>
    %swap3A_1436 = vector.shape_cast %select_n3A_1430 : vector<16xi32> to vector<1x16xi32>
    tpu.vector_store %arg6[%swap3A_1432, %swap3A_1433], %swap3A_1436 {strides = array<i32>} : memref<32x32xi32, #tpu.memory_space<vmem>>, vector<1x16xi32>,
    %get3A_1437 = arith.constant 960 : index
    %get3A_1438 = tpu.vector_load %arg5[%get3A_1437] {strides = array<i32>} : memref<1024xi32, #tpu.memory_space<vmem>>, vector<16xi32>,
    %get3A_1439 = vector.shape_cast %get3A_1438 : vector<16xi32> to vector<16xi32>
    %iota3A_1440 = tpu.iota {dimensions = array<i32: 0>} : vector<16xi32>
    %add3A_1441 = arith.constant 960 : i32
    %add3A_1442 = arith.addi %rem3A_3, %add3A_1441 : i32
    %add3A_1443 = arith.constant 1 : i32
    %add3A_1444 = arith.addi %add3A_1442, %add3A_1443 : i32
    %add3A_1445 = arith.constant 1 : i32
    %add3A_1446 = arith.addi %add3A_1444, %add3A_1445 : i32
    %add3A_1447 = vector.broadcast %add3A_1446 : i32 to vector<16xi32>
    %add3A_1448 = arith.addi %iota3A_1440, %add3A_1447 : vector<16xi32>
    %ne3A_1449 = arith.constant 1 : i32
    %ne3A_1450 = vector.broadcast %ne3A_1449 : i32 to vector<16xi32>
    %ne3A_1451 = arith.cmpi ne, %get3A_1439, %ne3A_1450 : vector<16xi32>
    %jit3A_1452 = arith.constant 1 : i32
    %broadcast_in_dim3A_1453 = vector.broadcast %jit3A_1452 : i32 to vector<16xi32>
    %select_n3A_1454 = arith.select %ne3A_1451, %add3A_1448, %broadcast_in_dim3A_1453 : vector<16xi1>, vector<16xi32>
    %swap3A_1455 = arith.constant 30 : i32
    %swap3A_1456 = arith.index_cast %swap3A_1455 : i32 to index
    %swap3A_1457 = arith.constant 0 : index
    %swap3A_1458 = tpu.vector_load %arg6[%swap3A_1456, %swap3A_1457] {strides = array<i32>} : memref<32x32xi32, #tpu.memory_space<vmem>>, vector<1x16xi32>,
    %swap3A_1459 = vector.shape_cast %swap3A_1458 : vector<1x16xi32> to vector<16xi32>
    %swap3A_1460 = vector.shape_cast %select_n3A_1454 : vector<16xi32> to vector<1x16xi32>
    tpu.vector_store %arg6[%swap3A_1456, %swap3A_1457], %swap3A_1460 {strides = array<i32>} : memref<32x32xi32, #tpu.memory_space<vmem>>, vector<1x16xi32>,
    %get3A_1461 = arith.constant 976 : index
    %get3A_1462 = tpu.vector_load %arg5[%get3A_1461] {strides = array<i32>} : memref<1024xi32, #tpu.memory_space<vmem>>, vector<16xi32>,
    %get3A_1463 = vector.shape_cast %get3A_1462 : vector<16xi32> to vector<16xi32>
    %iota3A_1464 = tpu.iota {dimensions = array<i32: 0>} : vector<16xi32>
    %add3A_1465 = arith.constant 976 : i32
    %add3A_1466 = arith.addi %rem3A_3, %add3A_1465 : i32
    %add3A_1467 = arith.constant 1 : i32
    %add3A_1468 = arith.addi %add3A_1466, %add3A_1467 : i32
    %add3A_1469 = arith.constant 1 : i32
    %add3A_1470 = arith.addi %add3A_1468, %add3A_1469 : i32
    %add3A_1471 = vector.broadcast %add3A_1470 : i32 to vector<16xi32>
    %add3A_1472 = arith.addi %iota3A_1464, %add3A_1471 : vector<16xi32>
    %ne3A_1473 = arith.constant 1 : i32
    %ne3A_1474 = vector.broadcast %ne3A_1473 : i32 to vector<16xi32>
    %ne3A_1475 = arith.cmpi ne, %get3A_1463, %ne3A_1474 : vector<16xi32>
    %jit3A_1476 = arith.constant 1 : i32
    %broadcast_in_dim3A_1477 = vector.broadcast %jit3A_1476 : i32 to vector<16xi32>
    %select_n3A_1478 = arith.select %ne3A_1475, %add3A_1472, %broadcast_in_dim3A_1477 : vector<16xi1>, vector<16xi32>
    %swap3A_1479 = arith.constant 30 : i32
    %swap3A_1480 = arith.index_cast %swap3A_1479 : i32 to index
    %swap3A_1481 = arith.constant 16 : index
    %swap3A_1482 = tpu.vector_load %arg6[%swap3A_1480, %swap3A_1481] {strides = array<i32>} : memref<32x32xi32, #tpu.memory_space<vmem>>, vector<1x16xi32>,
    %swap3A_1483 = vector.shape_cast %swap3A_1482 : vector<1x16xi32> to vector<16xi32>
    %swap3A_1484 = vector.shape_cast %select_n3A_1478 : vector<16xi32> to vector<1x16xi32>
    tpu.vector_store %arg6[%swap3A_1480, %swap3A_1481], %swap3A_1484 {strides = array<i32>} : memref<32x32xi32, #tpu.memory_space<vmem>>, vector<1x16xi32>,
    %get3A_1485 = arith.constant 992 : index
    %get3A_1486 = tpu.vector_load %arg5[%get3A_1485] {strides = array<i32>} : memref<1024xi32, #tpu.memory_space<vmem>>, vector<16xi32>,
    %get3A_1487 = vector.shape_cast %get3A_1486 : vector<16xi32> to vector<16xi32>
    %iota3A_1488 = tpu.iota {dimensions = array<i32: 0>} : vector<16xi32>
    %add3A_1489 = arith.constant 992 : i32
    %add3A_1490 = arith.addi %rem3A_3, %add3A_1489 : i32
    %add3A_1491 = arith.constant 1 : i32
    %add3A_1492 = arith.addi %add3A_1490, %add3A_1491 : i32
    %add3A_1493 = arith.constant 1 : i32
    %add3A_1494 = arith.addi %add3A_1492, %add3A_1493 : i32
    %add3A_1495 = vector.broadcast %add3A_1494 : i32 to vector<16xi32>
    %add3A_1496 = arith.addi %iota3A_1488, %add3A_1495 : vector<16xi32>
    %ne3A_1497 = arith.constant 1 : i32
    %ne3A_1498 = vector.broadcast %ne3A_1497 : i32 to vector<16xi32>
    %ne3A_1499 = arith.cmpi ne, %get3A_1487, %ne3A_1498 : vector<16xi32>
    %jit3A_1500 = arith.constant 1 : i32
    %broadcast_in_dim3A_1501 = vector.broadcast %jit3A_1500 : i32 to vector<16xi32>
    %select_n3A_1502 = arith.select %ne3A_1499, %add3A_1496, %broadcast_in_dim3A_1501 : vector<16xi1>, vector<16xi32>
    %swap3A_1503 = arith.constant 31 : i32
    %swap3A_1504 = arith.index_cast %swap3A_1503 : i32 to index
    %swap3A_1505 = arith.constant 0 : index
    %swap3A_1506 = tpu.vector_load %arg6[%swap3A_1504, %swap3A_1505] {strides = array<i32>} : memref<32x32xi32, #tpu.memory_space<vmem>>, vector<1x16xi32>,
    %swap3A_1507 = vector.shape_cast %swap3A_1506 : vector<1x16xi32> to vector<16xi32>
    %swap3A_1508 = vector.shape_cast %select_n3A_1502 : vector<16xi32> to vector<1x16xi32>
    tpu.vector_store %arg6[%swap3A_1504, %swap3A_1505], %swap3A_1508 {strides = array<i32>} : memref<32x32xi32, #tpu.memory_space<vmem>>, vector<1x16xi32>,
    %get3A_1509 = arith.constant 1008 : index
    %get3A_1510 = tpu.vector_load %arg5[%get3A_1509] {strides = array<i32>} : memref<1024xi32, #tpu.memory_space<vmem>>, vector<16xi32>,
    %get3A_1511 = vector.shape_cast %get3A_1510 : vector<16xi32> to vector<16xi32>
    %iota3A_1512 = tpu.iota {dimensions = array<i32: 0>} : vector<16xi32>
    %add3A_1513 = arith.constant 1008 : i32
    %add3A_1514 = arith.addi %rem3A_3, %add3A_1513 : i32
    %add3A_1515 = arith.constant 1 : i32
    %add3A_1516 = arith.addi %add3A_1514, %add3A_1515 : i32
    %add3A_1517 = arith.constant 1 : i32
    %add3A_1518 = arith.addi %add3A_1516, %add3A_1517 : i32
    %add3A_1519 = vector.broadcast %add3A_1518 : i32 to vector<16xi32>
    %add3A_1520 = arith.addi %iota3A_1512, %add3A_1519 : vector<16xi32>
    %ne3A_1521 = arith.constant 1 : i32
    %ne3A_1522 = vector.broadcast %ne3A_1521 : i32 to vector<16xi32>
    %ne3A_1523 = arith.cmpi ne, %get3A_1511, %ne3A_1522 : vector<16xi32>
    %jit3A_1524 = arith.constant 1 : i32
    %broadcast_in_dim3A_1525 = vector.broadcast %jit3A_1524 : i32 to vector<16xi32>
    %select_n3A_1526 = arith.select %ne3A_1523, %add3A_1520, %broadcast_in_dim3A_1525 : vector<16xi1>, vector<16xi32>
    %swap3A_1527 = arith.constant 31 : i32
    %swap3A_1528 = arith.index_cast %swap3A_1527 : i32 to index
    %swap3A_1529 = arith.constant 16 : index
    %swap3A_1530 = tpu.vector_load %arg6[%swap3A_1528, %swap3A_1529] {strides = array<i32>} : memref<32x32xi32, #tpu.memory_space<vmem>>, vector<1x16xi32>,
    %swap3A_1531 = vector.shape_cast %swap3A_1530 : vector<1x16xi32> to vector<16xi32>
    %swap3A_1532 = vector.shape_cast %select_n3A_1526 : vector<16xi32> to vector<1x16xi32>
    tpu.vector_store %arg6[%swap3A_1528, %swap3A_1529], %swap3A_1532 {strides = array<i32>} : memref<32x32xi32, #tpu.memory_space<vmem>>, vector<1x16xi32>,
    %dma_start3A = arith.constant 0 : i32
    %dma_start3A_1533 = arith.constant 0 : i32
    %dma_start3A_1534 = arith.constant 0 : i32
    %dma_start3A_1535 = arith.constant 0 : i32
    %dma_start3A_1536 = tpu.memref_slice %arg7[%dma_start3A_1533, %dma_start3A_1534, %dma_start3A_1535] : memref<3x32x1024xf32, #tpu.memory_space<vmem>> -> memref<1x32x1024xf32, #tpu.memory_space<vmem>>
    %dma_start3A_1537 = tpu.memref_squeeze %dma_start3A_1536 : memref<1x32x1024xf32, #tpu.memory_space<vmem>> -> memref<32x1024xf32, #tpu.memory_space<vmem>>
    %dma_start3A_1538 = arith.constant 0 : i32
    %dma_start3A_1539 = tpu.memref_slice %arg6[%dma_start3A, %dma_start3A_1538] : memref<32x32xi32, #tpu.memory_space<vmem>> -> memref<1x32xi32, #tpu.memory_space<vmem>>
    %dma_start3A_1540 = tpu.memref_squeeze %dma_start3A_1539 : memref<1x32xi32, #tpu.memory_space<vmem>> -> memref<32xi32, #tpu.memory_space<vmem>>
    %dma_start3A_1541 = arith.constant 0 : i32
    %dma_start3A_1542 = arith.constant 0 : i32
    %dma_start3A_1543 = tpu.memref_slice %arg2[%dma_start3A_1541, %dma_start3A_1542] : memref<8194x1024xf32, #tpu.memory_space<hbm>> -> memref<8194x1024xf32, #tpu.memory_space<hbm>>
    tpu.enqueue_indirect_dma source(%dma_start3A_1543 : memref<8194x1024xf32, #tpu.memory_space<hbm>>) target(%dma_start3A_1537 : memref<32x1024xf32, #tpu.memory_space<vmem>>) offsets(%dma_start3A_1540 : memref<32xi32, #tpu.memory_space<vmem>>) semaphore(%arg8 : memref<!tpu.dma_semaphore, #tpu.memory_space<semaphore_mem>>)
    %dma_start3A_1544 = arith.constant 1 : i32
    %dma_start3A_1545 = arith.constant 1 : i32
    %dma_start3A_1546 = arith.constant 0 : i32
    %dma_start3A_1547 = arith.constant 0 : i32
    %dma_start3A_1548 = tpu.memref_slice %arg7[%dma_start3A_1545, %dma_start3A_1546, %dma_start3A_1547] : memref<3x32x1024xf32, #tpu.memory_space<vmem>> -> memref<1x32x1024xf32, #tpu.memory_space<vmem>>
    %dma_start3A_1549 = tpu.memref_squeeze %dma_start3A_1548 : memref<1x32x1024xf32, #tpu.memory_space<vmem>> -> memref<32x1024xf32, #tpu.memory_space<vmem>>
    %dma_start3A_1550 = arith.constant 0 : i32
    %dma_start3A_1551 = tpu.memref_slice %arg6[%dma_start3A_1544, %dma_start3A_1550] : memref<32x32xi32, #tpu.memory_space<vmem>> -> memref<1x32xi32, #tpu.memory_space<vmem>>
    %dma_start3A_1552 = tpu.memref_squeeze %dma_start3A_1551 : memref<1x32xi32, #tpu.memory_space<vmem>> -> memref<32xi32, #tpu.memory_space<vmem>>
    %dma_start3A_1553 = arith.constant 0 : i32
    %dma_start3A_1554 = arith.constant 0 : i32
    %dma_start3A_1555 = tpu.memref_slice %arg2[%dma_start3A_1553, %dma_start3A_1554] : memref<8194x1024xf32, #tpu.memory_space<hbm>> -> memref<8194x1024xf32, #tpu.memory_space<hbm>>
    tpu.enqueue_indirect_dma source(%dma_start3A_1555 : memref<8194x1024xf32, #tpu.memory_space<hbm>>) target(%dma_start3A_1549 : memref<32x1024xf32, #tpu.memory_space<vmem>>) offsets(%dma_start3A_1552 : memref<32xi32, #tpu.memory_space<vmem>>) semaphore(%arg8 : memref<!tpu.dma_semaphore, #tpu.memory_space<semaphore_mem>>)
    %dma_wait3A = arith.constant 0 : i32
    %dma_wait3A_1556 = arith.constant 0 : i32
    %dma_wait3A_1557 = arith.constant 0 : i32
    %dma_wait3A_1558 = arith.constant 0 : i32
    %dma_wait3A_1559 = tpu.memref_slice %arg7[%dma_wait3A_1556, %dma_wait3A_1557, %dma_wait3A_1558] : memref<3x32x1024xf32, #tpu.memory_space<vmem>> -> memref<1x32x1024xf32, #tpu.memory_space<vmem>>
    %dma_wait3A_1560 = tpu.memref_squeeze %dma_wait3A_1559 : memref<1x32x1024xf32, #tpu.memory_space<vmem>> -> memref<32x1024xf32, #tpu.memory_space<vmem>>
    %dma_wait3A_1561 = arith.constant 0 : i32
    %dma_wait3A_1562 = tpu.memref_slice %arg6[%dma_wait3A, %dma_wait3A_1561] : memref<32x32xi32, #tpu.memory_space<vmem>> -> memref<1x32xi32, #tpu.memory_space<vmem>>
    %dma_wait3A_1563 = tpu.memref_squeeze %dma_wait3A_1562 : memref<1x32xi32, #tpu.memory_space<vmem>> -> memref<32xi32, #tpu.memory_space<vmem>>
    %dma_wait3A_1564 = arith.constant 0 : i32
    %dma_wait3A_1565 = arith.constant 0 : i32
    %dma_wait3A_1566 = tpu.memref_slice %arg2[%dma_wait3A_1564, %dma_wait3A_1565] : memref<8194x1024xf32, #tpu.memory_space<hbm>> -> memref<8194x1024xf32, #tpu.memory_space<hbm>>
    tpu.wait_indirect_dma semaphore(%arg8 : memref<!tpu.dma_semaphore, #tpu.memory_space<semaphore_mem>>) src(%dma_wait3A_1566 : memref<8194x1024xf32, #tpu.memory_space<hbm>>) dst(%dma_wait3A_1560 : memref<32x1024xf32, #tpu.memory_space<vmem>>)
    %add3A_1567 = arith.constant 0 : i32
    %add3A_1568 = arith.addi %mul3A_2, %add3A_1567 : i32
    %dma_start3A_1569 = arith.constant 0 : i32
    %dma_start3A_1570 = arith.constant 0 : i32
    %dma_start3A_1571 = arith.constant 0 : i32
    %dma_start3A_1572 = tpu.memref_slice %arg7[%dma_start3A_1569, %dma_start3A_1570, %dma_start3A_1571] : memref<3x32x1024xf32, #tpu.memory_space<vmem>> -> memref<1x32x1024xf32, #tpu.memory_space<vmem>>
    %dma_start3A_1573 = tpu.memref_squeeze %dma_start3A_1572 : memref<1x32x1024xf32, #tpu.memory_space<vmem>> -> memref<32x1024xf32, #tpu.memory_space<vmem>>
    %dma_start3A_1574 = arith.constant 0 : i32
    %dma_start3A_1575 = tpu.memref_slice %arg4[%add3A_1568, %dma_start3A_1574] : memref<32768x1024xf32, #tpu.memory_space<hbm>> -> memref<32x1024xf32, #tpu.memory_space<hbm>>
    %dma_start3A_1576 = arith.constant 0 : i32
    %dma_start3A_1577 = tpu.memref_slice %arg4[%add3A_1568, %dma_start3A_1576] : memref<32768x1024xf32, #tpu.memory_space<hbm>> -> memref<32x1024xf32, #tpu.memory_space<hbm>>
    %dma_start3A_1578 = arith.constant 0 : i32
    %dma_start3A_1579 = arith.constant 0 : i32
    %dma_start3A_1580 = tpu.memref_slice %arg7[%dma_start3A_1569, %dma_start3A_1578, %dma_start3A_1579] : memref<3x32x1024xf32, #tpu.memory_space<vmem>> -> memref<1x32x1024xf32, #tpu.memory_space<vmem>>
    %dma_start3A_1581 = tpu.memref_squeeze %dma_start3A_1580 : memref<1x32x1024xf32, #tpu.memory_space<vmem>> -> memref<32x1024xf32, #tpu.memory_space<vmem>>
    tpu.enqueue_dma source(%dma_start3A_1581 : memref<32x1024xf32, #tpu.memory_space<vmem>>) target(%dma_start3A_1577 : memref<32x1024xf32, #tpu.memory_space<hbm>>) target_semaphore(%arg9 : memref<!tpu.dma_semaphore, #tpu.memory_space<semaphore_mem>>)
    %dma_start3A_1582 = arith.constant 2 : i32
    %dma_start3A_1583 = arith.constant 2 : i32
    %dma_start3A_1584 = arith.constant 0 : i32
    %dma_start3A_1585 = arith.constant 0 : i32
    %dma_start3A_1586 = tpu.memref_slice %arg7[%dma_start3A_1583, %dma_start3A_1584, %dma_start3A_1585] : memref<3x32x1024xf32, #tpu.memory_space<vmem>> -> memref<1x32x1024xf32, #tpu.memory_space<vmem>>
    %dma_start3A_1587 = tpu.memref_squeeze %dma_start3A_1586 : memref<1x32x1024xf32, #tpu.memory_space<vmem>> -> memref<32x1024xf32, #tpu.memory_space<vmem>>
    %dma_start3A_1588 = arith.constant 0 : i32
    %dma_start3A_1589 = tpu.memref_slice %arg6[%dma_start3A_1582, %dma_start3A_1588] : memref<32x32xi32, #tpu.memory_space<vmem>> -> memref<1x32xi32, #tpu.memory_space<vmem>>
    %dma_start3A_1590 = tpu.memref_squeeze %dma_start3A_1589 : memref<1x32xi32, #tpu.memory_space<vmem>> -> memref<32xi32, #tpu.memory_space<vmem>>
    %dma_start3A_1591 = arith.constant 0 : i32
    %dma_start3A_1592 = arith.constant 0 : i32
    %dma_start3A_1593 = tpu.memref_slice %arg2[%dma_start3A_1591, %dma_start3A_1592] : memref<8194x1024xf32, #tpu.memory_space<hbm>> -> memref<8194x1024xf32, #tpu.memory_space<hbm>>
    tpu.enqueue_indirect_dma source(%dma_start3A_1593 : memref<8194x1024xf32, #tpu.memory_space<hbm>>) target(%dma_start3A_1587 : memref<32x1024xf32, #tpu.memory_space<vmem>>) offsets(%dma_start3A_1590 : memref<32xi32, #tpu.memory_space<vmem>>) semaphore(%arg8 : memref<!tpu.dma_semaphore, #tpu.memory_space<semaphore_mem>>)
    %dma_wait3A_1594 = arith.constant 1 : i32
    %dma_wait3A_1595 = arith.constant 1 : i32
    %dma_wait3A_1596 = arith.constant 0 : i32
    %dma_wait3A_1597 = arith.constant 0 : i32
    %dma_wait3A_1598 = tpu.memref_slice %arg7[%dma_wait3A_1595, %dma_wait3A_1596, %dma_wait3A_1597] : memref<3x32x1024xf32, #tpu.memory_space<vmem>> -> memref<1x32x1024xf32, #tpu.memory_space<vmem>>
    %dma_wait3A_1599 = tpu.memref_squeeze %dma_wait3A_1598 : memref<1x32x1024xf32, #tpu.memory_space<vmem>> -> memref<32x1024xf32, #tpu.memory_space<vmem>>
    %dma_wait3A_1600 = arith.constant 0 : i32
    %dma_wait3A_1601 = tpu.memref_slice %arg6[%dma_wait3A_1594, %dma_wait3A_1600] : memref<32x32xi32, #tpu.memory_space<vmem>> -> memref<1x32xi32, #tpu.memory_space<vmem>>
    %dma_wait3A_1602 = tpu.memref_squeeze %dma_wait3A_1601 : memref<1x32xi32, #tpu.memory_space<vmem>> -> memref<32xi32, #tpu.memory_space<vmem>>
    %dma_wait3A_1603 = arith.constant 0 : i32
    %dma_wait3A_1604 = arith.constant 0 : i32
    %dma_wait3A_1605 = tpu.memref_slice %arg2[%dma_wait3A_1603, %dma_wait3A_1604] : memref<8194x1024xf32, #tpu.memory_space<hbm>> -> memref<8194x1024xf32, #tpu.memory_space<hbm>>
    tpu.wait_indirect_dma semaphore(%arg8 : memref<!tpu.dma_semaphore, #tpu.memory_space<semaphore_mem>>) src(%dma_wait3A_1605 : memref<8194x1024xf32, #tpu.memory_space<hbm>>) dst(%dma_wait3A_1599 : memref<32x1024xf32, #tpu.memory_space<vmem>>)
    %add3A_1606 = arith.constant 32 : i32
    %add3A_1607 = arith.addi %mul3A_2, %add3A_1606 : i32
    %dma_start3A_1608 = arith.constant 1 : i32
    %dma_start3A_1609 = arith.constant 0 : i32
    %dma_start3A_1610 = arith.constant 0 : i32
    %dma_start3A_1611 = tpu.memref_slice %arg7[%dma_start3A_1608, %dma_start3A_1609, %dma_start3A_1610] : memref<3x32x1024xf32, #tpu.memory_space<vmem>> -> memref<1x32x1024xf32, #tpu.memory_space<vmem>>
    %dma_start3A_1612 = tpu.memref_squeeze %dma_start3A_1611 : memref<1x32x1024xf32, #tpu.memory_space<vmem>> -> memref<32x1024xf32, #tpu.memory_space<vmem>>
    %dma_start3A_1613 = arith.constant 0 : i32
    %dma_start3A_1614 = tpu.memref_slice %arg4[%add3A_1607, %dma_start3A_1613] : memref<32768x1024xf32, #tpu.memory_space<hbm>> -> memref<32x1024xf32, #tpu.memory_space<hbm>>
    %dma_start3A_1615 = arith.constant 0 : i32
    %dma_start3A_1616 = tpu.memref_slice %arg4[%add3A_1607, %dma_start3A_1615] : memref<32768x1024xf32, #tpu.memory_space<hbm>> -> memref<32x1024xf32, #tpu.memory_space<hbm>>
    %dma_start3A_1617 = arith.constant 0 : i32
    %dma_start3A_1618 = arith.constant 0 : i32
    %dma_start3A_1619 = tpu.memref_slice %arg7[%dma_start3A_1608, %dma_start3A_1617, %dma_start3A_1618] : memref<3x32x1024xf32, #tpu.memory_space<vmem>> -> memref<1x32x1024xf32, #tpu.memory_space<vmem>>
    %dma_start3A_1620 = tpu.memref_squeeze %dma_start3A_1619 : memref<1x32x1024xf32, #tpu.memory_space<vmem>> -> memref<32x1024xf32, #tpu.memory_space<vmem>>
    tpu.enqueue_dma source(%dma_start3A_1620 : memref<32x1024xf32, #tpu.memory_space<vmem>>) target(%dma_start3A_1616 : memref<32x1024xf32, #tpu.memory_space<hbm>>) target_semaphore(%arg9 : memref<!tpu.dma_semaphore, #tpu.memory_space<semaphore_mem>>)
    %add3A_1621 = arith.constant 0 : i32
    %add3A_1622 = arith.addi %mul3A_2, %add3A_1621 : i32
    %dma_wait3A_1623 = arith.constant 0 : i32
    %dma_wait3A_1624 = arith.constant 0 : i32
    %dma_wait3A_1625 = arith.constant 0 : i32
    %dma_wait3A_1626 = tpu.memref_slice %arg7[%dma_wait3A_1623, %dma_wait3A_1624, %dma_wait3A_1625] : memref<3x32x1024xf32, #tpu.memory_space<vmem>> -> memref<1x32x1024xf32, #tpu.memory_space<vmem>>
    %dma_wait3A_1627 = tpu.memref_squeeze %dma_wait3A_1626 : memref<1x32x1024xf32, #tpu.memory_space<vmem>> -> memref<32x1024xf32, #tpu.memory_space<vmem>>
    %dma_wait3A_1628 = arith.constant 0 : i32
    %dma_wait3A_1629 = tpu.memref_slice %arg4[%add3A_1622, %dma_wait3A_1628] : memref<32768x1024xf32, #tpu.memory_space<hbm>> -> memref<32x1024xf32, #tpu.memory_space<hbm>>
    %dma_wait3A_1630 = arith.constant 0 : i32
    %dma_wait3A_1631 = tpu.memref_slice %arg4[%add3A_1622, %dma_wait3A_1630] : memref<32768x1024xf32, #tpu.memory_space<hbm>> -> memref<32x1024xf32, #tpu.memory_space<hbm>>
    %dma_wait3A_1632 = arith.constant 0 : i32
    %dma_wait3A_1633 = arith.constant 0 : i32
    %dma_wait3A_1634 = tpu.memref_slice %arg7[%dma_wait3A_1623, %dma_wait3A_1632, %dma_wait3A_1633] : memref<3x32x1024xf32, #tpu.memory_space<vmem>> -> memref<1x32x1024xf32, #tpu.memory_space<vmem>>
    %dma_wait3A_1635 = tpu.memref_squeeze %dma_wait3A_1634 : memref<1x32x1024xf32, #tpu.memory_space<vmem>> -> memref<32x1024xf32, #tpu.memory_space<vmem>>
    tpu.wait_dma2 semaphore(%arg9 : memref<!tpu.dma_semaphore, #tpu.memory_space<semaphore_mem>>) src(%dma_wait3A_1635 : memref<32x1024xf32, #tpu.memory_space<vmem>>) dst(%dma_wait3A_1631 : memref<32x1024xf32, #tpu.memory_space<hbm>>)
    %dma_start3A_1636 = arith.constant 3 : i32
    %dma_start3A_1637 = arith.constant 0 : i32
    %dma_start3A_1638 = arith.constant 0 : i32
    %dma_start3A_1639 = arith.constant 0 : i32
    %dma_start3A_1640 = tpu.memref_slice %arg7[%dma_start3A_1637, %dma_start3A_1638, %dma_start3A_1639] : memref<3x32x1024xf32, #tpu.memory_space<vmem>> -> memref<1x32x1024xf32, #tpu.memory_space<vmem>>
    %dma_start3A_1641 = tpu.memref_squeeze %dma_start3A_1640 : memref<1x32x1024xf32, #tpu.memory_space<vmem>> -> memref<32x1024xf32, #tpu.memory_space<vmem>>
    %dma_start3A_1642 = arith.constant 0 : i32
    %dma_start3A_1643 = tpu.memref_slice %arg6[%dma_start3A_1636, %dma_start3A_1642] : memref<32x32xi32, #tpu.memory_space<vmem>> -> memref<1x32xi32, #tpu.memory_space<vmem>>
    %dma_start3A_1644 = tpu.memref_squeeze %dma_start3A_1643 : memref<1x32xi32, #tpu.memory_space<vmem>> -> memref<32xi32, #tpu.memory_space<vmem>>
    %dma_start3A_1645 = arith.constant 0 : i32
    %dma_start3A_1646 = arith.constant 0 : i32
    %dma_start3A_1647 = tpu.memref_slice %arg2[%dma_start3A_1645, %dma_start3A_1646] : memref<8194x1024xf32, #tpu.memory_space<hbm>> -> memref<8194x1024xf32, #tpu.memory_space<hbm>>
    tpu.enqueue_indirect_dma source(%dma_start3A_1647 : memref<8194x1024xf32, #tpu.memory_space<hbm>>) target(%dma_start3A_1641 : memref<32x1024xf32, #tpu.memory_space<vmem>>) offsets(%dma_start3A_1644 : memref<32xi32, #tpu.memory_space<vmem>>) semaphore(%arg8 : memref<!tpu.dma_semaphore, #tpu.memory_space<semaphore_mem>>)
    %dma_wait3A_1648 = arith.constant 2 : i32
    %dma_wait3A_1649 = arith.constant 2 : i32
    %dma_wait3A_1650 = arith.constant 0 : i32
    %dma_wait3A_1651 = arith.constant 0 : i32
    %dma_wait3A_1652 = tpu.memref_slice %arg7[%dma_wait3A_1649, %dma_wait3A_1650, %dma_wait3A_1651] : memref<3x32x1024xf32, #tpu.memory_space<vmem>> -> memref<1x32x1024xf32, #tpu.memory_space<vmem>>
    %dma_wait3A_1653 = tpu.memref_squeeze %dma_wait3A_1652 : memref<1x32x1024xf32, #tpu.memory_space<vmem>> -> memref<32x1024xf32, #tpu.memory_space<vmem>>
    %dma_wait3A_1654 = arith.constant 0 : i32
    %dma_wait3A_1655 = tpu.memref_slice %arg6[%dma_wait3A_1648, %dma_wait3A_1654] : memref<32x32xi32, #tpu.memory_space<vmem>> -> memref<1x32xi32, #tpu.memory_space<vmem>>
    %dma_wait3A_1656 = tpu.memref_squeeze %dma_wait3A_1655 : memref<1x32xi32, #tpu.memory_space<vmem>> -> memref<32xi32, #tpu.memory_space<vmem>>
    %dma_wait3A_1657 = arith.constant 0 : i32
    %dma_wait3A_1658 = arith.constant 0 : i32
    %dma_wait3A_1659 = tpu.memref_slice %arg2[%dma_wait3A_1657, %dma_wait3A_1658] : memref<8194x1024xf32, #tpu.memory_space<hbm>> -> memref<8194x1024xf32, #tpu.memory_space<hbm>>
    tpu.wait_indirect_dma semaphore(%arg8 : memref<!tpu.dma_semaphore, #tpu.memory_space<semaphore_mem>>) src(%dma_wait3A_1659 : memref<8194x1024xf32, #tpu.memory_space<hbm>>) dst(%dma_wait3A_1653 : memref<32x1024xf32, #tpu.memory_space<vmem>>)
    %add3A_1660 = arith.constant 64 : i32
    %add3A_1661 = arith.addi %mul3A_2, %add3A_1660 : i32
    %dma_start3A_1662 = arith.constant 2 : i32
    %dma_start3A_1663 = arith.constant 0 : i32
    %dma_start3A_1664 = arith.constant 0 : i32
    %dma_start3A_1665 = tpu.memref_slice %arg7[%dma_start3A_1662, %dma_start3A_1663, %dma_start3A_1664] : memref<3x32x1024xf32, #tpu.memory_space<vmem>> -> memref<1x32x1024xf32, #tpu.memory_space<vmem>>
    %dma_start3A_1666 = tpu.memref_squeeze %dma_start3A_1665 : memref<1x32x1024xf32, #tpu.memory_space<vmem>> -> memref<32x1024xf32, #tpu.memory_space<vmem>>
    %dma_start3A_1667 = arith.constant 0 : i32
    %dma_start3A_1668 = tpu.memref_slice %arg4[%add3A_1661, %dma_start3A_1667] : memref<32768x1024xf32, #tpu.memory_space<hbm>> -> memref<32x1024xf32, #tpu.memory_space<hbm>>
    %dma_start3A_1669 = arith.constant 0 : i32
    %dma_start3A_1670 = tpu.memref_slice %arg4[%add3A_1661, %dma_start3A_1669] : memref<32768x1024xf32, #tpu.memory_space<hbm>> -> memref<32x1024xf32, #tpu.memory_space<hbm>>
    %dma_start3A_1671 = arith.constant 0 : i32
    %dma_start3A_1672 = arith.constant 0 : i32
    %dma_start3A_1673 = tpu.memref_slice %arg7[%dma_start3A_1662, %dma_start3A_1671, %dma_start3A_1672] : memref<3x32x1024xf32, #tpu.memory_space<vmem>> -> memref<1x32x1024xf32, #tpu.memory_space<vmem>>
    %dma_start3A_1674 = tpu.memref_squeeze %dma_start3A_1673 : memref<1x32x1024xf32, #tpu.memory_space<vmem>> -> memref<32x1024xf32, #tpu.memory_space<vmem>>
    tpu.enqueue_dma source(%dma_start3A_1674 : memref<32x1024xf32, #tpu.memory_space<vmem>>) target(%dma_start3A_1670 : memref<32x1024xf32, #tpu.memory_space<hbm>>) target_semaphore(%arg9 : memref<!tpu.dma_semaphore, #tpu.memory_space<semaphore_mem>>)
    %add3A_1675 = arith.constant 32 : i32
    %add3A_1676 = arith.addi %mul3A_2, %add3A_1675 : i32
    %dma_wait3A_1677 = arith.constant 1 : i32
    %dma_wait3A_1678 = arith.constant 0 : i32
    %dma_wait3A_1679 = arith.constant 0 : i32
    %dma_wait3A_1680 = tpu.memref_slice %arg7[%dma_wait3A_1677, %dma_wait3A_1678, %dma_wait3A_1679] : memref<3x32x1024xf32, #tpu.memory_space<vmem>> -> memref<1x32x1024xf32, #tpu.memory_space<vmem>>
    %dma_wait3A_1681 = tpu.memref_squeeze %dma_wait3A_1680 : memref<1x32x1024xf32, #tpu.memory_space<vmem>> -> memref<32x1024xf32, #tpu.memory_space<vmem>>
    %dma_wait3A_1682 = arith.constant 0 : i32
    %dma_wait3A_1683 = tpu.memref_slice %arg4[%add3A_1676, %dma_wait3A_1682] : memref<32768x1024xf32, #tpu.memory_space<hbm>> -> memref<32x1024xf32, #tpu.memory_space<hbm>>
    %dma_wait3A_1684 = arith.constant 0 : i32
    %dma_wait3A_1685 = tpu.memref_slice %arg4[%add3A_1676, %dma_wait3A_1684] : memref<32768x1024xf32, #tpu.memory_space<hbm>> -> memref<32x1024xf32, #tpu.memory_space<hbm>>
    %dma_wait3A_1686 = arith.constant 0 : i32
    %dma_wait3A_1687 = arith.constant 0 : i32
    %dma_wait3A_1688 = tpu.memref_slice %arg7[%dma_wait3A_1677, %dma_wait3A_1686, %dma_wait3A_1687] : memref<3x32x1024xf32, #tpu.memory_space<vmem>> -> memref<1x32x1024xf32, #tpu.memory_space<vmem>>
    %dma_wait3A_1689 = tpu.memref_squeeze %dma_wait3A_1688 : memref<1x32x1024xf32, #tpu.memory_space<vmem>> -> memref<32x1024xf32, #tpu.memory_space<vmem>>
    tpu.wait_dma2 semaphore(%arg9 : memref<!tpu.dma_semaphore, #tpu.memory_space<semaphore_mem>>) src(%dma_wait3A_1689 : memref<32x1024xf32, #tpu.memory_space<vmem>>) dst(%dma_wait3A_1685 : memref<32x1024xf32, #tpu.memory_space<hbm>>)
    %dma_start3A_1690 = arith.constant 4 : i32
    %dma_start3A_1691 = arith.constant 1 : i32
    %dma_start3A_1692 = arith.constant 0 : i32
    %dma_start3A_1693 = arith.constant 0 : i32
    %dma_start3A_1694 = tpu.memref_slice %arg7[%dma_start3A_1691, %dma_start3A_1692, %dma_start3A_1693] : memref<3x32x1024xf32, #tpu.memory_space<vmem>> -> memref<1x32x1024xf32, #tpu.memory_space<vmem>>
    %dma_start3A_1695 = tpu.memref_squeeze %dma_start3A_1694 : memref<1x32x1024xf32, #tpu.memory_space<vmem>> -> memref<32x1024xf32, #tpu.memory_space<vmem>>
    %dma_start3A_1696 = arith.constant 0 : i32
    %dma_start3A_1697 = tpu.memref_slice %arg6[%dma_start3A_1690, %dma_start3A_1696] : memref<32x32xi32, #tpu.memory_space<vmem>> -> memref<1x32xi32, #tpu.memory_space<vmem>>
    %dma_start3A_1698 = tpu.memref_squeeze %dma_start3A_1697 : memref<1x32xi32, #tpu.memory_space<vmem>> -> memref<32xi32, #tpu.memory_space<vmem>>
    %dma_start3A_1699 = arith.constant 0 : i32
    %dma_start3A_1700 = arith.constant 0 : i32
    %dma_start3A_1701 = tpu.memref_slice %arg2[%dma_start3A_1699, %dma_start3A_1700] : memref<8194x1024xf32, #tpu.memory_space<hbm>> -> memref<8194x1024xf32, #tpu.memory_space<hbm>>
    tpu.enqueue_indirect_dma source(%dma_start3A_1701 : memref<8194x1024xf32, #tpu.memory_space<hbm>>) target(%dma_start3A_1695 : memref<32x1024xf32, #tpu.memory_space<vmem>>) offsets(%dma_start3A_1698 : memref<32xi32, #tpu.memory_space<vmem>>) semaphore(%arg8 : memref<!tpu.dma_semaphore, #tpu.memory_space<semaphore_mem>>)
    %dma_wait3A_1702 = arith.constant 3 : i32
    %dma_wait3A_1703 = arith.constant 0 : i32
    %dma_wait3A_1704 = arith.constant 0 : i32
    %dma_wait3A_1705 = arith.constant 0 : i32
    %dma_wait3A_1706 = tpu.memref_slice %arg7[%dma_wait3A_1703, %dma_wait3A_1704, %dma_wait3A_1705] : memref<3x32x1024xf32, #tpu.memory_space<vmem>> -> memref<1x32x1024xf32, #tpu.memory_space<vmem>>
    %dma_wait3A_1707 = tpu.memref_squeeze %dma_wait3A_1706 : memref<1x32x1024xf32, #tpu.memory_space<vmem>> -> memref<32x1024xf32, #tpu.memory_space<vmem>>
    %dma_wait3A_1708 = arith.constant 0 : i32
    %dma_wait3A_1709 = tpu.memref_slice %arg6[%dma_wait3A_1702, %dma_wait3A_1708] : memref<32x32xi32, #tpu.memory_space<vmem>> -> memref<1x32xi32, #tpu.memory_space<vmem>>
    %dma_wait3A_1710 = tpu.memref_squeeze %dma_wait3A_1709 : memref<1x32xi32, #tpu.memory_space<vmem>> -> memref<32xi32, #tpu.memory_space<vmem>>
    %dma_wait3A_1711 = arith.constant 0 : i32
    %dma_wait3A_1712 = arith.constant 0 : i32
    %dma_wait3A_1713 = tpu.memref_slice %arg2[%dma_wait3A_1711, %dma_wait3A_1712] : memref<8194x1024xf32, #tpu.memory_space<hbm>> -> memref<8194x1024xf32, #tpu.memory_space<hbm>>
    tpu.wait_indirect_dma semaphore(%arg8 : memref<!tpu.dma_semaphore, #tpu.memory_space<semaphore_mem>>) src(%dma_wait3A_1713 : memref<8194x1024xf32, #tpu.memory_space<hbm>>) dst(%dma_wait3A_1707 : memref<32x1024xf32, #tpu.memory_space<vmem>>)
    %add3A_1714 = arith.constant 96 : i32
    %add3A_1715 = arith.addi %mul3A_2, %add3A_1714 : i32
    %dma_start3A_1716 = arith.constant 0 : i32
    %dma_start3A_1717 = arith.constant 0 : i32
    %dma_start3A_1718 = arith.constant 0 : i32
    %dma_start3A_1719 = tpu.memref_slice %arg7[%dma_start3A_1716, %dma_start3A_1717, %dma_start3A_1718] : memref<3x32x1024xf32, #tpu.memory_space<vmem>> -> memref<1x32x1024xf32, #tpu.memory_space<vmem>>
    %dma_start3A_1720 = tpu.memref_squeeze %dma_start3A_1719 : memref<1x32x1024xf32, #tpu.memory_space<vmem>> -> memref<32x1024xf32, #tpu.memory_space<vmem>>
    %dma_start3A_1721 = arith.constant 0 : i32
    %dma_start3A_1722 = tpu.memref_slice %arg4[%add3A_1715, %dma_start3A_1721] : memref<32768x1024xf32, #tpu.memory_space<hbm>> -> memref<32x1024xf32, #tpu.memory_space<hbm>>
    %dma_start3A_1723 = arith.constant 0 : i32
    %dma_start3A_1724 = tpu.memref_slice %arg4[%add3A_1715, %dma_start3A_1723] : memref<32768x1024xf32, #tpu.memory_space<hbm>> -> memref<32x1024xf32, #tpu.memory_space<hbm>>
    %dma_start3A_1725 = arith.constant 0 : i32
    %dma_start3A_1726 = arith.constant 0 : i32
    %dma_start3A_1727 = tpu.memref_slice %arg7[%dma_start3A_1716, %dma_start3A_1725, %dma_start3A_1726] : memref<3x32x1024xf32, #tpu.memory_space<vmem>> -> memref<1x32x1024xf32, #tpu.memory_space<vmem>>
    %dma_start3A_1728 = tpu.memref_squeeze %dma_start3A_1727 : memref<1x32x1024xf32, #tpu.memory_space<vmem>> -> memref<32x1024xf32, #tpu.memory_space<vmem>>
    tpu.enqueue_dma source(%dma_start3A_1728 : memref<32x1024xf32, #tpu.memory_space<vmem>>) target(%dma_start3A_1724 : memref<32x1024xf32, #tpu.memory_space<hbm>>) target_semaphore(%arg9 : memref<!tpu.dma_semaphore, #tpu.memory_space<semaphore_mem>>)
    %add3A_1729 = arith.constant 64 : i32
    %add3A_1730 = arith.addi %mul3A_2, %add3A_1729 : i32
    %dma_wait3A_1731 = arith.constant 2 : i32
    %dma_wait3A_1732 = arith.constant 0 : i32
    %dma_wait3A_1733 = arith.constant 0 : i32
    %dma_wait3A_1734 = tpu.memref_slice %arg7[%dma_wait3A_1731, %dma_wait3A_1732, %dma_wait3A_1733] : memref<3x32x1024xf32, #tpu.memory_space<vmem>> -> memref<1x32x1024xf32, #tpu.memory_space<vmem>>
    %dma_wait3A_1735 = tpu.memref_squeeze %dma_wait3A_1734 : memref<1x32x1024xf32, #tpu.memory_space<vmem>> -> memref<32x1024xf32, #tpu.memory_space<vmem>>
    %dma_wait3A_1736 = arith.constant 0 : i32
    %dma_wait3A_1737 = tpu.memref_slice %arg4[%add3A_1730, %dma_wait3A_1736] : memref<32768x1024xf32, #tpu.memory_space<hbm>> -> memref<32x1024xf32, #tpu.memory_space<hbm>>
    %dma_wait3A_1738 = arith.constant 0 : i32
    %dma_wait3A_1739 = tpu.memref_slice %arg4[%add3A_1730, %dma_wait3A_1738] : memref<32768x1024xf32, #tpu.memory_space<hbm>> -> memref<32x1024xf32, #tpu.memory_space<hbm>>
    %dma_wait3A_1740 = arith.constant 0 : i32
    %dma_wait3A_1741 = arith.constant 0 : i32
    %dma_wait3A_1742 = tpu.memref_slice %arg7[%dma_wait3A_1731, %dma_wait3A_1740, %dma_wait3A_1741] : memref<3x32x1024xf32, #tpu.memory_space<vmem>> -> memref<1x32x1024xf32, #tpu.memory_space<vmem>>
    %dma_wait3A_1743 = tpu.memref_squeeze %dma_wait3A_1742 : memref<1x32x1024xf32, #tpu.memory_space<vmem>> -> memref<32x1024xf32, #tpu.memory_space<vmem>>
    tpu.wait_dma2 semaphore(%arg9 : memref<!tpu.dma_semaphore, #tpu.memory_space<semaphore_mem>>) src(%dma_wait3A_1743 : memref<32x1024xf32, #tpu.memory_space<vmem>>) dst(%dma_wait3A_1739 : memref<32x1024xf32, #tpu.memory_space<hbm>>)
    %dma_start3A_1744 = arith.constant 5 : i32
    %dma_start3A_1745 = arith.constant 2 : i32
    %dma_start3A_1746 = arith.constant 0 : i32
    %dma_start3A_1747 = arith.constant 0 : i32
    %dma_start3A_1748 = tpu.memref_slice %arg7[%dma_start3A_1745, %dma_start3A_1746, %dma_start3A_1747] : memref<3x32x1024xf32, #tpu.memory_space<vmem>> -> memref<1x32x1024xf32, #tpu.memory_space<vmem>>
    %dma_start3A_1749 = tpu.memref_squeeze %dma_start3A_1748 : memref<1x32x1024xf32, #tpu.memory_space<vmem>> -> memref<32x1024xf32, #tpu.memory_space<vmem>>
    %dma_start3A_1750 = arith.constant 0 : i32
    %dma_start3A_1751 = tpu.memref_slice %arg6[%dma_start3A_1744, %dma_start3A_1750] : memref<32x32xi32, #tpu.memory_space<vmem>> -> memref<1x32xi32, #tpu.memory_space<vmem>>
    %dma_start3A_1752 = tpu.memref_squeeze %dma_start3A_1751 : memref<1x32xi32, #tpu.memory_space<vmem>> -> memref<32xi32, #tpu.memory_space<vmem>>
    %dma_start3A_1753 = arith.constant 0 : i32
    %dma_start3A_1754 = arith.constant 0 : i32
    %dma_start3A_1755 = tpu.memref_slice %arg2[%dma_start3A_1753, %dma_start3A_1754] : memref<8194x1024xf32, #tpu.memory_space<hbm>> -> memref<8194x1024xf32, #tpu.memory_space<hbm>>
    tpu.enqueue_indirect_dma source(%dma_start3A_1755 : memref<8194x1024xf32, #tpu.memory_space<hbm>>) target(%dma_start3A_1749 : memref<32x1024xf32, #tpu.memory_space<vmem>>) offsets(%dma_start3A_1752 : memref<32xi32, #tpu.memory_space<vmem>>) semaphore(%arg8 : memref<!tpu.dma_semaphore, #tpu.memory_space<semaphore_mem>>)
    %dma_wait3A_1756 = arith.constant 4 : i32
    %dma_wait3A_1757 = arith.constant 1 : i32
    %dma_wait3A_1758 = arith.constant 0 : i32
    %dma_wait3A_1759 = arith.constant 0 : i32
    %dma_wait3A_1760 = tpu.memref_slice %arg7[%dma_wait3A_1757, %dma_wait3A_1758, %dma_wait3A_1759] : memref<3x32x1024xf32, #tpu.memory_space<vmem>> -> memref<1x32x1024xf32, #tpu.memory_space<vmem>>
    %dma_wait3A_1761 = tpu.memref_squeeze %dma_wait3A_1760 : memref<1x32x1024xf32, #tpu.memory_space<vmem>> -> memref<32x1024xf32, #tpu.memory_space<vmem>>
    %dma_wait3A_1762 = arith.constant 0 : i32
    %dma_wait3A_1763 = tpu.memref_slice %arg6[%dma_wait3A_1756, %dma_wait3A_1762] : memref<32x32xi32, #tpu.memory_space<vmem>> -> memref<1x32xi32, #tpu.memory_space<vmem>>
    %dma_wait3A_1764 = tpu.memref_squeeze %dma_wait3A_1763 : memref<1x32xi32, #tpu.memory_space<vmem>> -> memref<32xi32, #tpu.memory_space<vmem>>
    %dma_wait3A_1765 = arith.constant 0 : i32
    %dma_wait3A_1766 = arith.constant 0 : i32
    %dma_wait3A_1767 = tpu.memref_slice %arg2[%dma_wait3A_1765, %dma_wait3A_1766] : memref<8194x1024xf32, #tpu.memory_space<hbm>> -> memref<8194x1024xf32, #tpu.memory_space<hbm>>
    tpu.wait_indirect_dma semaphore(%arg8 : memref<!tpu.dma_semaphore, #tpu.memory_space<semaphore_mem>>) src(%dma_wait3A_1767 : memref<8194x1024xf32, #tpu.memory_space<hbm>>) dst(%dma_wait3A_1761 : memref<32x1024xf32, #tpu.memory_space<vmem>>)
    %add3A_1768 = arith.constant 128 : i32
    %add3A_1769 = arith.addi %mul3A_2, %add3A_1768 : i32
    %dma_start3A_1770 = arith.constant 1 : i32
    %dma_start3A_1771 = arith.constant 0 : i32
    %dma_start3A_1772 = arith.constant 0 : i32
    %dma_start3A_1773 = tpu.memref_slice %arg7[%dma_start3A_1770, %dma_start3A_1771, %dma_start3A_1772] : memref<3x32x1024xf32, #tpu.memory_space<vmem>> -> memref<1x32x1024xf32, #tpu.memory_space<vmem>>
    %dma_start3A_1774 = tpu.memref_squeeze %dma_start3A_1773 : memref<1x32x1024xf32, #tpu.memory_space<vmem>> -> memref<32x1024xf32, #tpu.memory_space<vmem>>
    %dma_start3A_1775 = arith.constant 0 : i32
    %dma_start3A_1776 = tpu.memref_slice %arg4[%add3A_1769, %dma_start3A_1775] : memref<32768x1024xf32, #tpu.memory_space<hbm>> -> memref<32x1024xf32, #tpu.memory_space<hbm>>
    %dma_start3A_1777 = arith.constant 0 : i32
    %dma_start3A_1778 = tpu.memref_slice %arg4[%add3A_1769, %dma_start3A_1777] : memref<32768x1024xf32, #tpu.memory_space<hbm>> -> memref<32x1024xf32, #tpu.memory_space<hbm>>
    %dma_start3A_1779 = arith.constant 0 : i32
    %dma_start3A_1780 = arith.constant 0 : i32
    %dma_start3A_1781 = tpu.memref_slice %arg7[%dma_start3A_1770, %dma_start3A_1779, %dma_start3A_1780] : memref<3x32x1024xf32, #tpu.memory_space<vmem>> -> memref<1x32x1024xf32, #tpu.memory_space<vmem>>
    %dma_start3A_1782 = tpu.memref_squeeze %dma_start3A_1781 : memref<1x32x1024xf32, #tpu.memory_space<vmem>> -> memref<32x1024xf32, #tpu.memory_space<vmem>>
    tpu.enqueue_dma source(%dma_start3A_1782 : memref<32x1024xf32, #tpu.memory_space<vmem>>) target(%dma_start3A_1778 : memref<32x1024xf32, #tpu.memory_space<hbm>>) target_semaphore(%arg9 : memref<!tpu.dma_semaphore, #tpu.memory_space<semaphore_mem>>)
    %add3A_1783 = arith.constant 96 : i32
    %add3A_1784 = arith.addi %mul3A_2, %add3A_1783 : i32
    %dma_wait3A_1785 = arith.constant 0 : i32
    %dma_wait3A_1786 = arith.constant 0 : i32
    %dma_wait3A_1787 = arith.constant 0 : i32
    %dma_wait3A_1788 = tpu.memref_slice %arg7[%dma_wait3A_1785, %dma_wait3A_1786, %dma_wait3A_1787] : memref<3x32x1024xf32, #tpu.memory_space<vmem>> -> memref<1x32x1024xf32, #tpu.memory_space<vmem>>
    %dma_wait3A_1789 = tpu.memref_squeeze %dma_wait3A_1788 : memref<1x32x1024xf32, #tpu.memory_space<vmem>> -> memref<32x1024xf32, #tpu.memory_space<vmem>>
    %dma_wait3A_1790 = arith.constant 0 : i32
    %dma_wait3A_1791 = tpu.memref_slice %arg4[%add3A_1784, %dma_wait3A_1790] : memref<32768x1024xf32, #tpu.memory_space<hbm>> -> memref<32x1024xf32, #tpu.memory_space<hbm>>
    %dma_wait3A_1792 = arith.constant 0 : i32
    %dma_wait3A_1793 = tpu.memref_slice %arg4[%add3A_1784, %dma_wait3A_1792] : memref<32768x1024xf32, #tpu.memory_space<hbm>> -> memref<32x1024xf32, #tpu.memory_space<hbm>>
    %dma_wait3A_1794 = arith.constant 0 : i32
    %dma_wait3A_1795 = arith.constant 0 : i32
    %dma_wait3A_1796 = tpu.memref_slice %arg7[%dma_wait3A_1785, %dma_wait3A_1794, %dma_wait3A_1795] : memref<3x32x1024xf32, #tpu.memory_space<vmem>> -> memref<1x32x1024xf32, #tpu.memory_space<vmem>>
    %dma_wait3A_1797 = tpu.memref_squeeze %dma_wait3A_1796 : memref<1x32x1024xf32, #tpu.memory_space<vmem>> -> memref<32x1024xf32, #tpu.memory_space<vmem>>
    tpu.wait_dma2 semaphore(%arg9 : memref<!tpu.dma_semaphore, #tpu.memory_space<semaphore_mem>>) src(%dma_wait3A_1797 : memref<32x1024xf32, #tpu.memory_space<vmem>>) dst(%dma_wait3A_1793 : memref<32x1024xf32, #tpu.memory_space<hbm>>)
    %dma_start3A_1798 = arith.constant 6 : i32
    %dma_start3A_1799 = arith.constant 0 : i32
    %dma_start3A_1800 = arith.constant 0 : i32
    %dma_start3A_1801 = arith.constant 0 : i32
    %dma_start3A_1802 = tpu.memref_slice %arg7[%dma_start3A_1799, %dma_start3A_1800, %dma_start3A_1801] : memref<3x32x1024xf32, #tpu.memory_space<vmem>> -> memref<1x32x1024xf32, #tpu.memory_space<vmem>>
    %dma_start3A_1803 = tpu.memref_squeeze %dma_start3A_1802 : memref<1x32x1024xf32, #tpu.memory_space<vmem>> -> memref<32x1024xf32, #tpu.memory_space<vmem>>
    %dma_start3A_1804 = arith.constant 0 : i32
    %dma_start3A_1805 = tpu.memref_slice %arg6[%dma_start3A_1798, %dma_start3A_1804] : memref<32x32xi32, #tpu.memory_space<vmem>> -> memref<1x32xi32, #tpu.memory_space<vmem>>
    %dma_start3A_1806 = tpu.memref_squeeze %dma_start3A_1805 : memref<1x32xi32, #tpu.memory_space<vmem>> -> memref<32xi32, #tpu.memory_space<vmem>>
    %dma_start3A_1807 = arith.constant 0 : i32
    %dma_start3A_1808 = arith.constant 0 : i32
    %dma_start3A_1809 = tpu.memref_slice %arg2[%dma_start3A_1807, %dma_start3A_1808] : memref<8194x1024xf32, #tpu.memory_space<hbm>> -> memref<8194x1024xf32, #tpu.memory_space<hbm>>
    tpu.enqueue_indirect_dma source(%dma_start3A_1809 : memref<8194x1024xf32, #tpu.memory_space<hbm>>) target(%dma_start3A_1803 : memref<32x1024xf32, #tpu.memory_space<vmem>>) offsets(%dma_start3A_1806 : memref<32xi32, #tpu.memory_space<vmem>>) semaphore(%arg8 : memref<!tpu.dma_semaphore, #tpu.memory_space<semaphore_mem>>)
    %dma_wait3A_1810 = arith.constant 5 : i32
    %dma_wait3A_1811 = arith.constant 2 : i32
    %dma_wait3A_1812 = arith.constant 0 : i32
    %dma_wait3A_1813 = arith.constant 0 : i32
    %dma_wait3A_1814 = tpu.memref_slice %arg7[%dma_wait3A_1811, %dma_wait3A_1812, %dma_wait3A_1813] : memref<3x32x1024xf32, #tpu.memory_space<vmem>> -> memref<1x32x1024xf32, #tpu.memory_space<vmem>>
    %dma_wait3A_1815 = tpu.memref_squeeze %dma_wait3A_1814 : memref<1x32x1024xf32, #tpu.memory_space<vmem>> -> memref<32x1024xf32, #tpu.memory_space<vmem>>
    %dma_wait3A_1816 = arith.constant 0 : i32
    %dma_wait3A_1817 = tpu.memref_slice %arg6[%dma_wait3A_1810, %dma_wait3A_1816] : memref<32x32xi32, #tpu.memory_space<vmem>> -> memref<1x32xi32, #tpu.memory_space<vmem>>
    %dma_wait3A_1818 = tpu.memref_squeeze %dma_wait3A_1817 : memref<1x32xi32, #tpu.memory_space<vmem>> -> memref<32xi32, #tpu.memory_space<vmem>>
    %dma_wait3A_1819 = arith.constant 0 : i32
    %dma_wait3A_1820 = arith.constant 0 : i32
    %dma_wait3A_1821 = tpu.memref_slice %arg2[%dma_wait3A_1819, %dma_wait3A_1820] : memref<8194x1024xf32, #tpu.memory_space<hbm>> -> memref<8194x1024xf32, #tpu.memory_space<hbm>>
    tpu.wait_indirect_dma semaphore(%arg8 : memref<!tpu.dma_semaphore, #tpu.memory_space<semaphore_mem>>) src(%dma_wait3A_1821 : memref<8194x1024xf32, #tpu.memory_space<hbm>>) dst(%dma_wait3A_1815 : memref<32x1024xf32, #tpu.memory_space<vmem>>)
    %add3A_1822 = arith.constant 160 : i32
    %add3A_1823 = arith.addi %mul3A_2, %add3A_1822 : i32
    %dma_start3A_1824 = arith.constant 2 : i32
    %dma_start3A_1825 = arith.constant 0 : i32
    %dma_start3A_1826 = arith.constant 0 : i32
    %dma_start3A_1827 = tpu.memref_slice %arg7[%dma_start3A_1824, %dma_start3A_1825, %dma_start3A_1826] : memref<3x32x1024xf32, #tpu.memory_space<vmem>> -> memref<1x32x1024xf32, #tpu.memory_space<vmem>>
    %dma_start3A_1828 = tpu.memref_squeeze %dma_start3A_1827 : memref<1x32x1024xf32, #tpu.memory_space<vmem>> -> memref<32x1024xf32, #tpu.memory_space<vmem>>
    %dma_start3A_1829 = arith.constant 0 : i32
    %dma_start3A_1830 = tpu.memref_slice %arg4[%add3A_1823, %dma_start3A_1829] : memref<32768x1024xf32, #tpu.memory_space<hbm>> -> memref<32x1024xf32, #tpu.memory_space<hbm>>
    %dma_start3A_1831 = arith.constant 0 : i32
    %dma_start3A_1832 = tpu.memref_slice %arg4[%add3A_1823, %dma_start3A_1831] : memref<32768x1024xf32, #tpu.memory_space<hbm>> -> memref<32x1024xf32, #tpu.memory_space<hbm>>
    %dma_start3A_1833 = arith.constant 0 : i32
    %dma_start3A_1834 = arith.constant 0 : i32
    %dma_start3A_1835 = tpu.memref_slice %arg7[%dma_start3A_1824, %dma_start3A_1833, %dma_start3A_1834] : memref<3x32x1024xf32, #tpu.memory_space<vmem>> -> memref<1x32x1024xf32, #tpu.memory_space<vmem>>
    %dma_start3A_1836 = tpu.memref_squeeze %dma_start3A_1835 : memref<1x32x1024xf32, #tpu.memory_space<vmem>> -> memref<32x1024xf32, #tpu.memory_space<vmem>>
    tpu.enqueue_dma source(%dma_start3A_1836 : memref<32x1024xf32, #tpu.memory_space<vmem>>) target(%dma_start3A_1832 : memref<32x1024xf32, #tpu.memory_space<hbm>>) target_semaphore(%arg9 : memref<!tpu.dma_semaphore, #tpu.memory_space<semaphore_mem>>)
    %add3A_1837 = arith.constant 128 : i32
    %add3A_1838 = arith.addi %mul3A_2, %add3A_1837 : i32
    %dma_wait3A_1839 = arith.constant 1 : i32
    %dma_wait3A_1840 = arith.constant 0 : i32
    %dma_wait3A_1841 = arith.constant 0 : i32
    %dma_wait3A_1842 = tpu.memref_slice %arg7[%dma_wait3A_1839, %dma_wait3A_1840, %dma_wait3A_1841] : memref<3x32x1024xf32, #tpu.memory_space<vmem>> -> memref<1x32x1024xf32, #tpu.memory_space<vmem>>
    %dma_wait3A_1843 = tpu.memref_squeeze %dma_wait3A_1842 : memref<1x32x1024xf32, #tpu.memory_space<vmem>> -> memref<32x1024xf32, #tpu.memory_space<vmem>>
    %dma_wait3A_1844 = arith.constant 0 : i32
    %dma_wait3A_1845 = tpu.memref_slice %arg4[%add3A_1838, %dma_wait3A_1844] : memref<32768x1024xf32, #tpu.memory_space<hbm>> -> memref<32x1024xf32, #tpu.memory_space<hbm>>
    %dma_wait3A_1846 = arith.constant 0 : i32
    %dma_wait3A_1847 = tpu.memref_slice %arg4[%add3A_1838, %dma_wait3A_1846] : memref<32768x1024xf32, #tpu.memory_space<hbm>> -> memref<32x1024xf32, #tpu.memory_space<hbm>>
    %dma_wait3A_1848 = arith.constant 0 : i32
    %dma_wait3A_1849 = arith.constant 0 : i32
    %dma_wait3A_1850 = tpu.memref_slice %arg7[%dma_wait3A_1839, %dma_wait3A_1848, %dma_wait3A_1849] : memref<3x32x1024xf32, #tpu.memory_space<vmem>> -> memref<1x32x1024xf32, #tpu.memory_space<vmem>>
    %dma_wait3A_1851 = tpu.memref_squeeze %dma_wait3A_1850 : memref<1x32x1024xf32, #tpu.memory_space<vmem>> -> memref<32x1024xf32, #tpu.memory_space<vmem>>
    tpu.wait_dma2 semaphore(%arg9 : memref<!tpu.dma_semaphore, #tpu.memory_space<semaphore_mem>>) src(%dma_wait3A_1851 : memref<32x1024xf32, #tpu.memory_space<vmem>>) dst(%dma_wait3A_1847 : memref<32x1024xf32, #tpu.memory_space<hbm>>)
    %dma_start3A_1852 = arith.constant 7 : i32
    %dma_start3A_1853 = arith.constant 1 : i32
    %dma_start3A_1854 = arith.constant 0 : i32
    %dma_start3A_1855 = arith.constant 0 : i32
    %dma_start3A_1856 = tpu.memref_slice %arg7[%dma_start3A_1853, %dma_start3A_1854, %dma_start3A_1855] : memref<3x32x1024xf32, #tpu.memory_space<vmem>> -> memref<1x32x1024xf32, #tpu.memory_space<vmem>>
    %dma_start3A_1857 = tpu.memref_squeeze %dma_start3A_1856 : memref<1x32x1024xf32, #tpu.memory_space<vmem>> -> memref<32x1024xf32, #tpu.memory_space<vmem>>
    %dma_start3A_1858 = arith.constant 0 : i32
    %dma_start3A_1859 = tpu.memref_slice %arg6[%dma_start3A_1852, %dma_start3A_1858] : memref<32x32xi32, #tpu.memory_space<vmem>> -> memref<1x32xi32, #tpu.memory_space<vmem>>
    %dma_start3A_1860 = tpu.memref_squeeze %dma_start3A_1859 : memref<1x32xi32, #tpu.memory_space<vmem>> -> memref<32xi32, #tpu.memory_space<vmem>>
    %dma_start3A_1861 = arith.constant 0 : i32
    %dma_start3A_1862 = arith.constant 0 : i32
    %dma_start3A_1863 = tpu.memref_slice %arg2[%dma_start3A_1861, %dma_start3A_1862] : memref<8194x1024xf32, #tpu.memory_space<hbm>> -> memref<8194x1024xf32, #tpu.memory_space<hbm>>
    tpu.enqueue_indirect_dma source(%dma_start3A_1863 : memref<8194x1024xf32, #tpu.memory_space<hbm>>) target(%dma_start3A_1857 : memref<32x1024xf32, #tpu.memory_space<vmem>>) offsets(%dma_start3A_1860 : memref<32xi32, #tpu.memory_space<vmem>>) semaphore(%arg8 : memref<!tpu.dma_semaphore, #tpu.memory_space<semaphore_mem>>)
    %dma_wait3A_1864 = arith.constant 6 : i32
    %dma_wait3A_1865 = arith.constant 0 : i32
    %dma_wait3A_1866 = arith.constant 0 : i32
    %dma_wait3A_1867 = arith.constant 0 : i32
    %dma_wait3A_1868 = tpu.memref_slice %arg7[%dma_wait3A_1865, %dma_wait3A_1866, %dma_wait3A_1867] : memref<3x32x1024xf32, #tpu.memory_space<vmem>> -> memref<1x32x1024xf32, #tpu.memory_space<vmem>>
    %dma_wait3A_1869 = tpu.memref_squeeze %dma_wait3A_1868 : memref<1x32x1024xf32, #tpu.memory_space<vmem>> -> memref<32x1024xf32, #tpu.memory_space<vmem>>
    %dma_wait3A_1870 = arith.constant 0 : i32
    %dma_wait3A_1871 = tpu.memref_slice %arg6[%dma_wait3A_1864, %dma_wait3A_1870] : memref<32x32xi32, #tpu.memory_space<vmem>> -> memref<1x32xi32, #tpu.memory_space<vmem>>
    %dma_wait3A_1872 = tpu.memref_squeeze %dma_wait3A_1871 : memref<1x32xi32, #tpu.memory_space<vmem>> -> memref<32xi32, #tpu.memory_space<vmem>>
    %dma_wait3A_1873 = arith.constant 0 : i32
    %dma_wait3A_1874 = arith.constant 0 : i32
    %dma_wait3A_1875 = tpu.memref_slice %arg2[%dma_wait3A_1873, %dma_wait3A_1874] : memref<8194x1024xf32, #tpu.memory_space<hbm>> -> memref<8194x1024xf32, #tpu.memory_space<hbm>>
    tpu.wait_indirect_dma semaphore(%arg8 : memref<!tpu.dma_semaphore, #tpu.memory_space<semaphore_mem>>) src(%dma_wait3A_1875 : memref<8194x1024xf32, #tpu.memory_space<hbm>>) dst(%dma_wait3A_1869 : memref<32x1024xf32, #tpu.memory_space<vmem>>)
    %add3A_1876 = arith.constant 192 : i32
    %add3A_1877 = arith.addi %mul3A_2, %add3A_1876 : i32
    %dma_start3A_1878 = arith.constant 0 : i32
    %dma_start3A_1879 = arith.constant 0 : i32
    %dma_start3A_1880 = arith.constant 0 : i32
    %dma_start3A_1881 = tpu.memref_slice %arg7[%dma_start3A_1878, %dma_start3A_1879, %dma_start3A_1880] : memref<3x32x1024xf32, #tpu.memory_space<vmem>> -> memref<1x32x1024xf32, #tpu.memory_space<vmem>>
    %dma_start3A_1882 = tpu.memref_squeeze %dma_start3A_1881 : memref<1x32x1024xf32, #tpu.memory_space<vmem>> -> memref<32x1024xf32, #tpu.memory_space<vmem>>
    %dma_start3A_1883 = arith.constant 0 : i32
    %dma_start3A_1884 = tpu.memref_slice %arg4[%add3A_1877, %dma_start3A_1883] : memref<32768x1024xf32, #tpu.memory_space<hbm>> -> memref<32x1024xf32, #tpu.memory_space<hbm>>
    %dma_start3A_1885 = arith.constant 0 : i32
    %dma_start3A_1886 = tpu.memref_slice %arg4[%add3A_1877, %dma_start3A_1885] : memref<32768x1024xf32, #tpu.memory_space<hbm>> -> memref<32x1024xf32, #tpu.memory_space<hbm>>
    %dma_start3A_1887 = arith.constant 0 : i32
    %dma_start3A_1888 = arith.constant 0 : i32
    %dma_start3A_1889 = tpu.memref_slice %arg7[%dma_start3A_1878, %dma_start3A_1887, %dma_start3A_1888] : memref<3x32x1024xf32, #tpu.memory_space<vmem>> -> memref<1x32x1024xf32, #tpu.memory_space<vmem>>
    %dma_start3A_1890 = tpu.memref_squeeze %dma_start3A_1889 : memref<1x32x1024xf32, #tpu.memory_space<vmem>> -> memref<32x1024xf32, #tpu.memory_space<vmem>>
    tpu.enqueue_dma source(%dma_start3A_1890 : memref<32x1024xf32, #tpu.memory_space<vmem>>) target(%dma_start3A_1886 : memref<32x1024xf32, #tpu.memory_space<hbm>>) target_semaphore(%arg9 : memref<!tpu.dma_semaphore, #tpu.memory_space<semaphore_mem>>)
    %add3A_1891 = arith.constant 160 : i32
    %add3A_1892 = arith.addi %mul3A_2, %add3A_1891 : i32
    %dma_wait3A_1893 = arith.constant 2 : i32
    %dma_wait3A_1894 = arith.constant 0 : i32
    %dma_wait3A_1895 = arith.constant 0 : i32
    %dma_wait3A_1896 = tpu.memref_slice %arg7[%dma_wait3A_1893, %dma_wait3A_1894, %dma_wait3A_1895] : memref<3x32x1024xf32, #tpu.memory_space<vmem>> -> memref<1x32x1024xf32, #tpu.memory_space<vmem>>
    %dma_wait3A_1897 = tpu.memref_squeeze %dma_wait3A_1896 : memref<1x32x1024xf32, #tpu.memory_space<vmem>> -> memref<32x1024xf32, #tpu.memory_space<vmem>>
    %dma_wait3A_1898 = arith.constant 0 : i32
    %dma_wait3A_1899 = tpu.memref_slice %arg4[%add3A_1892, %dma_wait3A_1898] : memref<32768x1024xf32, #tpu.memory_space<hbm>> -> memref<32x1024xf32, #tpu.memory_space<hbm>>
    %dma_wait3A_1900 = arith.constant 0 : i32
    %dma_wait3A_1901 = tpu.memref_slice %arg4[%add3A_1892, %dma_wait3A_1900] : memref<32768x1024xf32, #tpu.memory_space<hbm>> -> memref<32x1024xf32, #tpu.memory_space<hbm>>
    %dma_wait3A_1902 = arith.constant 0 : i32
    %dma_wait3A_1903 = arith.constant 0 : i32
    %dma_wait3A_1904 = tpu.memref_slice %arg7[%dma_wait3A_1893, %dma_wait3A_1902, %dma_wait3A_1903] : memref<3x32x1024xf32, #tpu.memory_space<vmem>> -> memref<1x32x1024xf32, #tpu.memory_space<vmem>>
    %dma_wait3A_1905 = tpu.memref_squeeze %dma_wait3A_1904 : memref<1x32x1024xf32, #tpu.memory_space<vmem>> -> memref<32x1024xf32, #tpu.memory_space<vmem>>
    tpu.wait_dma2 semaphore(%arg9 : memref<!tpu.dma_semaphore, #tpu.memory_space<semaphore_mem>>) src(%dma_wait3A_1905 : memref<32x1024xf32, #tpu.memory_space<vmem>>) dst(%dma_wait3A_1901 : memref<32x1024xf32, #tpu.memory_space<hbm>>)
    %dma_start3A_1906 = arith.constant 8 : i32
    %dma_start3A_1907 = arith.constant 2 : i32
    %dma_start3A_1908 = arith.constant 0 : i32
    %dma_start3A_1909 = arith.constant 0 : i32
    %dma_start3A_1910 = tpu.memref_slice %arg7[%dma_start3A_1907, %dma_start3A_1908, %dma_start3A_1909] : memref<3x32x1024xf32, #tpu.memory_space<vmem>> -> memref<1x32x1024xf32, #tpu.memory_space<vmem>>
    %dma_start3A_1911 = tpu.memref_squeeze %dma_start3A_1910 : memref<1x32x1024xf32, #tpu.memory_space<vmem>> -> memref<32x1024xf32, #tpu.memory_space<vmem>>
    %dma_start3A_1912 = arith.constant 0 : i32
    %dma_start3A_1913 = tpu.memref_slice %arg6[%dma_start3A_1906, %dma_start3A_1912] : memref<32x32xi32, #tpu.memory_space<vmem>> -> memref<1x32xi32, #tpu.memory_space<vmem>>
    %dma_start3A_1914 = tpu.memref_squeeze %dma_start3A_1913 : memref<1x32xi32, #tpu.memory_space<vmem>> -> memref<32xi32, #tpu.memory_space<vmem>>
    %dma_start3A_1915 = arith.constant 0 : i32
    %dma_start3A_1916 = arith.constant 0 : i32
    %dma_start3A_1917 = tpu.memref_slice %arg2[%dma_start3A_1915, %dma_start3A_1916] : memref<8194x1024xf32, #tpu.memory_space<hbm>> -> memref<8194x1024xf32, #tpu.memory_space<hbm>>
    tpu.enqueue_indirect_dma source(%dma_start3A_1917 : memref<8194x1024xf32, #tpu.memory_space<hbm>>) target(%dma_start3A_1911 : memref<32x1024xf32, #tpu.memory_space<vmem>>) offsets(%dma_start3A_1914 : memref<32xi32, #tpu.memory_space<vmem>>) semaphore(%arg8 : memref<!tpu.dma_semaphore, #tpu.memory_space<semaphore_mem>>)
    %dma_wait3A_1918 = arith.constant 7 : i32
    %dma_wait3A_1919 = arith.constant 1 : i32
    %dma_wait3A_1920 = arith.constant 0 : i32
    %dma_wait3A_1921 = arith.constant 0 : i32
    %dma_wait3A_1922 = tpu.memref_slice %arg7[%dma_wait3A_1919, %dma_wait3A_1920, %dma_wait3A_1921] : memref<3x32x1024xf32, #tpu.memory_space<vmem>> -> memref<1x32x1024xf32, #tpu.memory_space<vmem>>
    %dma_wait3A_1923 = tpu.memref_squeeze %dma_wait3A_1922 : memref<1x32x1024xf32, #tpu.memory_space<vmem>> -> memref<32x1024xf32, #tpu.memory_space<vmem>>
    %dma_wait3A_1924 = arith.constant 0 : i32
    %dma_wait3A_1925 = tpu.memref_slice %arg6[%dma_wait3A_1918, %dma_wait3A_1924] : memref<32x32xi32, #tpu.memory_space<vmem>> -> memref<1x32xi32, #tpu.memory_space<vmem>>
    %dma_wait3A_1926 = tpu.memref_squeeze %dma_wait3A_1925 : memref<1x32xi32, #tpu.memory_space<vmem>> -> memref<32xi32, #tpu.memory_space<vmem>>
    %dma_wait3A_1927 = arith.constant 0 : i32
    %dma_wait3A_1928 = arith.constant 0 : i32
    %dma_wait3A_1929 = tpu.memref_slice %arg2[%dma_wait3A_1927, %dma_wait3A_1928] : memref<8194x1024xf32, #tpu.memory_space<hbm>> -> memref<8194x1024xf32, #tpu.memory_space<hbm>>
    tpu.wait_indirect_dma semaphore(%arg8 : memref<!tpu.dma_semaphore, #tpu.memory_space<semaphore_mem>>) src(%dma_wait3A_1929 : memref<8194x1024xf32, #tpu.memory_space<hbm>>) dst(%dma_wait3A_1923 : memref<32x1024xf32, #tpu.memory_space<vmem>>)
    %add3A_1930 = arith.constant 224 : i32
    %add3A_1931 = arith.addi %mul3A_2, %add3A_1930 : i32
    %dma_start3A_1932 = arith.constant 1 : i32
    %dma_start3A_1933 = arith.constant 0 : i32
    %dma_start3A_1934 = arith.constant 0 : i32
    %dma_start3A_1935 = tpu.memref_slice %arg7[%dma_start3A_1932, %dma_start3A_1933, %dma_start3A_1934] : memref<3x32x1024xf32, #tpu.memory_space<vmem>> -> memref<1x32x1024xf32, #tpu.memory_space<vmem>>
    %dma_start3A_1936 = tpu.memref_squeeze %dma_start3A_1935 : memref<1x32x1024xf32, #tpu.memory_space<vmem>> -> memref<32x1024xf32, #tpu.memory_space<vmem>>
    %dma_start3A_1937 = arith.constant 0 : i32
    %dma_start3A_1938 = tpu.memref_slice %arg4[%add3A_1931, %dma_start3A_1937] : memref<32768x1024xf32, #tpu.memory_space<hbm>> -> memref<32x1024xf32, #tpu.memory_space<hbm>>
    %dma_start3A_1939 = arith.constant 0 : i32
    %dma_start3A_1940 = tpu.memref_slice %arg4[%add3A_1931, %dma_start3A_1939] : memref<32768x1024xf32, #tpu.memory_space<hbm>> -> memref<32x1024xf32, #tpu.memory_space<hbm>>
    %dma_start3A_1941 = arith.constant 0 : i32
    %dma_start3A_1942 = arith.constant 0 : i32
    %dma_start3A_1943 = tpu.memref_slice %arg7[%dma_start3A_1932, %dma_start3A_1941, %dma_start3A_1942] : memref<3x32x1024xf32, #tpu.memory_space<vmem>> -> memref<1x32x1024xf32, #tpu.memory_space<vmem>>
    %dma_start3A_1944 = tpu.memref_squeeze %dma_start3A_1943 : memref<1x32x1024xf32, #tpu.memory_space<vmem>> -> memref<32x1024xf32, #tpu.memory_space<vmem>>
    tpu.enqueue_dma source(%dma_start3A_1944 : memref<32x1024xf32, #tpu.memory_space<vmem>>) target(%dma_start3A_1940 : memref<32x1024xf32, #tpu.memory_space<hbm>>) target_semaphore(%arg9 : memref<!tpu.dma_semaphore, #tpu.memory_space<semaphore_mem>>)
    %add3A_1945 = arith.constant 192 : i32
    %add3A_1946 = arith.addi %mul3A_2, %add3A_1945 : i32
    %dma_wait3A_1947 = arith.constant 0 : i32
    %dma_wait3A_1948 = arith.constant 0 : i32
    %dma_wait3A_1949 = arith.constant 0 : i32
    %dma_wait3A_1950 = tpu.memref_slice %arg7[%dma_wait3A_1947, %dma_wait3A_1948, %dma_wait3A_1949] : memref<3x32x1024xf32, #tpu.memory_space<vmem>> -> memref<1x32x1024xf32, #tpu.memory_space<vmem>>
    %dma_wait3A_1951 = tpu.memref_squeeze %dma_wait3A_1950 : memref<1x32x1024xf32, #tpu.memory_space<vmem>> -> memref<32x1024xf32, #tpu.memory_space<vmem>>
    %dma_wait3A_1952 = arith.constant 0 : i32
    %dma_wait3A_1953 = tpu.memref_slice %arg4[%add3A_1946, %dma_wait3A_1952] : memref<32768x1024xf32, #tpu.memory_space<hbm>> -> memref<32x1024xf32, #tpu.memory_space<hbm>>
    %dma_wait3A_1954 = arith.constant 0 : i32
    %dma_wait3A_1955 = tpu.memref_slice %arg4[%add3A_1946, %dma_wait3A_1954] : memref<32768x1024xf32, #tpu.memory_space<hbm>> -> memref<32x1024xf32, #tpu.memory_space<hbm>>
    %dma_wait3A_1956 = arith.constant 0 : i32
    %dma_wait3A_1957 = arith.constant 0 : i32
    %dma_wait3A_1958 = tpu.memref_slice %arg7[%dma_wait3A_1947, %dma_wait3A_1956, %dma_wait3A_1957] : memref<3x32x1024xf32, #tpu.memory_space<vmem>> -> memref<1x32x1024xf32, #tpu.memory_space<vmem>>
    %dma_wait3A_1959 = tpu.memref_squeeze %dma_wait3A_1958 : memref<1x32x1024xf32, #tpu.memory_space<vmem>> -> memref<32x1024xf32, #tpu.memory_space<vmem>>
    tpu.wait_dma2 semaphore(%arg9 : memref<!tpu.dma_semaphore, #tpu.memory_space<semaphore_mem>>) src(%dma_wait3A_1959 : memref<32x1024xf32, #tpu.memory_space<vmem>>) dst(%dma_wait3A_1955 : memref<32x1024xf32, #tpu.memory_space<hbm>>)
    %dma_start3A_1960 = arith.constant 9 : i32
    %dma_start3A_1961 = arith.constant 0 : i32
    %dma_start3A_1962 = arith.constant 0 : i32
    %dma_start3A_1963 = arith.constant 0 : i32
    %dma_start3A_1964 = tpu.memref_slice %arg7[%dma_start3A_1961, %dma_start3A_1962, %dma_start3A_1963] : memref<3x32x1024xf32, #tpu.memory_space<vmem>> -> memref<1x32x1024xf32, #tpu.memory_space<vmem>>
    %dma_start3A_1965 = tpu.memref_squeeze %dma_start3A_1964 : memref<1x32x1024xf32, #tpu.memory_space<vmem>> -> memref<32x1024xf32, #tpu.memory_space<vmem>>
    %dma_start3A_1966 = arith.constant 0 : i32
    %dma_start3A_1967 = tpu.memref_slice %arg6[%dma_start3A_1960, %dma_start3A_1966] : memref<32x32xi32, #tpu.memory_space<vmem>> -> memref<1x32xi32, #tpu.memory_space<vmem>>
    %dma_start3A_1968 = tpu.memref_squeeze %dma_start3A_1967 : memref<1x32xi32, #tpu.memory_space<vmem>> -> memref<32xi32, #tpu.memory_space<vmem>>
    %dma_start3A_1969 = arith.constant 0 : i32
    %dma_start3A_1970 = arith.constant 0 : i32
    %dma_start3A_1971 = tpu.memref_slice %arg2[%dma_start3A_1969, %dma_start3A_1970] : memref<8194x1024xf32, #tpu.memory_space<hbm>> -> memref<8194x1024xf32, #tpu.memory_space<hbm>>
    tpu.enqueue_indirect_dma source(%dma_start3A_1971 : memref<8194x1024xf32, #tpu.memory_space<hbm>>) target(%dma_start3A_1965 : memref<32x1024xf32, #tpu.memory_space<vmem>>) offsets(%dma_start3A_1968 : memref<32xi32, #tpu.memory_space<vmem>>) semaphore(%arg8 : memref<!tpu.dma_semaphore, #tpu.memory_space<semaphore_mem>>)
    %dma_wait3A_1972 = arith.constant 8 : i32
    %dma_wait3A_1973 = arith.constant 2 : i32
    %dma_wait3A_1974 = arith.constant 0 : i32
    %dma_wait3A_1975 = arith.constant 0 : i32
    %dma_wait3A_1976 = tpu.memref_slice %arg7[%dma_wait3A_1973, %dma_wait3A_1974, %dma_wait3A_1975] : memref<3x32x1024xf32, #tpu.memory_space<vmem>> -> memref<1x32x1024xf32, #tpu.memory_space<vmem>>
    %dma_wait3A_1977 = tpu.memref_squeeze %dma_wait3A_1976 : memref<1x32x1024xf32, #tpu.memory_space<vmem>> -> memref<32x1024xf32, #tpu.memory_space<vmem>>
    %dma_wait3A_1978 = arith.constant 0 : i32
    %dma_wait3A_1979 = tpu.memref_slice %arg6[%dma_wait3A_1972, %dma_wait3A_1978] : memref<32x32xi32, #tpu.memory_space<vmem>> -> memref<1x32xi32, #tpu.memory_space<vmem>>
    %dma_wait3A_1980 = tpu.memref_squeeze %dma_wait3A_1979 : memref<1x32xi32, #tpu.memory_space<vmem>> -> memref<32xi32, #tpu.memory_space<vmem>>
    %dma_wait3A_1981 = arith.constant 0 : i32
    %dma_wait3A_1982 = arith.constant 0 : i32
    %dma_wait3A_1983 = tpu.memref_slice %arg2[%dma_wait3A_1981, %dma_wait3A_1982] : memref<8194x1024xf32, #tpu.memory_space<hbm>> -> memref<8194x1024xf32, #tpu.memory_space<hbm>>
    tpu.wait_indirect_dma semaphore(%arg8 : memref<!tpu.dma_semaphore, #tpu.memory_space<semaphore_mem>>) src(%dma_wait3A_1983 : memref<8194x1024xf32, #tpu.memory_space<hbm>>) dst(%dma_wait3A_1977 : memref<32x1024xf32, #tpu.memory_space<vmem>>)
    %add3A_1984 = arith.constant 256 : i32
    %add3A_1985 = arith.addi %mul3A_2, %add3A_1984 : i32
    %dma_start3A_1986 = arith.constant 2 : i32
    %dma_start3A_1987 = arith.constant 0 : i32
    %dma_start3A_1988 = arith.constant 0 : i32
    %dma_start3A_1989 = tpu.memref_slice %arg7[%dma_start3A_1986, %dma_start3A_1987, %dma_start3A_1988] : memref<3x32x1024xf32, #tpu.memory_space<vmem>> -> memref<1x32x1024xf32, #tpu.memory_space<vmem>>
    %dma_start3A_1990 = tpu.memref_squeeze %dma_start3A_1989 : memref<1x32x1024xf32, #tpu.memory_space<vmem>> -> memref<32x1024xf32, #tpu.memory_space<vmem>>
    %dma_start3A_1991 = arith.constant 0 : i32
    %dma_start3A_1992 = tpu.memref_slice %arg4[%add3A_1985, %dma_start3A_1991] : memref<32768x1024xf32, #tpu.memory_space<hbm>> -> memref<32x1024xf32, #tpu.memory_space<hbm>>
    %dma_start3A_1993 = arith.constant 0 : i32
    %dma_start3A_1994 = tpu.memref_slice %arg4[%add3A_1985, %dma_start3A_1993] : memref<32768x1024xf32, #tpu.memory_space<hbm>> -> memref<32x1024xf32, #tpu.memory_space<hbm>>
    %dma_start3A_1995 = arith.constant 0 : i32
    %dma_start3A_1996 = arith.constant 0 : i32
    %dma_start3A_1997 = tpu.memref_slice %arg7[%dma_start3A_1986, %dma_start3A_1995, %dma_start3A_1996] : memref<3x32x1024xf32, #tpu.memory_space<vmem>> -> memref<1x32x1024xf32, #tpu.memory_space<vmem>>
    %dma_start3A_1998 = tpu.memref_squeeze %dma_start3A_1997 : memref<1x32x1024xf32, #tpu.memory_space<vmem>> -> memref<32x1024xf32, #tpu.memory_space<vmem>>
    tpu.enqueue_dma source(%dma_start3A_1998 : memref<32x1024xf32, #tpu.memory_space<vmem>>) target(%dma_start3A_1994 : memref<32x1024xf32, #tpu.memory_space<hbm>>) target_semaphore(%arg9 : memref<!tpu.dma_semaphore, #tpu.memory_space<semaphore_mem>>)
    %add3A_1999 = arith.constant 224 : i32
    %add3A_2000 = arith.addi %mul3A_2, %add3A_1999 : i32
    %dma_wait3A_2001 = arith.constant 1 : i32
    %dma_wait3A_2002 = arith.constant 0 : i32
    %dma_wait3A_2003 = arith.constant 0 : i32
    %dma_wait3A_2004 = tpu.memref_slice %arg7[%dma_wait3A_2001, %dma_wait3A_2002, %dma_wait3A_2003] : memref<3x32x1024xf32, #tpu.memory_space<vmem>> -> memref<1x32x1024xf32, #tpu.memory_space<vmem>>
    %dma_wait3A_2005 = tpu.memref_squeeze %dma_wait3A_2004 : memref<1x32x1024xf32, #tpu.memory_space<vmem>> -> memref<32x1024xf32, #tpu.memory_space<vmem>>
    %dma_wait3A_2006 = arith.constant 0 : i32
    %dma_wait3A_2007 = tpu.memref_slice %arg4[%add3A_2000, %dma_wait3A_2006] : memref<32768x1024xf32, #tpu.memory_space<hbm>> -> memref<32x1024xf32, #tpu.memory_space<hbm>>
    %dma_wait3A_2008 = arith.constant 0 : i32
    %dma_wait3A_2009 = tpu.memref_slice %arg4[%add3A_2000, %dma_wait3A_2008] : memref<32768x1024xf32, #tpu.memory_space<hbm>> -> memref<32x1024xf32, #tpu.memory_space<hbm>>
    %dma_wait3A_2010 = arith.constant 0 : i32
    %dma_wait3A_2011 = arith.constant 0 : i32
    %dma_wait3A_2012 = tpu.memref_slice %arg7[%dma_wait3A_2001, %dma_wait3A_2010, %dma_wait3A_2011] : memref<3x32x1024xf32, #tpu.memory_space<vmem>> -> memref<1x32x1024xf32, #tpu.memory_space<vmem>>
    %dma_wait3A_2013 = tpu.memref_squeeze %dma_wait3A_2012 : memref<1x32x1024xf32, #tpu.memory_space<vmem>> -> memref<32x1024xf32, #tpu.memory_space<vmem>>
    tpu.wait_dma2 semaphore(%arg9 : memref<!tpu.dma_semaphore, #tpu.memory_space<semaphore_mem>>) src(%dma_wait3A_2013 : memref<32x1024xf32, #tpu.memory_space<vmem>>) dst(%dma_wait3A_2009 : memref<32x1024xf32, #tpu.memory_space<hbm>>)
    %dma_start3A_2014 = arith.constant 10 : i32
    %dma_start3A_2015 = arith.constant 1 : i32
    %dma_start3A_2016 = arith.constant 0 : i32
    %dma_start3A_2017 = arith.constant 0 : i32
    %dma_start3A_2018 = tpu.memref_slice %arg7[%dma_start3A_2015, %dma_start3A_2016, %dma_start3A_2017] : memref<3x32x1024xf32, #tpu.memory_space<vmem>> -> memref<1x32x1024xf32, #tpu.memory_space<vmem>>
    %dma_start3A_2019 = tpu.memref_squeeze %dma_start3A_2018 : memref<1x32x1024xf32, #tpu.memory_space<vmem>> -> memref<32x1024xf32, #tpu.memory_space<vmem>>
    %dma_start3A_2020 = arith.constant 0 : i32
    %dma_start3A_2021 = tpu.memref_slice %arg6[%dma_start3A_2014, %dma_start3A_2020] : memref<32x32xi32, #tpu.memory_space<vmem>> -> memref<1x32xi32, #tpu.memory_space<vmem>>
    %dma_start3A_2022 = tpu.memref_squeeze %dma_start3A_2021 : memref<1x32xi32, #tpu.memory_space<vmem>> -> memref<32xi32, #tpu.memory_space<vmem>>
    %dma_start3A_2023 = arith.constant 0 : i32
    %dma_start3A_2024 = arith.constant 0 : i32
    %dma_start3A_2025 = tpu.memref_slice %arg2[%dma_start3A_2023, %dma_start3A_2024] : memref<8194x1024xf32, #tpu.memory_space<hbm>> -> memref<8194x1024xf32, #tpu.memory_space<hbm>>
    tpu.enqueue_indirect_dma source(%dma_start3A_2025 : memref<8194x1024xf32, #tpu.memory_space<hbm>>) target(%dma_start3A_2019 : memref<32x1024xf32, #tpu.memory_space<vmem>>) offsets(%dma_start3A_2022 : memref<32xi32, #tpu.memory_space<vmem>>) semaphore(%arg8 : memref<!tpu.dma_semaphore, #tpu.memory_space<semaphore_mem>>)
    %dma_wait3A_2026 = arith.constant 9 : i32
    %dma_wait3A_2027 = arith.constant 0 : i32
    %dma_wait3A_2028 = arith.constant 0 : i32
    %dma_wait3A_2029 = arith.constant 0 : i32
    %dma_wait3A_2030 = tpu.memref_slice %arg7[%dma_wait3A_2027, %dma_wait3A_2028, %dma_wait3A_2029] : memref<3x32x1024xf32, #tpu.memory_space<vmem>> -> memref<1x32x1024xf32, #tpu.memory_space<vmem>>
    %dma_wait3A_2031 = tpu.memref_squeeze %dma_wait3A_2030 : memref<1x32x1024xf32, #tpu.memory_space<vmem>> -> memref<32x1024xf32, #tpu.memory_space<vmem>>
    %dma_wait3A_2032 = arith.constant 0 : i32
    %dma_wait3A_2033 = tpu.memref_slice %arg6[%dma_wait3A_2026, %dma_wait3A_2032] : memref<32x32xi32, #tpu.memory_space<vmem>> -> memref<1x32xi32, #tpu.memory_space<vmem>>
    %dma_wait3A_2034 = tpu.memref_squeeze %dma_wait3A_2033 : memref<1x32xi32, #tpu.memory_space<vmem>> -> memref<32xi32, #tpu.memory_space<vmem>>
    %dma_wait3A_2035 = arith.constant 0 : i32
    %dma_wait3A_2036 = arith.constant 0 : i32
    %dma_wait3A_2037 = tpu.memref_slice %arg2[%dma_wait3A_2035, %dma_wait3A_2036] : memref<8194x1024xf32, #tpu.memory_space<hbm>> -> memref<8194x1024xf32, #tpu.memory_space<hbm>>
    tpu.wait_indirect_dma semaphore(%arg8 : memref<!tpu.dma_semaphore, #tpu.memory_space<semaphore_mem>>) src(%dma_wait3A_2037 : memref<8194x1024xf32, #tpu.memory_space<hbm>>) dst(%dma_wait3A_2031 : memref<32x1024xf32, #tpu.memory_space<vmem>>)
    %add3A_2038 = arith.constant 288 : i32
    %add3A_2039 = arith.addi %mul3A_2, %add3A_2038 : i32
    %dma_start3A_2040 = arith.constant 0 : i32
    %dma_start3A_2041 = arith.constant 0 : i32
    %dma_start3A_2042 = arith.constant 0 : i32
    %dma_start3A_2043 = tpu.memref_slice %arg7[%dma_start3A_2040, %dma_start3A_2041, %dma_start3A_2042] : memref<3x32x1024xf32, #tpu.memory_space<vmem>> -> memref<1x32x1024xf32, #tpu.memory_space<vmem>>
    %dma_start3A_2044 = tpu.memref_squeeze %dma_start3A_2043 : memref<1x32x1024xf32, #tpu.memory_space<vmem>> -> memref<32x1024xf32, #tpu.memory_space<vmem>>
    %dma_start3A_2045 = arith.constant 0 : i32
    %dma_start3A_2046 = tpu.memref_slice %arg4[%add3A_2039, %dma_start3A_2045] : memref<32768x1024xf32, #tpu.memory_space<hbm>> -> memref<32x1024xf32, #tpu.memory_space<hbm>>
    %dma_start3A_2047 = arith.constant 0 : i32
    %dma_start3A_2048 = tpu.memref_slice %arg4[%add3A_2039, %dma_start3A_2047] : memref<32768x1024xf32, #tpu.memory_space<hbm>> -> memref<32x1024xf32, #tpu.memory_space<hbm>>
    %dma_start3A_2049 = arith.constant 0 : i32
    %dma_start3A_2050 = arith.constant 0 : i32
    %dma_start3A_2051 = tpu.memref_slice %arg7[%dma_start3A_2040, %dma_start3A_2049, %dma_start3A_2050] : memref<3x32x1024xf32, #tpu.memory_space<vmem>> -> memref<1x32x1024xf32, #tpu.memory_space<vmem>>
    %dma_start3A_2052 = tpu.memref_squeeze %dma_start3A_2051 : memref<1x32x1024xf32, #tpu.memory_space<vmem>> -> memref<32x1024xf32, #tpu.memory_space<vmem>>
    tpu.enqueue_dma source(%dma_start3A_2052 : memref<32x1024xf32, #tpu.memory_space<vmem>>) target(%dma_start3A_2048 : memref<32x1024xf32, #tpu.memory_space<hbm>>) target_semaphore(%arg9 : memref<!tpu.dma_semaphore, #tpu.memory_space<semaphore_mem>>)
    %add3A_2053 = arith.constant 256 : i32
    %add3A_2054 = arith.addi %mul3A_2, %add3A_2053 : i32
    %dma_wait3A_2055 = arith.constant 2 : i32
    %dma_wait3A_2056 = arith.constant 0 : i32
    %dma_wait3A_2057 = arith.constant 0 : i32
    %dma_wait3A_2058 = tpu.memref_slice %arg7[%dma_wait3A_2055, %dma_wait3A_2056, %dma_wait3A_2057] : memref<3x32x1024xf32, #tpu.memory_space<vmem>> -> memref<1x32x1024xf32, #tpu.memory_space<vmem>>
    %dma_wait3A_2059 = tpu.memref_squeeze %dma_wait3A_2058 : memref<1x32x1024xf32, #tpu.memory_space<vmem>> -> memref<32x1024xf32, #tpu.memory_space<vmem>>
    %dma_wait3A_2060 = arith.constant 0 : i32
    %dma_wait3A_2061 = tpu.memref_slice %arg4[%add3A_2054, %dma_wait3A_2060] : memref<32768x1024xf32, #tpu.memory_space<hbm>> -> memref<32x1024xf32, #tpu.memory_space<hbm>>
    %dma_wait3A_2062 = arith.constant 0 : i32
    %dma_wait3A_2063 = tpu.memref_slice %arg4[%add3A_2054, %dma_wait3A_2062] : memref<32768x1024xf32, #tpu.memory_space<hbm>> -> memref<32x1024xf32, #tpu.memory_space<hbm>>
    %dma_wait3A_2064 = arith.constant 0 : i32
    %dma_wait3A_2065 = arith.constant 0 : i32
    %dma_wait3A_2066 = tpu.memref_slice %arg7[%dma_wait3A_2055, %dma_wait3A_2064, %dma_wait3A_2065] : memref<3x32x1024xf32, #tpu.memory_space<vmem>> -> memref<1x32x1024xf32, #tpu.memory_space<vmem>>
    %dma_wait3A_2067 = tpu.memref_squeeze %dma_wait3A_2066 : memref<1x32x1024xf32, #tpu.memory_space<vmem>> -> memref<32x1024xf32, #tpu.memory_space<vmem>>
    tpu.wait_dma2 semaphore(%arg9 : memref<!tpu.dma_semaphore, #tpu.memory_space<semaphore_mem>>) src(%dma_wait3A_2067 : memref<32x1024xf32, #tpu.memory_space<vmem>>) dst(%dma_wait3A_2063 : memref<32x1024xf32, #tpu.memory_space<hbm>>)
    %dma_start3A_2068 = arith.constant 11 : i32
    %dma_start3A_2069 = arith.constant 2 : i32
    %dma_start3A_2070 = arith.constant 0 : i32
    %dma_start3A_2071 = arith.constant 0 : i32
    %dma_start3A_2072 = tpu.memref_slice %arg7[%dma_start3A_2069, %dma_start3A_2070, %dma_start3A_2071] : memref<3x32x1024xf32, #tpu.memory_space<vmem>> -> memref<1x32x1024xf32, #tpu.memory_space<vmem>>
    %dma_start3A_2073 = tpu.memref_squeeze %dma_start3A_2072 : memref<1x32x1024xf32, #tpu.memory_space<vmem>> -> memref<32x1024xf32, #tpu.memory_space<vmem>>
    %dma_start3A_2074 = arith.constant 0 : i32
    %dma_start3A_2075 = tpu.memref_slice %arg6[%dma_start3A_2068, %dma_start3A_2074] : memref<32x32xi32, #tpu.memory_space<vmem>> -> memref<1x32xi32, #tpu.memory_space<vmem>>
    %dma_start3A_2076 = tpu.memref_squeeze %dma_start3A_2075 : memref<1x32xi32, #tpu.memory_space<vmem>> -> memref<32xi32, #tpu.memory_space<vmem>>
    %dma_start3A_2077 = arith.constant 0 : i32
    %dma_start3A_2078 = arith.constant 0 : i32
    %dma_start3A_2079 = tpu.memref_slice %arg2[%dma_start3A_2077, %dma_start3A_2078] : memref<8194x1024xf32, #tpu.memory_space<hbm>> -> memref<8194x1024xf32, #tpu.memory_space<hbm>>
    tpu.enqueue_indirect_dma source(%dma_start3A_2079 : memref<8194x1024xf32, #tpu.memory_space<hbm>>) target(%dma_start3A_2073 : memref<32x1024xf32, #tpu.memory_space<vmem>>) offsets(%dma_start3A_2076 : memref<32xi32, #tpu.memory_space<vmem>>) semaphore(%arg8 : memref<!tpu.dma_semaphore, #tpu.memory_space<semaphore_mem>>)
    %dma_wait3A_2080 = arith.constant 10 : i32
    %dma_wait3A_2081 = arith.constant 1 : i32
    %dma_wait3A_2082 = arith.constant 0 : i32
    %dma_wait3A_2083 = arith.constant 0 : i32
    %dma_wait3A_2084 = tpu.memref_slice %arg7[%dma_wait3A_2081, %dma_wait3A_2082, %dma_wait3A_2083] : memref<3x32x1024xf32, #tpu.memory_space<vmem>> -> memref<1x32x1024xf32, #tpu.memory_space<vmem>>
    %dma_wait3A_2085 = tpu.memref_squeeze %dma_wait3A_2084 : memref<1x32x1024xf32, #tpu.memory_space<vmem>> -> memref<32x1024xf32, #tpu.memory_space<vmem>>
    %dma_wait3A_2086 = arith.constant 0 : i32
    %dma_wait3A_2087 = tpu.memref_slice %arg6[%dma_wait3A_2080, %dma_wait3A_2086] : memref<32x32xi32, #tpu.memory_space<vmem>> -> memref<1x32xi32, #tpu.memory_space<vmem>>
    %dma_wait3A_2088 = tpu.memref_squeeze %dma_wait3A_2087 : memref<1x32xi32, #tpu.memory_space<vmem>> -> memref<32xi32, #tpu.memory_space<vmem>>
    %dma_wait3A_2089 = arith.constant 0 : i32
    %dma_wait3A_2090 = arith.constant 0 : i32
    %dma_wait3A_2091 = tpu.memref_slice %arg2[%dma_wait3A_2089, %dma_wait3A_2090] : memref<8194x1024xf32, #tpu.memory_space<hbm>> -> memref<8194x1024xf32, #tpu.memory_space<hbm>>
    tpu.wait_indirect_dma semaphore(%arg8 : memref<!tpu.dma_semaphore, #tpu.memory_space<semaphore_mem>>) src(%dma_wait3A_2091 : memref<8194x1024xf32, #tpu.memory_space<hbm>>) dst(%dma_wait3A_2085 : memref<32x1024xf32, #tpu.memory_space<vmem>>)
    %add3A_2092 = arith.constant 320 : i32
    %add3A_2093 = arith.addi %mul3A_2, %add3A_2092 : i32
    %dma_start3A_2094 = arith.constant 1 : i32
    %dma_start3A_2095 = arith.constant 0 : i32
    %dma_start3A_2096 = arith.constant 0 : i32
    %dma_start3A_2097 = tpu.memref_slice %arg7[%dma_start3A_2094, %dma_start3A_2095, %dma_start3A_2096] : memref<3x32x1024xf32, #tpu.memory_space<vmem>> -> memref<1x32x1024xf32, #tpu.memory_space<vmem>>
    %dma_start3A_2098 = tpu.memref_squeeze %dma_start3A_2097 : memref<1x32x1024xf32, #tpu.memory_space<vmem>> -> memref<32x1024xf32, #tpu.memory_space<vmem>>
    %dma_start3A_2099 = arith.constant 0 : i32
    %dma_start3A_2100 = tpu.memref_slice %arg4[%add3A_2093, %dma_start3A_2099] : memref<32768x1024xf32, #tpu.memory_space<hbm>> -> memref<32x1024xf32, #tpu.memory_space<hbm>>
    %dma_start3A_2101 = arith.constant 0 : i32
    %dma_start3A_2102 = tpu.memref_slice %arg4[%add3A_2093, %dma_start3A_2101] : memref<32768x1024xf32, #tpu.memory_space<hbm>> -> memref<32x1024xf32, #tpu.memory_space<hbm>>
    %dma_start3A_2103 = arith.constant 0 : i32
    %dma_start3A_2104 = arith.constant 0 : i32
    %dma_start3A_2105 = tpu.memref_slice %arg7[%dma_start3A_2094, %dma_start3A_2103, %dma_start3A_2104] : memref<3x32x1024xf32, #tpu.memory_space<vmem>> -> memref<1x32x1024xf32, #tpu.memory_space<vmem>>
    %dma_start3A_2106 = tpu.memref_squeeze %dma_start3A_2105 : memref<1x32x1024xf32, #tpu.memory_space<vmem>> -> memref<32x1024xf32, #tpu.memory_space<vmem>>
    tpu.enqueue_dma source(%dma_start3A_2106 : memref<32x1024xf32, #tpu.memory_space<vmem>>) target(%dma_start3A_2102 : memref<32x1024xf32, #tpu.memory_space<hbm>>) target_semaphore(%arg9 : memref<!tpu.dma_semaphore, #tpu.memory_space<semaphore_mem>>)
    %add3A_2107 = arith.constant 288 : i32
    %add3A_2108 = arith.addi %mul3A_2, %add3A_2107 : i32
    %dma_wait3A_2109 = arith.constant 0 : i32
    %dma_wait3A_2110 = arith.constant 0 : i32
    %dma_wait3A_2111 = arith.constant 0 : i32
    %dma_wait3A_2112 = tpu.memref_slice %arg7[%dma_wait3A_2109, %dma_wait3A_2110, %dma_wait3A_2111] : memref<3x32x1024xf32, #tpu.memory_space<vmem>> -> memref<1x32x1024xf32, #tpu.memory_space<vmem>>
    %dma_wait3A_2113 = tpu.memref_squeeze %dma_wait3A_2112 : memref<1x32x1024xf32, #tpu.memory_space<vmem>> -> memref<32x1024xf32, #tpu.memory_space<vmem>>
    %dma_wait3A_2114 = arith.constant 0 : i32
    %dma_wait3A_2115 = tpu.memref_slice %arg4[%add3A_2108, %dma_wait3A_2114] : memref<32768x1024xf32, #tpu.memory_space<hbm>> -> memref<32x1024xf32, #tpu.memory_space<hbm>>
    %dma_wait3A_2116 = arith.constant 0 : i32
    %dma_wait3A_2117 = tpu.memref_slice %arg4[%add3A_2108, %dma_wait3A_2116] : memref<32768x1024xf32, #tpu.memory_space<hbm>> -> memref<32x1024xf32, #tpu.memory_space<hbm>>
    %dma_wait3A_2118 = arith.constant 0 : i32
    %dma_wait3A_2119 = arith.constant 0 : i32
    %dma_wait3A_2120 = tpu.memref_slice %arg7[%dma_wait3A_2109, %dma_wait3A_2118, %dma_wait3A_2119] : memref<3x32x1024xf32, #tpu.memory_space<vmem>> -> memref<1x32x1024xf32, #tpu.memory_space<vmem>>
    %dma_wait3A_2121 = tpu.memref_squeeze %dma_wait3A_2120 : memref<1x32x1024xf32, #tpu.memory_space<vmem>> -> memref<32x1024xf32, #tpu.memory_space<vmem>>
    tpu.wait_dma2 semaphore(%arg9 : memref<!tpu.dma_semaphore, #tpu.memory_space<semaphore_mem>>) src(%dma_wait3A_2121 : memref<32x1024xf32, #tpu.memory_space<vmem>>) dst(%dma_wait3A_2117 : memref<32x1024xf32, #tpu.memory_space<hbm>>)
    %dma_start3A_2122 = arith.constant 12 : i32
    %dma_start3A_2123 = arith.constant 0 : i32
    %dma_start3A_2124 = arith.constant 0 : i32
    %dma_start3A_2125 = arith.constant 0 : i32
    %dma_start3A_2126 = tpu.memref_slice %arg7[%dma_start3A_2123, %dma_start3A_2124, %dma_start3A_2125] : memref<3x32x1024xf32, #tpu.memory_space<vmem>> -> memref<1x32x1024xf32, #tpu.memory_space<vmem>>
    %dma_start3A_2127 = tpu.memref_squeeze %dma_start3A_2126 : memref<1x32x1024xf32, #tpu.memory_space<vmem>> -> memref<32x1024xf32, #tpu.memory_space<vmem>>
    %dma_start3A_2128 = arith.constant 0 : i32
    %dma_start3A_2129 = tpu.memref_slice %arg6[%dma_start3A_2122, %dma_start3A_2128] : memref<32x32xi32, #tpu.memory_space<vmem>> -> memref<1x32xi32, #tpu.memory_space<vmem>>
    %dma_start3A_2130 = tpu.memref_squeeze %dma_start3A_2129 : memref<1x32xi32, #tpu.memory_space<vmem>> -> memref<32xi32, #tpu.memory_space<vmem>>
    %dma_start3A_2131 = arith.constant 0 : i32
    %dma_start3A_2132 = arith.constant 0 : i32
    %dma_start3A_2133 = tpu.memref_slice %arg2[%dma_start3A_2131, %dma_start3A_2132] : memref<8194x1024xf32, #tpu.memory_space<hbm>> -> memref<8194x1024xf32, #tpu.memory_space<hbm>>
    tpu.enqueue_indirect_dma source(%dma_start3A_2133 : memref<8194x1024xf32, #tpu.memory_space<hbm>>) target(%dma_start3A_2127 : memref<32x1024xf32, #tpu.memory_space<vmem>>) offsets(%dma_start3A_2130 : memref<32xi32, #tpu.memory_space<vmem>>) semaphore(%arg8 : memref<!tpu.dma_semaphore, #tpu.memory_space<semaphore_mem>>)
    %dma_wait3A_2134 = arith.constant 11 : i32
    %dma_wait3A_2135 = arith.constant 2 : i32
    %dma_wait3A_2136 = arith.constant 0 : i32
    %dma_wait3A_2137 = arith.constant 0 : i32
    %dma_wait3A_2138 = tpu.memref_slice %arg7[%dma_wait3A_2135, %dma_wait3A_2136, %dma_wait3A_2137] : memref<3x32x1024xf32, #tpu.memory_space<vmem>> -> memref<1x32x1024xf32, #tpu.memory_space<vmem>>
    %dma_wait3A_2139 = tpu.memref_squeeze %dma_wait3A_2138 : memref<1x32x1024xf32, #tpu.memory_space<vmem>> -> memref<32x1024xf32, #tpu.memory_space<vmem>>
    %dma_wait3A_2140 = arith.constant 0 : i32
    %dma_wait3A_2141 = tpu.memref_slice %arg6[%dma_wait3A_2134, %dma_wait3A_2140] : memref<32x32xi32, #tpu.memory_space<vmem>> -> memref<1x32xi32, #tpu.memory_space<vmem>>
    %dma_wait3A_2142 = tpu.memref_squeeze %dma_wait3A_2141 : memref<1x32xi32, #tpu.memory_space<vmem>> -> memref<32xi32, #tpu.memory_space<vmem>>
    %dma_wait3A_2143 = arith.constant 0 : i32
    %dma_wait3A_2144 = arith.constant 0 : i32
    %dma_wait3A_2145 = tpu.memref_slice %arg2[%dma_wait3A_2143, %dma_wait3A_2144] : memref<8194x1024xf32, #tpu.memory_space<hbm>> -> memref<8194x1024xf32, #tpu.memory_space<hbm>>
    tpu.wait_indirect_dma semaphore(%arg8 : memref<!tpu.dma_semaphore, #tpu.memory_space<semaphore_mem>>) src(%dma_wait3A_2145 : memref<8194x1024xf32, #tpu.memory_space<hbm>>) dst(%dma_wait3A_2139 : memref<32x1024xf32, #tpu.memory_space<vmem>>)
    %add3A_2146 = arith.constant 352 : i32
    %add3A_2147 = arith.addi %mul3A_2, %add3A_2146 : i32
    %dma_start3A_2148 = arith.constant 2 : i32
    %dma_start3A_2149 = arith.constant 0 : i32
    %dma_start3A_2150 = arith.constant 0 : i32
    %dma_start3A_2151 = tpu.memref_slice %arg7[%dma_start3A_2148, %dma_start3A_2149, %dma_start3A_2150] : memref<3x32x1024xf32, #tpu.memory_space<vmem>> -> memref<1x32x1024xf32, #tpu.memory_space<vmem>>
    %dma_start3A_2152 = tpu.memref_squeeze %dma_start3A_2151 : memref<1x32x1024xf32, #tpu.memory_space<vmem>> -> memref<32x1024xf32, #tpu.memory_space<vmem>>
    %dma_start3A_2153 = arith.constant 0 : i32
    %dma_start3A_2154 = tpu.memref_slice %arg4[%add3A_2147, %dma_start3A_2153] : memref<32768x1024xf32, #tpu.memory_space<hbm>> -> memref<32x1024xf32, #tpu.memory_space<hbm>>
    %dma_start3A_2155 = arith.constant 0 : i32
    %dma_start3A_2156 = tpu.memref_slice %arg4[%add3A_2147, %dma_start3A_2155] : memref<32768x1024xf32, #tpu.memory_space<hbm>> -> memref<32x1024xf32, #tpu.memory_space<hbm>>
    %dma_start3A_2157 = arith.constant 0 : i32
    %dma_start3A_2158 = arith.constant 0 : i32
    %dma_start3A_2159 = tpu.memref_slice %arg7[%dma_start3A_2148, %dma_start3A_2157, %dma_start3A_2158] : memref<3x32x1024xf32, #tpu.memory_space<vmem>> -> memref<1x32x1024xf32, #tpu.memory_space<vmem>>
    %dma_start3A_2160 = tpu.memref_squeeze %dma_start3A_2159 : memref<1x32x1024xf32, #tpu.memory_space<vmem>> -> memref<32x1024xf32, #tpu.memory_space<vmem>>
    tpu.enqueue_dma source(%dma_start3A_2160 : memref<32x1024xf32, #tpu.memory_space<vmem>>) target(%dma_start3A_2156 : memref<32x1024xf32, #tpu.memory_space<hbm>>) target_semaphore(%arg9 : memref<!tpu.dma_semaphore, #tpu.memory_space<semaphore_mem>>)
    %add3A_2161 = arith.constant 320 : i32
    %add3A_2162 = arith.addi %mul3A_2, %add3A_2161 : i32
    %dma_wait3A_2163 = arith.constant 1 : i32
    %dma_wait3A_2164 = arith.constant 0 : i32
    %dma_wait3A_2165 = arith.constant 0 : i32
    %dma_wait3A_2166 = tpu.memref_slice %arg7[%dma_wait3A_2163, %dma_wait3A_2164, %dma_wait3A_2165] : memref<3x32x1024xf32, #tpu.memory_space<vmem>> -> memref<1x32x1024xf32, #tpu.memory_space<vmem>>
    %dma_wait3A_2167 = tpu.memref_squeeze %dma_wait3A_2166 : memref<1x32x1024xf32, #tpu.memory_space<vmem>> -> memref<32x1024xf32, #tpu.memory_space<vmem>>
    %dma_wait3A_2168 = arith.constant 0 : i32
    %dma_wait3A_2169 = tpu.memref_slice %arg4[%add3A_2162, %dma_wait3A_2168] : memref<32768x1024xf32, #tpu.memory_space<hbm>> -> memref<32x1024xf32, #tpu.memory_space<hbm>>
    %dma_wait3A_2170 = arith.constant 0 : i32
    %dma_wait3A_2171 = tpu.memref_slice %arg4[%add3A_2162, %dma_wait3A_2170] : memref<32768x1024xf32, #tpu.memory_space<hbm>> -> memref<32x1024xf32, #tpu.memory_space<hbm>>
    %dma_wait3A_2172 = arith.constant 0 : i32
    %dma_wait3A_2173 = arith.constant 0 : i32
    %dma_wait3A_2174 = tpu.memref_slice %arg7[%dma_wait3A_2163, %dma_wait3A_2172, %dma_wait3A_2173] : memref<3x32x1024xf32, #tpu.memory_space<vmem>> -> memref<1x32x1024xf32, #tpu.memory_space<vmem>>
    %dma_wait3A_2175 = tpu.memref_squeeze %dma_wait3A_2174 : memref<1x32x1024xf32, #tpu.memory_space<vmem>> -> memref<32x1024xf32, #tpu.memory_space<vmem>>
    tpu.wait_dma2 semaphore(%arg9 : memref<!tpu.dma_semaphore, #tpu.memory_space<semaphore_mem>>) src(%dma_wait3A_2175 : memref<32x1024xf32, #tpu.memory_space<vmem>>) dst(%dma_wait3A_2171 : memref<32x1024xf32, #tpu.memory_space<hbm>>)
    %dma_start3A_2176 = arith.constant 13 : i32
    %dma_start3A_2177 = arith.constant 1 : i32
    %dma_start3A_2178 = arith.constant 0 : i32
    %dma_start3A_2179 = arith.constant 0 : i32
    %dma_start3A_2180 = tpu.memref_slice %arg7[%dma_start3A_2177, %dma_start3A_2178, %dma_start3A_2179] : memref<3x32x1024xf32, #tpu.memory_space<vmem>> -> memref<1x32x1024xf32, #tpu.memory_space<vmem>>
    %dma_start3A_2181 = tpu.memref_squeeze %dma_start3A_2180 : memref<1x32x1024xf32, #tpu.memory_space<vmem>> -> memref<32x1024xf32, #tpu.memory_space<vmem>>
    %dma_start3A_2182 = arith.constant 0 : i32
    %dma_start3A_2183 = tpu.memref_slice %arg6[%dma_start3A_2176, %dma_start3A_2182] : memref<32x32xi32, #tpu.memory_space<vmem>> -> memref<1x32xi32, #tpu.memory_space<vmem>>
    %dma_start3A_2184 = tpu.memref_squeeze %dma_start3A_2183 : memref<1x32xi32, #tpu.memory_space<vmem>> -> memref<32xi32, #tpu.memory_space<vmem>>
    %dma_start3A_2185 = arith.constant 0 : i32
    %dma_start3A_2186 = arith.constant 0 : i32
    %dma_start3A_2187 = tpu.memref_slice %arg2[%dma_start3A_2185, %dma_start3A_2186] : memref<8194x1024xf32, #tpu.memory_space<hbm>> -> memref<8194x1024xf32, #tpu.memory_space<hbm>>
    tpu.enqueue_indirect_dma source(%dma_start3A_2187 : memref<8194x1024xf32, #tpu.memory_space<hbm>>) target(%dma_start3A_2181 : memref<32x1024xf32, #tpu.memory_space<vmem>>) offsets(%dma_start3A_2184 : memref<32xi32, #tpu.memory_space<vmem>>) semaphore(%arg8 : memref<!tpu.dma_semaphore, #tpu.memory_space<semaphore_mem>>)
    %dma_wait3A_2188 = arith.constant 12 : i32
    %dma_wait3A_2189 = arith.constant 0 : i32
    %dma_wait3A_2190 = arith.constant 0 : i32
    %dma_wait3A_2191 = arith.constant 0 : i32
    %dma_wait3A_2192 = tpu.memref_slice %arg7[%dma_wait3A_2189, %dma_wait3A_2190, %dma_wait3A_2191] : memref<3x32x1024xf32, #tpu.memory_space<vmem>> -> memref<1x32x1024xf32, #tpu.memory_space<vmem>>
    %dma_wait3A_2193 = tpu.memref_squeeze %dma_wait3A_2192 : memref<1x32x1024xf32, #tpu.memory_space<vmem>> -> memref<32x1024xf32, #tpu.memory_space<vmem>>
    %dma_wait3A_2194 = arith.constant 0 : i32
    %dma_wait3A_2195 = tpu.memref_slice %arg6[%dma_wait3A_2188, %dma_wait3A_2194] : memref<32x32xi32, #tpu.memory_space<vmem>> -> memref<1x32xi32, #tpu.memory_space<vmem>>
    %dma_wait3A_2196 = tpu.memref_squeeze %dma_wait3A_2195 : memref<1x32xi32, #tpu.memory_space<vmem>> -> memref<32xi32, #tpu.memory_space<vmem>>
    %dma_wait3A_2197 = arith.constant 0 : i32
    %dma_wait3A_2198 = arith.constant 0 : i32
    %dma_wait3A_2199 = tpu.memref_slice %arg2[%dma_wait3A_2197, %dma_wait3A_2198] : memref<8194x1024xf32, #tpu.memory_space<hbm>> -> memref<8194x1024xf32, #tpu.memory_space<hbm>>
    tpu.wait_indirect_dma semaphore(%arg8 : memref<!tpu.dma_semaphore, #tpu.memory_space<semaphore_mem>>) src(%dma_wait3A_2199 : memref<8194x1024xf32, #tpu.memory_space<hbm>>) dst(%dma_wait3A_2193 : memref<32x1024xf32, #tpu.memory_space<vmem>>)
    %add3A_2200 = arith.constant 384 : i32
    %add3A_2201 = arith.addi %mul3A_2, %add3A_2200 : i32
    %dma_start3A_2202 = arith.constant 0 : i32
    %dma_start3A_2203 = arith.constant 0 : i32
    %dma_start3A_2204 = arith.constant 0 : i32
    %dma_start3A_2205 = tpu.memref_slice %arg7[%dma_start3A_2202, %dma_start3A_2203, %dma_start3A_2204] : memref<3x32x1024xf32, #tpu.memory_space<vmem>> -> memref<1x32x1024xf32, #tpu.memory_space<vmem>>
    %dma_start3A_2206 = tpu.memref_squeeze %dma_start3A_2205 : memref<1x32x1024xf32, #tpu.memory_space<vmem>> -> memref<32x1024xf32, #tpu.memory_space<vmem>>
    %dma_start3A_2207 = arith.constant 0 : i32
    %dma_start3A_2208 = tpu.memref_slice %arg4[%add3A_2201, %dma_start3A_2207] : memref<32768x1024xf32, #tpu.memory_space<hbm>> -> memref<32x1024xf32, #tpu.memory_space<hbm>>
    %dma_start3A_2209 = arith.constant 0 : i32
    %dma_start3A_2210 = tpu.memref_slice %arg4[%add3A_2201, %dma_start3A_2209] : memref<32768x1024xf32, #tpu.memory_space<hbm>> -> memref<32x1024xf32, #tpu.memory_space<hbm>>
    %dma_start3A_2211 = arith.constant 0 : i32
    %dma_start3A_2212 = arith.constant 0 : i32
    %dma_start3A_2213 = tpu.memref_slice %arg7[%dma_start3A_2202, %dma_start3A_2211, %dma_start3A_2212] : memref<3x32x1024xf32, #tpu.memory_space<vmem>> -> memref<1x32x1024xf32, #tpu.memory_space<vmem>>
    %dma_start3A_2214 = tpu.memref_squeeze %dma_start3A_2213 : memref<1x32x1024xf32, #tpu.memory_space<vmem>> -> memref<32x1024xf32, #tpu.memory_space<vmem>>
    tpu.enqueue_dma source(%dma_start3A_2214 : memref<32x1024xf32, #tpu.memory_space<vmem>>) target(%dma_start3A_2210 : memref<32x1024xf32, #tpu.memory_space<hbm>>) target_semaphore(%arg9 : memref<!tpu.dma_semaphore, #tpu.memory_space<semaphore_mem>>)
    %add3A_2215 = arith.constant 352 : i32
    %add3A_2216 = arith.addi %mul3A_2, %add3A_2215 : i32
    %dma_wait3A_2217 = arith.constant 2 : i32
    %dma_wait3A_2218 = arith.constant 0 : i32
    %dma_wait3A_2219 = arith.constant 0 : i32
    %dma_wait3A_2220 = tpu.memref_slice %arg7[%dma_wait3A_2217, %dma_wait3A_2218, %dma_wait3A_2219] : memref<3x32x1024xf32, #tpu.memory_space<vmem>> -> memref<1x32x1024xf32, #tpu.memory_space<vmem>>
    %dma_wait3A_2221 = tpu.memref_squeeze %dma_wait3A_2220 : memref<1x32x1024xf32, #tpu.memory_space<vmem>> -> memref<32x1024xf32, #tpu.memory_space<vmem>>
    %dma_wait3A_2222 = arith.constant 0 : i32
    %dma_wait3A_2223 = tpu.memref_slice %arg4[%add3A_2216, %dma_wait3A_2222] : memref<32768x1024xf32, #tpu.memory_space<hbm>> -> memref<32x1024xf32, #tpu.memory_space<hbm>>
    %dma_wait3A_2224 = arith.constant 0 : i32
    %dma_wait3A_2225 = tpu.memref_slice %arg4[%add3A_2216, %dma_wait3A_2224] : memref<32768x1024xf32, #tpu.memory_space<hbm>> -> memref<32x1024xf32, #tpu.memory_space<hbm>>
    %dma_wait3A_2226 = arith.constant 0 : i32
    %dma_wait3A_2227 = arith.constant 0 : i32
    %dma_wait3A_2228 = tpu.memref_slice %arg7[%dma_wait3A_2217, %dma_wait3A_2226, %dma_wait3A_2227] : memref<3x32x1024xf32, #tpu.memory_space<vmem>> -> memref<1x32x1024xf32, #tpu.memory_space<vmem>>
    %dma_wait3A_2229 = tpu.memref_squeeze %dma_wait3A_2228 : memref<1x32x1024xf32, #tpu.memory_space<vmem>> -> memref<32x1024xf32, #tpu.memory_space<vmem>>
    tpu.wait_dma2 semaphore(%arg9 : memref<!tpu.dma_semaphore, #tpu.memory_space<semaphore_mem>>) src(%dma_wait3A_2229 : memref<32x1024xf32, #tpu.memory_space<vmem>>) dst(%dma_wait3A_2225 : memref<32x1024xf32, #tpu.memory_space<hbm>>)
    %dma_start3A_2230 = arith.constant 14 : i32
    %dma_start3A_2231 = arith.constant 2 : i32
    %dma_start3A_2232 = arith.constant 0 : i32
    %dma_start3A_2233 = arith.constant 0 : i32
    %dma_start3A_2234 = tpu.memref_slice %arg7[%dma_start3A_2231, %dma_start3A_2232, %dma_start3A_2233] : memref<3x32x1024xf32, #tpu.memory_space<vmem>> -> memref<1x32x1024xf32, #tpu.memory_space<vmem>>
    %dma_start3A_2235 = tpu.memref_squeeze %dma_start3A_2234 : memref<1x32x1024xf32, #tpu.memory_space<vmem>> -> memref<32x1024xf32, #tpu.memory_space<vmem>>
    %dma_start3A_2236 = arith.constant 0 : i32
    %dma_start3A_2237 = tpu.memref_slice %arg6[%dma_start3A_2230, %dma_start3A_2236] : memref<32x32xi32, #tpu.memory_space<vmem>> -> memref<1x32xi32, #tpu.memory_space<vmem>>
    %dma_start3A_2238 = tpu.memref_squeeze %dma_start3A_2237 : memref<1x32xi32, #tpu.memory_space<vmem>> -> memref<32xi32, #tpu.memory_space<vmem>>
    %dma_start3A_2239 = arith.constant 0 : i32
    %dma_start3A_2240 = arith.constant 0 : i32
    %dma_start3A_2241 = tpu.memref_slice %arg2[%dma_start3A_2239, %dma_start3A_2240] : memref<8194x1024xf32, #tpu.memory_space<hbm>> -> memref<8194x1024xf32, #tpu.memory_space<hbm>>
    tpu.enqueue_indirect_dma source(%dma_start3A_2241 : memref<8194x1024xf32, #tpu.memory_space<hbm>>) target(%dma_start3A_2235 : memref<32x1024xf32, #tpu.memory_space<vmem>>) offsets(%dma_start3A_2238 : memref<32xi32, #tpu.memory_space<vmem>>) semaphore(%arg8 : memref<!tpu.dma_semaphore, #tpu.memory_space<semaphore_mem>>)
    %dma_wait3A_2242 = arith.constant 13 : i32
    %dma_wait3A_2243 = arith.constant 1 : i32
    %dma_wait3A_2244 = arith.constant 0 : i32
    %dma_wait3A_2245 = arith.constant 0 : i32
    %dma_wait3A_2246 = tpu.memref_slice %arg7[%dma_wait3A_2243, %dma_wait3A_2244, %dma_wait3A_2245] : memref<3x32x1024xf32, #tpu.memory_space<vmem>> -> memref<1x32x1024xf32, #tpu.memory_space<vmem>>
    %dma_wait3A_2247 = tpu.memref_squeeze %dma_wait3A_2246 : memref<1x32x1024xf32, #tpu.memory_space<vmem>> -> memref<32x1024xf32, #tpu.memory_space<vmem>>
    %dma_wait3A_2248 = arith.constant 0 : i32
    %dma_wait3A_2249 = tpu.memref_slice %arg6[%dma_wait3A_2242, %dma_wait3A_2248] : memref<32x32xi32, #tpu.memory_space<vmem>> -> memref<1x32xi32, #tpu.memory_space<vmem>>
    %dma_wait3A_2250 = tpu.memref_squeeze %dma_wait3A_2249 : memref<1x32xi32, #tpu.memory_space<vmem>> -> memref<32xi32, #tpu.memory_space<vmem>>
    %dma_wait3A_2251 = arith.constant 0 : i32
    %dma_wait3A_2252 = arith.constant 0 : i32
    %dma_wait3A_2253 = tpu.memref_slice %arg2[%dma_wait3A_2251, %dma_wait3A_2252] : memref<8194x1024xf32, #tpu.memory_space<hbm>> -> memref<8194x1024xf32, #tpu.memory_space<hbm>>
    tpu.wait_indirect_dma semaphore(%arg8 : memref<!tpu.dma_semaphore, #tpu.memory_space<semaphore_mem>>) src(%dma_wait3A_2253 : memref<8194x1024xf32, #tpu.memory_space<hbm>>) dst(%dma_wait3A_2247 : memref<32x1024xf32, #tpu.memory_space<vmem>>)
    %add3A_2254 = arith.constant 416 : i32
    %add3A_2255 = arith.addi %mul3A_2, %add3A_2254 : i32
    %dma_start3A_2256 = arith.constant 1 : i32
    %dma_start3A_2257 = arith.constant 0 : i32
    %dma_start3A_2258 = arith.constant 0 : i32
    %dma_start3A_2259 = tpu.memref_slice %arg7[%dma_start3A_2256, %dma_start3A_2257, %dma_start3A_2258] : memref<3x32x1024xf32, #tpu.memory_space<vmem>> -> memref<1x32x1024xf32, #tpu.memory_space<vmem>>
    %dma_start3A_2260 = tpu.memref_squeeze %dma_start3A_2259 : memref<1x32x1024xf32, #tpu.memory_space<vmem>> -> memref<32x1024xf32, #tpu.memory_space<vmem>>
    %dma_start3A_2261 = arith.constant 0 : i32
    %dma_start3A_2262 = tpu.memref_slice %arg4[%add3A_2255, %dma_start3A_2261] : memref<32768x1024xf32, #tpu.memory_space<hbm>> -> memref<32x1024xf32, #tpu.memory_space<hbm>>
    %dma_start3A_2263 = arith.constant 0 : i32
    %dma_start3A_2264 = tpu.memref_slice %arg4[%add3A_2255, %dma_start3A_2263] : memref<32768x1024xf32, #tpu.memory_space<hbm>> -> memref<32x1024xf32, #tpu.memory_space<hbm>>
    %dma_start3A_2265 = arith.constant 0 : i32
    %dma_start3A_2266 = arith.constant 0 : i32
    %dma_start3A_2267 = tpu.memref_slice %arg7[%dma_start3A_2256, %dma_start3A_2265, %dma_start3A_2266] : memref<3x32x1024xf32, #tpu.memory_space<vmem>> -> memref<1x32x1024xf32, #tpu.memory_space<vmem>>
    %dma_start3A_2268 = tpu.memref_squeeze %dma_start3A_2267 : memref<1x32x1024xf32, #tpu.memory_space<vmem>> -> memref<32x1024xf32, #tpu.memory_space<vmem>>
    tpu.enqueue_dma source(%dma_start3A_2268 : memref<32x1024xf32, #tpu.memory_space<vmem>>) target(%dma_start3A_2264 : memref<32x1024xf32, #tpu.memory_space<hbm>>) target_semaphore(%arg9 : memref<!tpu.dma_semaphore, #tpu.memory_space<semaphore_mem>>)
    %add3A_2269 = arith.constant 384 : i32
    %add3A_2270 = arith.addi %mul3A_2, %add3A_2269 : i32
    %dma_wait3A_2271 = arith.constant 0 : i32
    %dma_wait3A_2272 = arith.constant 0 : i32
    %dma_wait3A_2273 = arith.constant 0 : i32
    %dma_wait3A_2274 = tpu.memref_slice %arg7[%dma_wait3A_2271, %dma_wait3A_2272, %dma_wait3A_2273] : memref<3x32x1024xf32, #tpu.memory_space<vmem>> -> memref<1x32x1024xf32, #tpu.memory_space<vmem>>
    %dma_wait3A_2275 = tpu.memref_squeeze %dma_wait3A_2274 : memref<1x32x1024xf32, #tpu.memory_space<vmem>> -> memref<32x1024xf32, #tpu.memory_space<vmem>>
    %dma_wait3A_2276 = arith.constant 0 : i32
    %dma_wait3A_2277 = tpu.memref_slice %arg4[%add3A_2270, %dma_wait3A_2276] : memref<32768x1024xf32, #tpu.memory_space<hbm>> -> memref<32x1024xf32, #tpu.memory_space<hbm>>
    %dma_wait3A_2278 = arith.constant 0 : i32
    %dma_wait3A_2279 = tpu.memref_slice %arg4[%add3A_2270, %dma_wait3A_2278] : memref<32768x1024xf32, #tpu.memory_space<hbm>> -> memref<32x1024xf32, #tpu.memory_space<hbm>>
    %dma_wait3A_2280 = arith.constant 0 : i32
    %dma_wait3A_2281 = arith.constant 0 : i32
    %dma_wait3A_2282 = tpu.memref_slice %arg7[%dma_wait3A_2271, %dma_wait3A_2280, %dma_wait3A_2281] : memref<3x32x1024xf32, #tpu.memory_space<vmem>> -> memref<1x32x1024xf32, #tpu.memory_space<vmem>>
    %dma_wait3A_2283 = tpu.memref_squeeze %dma_wait3A_2282 : memref<1x32x1024xf32, #tpu.memory_space<vmem>> -> memref<32x1024xf32, #tpu.memory_space<vmem>>
    tpu.wait_dma2 semaphore(%arg9 : memref<!tpu.dma_semaphore, #tpu.memory_space<semaphore_mem>>) src(%dma_wait3A_2283 : memref<32x1024xf32, #tpu.memory_space<vmem>>) dst(%dma_wait3A_2279 : memref<32x1024xf32, #tpu.memory_space<hbm>>)
    %dma_start3A_2284 = arith.constant 15 : i32
    %dma_start3A_2285 = arith.constant 0 : i32
    %dma_start3A_2286 = arith.constant 0 : i32
    %dma_start3A_2287 = arith.constant 0 : i32
    %dma_start3A_2288 = tpu.memref_slice %arg7[%dma_start3A_2285, %dma_start3A_2286, %dma_start3A_2287] : memref<3x32x1024xf32, #tpu.memory_space<vmem>> -> memref<1x32x1024xf32, #tpu.memory_space<vmem>>
    %dma_start3A_2289 = tpu.memref_squeeze %dma_start3A_2288 : memref<1x32x1024xf32, #tpu.memory_space<vmem>> -> memref<32x1024xf32, #tpu.memory_space<vmem>>
    %dma_start3A_2290 = arith.constant 0 : i32
    %dma_start3A_2291 = tpu.memref_slice %arg6[%dma_start3A_2284, %dma_start3A_2290] : memref<32x32xi32, #tpu.memory_space<vmem>> -> memref<1x32xi32, #tpu.memory_space<vmem>>
    %dma_start3A_2292 = tpu.memref_squeeze %dma_start3A_2291 : memref<1x32xi32, #tpu.memory_space<vmem>> -> memref<32xi32, #tpu.memory_space<vmem>>
    %dma_start3A_2293 = arith.constant 0 : i32
    %dma_start3A_2294 = arith.constant 0 : i32
    %dma_start3A_2295 = tpu.memref_slice %arg2[%dma_start3A_2293, %dma_start3A_2294] : memref<8194x1024xf32, #tpu.memory_space<hbm>> -> memref<8194x1024xf32, #tpu.memory_space<hbm>>
    tpu.enqueue_indirect_dma source(%dma_start3A_2295 : memref<8194x1024xf32, #tpu.memory_space<hbm>>) target(%dma_start3A_2289 : memref<32x1024xf32, #tpu.memory_space<vmem>>) offsets(%dma_start3A_2292 : memref<32xi32, #tpu.memory_space<vmem>>) semaphore(%arg8 : memref<!tpu.dma_semaphore, #tpu.memory_space<semaphore_mem>>)
    %dma_wait3A_2296 = arith.constant 14 : i32
    %dma_wait3A_2297 = arith.constant 2 : i32
    %dma_wait3A_2298 = arith.constant 0 : i32
    %dma_wait3A_2299 = arith.constant 0 : i32
    %dma_wait3A_2300 = tpu.memref_slice %arg7[%dma_wait3A_2297, %dma_wait3A_2298, %dma_wait3A_2299] : memref<3x32x1024xf32, #tpu.memory_space<vmem>> -> memref<1x32x1024xf32, #tpu.memory_space<vmem>>
    %dma_wait3A_2301 = tpu.memref_squeeze %dma_wait3A_2300 : memref<1x32x1024xf32, #tpu.memory_space<vmem>> -> memref<32x1024xf32, #tpu.memory_space<vmem>>
    %dma_wait3A_2302 = arith.constant 0 : i32
    %dma_wait3A_2303 = tpu.memref_slice %arg6[%dma_wait3A_2296, %dma_wait3A_2302] : memref<32x32xi32, #tpu.memory_space<vmem>> -> memref<1x32xi32, #tpu.memory_space<vmem>>
    %dma_wait3A_2304 = tpu.memref_squeeze %dma_wait3A_2303 : memref<1x32xi32, #tpu.memory_space<vmem>> -> memref<32xi32, #tpu.memory_space<vmem>>
    %dma_wait3A_2305 = arith.constant 0 : i32
    %dma_wait3A_2306 = arith.constant 0 : i32
    %dma_wait3A_2307 = tpu.memref_slice %arg2[%dma_wait3A_2305, %dma_wait3A_2306] : memref<8194x1024xf32, #tpu.memory_space<hbm>> -> memref<8194x1024xf32, #tpu.memory_space<hbm>>
    tpu.wait_indirect_dma semaphore(%arg8 : memref<!tpu.dma_semaphore, #tpu.memory_space<semaphore_mem>>) src(%dma_wait3A_2307 : memref<8194x1024xf32, #tpu.memory_space<hbm>>) dst(%dma_wait3A_2301 : memref<32x1024xf32, #tpu.memory_space<vmem>>)
    %add3A_2308 = arith.constant 448 : i32
    %add3A_2309 = arith.addi %mul3A_2, %add3A_2308 : i32
    %dma_start3A_2310 = arith.constant 2 : i32
    %dma_start3A_2311 = arith.constant 0 : i32
    %dma_start3A_2312 = arith.constant 0 : i32
    %dma_start3A_2313 = tpu.memref_slice %arg7[%dma_start3A_2310, %dma_start3A_2311, %dma_start3A_2312] : memref<3x32x1024xf32, #tpu.memory_space<vmem>> -> memref<1x32x1024xf32, #tpu.memory_space<vmem>>
    %dma_start3A_2314 = tpu.memref_squeeze %dma_start3A_2313 : memref<1x32x1024xf32, #tpu.memory_space<vmem>> -> memref<32x1024xf32, #tpu.memory_space<vmem>>
    %dma_start3A_2315 = arith.constant 0 : i32
    %dma_start3A_2316 = tpu.memref_slice %arg4[%add3A_2309, %dma_start3A_2315] : memref<32768x1024xf32, #tpu.memory_space<hbm>> -> memref<32x1024xf32, #tpu.memory_space<hbm>>
    %dma_start3A_2317 = arith.constant 0 : i32
    %dma_start3A_2318 = tpu.memref_slice %arg4[%add3A_2309, %dma_start3A_2317] : memref<32768x1024xf32, #tpu.memory_space<hbm>> -> memref<32x1024xf32, #tpu.memory_space<hbm>>
    %dma_start3A_2319 = arith.constant 0 : i32
    %dma_start3A_2320 = arith.constant 0 : i32
    %dma_start3A_2321 = tpu.memref_slice %arg7[%dma_start3A_2310, %dma_start3A_2319, %dma_start3A_2320] : memref<3x32x1024xf32, #tpu.memory_space<vmem>> -> memref<1x32x1024xf32, #tpu.memory_space<vmem>>
    %dma_start3A_2322 = tpu.memref_squeeze %dma_start3A_2321 : memref<1x32x1024xf32, #tpu.memory_space<vmem>> -> memref<32x1024xf32, #tpu.memory_space<vmem>>
    tpu.enqueue_dma source(%dma_start3A_2322 : memref<32x1024xf32, #tpu.memory_space<vmem>>) target(%dma_start3A_2318 : memref<32x1024xf32, #tpu.memory_space<hbm>>) target_semaphore(%arg9 : memref<!tpu.dma_semaphore, #tpu.memory_space<semaphore_mem>>)
    %add3A_2323 = arith.constant 416 : i32
    %add3A_2324 = arith.addi %mul3A_2, %add3A_2323 : i32
    %dma_wait3A_2325 = arith.constant 1 : i32
    %dma_wait3A_2326 = arith.constant 0 : i32
    %dma_wait3A_2327 = arith.constant 0 : i32
    %dma_wait3A_2328 = tpu.memref_slice %arg7[%dma_wait3A_2325, %dma_wait3A_2326, %dma_wait3A_2327] : memref<3x32x1024xf32, #tpu.memory_space<vmem>> -> memref<1x32x1024xf32, #tpu.memory_space<vmem>>
    %dma_wait3A_2329 = tpu.memref_squeeze %dma_wait3A_2328 : memref<1x32x1024xf32, #tpu.memory_space<vmem>> -> memref<32x1024xf32, #tpu.memory_space<vmem>>
    %dma_wait3A_2330 = arith.constant 0 : i32
    %dma_wait3A_2331 = tpu.memref_slice %arg4[%add3A_2324, %dma_wait3A_2330] : memref<32768x1024xf32, #tpu.memory_space<hbm>> -> memref<32x1024xf32, #tpu.memory_space<hbm>>
    %dma_wait3A_2332 = arith.constant 0 : i32
    %dma_wait3A_2333 = tpu.memref_slice %arg4[%add3A_2324, %dma_wait3A_2332] : memref<32768x1024xf32, #tpu.memory_space<hbm>> -> memref<32x1024xf32, #tpu.memory_space<hbm>>
    %dma_wait3A_2334 = arith.constant 0 : i32
    %dma_wait3A_2335 = arith.constant 0 : i32
    %dma_wait3A_2336 = tpu.memref_slice %arg7[%dma_wait3A_2325, %dma_wait3A_2334, %dma_wait3A_2335] : memref<3x32x1024xf32, #tpu.memory_space<vmem>> -> memref<1x32x1024xf32, #tpu.memory_space<vmem>>
    %dma_wait3A_2337 = tpu.memref_squeeze %dma_wait3A_2336 : memref<1x32x1024xf32, #tpu.memory_space<vmem>> -> memref<32x1024xf32, #tpu.memory_space<vmem>>
    tpu.wait_dma2 semaphore(%arg9 : memref<!tpu.dma_semaphore, #tpu.memory_space<semaphore_mem>>) src(%dma_wait3A_2337 : memref<32x1024xf32, #tpu.memory_space<vmem>>) dst(%dma_wait3A_2333 : memref<32x1024xf32, #tpu.memory_space<hbm>>)
    %dma_start3A_2338 = arith.constant 16 : i32
    %dma_start3A_2339 = arith.constant 1 : i32
    %dma_start3A_2340 = arith.constant 0 : i32
    %dma_start3A_2341 = arith.constant 0 : i32
    %dma_start3A_2342 = tpu.memref_slice %arg7[%dma_start3A_2339, %dma_start3A_2340, %dma_start3A_2341] : memref<3x32x1024xf32, #tpu.memory_space<vmem>> -> memref<1x32x1024xf32, #tpu.memory_space<vmem>>
    %dma_start3A_2343 = tpu.memref_squeeze %dma_start3A_2342 : memref<1x32x1024xf32, #tpu.memory_space<vmem>> -> memref<32x1024xf32, #tpu.memory_space<vmem>>
    %dma_start3A_2344 = arith.constant 0 : i32
    %dma_start3A_2345 = tpu.memref_slice %arg6[%dma_start3A_2338, %dma_start3A_2344] : memref<32x32xi32, #tpu.memory_space<vmem>> -> memref<1x32xi32, #tpu.memory_space<vmem>>
    %dma_start3A_2346 = tpu.memref_squeeze %dma_start3A_2345 : memref<1x32xi32, #tpu.memory_space<vmem>> -> memref<32xi32, #tpu.memory_space<vmem>>
    %dma_start3A_2347 = arith.constant 0 : i32
    %dma_start3A_2348 = arith.constant 0 : i32
    %dma_start3A_2349 = tpu.memref_slice %arg2[%dma_start3A_2347, %dma_start3A_2348] : memref<8194x1024xf32, #tpu.memory_space<hbm>> -> memref<8194x1024xf32, #tpu.memory_space<hbm>>
    tpu.enqueue_indirect_dma source(%dma_start3A_2349 : memref<8194x1024xf32, #tpu.memory_space<hbm>>) target(%dma_start3A_2343 : memref<32x1024xf32, #tpu.memory_space<vmem>>) offsets(%dma_start3A_2346 : memref<32xi32, #tpu.memory_space<vmem>>) semaphore(%arg8 : memref<!tpu.dma_semaphore, #tpu.memory_space<semaphore_mem>>)
    %dma_wait3A_2350 = arith.constant 15 : i32
    %dma_wait3A_2351 = arith.constant 0 : i32
    %dma_wait3A_2352 = arith.constant 0 : i32
    %dma_wait3A_2353 = arith.constant 0 : i32
    %dma_wait3A_2354 = tpu.memref_slice %arg7[%dma_wait3A_2351, %dma_wait3A_2352, %dma_wait3A_2353] : memref<3x32x1024xf32, #tpu.memory_space<vmem>> -> memref<1x32x1024xf32, #tpu.memory_space<vmem>>
    %dma_wait3A_2355 = tpu.memref_squeeze %dma_wait3A_2354 : memref<1x32x1024xf32, #tpu.memory_space<vmem>> -> memref<32x1024xf32, #tpu.memory_space<vmem>>
    %dma_wait3A_2356 = arith.constant 0 : i32
    %dma_wait3A_2357 = tpu.memref_slice %arg6[%dma_wait3A_2350, %dma_wait3A_2356] : memref<32x32xi32, #tpu.memory_space<vmem>> -> memref<1x32xi32, #tpu.memory_space<vmem>>
    %dma_wait3A_2358 = tpu.memref_squeeze %dma_wait3A_2357 : memref<1x32xi32, #tpu.memory_space<vmem>> -> memref<32xi32, #tpu.memory_space<vmem>>
    %dma_wait3A_2359 = arith.constant 0 : i32
    %dma_wait3A_2360 = arith.constant 0 : i32
    %dma_wait3A_2361 = tpu.memref_slice %arg2[%dma_wait3A_2359, %dma_wait3A_2360] : memref<8194x1024xf32, #tpu.memory_space<hbm>> -> memref<8194x1024xf32, #tpu.memory_space<hbm>>
    tpu.wait_indirect_dma semaphore(%arg8 : memref<!tpu.dma_semaphore, #tpu.memory_space<semaphore_mem>>) src(%dma_wait3A_2361 : memref<8194x1024xf32, #tpu.memory_space<hbm>>) dst(%dma_wait3A_2355 : memref<32x1024xf32, #tpu.memory_space<vmem>>)
    %add3A_2362 = arith.constant 480 : i32
    %add3A_2363 = arith.addi %mul3A_2, %add3A_2362 : i32
    %dma_start3A_2364 = arith.constant 0 : i32
    %dma_start3A_2365 = arith.constant 0 : i32
    %dma_start3A_2366 = arith.constant 0 : i32
    %dma_start3A_2367 = tpu.memref_slice %arg7[%dma_start3A_2364, %dma_start3A_2365, %dma_start3A_2366] : memref<3x32x1024xf32, #tpu.memory_space<vmem>> -> memref<1x32x1024xf32, #tpu.memory_space<vmem>>
    %dma_start3A_2368 = tpu.memref_squeeze %dma_start3A_2367 : memref<1x32x1024xf32, #tpu.memory_space<vmem>> -> memref<32x1024xf32, #tpu.memory_space<vmem>>
    %dma_start3A_2369 = arith.constant 0 : i32
    %dma_start3A_2370 = tpu.memref_slice %arg4[%add3A_2363, %dma_start3A_2369] : memref<32768x1024xf32, #tpu.memory_space<hbm>> -> memref<32x1024xf32, #tpu.memory_space<hbm>>
    %dma_start3A_2371 = arith.constant 0 : i32
    %dma_start3A_2372 = tpu.memref_slice %arg4[%add3A_2363, %dma_start3A_2371] : memref<32768x1024xf32, #tpu.memory_space<hbm>> -> memref<32x1024xf32, #tpu.memory_space<hbm>>
    %dma_start3A_2373 = arith.constant 0 : i32
    %dma_start3A_2374 = arith.constant 0 : i32
    %dma_start3A_2375 = tpu.memref_slice %arg7[%dma_start3A_2364, %dma_start3A_2373, %dma_start3A_2374] : memref<3x32x1024xf32, #tpu.memory_space<vmem>> -> memref<1x32x1024xf32, #tpu.memory_space<vmem>>
    %dma_start3A_2376 = tpu.memref_squeeze %dma_start3A_2375 : memref<1x32x1024xf32, #tpu.memory_space<vmem>> -> memref<32x1024xf32, #tpu.memory_space<vmem>>
    tpu.enqueue_dma source(%dma_start3A_2376 : memref<32x1024xf32, #tpu.memory_space<vmem>>) target(%dma_start3A_2372 : memref<32x1024xf32, #tpu.memory_space<hbm>>) target_semaphore(%arg9 : memref<!tpu.dma_semaphore, #tpu.memory_space<semaphore_mem>>)
    %add3A_2377 = arith.constant 448 : i32
    %add3A_2378 = arith.addi %mul3A_2, %add3A_2377 : i32
    %dma_wait3A_2379 = arith.constant 2 : i32
    %dma_wait3A_2380 = arith.constant 0 : i32
    %dma_wait3A_2381 = arith.constant 0 : i32
    %dma_wait3A_2382 = tpu.memref_slice %arg7[%dma_wait3A_2379, %dma_wait3A_2380, %dma_wait3A_2381] : memref<3x32x1024xf32, #tpu.memory_space<vmem>> -> memref<1x32x1024xf32, #tpu.memory_space<vmem>>
    %dma_wait3A_2383 = tpu.memref_squeeze %dma_wait3A_2382 : memref<1x32x1024xf32, #tpu.memory_space<vmem>> -> memref<32x1024xf32, #tpu.memory_space<vmem>>
    %dma_wait3A_2384 = arith.constant 0 : i32
    %dma_wait3A_2385 = tpu.memref_slice %arg4[%add3A_2378, %dma_wait3A_2384] : memref<32768x1024xf32, #tpu.memory_space<hbm>> -> memref<32x1024xf32, #tpu.memory_space<hbm>>
    %dma_wait3A_2386 = arith.constant 0 : i32
    %dma_wait3A_2387 = tpu.memref_slice %arg4[%add3A_2378, %dma_wait3A_2386] : memref<32768x1024xf32, #tpu.memory_space<hbm>> -> memref<32x1024xf32, #tpu.memory_space<hbm>>
    %dma_wait3A_2388 = arith.constant 0 : i32
    %dma_wait3A_2389 = arith.constant 0 : i32
    %dma_wait3A_2390 = tpu.memref_slice %arg7[%dma_wait3A_2379, %dma_wait3A_2388, %dma_wait3A_2389] : memref<3x32x1024xf32, #tpu.memory_space<vmem>> -> memref<1x32x1024xf32, #tpu.memory_space<vmem>>
    %dma_wait3A_2391 = tpu.memref_squeeze %dma_wait3A_2390 : memref<1x32x1024xf32, #tpu.memory_space<vmem>> -> memref<32x1024xf32, #tpu.memory_space<vmem>>
    tpu.wait_dma2 semaphore(%arg9 : memref<!tpu.dma_semaphore, #tpu.memory_space<semaphore_mem>>) src(%dma_wait3A_2391 : memref<32x1024xf32, #tpu.memory_space<vmem>>) dst(%dma_wait3A_2387 : memref<32x1024xf32, #tpu.memory_space<hbm>>)
    %dma_start3A_2392 = arith.constant 17 : i32
    %dma_start3A_2393 = arith.constant 2 : i32
    %dma_start3A_2394 = arith.constant 0 : i32
    %dma_start3A_2395 = arith.constant 0 : i32
    %dma_start3A_2396 = tpu.memref_slice %arg7[%dma_start3A_2393, %dma_start3A_2394, %dma_start3A_2395] : memref<3x32x1024xf32, #tpu.memory_space<vmem>> -> memref<1x32x1024xf32, #tpu.memory_space<vmem>>
    %dma_start3A_2397 = tpu.memref_squeeze %dma_start3A_2396 : memref<1x32x1024xf32, #tpu.memory_space<vmem>> -> memref<32x1024xf32, #tpu.memory_space<vmem>>
    %dma_start3A_2398 = arith.constant 0 : i32
    %dma_start3A_2399 = tpu.memref_slice %arg6[%dma_start3A_2392, %dma_start3A_2398] : memref<32x32xi32, #tpu.memory_space<vmem>> -> memref<1x32xi32, #tpu.memory_space<vmem>>
    %dma_start3A_2400 = tpu.memref_squeeze %dma_start3A_2399 : memref<1x32xi32, #tpu.memory_space<vmem>> -> memref<32xi32, #tpu.memory_space<vmem>>
    %dma_start3A_2401 = arith.constant 0 : i32
    %dma_start3A_2402 = arith.constant 0 : i32
    %dma_start3A_2403 = tpu.memref_slice %arg2[%dma_start3A_2401, %dma_start3A_2402] : memref<8194x1024xf32, #tpu.memory_space<hbm>> -> memref<8194x1024xf32, #tpu.memory_space<hbm>>
    tpu.enqueue_indirect_dma source(%dma_start3A_2403 : memref<8194x1024xf32, #tpu.memory_space<hbm>>) target(%dma_start3A_2397 : memref<32x1024xf32, #tpu.memory_space<vmem>>) offsets(%dma_start3A_2400 : memref<32xi32, #tpu.memory_space<vmem>>) semaphore(%arg8 : memref<!tpu.dma_semaphore, #tpu.memory_space<semaphore_mem>>)
    %dma_wait3A_2404 = arith.constant 16 : i32
    %dma_wait3A_2405 = arith.constant 1 : i32
    %dma_wait3A_2406 = arith.constant 0 : i32
    %dma_wait3A_2407 = arith.constant 0 : i32
    %dma_wait3A_2408 = tpu.memref_slice %arg7[%dma_wait3A_2405, %dma_wait3A_2406, %dma_wait3A_2407] : memref<3x32x1024xf32, #tpu.memory_space<vmem>> -> memref<1x32x1024xf32, #tpu.memory_space<vmem>>
    %dma_wait3A_2409 = tpu.memref_squeeze %dma_wait3A_2408 : memref<1x32x1024xf32, #tpu.memory_space<vmem>> -> memref<32x1024xf32, #tpu.memory_space<vmem>>
    %dma_wait3A_2410 = arith.constant 0 : i32
    %dma_wait3A_2411 = tpu.memref_slice %arg6[%dma_wait3A_2404, %dma_wait3A_2410] : memref<32x32xi32, #tpu.memory_space<vmem>> -> memref<1x32xi32, #tpu.memory_space<vmem>>
    %dma_wait3A_2412 = tpu.memref_squeeze %dma_wait3A_2411 : memref<1x32xi32, #tpu.memory_space<vmem>> -> memref<32xi32, #tpu.memory_space<vmem>>
    %dma_wait3A_2413 = arith.constant 0 : i32
    %dma_wait3A_2414 = arith.constant 0 : i32
    %dma_wait3A_2415 = tpu.memref_slice %arg2[%dma_wait3A_2413, %dma_wait3A_2414] : memref<8194x1024xf32, #tpu.memory_space<hbm>> -> memref<8194x1024xf32, #tpu.memory_space<hbm>>
    tpu.wait_indirect_dma semaphore(%arg8 : memref<!tpu.dma_semaphore, #tpu.memory_space<semaphore_mem>>) src(%dma_wait3A_2415 : memref<8194x1024xf32, #tpu.memory_space<hbm>>) dst(%dma_wait3A_2409 : memref<32x1024xf32, #tpu.memory_space<vmem>>)
    %add3A_2416 = arith.constant 512 : i32
    %add3A_2417 = arith.addi %mul3A_2, %add3A_2416 : i32
    %dma_start3A_2418 = arith.constant 1 : i32
    %dma_start3A_2419 = arith.constant 0 : i32
    %dma_start3A_2420 = arith.constant 0 : i32
    %dma_start3A_2421 = tpu.memref_slice %arg7[%dma_start3A_2418, %dma_start3A_2419, %dma_start3A_2420] : memref<3x32x1024xf32, #tpu.memory_space<vmem>> -> memref<1x32x1024xf32, #tpu.memory_space<vmem>>
    %dma_start3A_2422 = tpu.memref_squeeze %dma_start3A_2421 : memref<1x32x1024xf32, #tpu.memory_space<vmem>> -> memref<32x1024xf32, #tpu.memory_space<vmem>>
    %dma_start3A_2423 = arith.constant 0 : i32
    %dma_start3A_2424 = tpu.memref_slice %arg4[%add3A_2417, %dma_start3A_2423] : memref<32768x1024xf32, #tpu.memory_space<hbm>> -> memref<32x1024xf32, #tpu.memory_space<hbm>>
    %dma_start3A_2425 = arith.constant 0 : i32
    %dma_start3A_2426 = tpu.memref_slice %arg4[%add3A_2417, %dma_start3A_2425] : memref<32768x1024xf32, #tpu.memory_space<hbm>> -> memref<32x1024xf32, #tpu.memory_space<hbm>>
    %dma_start3A_2427 = arith.constant 0 : i32
    %dma_start3A_2428 = arith.constant 0 : i32
    %dma_start3A_2429 = tpu.memref_slice %arg7[%dma_start3A_2418, %dma_start3A_2427, %dma_start3A_2428] : memref<3x32x1024xf32, #tpu.memory_space<vmem>> -> memref<1x32x1024xf32, #tpu.memory_space<vmem>>
    %dma_start3A_2430 = tpu.memref_squeeze %dma_start3A_2429 : memref<1x32x1024xf32, #tpu.memory_space<vmem>> -> memref<32x1024xf32, #tpu.memory_space<vmem>>
    tpu.enqueue_dma source(%dma_start3A_2430 : memref<32x1024xf32, #tpu.memory_space<vmem>>) target(%dma_start3A_2426 : memref<32x1024xf32, #tpu.memory_space<hbm>>) target_semaphore(%arg9 : memref<!tpu.dma_semaphore, #tpu.memory_space<semaphore_mem>>)
    %add3A_2431 = arith.constant 480 : i32
    %add3A_2432 = arith.addi %mul3A_2, %add3A_2431 : i32
    %dma_wait3A_2433 = arith.constant 0 : i32
    %dma_wait3A_2434 = arith.constant 0 : i32
    %dma_wait3A_2435 = arith.constant 0 : i32
    %dma_wait3A_2436 = tpu.memref_slice %arg7[%dma_wait3A_2433, %dma_wait3A_2434, %dma_wait3A_2435] : memref<3x32x1024xf32, #tpu.memory_space<vmem>> -> memref<1x32x1024xf32, #tpu.memory_space<vmem>>
    %dma_wait3A_2437 = tpu.memref_squeeze %dma_wait3A_2436 : memref<1x32x1024xf32, #tpu.memory_space<vmem>> -> memref<32x1024xf32, #tpu.memory_space<vmem>>
    %dma_wait3A_2438 = arith.constant 0 : i32
    %dma_wait3A_2439 = tpu.memref_slice %arg4[%add3A_2432, %dma_wait3A_2438] : memref<32768x1024xf32, #tpu.memory_space<hbm>> -> memref<32x1024xf32, #tpu.memory_space<hbm>>
    %dma_wait3A_2440 = arith.constant 0 : i32
    %dma_wait3A_2441 = tpu.memref_slice %arg4[%add3A_2432, %dma_wait3A_2440] : memref<32768x1024xf32, #tpu.memory_space<hbm>> -> memref<32x1024xf32, #tpu.memory_space<hbm>>
    %dma_wait3A_2442 = arith.constant 0 : i32
    %dma_wait3A_2443 = arith.constant 0 : i32
    %dma_wait3A_2444 = tpu.memref_slice %arg7[%dma_wait3A_2433, %dma_wait3A_2442, %dma_wait3A_2443] : memref<3x32x1024xf32, #tpu.memory_space<vmem>> -> memref<1x32x1024xf32, #tpu.memory_space<vmem>>
    %dma_wait3A_2445 = tpu.memref_squeeze %dma_wait3A_2444 : memref<1x32x1024xf32, #tpu.memory_space<vmem>> -> memref<32x1024xf32, #tpu.memory_space<vmem>>
    tpu.wait_dma2 semaphore(%arg9 : memref<!tpu.dma_semaphore, #tpu.memory_space<semaphore_mem>>) src(%dma_wait3A_2445 : memref<32x1024xf32, #tpu.memory_space<vmem>>) dst(%dma_wait3A_2441 : memref<32x1024xf32, #tpu.memory_space<hbm>>)
    %dma_start3A_2446 = arith.constant 18 : i32
    %dma_start3A_2447 = arith.constant 0 : i32
    %dma_start3A_2448 = arith.constant 0 : i32
    %dma_start3A_2449 = arith.constant 0 : i32
    %dma_start3A_2450 = tpu.memref_slice %arg7[%dma_start3A_2447, %dma_start3A_2448, %dma_start3A_2449] : memref<3x32x1024xf32, #tpu.memory_space<vmem>> -> memref<1x32x1024xf32, #tpu.memory_space<vmem>>
    %dma_start3A_2451 = tpu.memref_squeeze %dma_start3A_2450 : memref<1x32x1024xf32, #tpu.memory_space<vmem>> -> memref<32x1024xf32, #tpu.memory_space<vmem>>
    %dma_start3A_2452 = arith.constant 0 : i32
    %dma_start3A_2453 = tpu.memref_slice %arg6[%dma_start3A_2446, %dma_start3A_2452] : memref<32x32xi32, #tpu.memory_space<vmem>> -> memref<1x32xi32, #tpu.memory_space<vmem>>
    %dma_start3A_2454 = tpu.memref_squeeze %dma_start3A_2453 : memref<1x32xi32, #tpu.memory_space<vmem>> -> memref<32xi32, #tpu.memory_space<vmem>>
    %dma_start3A_2455 = arith.constant 0 : i32
    %dma_start3A_2456 = arith.constant 0 : i32
    %dma_start3A_2457 = tpu.memref_slice %arg2[%dma_start3A_2455, %dma_start3A_2456] : memref<8194x1024xf32, #tpu.memory_space<hbm>> -> memref<8194x1024xf32, #tpu.memory_space<hbm>>
    tpu.enqueue_indirect_dma source(%dma_start3A_2457 : memref<8194x1024xf32, #tpu.memory_space<hbm>>) target(%dma_start3A_2451 : memref<32x1024xf32, #tpu.memory_space<vmem>>) offsets(%dma_start3A_2454 : memref<32xi32, #tpu.memory_space<vmem>>) semaphore(%arg8 : memref<!tpu.dma_semaphore, #tpu.memory_space<semaphore_mem>>)
    %dma_wait3A_2458 = arith.constant 17 : i32
    %dma_wait3A_2459 = arith.constant 2 : i32
    %dma_wait3A_2460 = arith.constant 0 : i32
    %dma_wait3A_2461 = arith.constant 0 : i32
    %dma_wait3A_2462 = tpu.memref_slice %arg7[%dma_wait3A_2459, %dma_wait3A_2460, %dma_wait3A_2461] : memref<3x32x1024xf32, #tpu.memory_space<vmem>> -> memref<1x32x1024xf32, #tpu.memory_space<vmem>>
    %dma_wait3A_2463 = tpu.memref_squeeze %dma_wait3A_2462 : memref<1x32x1024xf32, #tpu.memory_space<vmem>> -> memref<32x1024xf32, #tpu.memory_space<vmem>>
    %dma_wait3A_2464 = arith.constant 0 : i32
    %dma_wait3A_2465 = tpu.memref_slice %arg6[%dma_wait3A_2458, %dma_wait3A_2464] : memref<32x32xi32, #tpu.memory_space<vmem>> -> memref<1x32xi32, #tpu.memory_space<vmem>>
    %dma_wait3A_2466 = tpu.memref_squeeze %dma_wait3A_2465 : memref<1x32xi32, #tpu.memory_space<vmem>> -> memref<32xi32, #tpu.memory_space<vmem>>
    %dma_wait3A_2467 = arith.constant 0 : i32
    %dma_wait3A_2468 = arith.constant 0 : i32
    %dma_wait3A_2469 = tpu.memref_slice %arg2[%dma_wait3A_2467, %dma_wait3A_2468] : memref<8194x1024xf32, #tpu.memory_space<hbm>> -> memref<8194x1024xf32, #tpu.memory_space<hbm>>
    tpu.wait_indirect_dma semaphore(%arg8 : memref<!tpu.dma_semaphore, #tpu.memory_space<semaphore_mem>>) src(%dma_wait3A_2469 : memref<8194x1024xf32, #tpu.memory_space<hbm>>) dst(%dma_wait3A_2463 : memref<32x1024xf32, #tpu.memory_space<vmem>>)
    %add3A_2470 = arith.constant 544 : i32
    %add3A_2471 = arith.addi %mul3A_2, %add3A_2470 : i32
    %dma_start3A_2472 = arith.constant 2 : i32
    %dma_start3A_2473 = arith.constant 0 : i32
    %dma_start3A_2474 = arith.constant 0 : i32
    %dma_start3A_2475 = tpu.memref_slice %arg7[%dma_start3A_2472, %dma_start3A_2473, %dma_start3A_2474] : memref<3x32x1024xf32, #tpu.memory_space<vmem>> -> memref<1x32x1024xf32, #tpu.memory_space<vmem>>
    %dma_start3A_2476 = tpu.memref_squeeze %dma_start3A_2475 : memref<1x32x1024xf32, #tpu.memory_space<vmem>> -> memref<32x1024xf32, #tpu.memory_space<vmem>>
    %dma_start3A_2477 = arith.constant 0 : i32
    %dma_start3A_2478 = tpu.memref_slice %arg4[%add3A_2471, %dma_start3A_2477] : memref<32768x1024xf32, #tpu.memory_space<hbm>> -> memref<32x1024xf32, #tpu.memory_space<hbm>>
    %dma_start3A_2479 = arith.constant 0 : i32
    %dma_start3A_2480 = tpu.memref_slice %arg4[%add3A_2471, %dma_start3A_2479] : memref<32768x1024xf32, #tpu.memory_space<hbm>> -> memref<32x1024xf32, #tpu.memory_space<hbm>>
    %dma_start3A_2481 = arith.constant 0 : i32
    %dma_start3A_2482 = arith.constant 0 : i32
    %dma_start3A_2483 = tpu.memref_slice %arg7[%dma_start3A_2472, %dma_start3A_2481, %dma_start3A_2482] : memref<3x32x1024xf32, #tpu.memory_space<vmem>> -> memref<1x32x1024xf32, #tpu.memory_space<vmem>>
    %dma_start3A_2484 = tpu.memref_squeeze %dma_start3A_2483 : memref<1x32x1024xf32, #tpu.memory_space<vmem>> -> memref<32x1024xf32, #tpu.memory_space<vmem>>
    tpu.enqueue_dma source(%dma_start3A_2484 : memref<32x1024xf32, #tpu.memory_space<vmem>>) target(%dma_start3A_2480 : memref<32x1024xf32, #tpu.memory_space<hbm>>) target_semaphore(%arg9 : memref<!tpu.dma_semaphore, #tpu.memory_space<semaphore_mem>>)
    %add3A_2485 = arith.constant 512 : i32
    %add3A_2486 = arith.addi %mul3A_2, %add3A_2485 : i32
    %dma_wait3A_2487 = arith.constant 1 : i32
    %dma_wait3A_2488 = arith.constant 0 : i32
    %dma_wait3A_2489 = arith.constant 0 : i32
    %dma_wait3A_2490 = tpu.memref_slice %arg7[%dma_wait3A_2487, %dma_wait3A_2488, %dma_wait3A_2489] : memref<3x32x1024xf32, #tpu.memory_space<vmem>> -> memref<1x32x1024xf32, #tpu.memory_space<vmem>>
    %dma_wait3A_2491 = tpu.memref_squeeze %dma_wait3A_2490 : memref<1x32x1024xf32, #tpu.memory_space<vmem>> -> memref<32x1024xf32, #tpu.memory_space<vmem>>
    %dma_wait3A_2492 = arith.constant 0 : i32
    %dma_wait3A_2493 = tpu.memref_slice %arg4[%add3A_2486, %dma_wait3A_2492] : memref<32768x1024xf32, #tpu.memory_space<hbm>> -> memref<32x1024xf32, #tpu.memory_space<hbm>>
    %dma_wait3A_2494 = arith.constant 0 : i32
    %dma_wait3A_2495 = tpu.memref_slice %arg4[%add3A_2486, %dma_wait3A_2494] : memref<32768x1024xf32, #tpu.memory_space<hbm>> -> memref<32x1024xf32, #tpu.memory_space<hbm>>
    %dma_wait3A_2496 = arith.constant 0 : i32
    %dma_wait3A_2497 = arith.constant 0 : i32
    %dma_wait3A_2498 = tpu.memref_slice %arg7[%dma_wait3A_2487, %dma_wait3A_2496, %dma_wait3A_2497] : memref<3x32x1024xf32, #tpu.memory_space<vmem>> -> memref<1x32x1024xf32, #tpu.memory_space<vmem>>
    %dma_wait3A_2499 = tpu.memref_squeeze %dma_wait3A_2498 : memref<1x32x1024xf32, #tpu.memory_space<vmem>> -> memref<32x1024xf32, #tpu.memory_space<vmem>>
    tpu.wait_dma2 semaphore(%arg9 : memref<!tpu.dma_semaphore, #tpu.memory_space<semaphore_mem>>) src(%dma_wait3A_2499 : memref<32x1024xf32, #tpu.memory_space<vmem>>) dst(%dma_wait3A_2495 : memref<32x1024xf32, #tpu.memory_space<hbm>>)
    %dma_start3A_2500 = arith.constant 19 : i32
    %dma_start3A_2501 = arith.constant 1 : i32
    %dma_start3A_2502 = arith.constant 0 : i32
    %dma_start3A_2503 = arith.constant 0 : i32
    %dma_start3A_2504 = tpu.memref_slice %arg7[%dma_start3A_2501, %dma_start3A_2502, %dma_start3A_2503] : memref<3x32x1024xf32, #tpu.memory_space<vmem>> -> memref<1x32x1024xf32, #tpu.memory_space<vmem>>
    %dma_start3A_2505 = tpu.memref_squeeze %dma_start3A_2504 : memref<1x32x1024xf32, #tpu.memory_space<vmem>> -> memref<32x1024xf32, #tpu.memory_space<vmem>>
    %dma_start3A_2506 = arith.constant 0 : i32
    %dma_start3A_2507 = tpu.memref_slice %arg6[%dma_start3A_2500, %dma_start3A_2506] : memref<32x32xi32, #tpu.memory_space<vmem>> -> memref<1x32xi32, #tpu.memory_space<vmem>>
    %dma_start3A_2508 = tpu.memref_squeeze %dma_start3A_2507 : memref<1x32xi32, #tpu.memory_space<vmem>> -> memref<32xi32, #tpu.memory_space<vmem>>
    %dma_start3A_2509 = arith.constant 0 : i32
    %dma_start3A_2510 = arith.constant 0 : i32
    %dma_start3A_2511 = tpu.memref_slice %arg2[%dma_start3A_2509, %dma_start3A_2510] : memref<8194x1024xf32, #tpu.memory_space<hbm>> -> memref<8194x1024xf32, #tpu.memory_space<hbm>>
    tpu.enqueue_indirect_dma source(%dma_start3A_2511 : memref<8194x1024xf32, #tpu.memory_space<hbm>>) target(%dma_start3A_2505 : memref<32x1024xf32, #tpu.memory_space<vmem>>) offsets(%dma_start3A_2508 : memref<32xi32, #tpu.memory_space<vmem>>) semaphore(%arg8 : memref<!tpu.dma_semaphore, #tpu.memory_space<semaphore_mem>>)
    %dma_wait3A_2512 = arith.constant 18 : i32
    %dma_wait3A_2513 = arith.constant 0 : i32
    %dma_wait3A_2514 = arith.constant 0 : i32
    %dma_wait3A_2515 = arith.constant 0 : i32
    %dma_wait3A_2516 = tpu.memref_slice %arg7[%dma_wait3A_2513, %dma_wait3A_2514, %dma_wait3A_2515] : memref<3x32x1024xf32, #tpu.memory_space<vmem>> -> memref<1x32x1024xf32, #tpu.memory_space<vmem>>
    %dma_wait3A_2517 = tpu.memref_squeeze %dma_wait3A_2516 : memref<1x32x1024xf32, #tpu.memory_space<vmem>> -> memref<32x1024xf32, #tpu.memory_space<vmem>>
    %dma_wait3A_2518 = arith.constant 0 : i32
    %dma_wait3A_2519 = tpu.memref_slice %arg6[%dma_wait3A_2512, %dma_wait3A_2518] : memref<32x32xi32, #tpu.memory_space<vmem>> -> memref<1x32xi32, #tpu.memory_space<vmem>>
    %dma_wait3A_2520 = tpu.memref_squeeze %dma_wait3A_2519 : memref<1x32xi32, #tpu.memory_space<vmem>> -> memref<32xi32, #tpu.memory_space<vmem>>
    %dma_wait3A_2521 = arith.constant 0 : i32
    %dma_wait3A_2522 = arith.constant 0 : i32
    %dma_wait3A_2523 = tpu.memref_slice %arg2[%dma_wait3A_2521, %dma_wait3A_2522] : memref<8194x1024xf32, #tpu.memory_space<hbm>> -> memref<8194x1024xf32, #tpu.memory_space<hbm>>
    tpu.wait_indirect_dma semaphore(%arg8 : memref<!tpu.dma_semaphore, #tpu.memory_space<semaphore_mem>>) src(%dma_wait3A_2523 : memref<8194x1024xf32, #tpu.memory_space<hbm>>) dst(%dma_wait3A_2517 : memref<32x1024xf32, #tpu.memory_space<vmem>>)
    %add3A_2524 = arith.constant 576 : i32
    %add3A_2525 = arith.addi %mul3A_2, %add3A_2524 : i32
    %dma_start3A_2526 = arith.constant 0 : i32
    %dma_start3A_2527 = arith.constant 0 : i32
    %dma_start3A_2528 = arith.constant 0 : i32
    %dma_start3A_2529 = tpu.memref_slice %arg7[%dma_start3A_2526, %dma_start3A_2527, %dma_start3A_2528] : memref<3x32x1024xf32, #tpu.memory_space<vmem>> -> memref<1x32x1024xf32, #tpu.memory_space<vmem>>
    %dma_start3A_2530 = tpu.memref_squeeze %dma_start3A_2529 : memref<1x32x1024xf32, #tpu.memory_space<vmem>> -> memref<32x1024xf32, #tpu.memory_space<vmem>>
    %dma_start3A_2531 = arith.constant 0 : i32
    %dma_start3A_2532 = tpu.memref_slice %arg4[%add3A_2525, %dma_start3A_2531] : memref<32768x1024xf32, #tpu.memory_space<hbm>> -> memref<32x1024xf32, #tpu.memory_space<hbm>>
    %dma_start3A_2533 = arith.constant 0 : i32
    %dma_start3A_2534 = tpu.memref_slice %arg4[%add3A_2525, %dma_start3A_2533] : memref<32768x1024xf32, #tpu.memory_space<hbm>> -> memref<32x1024xf32, #tpu.memory_space<hbm>>
    %dma_start3A_2535 = arith.constant 0 : i32
    %dma_start3A_2536 = arith.constant 0 : i32
    %dma_start3A_2537 = tpu.memref_slice %arg7[%dma_start3A_2526, %dma_start3A_2535, %dma_start3A_2536] : memref<3x32x1024xf32, #tpu.memory_space<vmem>> -> memref<1x32x1024xf32, #tpu.memory_space<vmem>>
    %dma_start3A_2538 = tpu.memref_squeeze %dma_start3A_2537 : memref<1x32x1024xf32, #tpu.memory_space<vmem>> -> memref<32x1024xf32, #tpu.memory_space<vmem>>
    tpu.enqueue_dma source(%dma_start3A_2538 : memref<32x1024xf32, #tpu.memory_space<vmem>>) target(%dma_start3A_2534 : memref<32x1024xf32, #tpu.memory_space<hbm>>) target_semaphore(%arg9 : memref<!tpu.dma_semaphore, #tpu.memory_space<semaphore_mem>>)
    %add3A_2539 = arith.constant 544 : i32
    %add3A_2540 = arith.addi %mul3A_2, %add3A_2539 : i32
    %dma_wait3A_2541 = arith.constant 2 : i32
    %dma_wait3A_2542 = arith.constant 0 : i32
    %dma_wait3A_2543 = arith.constant 0 : i32
    %dma_wait3A_2544 = tpu.memref_slice %arg7[%dma_wait3A_2541, %dma_wait3A_2542, %dma_wait3A_2543] : memref<3x32x1024xf32, #tpu.memory_space<vmem>> -> memref<1x32x1024xf32, #tpu.memory_space<vmem>>
    %dma_wait3A_2545 = tpu.memref_squeeze %dma_wait3A_2544 : memref<1x32x1024xf32, #tpu.memory_space<vmem>> -> memref<32x1024xf32, #tpu.memory_space<vmem>>
    %dma_wait3A_2546 = arith.constant 0 : i32
    %dma_wait3A_2547 = tpu.memref_slice %arg4[%add3A_2540, %dma_wait3A_2546] : memref<32768x1024xf32, #tpu.memory_space<hbm>> -> memref<32x1024xf32, #tpu.memory_space<hbm>>
    %dma_wait3A_2548 = arith.constant 0 : i32
    %dma_wait3A_2549 = tpu.memref_slice %arg4[%add3A_2540, %dma_wait3A_2548] : memref<32768x1024xf32, #tpu.memory_space<hbm>> -> memref<32x1024xf32, #tpu.memory_space<hbm>>
    %dma_wait3A_2550 = arith.constant 0 : i32
    %dma_wait3A_2551 = arith.constant 0 : i32
    %dma_wait3A_2552 = tpu.memref_slice %arg7[%dma_wait3A_2541, %dma_wait3A_2550, %dma_wait3A_2551] : memref<3x32x1024xf32, #tpu.memory_space<vmem>> -> memref<1x32x1024xf32, #tpu.memory_space<vmem>>
    %dma_wait3A_2553 = tpu.memref_squeeze %dma_wait3A_2552 : memref<1x32x1024xf32, #tpu.memory_space<vmem>> -> memref<32x1024xf32, #tpu.memory_space<vmem>>
    tpu.wait_dma2 semaphore(%arg9 : memref<!tpu.dma_semaphore, #tpu.memory_space<semaphore_mem>>) src(%dma_wait3A_2553 : memref<32x1024xf32, #tpu.memory_space<vmem>>) dst(%dma_wait3A_2549 : memref<32x1024xf32, #tpu.memory_space<hbm>>)
    %dma_start3A_2554 = arith.constant 20 : i32
    %dma_start3A_2555 = arith.constant 2 : i32
    %dma_start3A_2556 = arith.constant 0 : i32
    %dma_start3A_2557 = arith.constant 0 : i32
    %dma_start3A_2558 = tpu.memref_slice %arg7[%dma_start3A_2555, %dma_start3A_2556, %dma_start3A_2557] : memref<3x32x1024xf32, #tpu.memory_space<vmem>> -> memref<1x32x1024xf32, #tpu.memory_space<vmem>>
    %dma_start3A_2559 = tpu.memref_squeeze %dma_start3A_2558 : memref<1x32x1024xf32, #tpu.memory_space<vmem>> -> memref<32x1024xf32, #tpu.memory_space<vmem>>
    %dma_start3A_2560 = arith.constant 0 : i32
    %dma_start3A_2561 = tpu.memref_slice %arg6[%dma_start3A_2554, %dma_start3A_2560] : memref<32x32xi32, #tpu.memory_space<vmem>> -> memref<1x32xi32, #tpu.memory_space<vmem>>
    %dma_start3A_2562 = tpu.memref_squeeze %dma_start3A_2561 : memref<1x32xi32, #tpu.memory_space<vmem>> -> memref<32xi32, #tpu.memory_space<vmem>>
    %dma_start3A_2563 = arith.constant 0 : i32
    %dma_start3A_2564 = arith.constant 0 : i32
    %dma_start3A_2565 = tpu.memref_slice %arg2[%dma_start3A_2563, %dma_start3A_2564] : memref<8194x1024xf32, #tpu.memory_space<hbm>> -> memref<8194x1024xf32, #tpu.memory_space<hbm>>
    tpu.enqueue_indirect_dma source(%dma_start3A_2565 : memref<8194x1024xf32, #tpu.memory_space<hbm>>) target(%dma_start3A_2559 : memref<32x1024xf32, #tpu.memory_space<vmem>>) offsets(%dma_start3A_2562 : memref<32xi32, #tpu.memory_space<vmem>>) semaphore(%arg8 : memref<!tpu.dma_semaphore, #tpu.memory_space<semaphore_mem>>)
    %dma_wait3A_2566 = arith.constant 19 : i32
    %dma_wait3A_2567 = arith.constant 1 : i32
    %dma_wait3A_2568 = arith.constant 0 : i32
    %dma_wait3A_2569 = arith.constant 0 : i32
    %dma_wait3A_2570 = tpu.memref_slice %arg7[%dma_wait3A_2567, %dma_wait3A_2568, %dma_wait3A_2569] : memref<3x32x1024xf32, #tpu.memory_space<vmem>> -> memref<1x32x1024xf32, #tpu.memory_space<vmem>>
    %dma_wait3A_2571 = tpu.memref_squeeze %dma_wait3A_2570 : memref<1x32x1024xf32, #tpu.memory_space<vmem>> -> memref<32x1024xf32, #tpu.memory_space<vmem>>
    %dma_wait3A_2572 = arith.constant 0 : i32
    %dma_wait3A_2573 = tpu.memref_slice %arg6[%dma_wait3A_2566, %dma_wait3A_2572] : memref<32x32xi32, #tpu.memory_space<vmem>> -> memref<1x32xi32, #tpu.memory_space<vmem>>
    %dma_wait3A_2574 = tpu.memref_squeeze %dma_wait3A_2573 : memref<1x32xi32, #tpu.memory_space<vmem>> -> memref<32xi32, #tpu.memory_space<vmem>>
    %dma_wait3A_2575 = arith.constant 0 : i32
    %dma_wait3A_2576 = arith.constant 0 : i32
    %dma_wait3A_2577 = tpu.memref_slice %arg2[%dma_wait3A_2575, %dma_wait3A_2576] : memref<8194x1024xf32, #tpu.memory_space<hbm>> -> memref<8194x1024xf32, #tpu.memory_space<hbm>>
    tpu.wait_indirect_dma semaphore(%arg8 : memref<!tpu.dma_semaphore, #tpu.memory_space<semaphore_mem>>) src(%dma_wait3A_2577 : memref<8194x1024xf32, #tpu.memory_space<hbm>>) dst(%dma_wait3A_2571 : memref<32x1024xf32, #tpu.memory_space<vmem>>)
    %add3A_2578 = arith.constant 608 : i32
    %add3A_2579 = arith.addi %mul3A_2, %add3A_2578 : i32
    %dma_start3A_2580 = arith.constant 1 : i32
    %dma_start3A_2581 = arith.constant 0 : i32
    %dma_start3A_2582 = arith.constant 0 : i32
    %dma_start3A_2583 = tpu.memref_slice %arg7[%dma_start3A_2580, %dma_start3A_2581, %dma_start3A_2582] : memref<3x32x1024xf32, #tpu.memory_space<vmem>> -> memref<1x32x1024xf32, #tpu.memory_space<vmem>>
    %dma_start3A_2584 = tpu.memref_squeeze %dma_start3A_2583 : memref<1x32x1024xf32, #tpu.memory_space<vmem>> -> memref<32x1024xf32, #tpu.memory_space<vmem>>
    %dma_start3A_2585 = arith.constant 0 : i32
    %dma_start3A_2586 = tpu.memref_slice %arg4[%add3A_2579, %dma_start3A_2585] : memref<32768x1024xf32, #tpu.memory_space<hbm>> -> memref<32x1024xf32, #tpu.memory_space<hbm>>
    %dma_start3A_2587 = arith.constant 0 : i32
    %dma_start3A_2588 = tpu.memref_slice %arg4[%add3A_2579, %dma_start3A_2587] : memref<32768x1024xf32, #tpu.memory_space<hbm>> -> memref<32x1024xf32, #tpu.memory_space<hbm>>
    %dma_start3A_2589 = arith.constant 0 : i32
    %dma_start3A_2590 = arith.constant 0 : i32
    %dma_start3A_2591 = tpu.memref_slice %arg7[%dma_start3A_2580, %dma_start3A_2589, %dma_start3A_2590] : memref<3x32x1024xf32, #tpu.memory_space<vmem>> -> memref<1x32x1024xf32, #tpu.memory_space<vmem>>
    %dma_start3A_2592 = tpu.memref_squeeze %dma_start3A_2591 : memref<1x32x1024xf32, #tpu.memory_space<vmem>> -> memref<32x1024xf32, #tpu.memory_space<vmem>>
    tpu.enqueue_dma source(%dma_start3A_2592 : memref<32x1024xf32, #tpu.memory_space<vmem>>) target(%dma_start3A_2588 : memref<32x1024xf32, #tpu.memory_space<hbm>>) target_semaphore(%arg9 : memref<!tpu.dma_semaphore, #tpu.memory_space<semaphore_mem>>)
    %add3A_2593 = arith.constant 576 : i32
    %add3A_2594 = arith.addi %mul3A_2, %add3A_2593 : i32
    %dma_wait3A_2595 = arith.constant 0 : i32
    %dma_wait3A_2596 = arith.constant 0 : i32
    %dma_wait3A_2597 = arith.constant 0 : i32
    %dma_wait3A_2598 = tpu.memref_slice %arg7[%dma_wait3A_2595, %dma_wait3A_2596, %dma_wait3A_2597] : memref<3x32x1024xf32, #tpu.memory_space<vmem>> -> memref<1x32x1024xf32, #tpu.memory_space<vmem>>
    %dma_wait3A_2599 = tpu.memref_squeeze %dma_wait3A_2598 : memref<1x32x1024xf32, #tpu.memory_space<vmem>> -> memref<32x1024xf32, #tpu.memory_space<vmem>>
    %dma_wait3A_2600 = arith.constant 0 : i32
    %dma_wait3A_2601 = tpu.memref_slice %arg4[%add3A_2594, %dma_wait3A_2600] : memref<32768x1024xf32, #tpu.memory_space<hbm>> -> memref<32x1024xf32, #tpu.memory_space<hbm>>
    %dma_wait3A_2602 = arith.constant 0 : i32
    %dma_wait3A_2603 = tpu.memref_slice %arg4[%add3A_2594, %dma_wait3A_2602] : memref<32768x1024xf32, #tpu.memory_space<hbm>> -> memref<32x1024xf32, #tpu.memory_space<hbm>>
    %dma_wait3A_2604 = arith.constant 0 : i32
    %dma_wait3A_2605 = arith.constant 0 : i32
    %dma_wait3A_2606 = tpu.memref_slice %arg7[%dma_wait3A_2595, %dma_wait3A_2604, %dma_wait3A_2605] : memref<3x32x1024xf32, #tpu.memory_space<vmem>> -> memref<1x32x1024xf32, #tpu.memory_space<vmem>>
    %dma_wait3A_2607 = tpu.memref_squeeze %dma_wait3A_2606 : memref<1x32x1024xf32, #tpu.memory_space<vmem>> -> memref<32x1024xf32, #tpu.memory_space<vmem>>
    tpu.wait_dma2 semaphore(%arg9 : memref<!tpu.dma_semaphore, #tpu.memory_space<semaphore_mem>>) src(%dma_wait3A_2607 : memref<32x1024xf32, #tpu.memory_space<vmem>>) dst(%dma_wait3A_2603 : memref<32x1024xf32, #tpu.memory_space<hbm>>)
    %dma_start3A_2608 = arith.constant 21 : i32
    %dma_start3A_2609 = arith.constant 0 : i32
    %dma_start3A_2610 = arith.constant 0 : i32
    %dma_start3A_2611 = arith.constant 0 : i32
    %dma_start3A_2612 = tpu.memref_slice %arg7[%dma_start3A_2609, %dma_start3A_2610, %dma_start3A_2611] : memref<3x32x1024xf32, #tpu.memory_space<vmem>> -> memref<1x32x1024xf32, #tpu.memory_space<vmem>>
    %dma_start3A_2613 = tpu.memref_squeeze %dma_start3A_2612 : memref<1x32x1024xf32, #tpu.memory_space<vmem>> -> memref<32x1024xf32, #tpu.memory_space<vmem>>
    %dma_start3A_2614 = arith.constant 0 : i32
    %dma_start3A_2615 = tpu.memref_slice %arg6[%dma_start3A_2608, %dma_start3A_2614] : memref<32x32xi32, #tpu.memory_space<vmem>> -> memref<1x32xi32, #tpu.memory_space<vmem>>
    %dma_start3A_2616 = tpu.memref_squeeze %dma_start3A_2615 : memref<1x32xi32, #tpu.memory_space<vmem>> -> memref<32xi32, #tpu.memory_space<vmem>>
    %dma_start3A_2617 = arith.constant 0 : i32
    %dma_start3A_2618 = arith.constant 0 : i32
    %dma_start3A_2619 = tpu.memref_slice %arg2[%dma_start3A_2617, %dma_start3A_2618] : memref<8194x1024xf32, #tpu.memory_space<hbm>> -> memref<8194x1024xf32, #tpu.memory_space<hbm>>
    tpu.enqueue_indirect_dma source(%dma_start3A_2619 : memref<8194x1024xf32, #tpu.memory_space<hbm>>) target(%dma_start3A_2613 : memref<32x1024xf32, #tpu.memory_space<vmem>>) offsets(%dma_start3A_2616 : memref<32xi32, #tpu.memory_space<vmem>>) semaphore(%arg8 : memref<!tpu.dma_semaphore, #tpu.memory_space<semaphore_mem>>)
    %dma_wait3A_2620 = arith.constant 20 : i32
    %dma_wait3A_2621 = arith.constant 2 : i32
    %dma_wait3A_2622 = arith.constant 0 : i32
    %dma_wait3A_2623 = arith.constant 0 : i32
    %dma_wait3A_2624 = tpu.memref_slice %arg7[%dma_wait3A_2621, %dma_wait3A_2622, %dma_wait3A_2623] : memref<3x32x1024xf32, #tpu.memory_space<vmem>> -> memref<1x32x1024xf32, #tpu.memory_space<vmem>>
    %dma_wait3A_2625 = tpu.memref_squeeze %dma_wait3A_2624 : memref<1x32x1024xf32, #tpu.memory_space<vmem>> -> memref<32x1024xf32, #tpu.memory_space<vmem>>
    %dma_wait3A_2626 = arith.constant 0 : i32
    %dma_wait3A_2627 = tpu.memref_slice %arg6[%dma_wait3A_2620, %dma_wait3A_2626] : memref<32x32xi32, #tpu.memory_space<vmem>> -> memref<1x32xi32, #tpu.memory_space<vmem>>
    %dma_wait3A_2628 = tpu.memref_squeeze %dma_wait3A_2627 : memref<1x32xi32, #tpu.memory_space<vmem>> -> memref<32xi32, #tpu.memory_space<vmem>>
    %dma_wait3A_2629 = arith.constant 0 : i32
    %dma_wait3A_2630 = arith.constant 0 : i32
    %dma_wait3A_2631 = tpu.memref_slice %arg2[%dma_wait3A_2629, %dma_wait3A_2630] : memref<8194x1024xf32, #tpu.memory_space<hbm>> -> memref<8194x1024xf32, #tpu.memory_space<hbm>>
    tpu.wait_indirect_dma semaphore(%arg8 : memref<!tpu.dma_semaphore, #tpu.memory_space<semaphore_mem>>) src(%dma_wait3A_2631 : memref<8194x1024xf32, #tpu.memory_space<hbm>>) dst(%dma_wait3A_2625 : memref<32x1024xf32, #tpu.memory_space<vmem>>)
    %add3A_2632 = arith.constant 640 : i32
    %add3A_2633 = arith.addi %mul3A_2, %add3A_2632 : i32
    %dma_start3A_2634 = arith.constant 2 : i32
    %dma_start3A_2635 = arith.constant 0 : i32
    %dma_start3A_2636 = arith.constant 0 : i32
    %dma_start3A_2637 = tpu.memref_slice %arg7[%dma_start3A_2634, %dma_start3A_2635, %dma_start3A_2636] : memref<3x32x1024xf32, #tpu.memory_space<vmem>> -> memref<1x32x1024xf32, #tpu.memory_space<vmem>>
    %dma_start3A_2638 = tpu.memref_squeeze %dma_start3A_2637 : memref<1x32x1024xf32, #tpu.memory_space<vmem>> -> memref<32x1024xf32, #tpu.memory_space<vmem>>
    %dma_start3A_2639 = arith.constant 0 : i32
    %dma_start3A_2640 = tpu.memref_slice %arg4[%add3A_2633, %dma_start3A_2639] : memref<32768x1024xf32, #tpu.memory_space<hbm>> -> memref<32x1024xf32, #tpu.memory_space<hbm>>
    %dma_start3A_2641 = arith.constant 0 : i32
    %dma_start3A_2642 = tpu.memref_slice %arg4[%add3A_2633, %dma_start3A_2641] : memref<32768x1024xf32, #tpu.memory_space<hbm>> -> memref<32x1024xf32, #tpu.memory_space<hbm>>
    %dma_start3A_2643 = arith.constant 0 : i32
    %dma_start3A_2644 = arith.constant 0 : i32
    %dma_start3A_2645 = tpu.memref_slice %arg7[%dma_start3A_2634, %dma_start3A_2643, %dma_start3A_2644] : memref<3x32x1024xf32, #tpu.memory_space<vmem>> -> memref<1x32x1024xf32, #tpu.memory_space<vmem>>
    %dma_start3A_2646 = tpu.memref_squeeze %dma_start3A_2645 : memref<1x32x1024xf32, #tpu.memory_space<vmem>> -> memref<32x1024xf32, #tpu.memory_space<vmem>>
    tpu.enqueue_dma source(%dma_start3A_2646 : memref<32x1024xf32, #tpu.memory_space<vmem>>) target(%dma_start3A_2642 : memref<32x1024xf32, #tpu.memory_space<hbm>>) target_semaphore(%arg9 : memref<!tpu.dma_semaphore, #tpu.memory_space<semaphore_mem>>)
    %add3A_2647 = arith.constant 608 : i32
    %add3A_2648 = arith.addi %mul3A_2, %add3A_2647 : i32
    %dma_wait3A_2649 = arith.constant 1 : i32
    %dma_wait3A_2650 = arith.constant 0 : i32
    %dma_wait3A_2651 = arith.constant 0 : i32
    %dma_wait3A_2652 = tpu.memref_slice %arg7[%dma_wait3A_2649, %dma_wait3A_2650, %dma_wait3A_2651] : memref<3x32x1024xf32, #tpu.memory_space<vmem>> -> memref<1x32x1024xf32, #tpu.memory_space<vmem>>
    %dma_wait3A_2653 = tpu.memref_squeeze %dma_wait3A_2652 : memref<1x32x1024xf32, #tpu.memory_space<vmem>> -> memref<32x1024xf32, #tpu.memory_space<vmem>>
    %dma_wait3A_2654 = arith.constant 0 : i32
    %dma_wait3A_2655 = tpu.memref_slice %arg4[%add3A_2648, %dma_wait3A_2654] : memref<32768x1024xf32, #tpu.memory_space<hbm>> -> memref<32x1024xf32, #tpu.memory_space<hbm>>
    %dma_wait3A_2656 = arith.constant 0 : i32
    %dma_wait3A_2657 = tpu.memref_slice %arg4[%add3A_2648, %dma_wait3A_2656] : memref<32768x1024xf32, #tpu.memory_space<hbm>> -> memref<32x1024xf32, #tpu.memory_space<hbm>>
    %dma_wait3A_2658 = arith.constant 0 : i32
    %dma_wait3A_2659 = arith.constant 0 : i32
    %dma_wait3A_2660 = tpu.memref_slice %arg7[%dma_wait3A_2649, %dma_wait3A_2658, %dma_wait3A_2659] : memref<3x32x1024xf32, #tpu.memory_space<vmem>> -> memref<1x32x1024xf32, #tpu.memory_space<vmem>>
    %dma_wait3A_2661 = tpu.memref_squeeze %dma_wait3A_2660 : memref<1x32x1024xf32, #tpu.memory_space<vmem>> -> memref<32x1024xf32, #tpu.memory_space<vmem>>
    tpu.wait_dma2 semaphore(%arg9 : memref<!tpu.dma_semaphore, #tpu.memory_space<semaphore_mem>>) src(%dma_wait3A_2661 : memref<32x1024xf32, #tpu.memory_space<vmem>>) dst(%dma_wait3A_2657 : memref<32x1024xf32, #tpu.memory_space<hbm>>)
    %dma_start3A_2662 = arith.constant 22 : i32
    %dma_start3A_2663 = arith.constant 1 : i32
    %dma_start3A_2664 = arith.constant 0 : i32
    %dma_start3A_2665 = arith.constant 0 : i32
    %dma_start3A_2666 = tpu.memref_slice %arg7[%dma_start3A_2663, %dma_start3A_2664, %dma_start3A_2665] : memref<3x32x1024xf32, #tpu.memory_space<vmem>> -> memref<1x32x1024xf32, #tpu.memory_space<vmem>>
    %dma_start3A_2667 = tpu.memref_squeeze %dma_start3A_2666 : memref<1x32x1024xf32, #tpu.memory_space<vmem>> -> memref<32x1024xf32, #tpu.memory_space<vmem>>
    %dma_start3A_2668 = arith.constant 0 : i32
    %dma_start3A_2669 = tpu.memref_slice %arg6[%dma_start3A_2662, %dma_start3A_2668] : memref<32x32xi32, #tpu.memory_space<vmem>> -> memref<1x32xi32, #tpu.memory_space<vmem>>
    %dma_start3A_2670 = tpu.memref_squeeze %dma_start3A_2669 : memref<1x32xi32, #tpu.memory_space<vmem>> -> memref<32xi32, #tpu.memory_space<vmem>>
    %dma_start3A_2671 = arith.constant 0 : i32
    %dma_start3A_2672 = arith.constant 0 : i32
    %dma_start3A_2673 = tpu.memref_slice %arg2[%dma_start3A_2671, %dma_start3A_2672] : memref<8194x1024xf32, #tpu.memory_space<hbm>> -> memref<8194x1024xf32, #tpu.memory_space<hbm>>
    tpu.enqueue_indirect_dma source(%dma_start3A_2673 : memref<8194x1024xf32, #tpu.memory_space<hbm>>) target(%dma_start3A_2667 : memref<32x1024xf32, #tpu.memory_space<vmem>>) offsets(%dma_start3A_2670 : memref<32xi32, #tpu.memory_space<vmem>>) semaphore(%arg8 : memref<!tpu.dma_semaphore, #tpu.memory_space<semaphore_mem>>)
    %dma_wait3A_2674 = arith.constant 21 : i32
    %dma_wait3A_2675 = arith.constant 0 : i32
    %dma_wait3A_2676 = arith.constant 0 : i32
    %dma_wait3A_2677 = arith.constant 0 : i32
    %dma_wait3A_2678 = tpu.memref_slice %arg7[%dma_wait3A_2675, %dma_wait3A_2676, %dma_wait3A_2677] : memref<3x32x1024xf32, #tpu.memory_space<vmem>> -> memref<1x32x1024xf32, #tpu.memory_space<vmem>>
    %dma_wait3A_2679 = tpu.memref_squeeze %dma_wait3A_2678 : memref<1x32x1024xf32, #tpu.memory_space<vmem>> -> memref<32x1024xf32, #tpu.memory_space<vmem>>
    %dma_wait3A_2680 = arith.constant 0 : i32
    %dma_wait3A_2681 = tpu.memref_slice %arg6[%dma_wait3A_2674, %dma_wait3A_2680] : memref<32x32xi32, #tpu.memory_space<vmem>> -> memref<1x32xi32, #tpu.memory_space<vmem>>
    %dma_wait3A_2682 = tpu.memref_squeeze %dma_wait3A_2681 : memref<1x32xi32, #tpu.memory_space<vmem>> -> memref<32xi32, #tpu.memory_space<vmem>>
    %dma_wait3A_2683 = arith.constant 0 : i32
    %dma_wait3A_2684 = arith.constant 0 : i32
    %dma_wait3A_2685 = tpu.memref_slice %arg2[%dma_wait3A_2683, %dma_wait3A_2684] : memref<8194x1024xf32, #tpu.memory_space<hbm>> -> memref<8194x1024xf32, #tpu.memory_space<hbm>>
    tpu.wait_indirect_dma semaphore(%arg8 : memref<!tpu.dma_semaphore, #tpu.memory_space<semaphore_mem>>) src(%dma_wait3A_2685 : memref<8194x1024xf32, #tpu.memory_space<hbm>>) dst(%dma_wait3A_2679 : memref<32x1024xf32, #tpu.memory_space<vmem>>)
    %add3A_2686 = arith.constant 672 : i32
    %add3A_2687 = arith.addi %mul3A_2, %add3A_2686 : i32
    %dma_start3A_2688 = arith.constant 0 : i32
    %dma_start3A_2689 = arith.constant 0 : i32
    %dma_start3A_2690 = arith.constant 0 : i32
    %dma_start3A_2691 = tpu.memref_slice %arg7[%dma_start3A_2688, %dma_start3A_2689, %dma_start3A_2690] : memref<3x32x1024xf32, #tpu.memory_space<vmem>> -> memref<1x32x1024xf32, #tpu.memory_space<vmem>>
    %dma_start3A_2692 = tpu.memref_squeeze %dma_start3A_2691 : memref<1x32x1024xf32, #tpu.memory_space<vmem>> -> memref<32x1024xf32, #tpu.memory_space<vmem>>
    %dma_start3A_2693 = arith.constant 0 : i32
    %dma_start3A_2694 = tpu.memref_slice %arg4[%add3A_2687, %dma_start3A_2693] : memref<32768x1024xf32, #tpu.memory_space<hbm>> -> memref<32x1024xf32, #tpu.memory_space<hbm>>
    %dma_start3A_2695 = arith.constant 0 : i32
    %dma_start3A_2696 = tpu.memref_slice %arg4[%add3A_2687, %dma_start3A_2695] : memref<32768x1024xf32, #tpu.memory_space<hbm>> -> memref<32x1024xf32, #tpu.memory_space<hbm>>
    %dma_start3A_2697 = arith.constant 0 : i32
    %dma_start3A_2698 = arith.constant 0 : i32
    %dma_start3A_2699 = tpu.memref_slice %arg7[%dma_start3A_2688, %dma_start3A_2697, %dma_start3A_2698] : memref<3x32x1024xf32, #tpu.memory_space<vmem>> -> memref<1x32x1024xf32, #tpu.memory_space<vmem>>
    %dma_start3A_2700 = tpu.memref_squeeze %dma_start3A_2699 : memref<1x32x1024xf32, #tpu.memory_space<vmem>> -> memref<32x1024xf32, #tpu.memory_space<vmem>>
    tpu.enqueue_dma source(%dma_start3A_2700 : memref<32x1024xf32, #tpu.memory_space<vmem>>) target(%dma_start3A_2696 : memref<32x1024xf32, #tpu.memory_space<hbm>>) target_semaphore(%arg9 : memref<!tpu.dma_semaphore, #tpu.memory_space<semaphore_mem>>)
    %add3A_2701 = arith.constant 640 : i32
    %add3A_2702 = arith.addi %mul3A_2, %add3A_2701 : i32
    %dma_wait3A_2703 = arith.constant 2 : i32
    %dma_wait3A_2704 = arith.constant 0 : i32
    %dma_wait3A_2705 = arith.constant 0 : i32
    %dma_wait3A_2706 = tpu.memref_slice %arg7[%dma_wait3A_2703, %dma_wait3A_2704, %dma_wait3A_2705] : memref<3x32x1024xf32, #tpu.memory_space<vmem>> -> memref<1x32x1024xf32, #tpu.memory_space<vmem>>
    %dma_wait3A_2707 = tpu.memref_squeeze %dma_wait3A_2706 : memref<1x32x1024xf32, #tpu.memory_space<vmem>> -> memref<32x1024xf32, #tpu.memory_space<vmem>>
    %dma_wait3A_2708 = arith.constant 0 : i32
    %dma_wait3A_2709 = tpu.memref_slice %arg4[%add3A_2702, %dma_wait3A_2708] : memref<32768x1024xf32, #tpu.memory_space<hbm>> -> memref<32x1024xf32, #tpu.memory_space<hbm>>
    %dma_wait3A_2710 = arith.constant 0 : i32
    %dma_wait3A_2711 = tpu.memref_slice %arg4[%add3A_2702, %dma_wait3A_2710] : memref<32768x1024xf32, #tpu.memory_space<hbm>> -> memref<32x1024xf32, #tpu.memory_space<hbm>>
    %dma_wait3A_2712 = arith.constant 0 : i32
    %dma_wait3A_2713 = arith.constant 0 : i32
    %dma_wait3A_2714 = tpu.memref_slice %arg7[%dma_wait3A_2703, %dma_wait3A_2712, %dma_wait3A_2713] : memref<3x32x1024xf32, #tpu.memory_space<vmem>> -> memref<1x32x1024xf32, #tpu.memory_space<vmem>>
    %dma_wait3A_2715 = tpu.memref_squeeze %dma_wait3A_2714 : memref<1x32x1024xf32, #tpu.memory_space<vmem>> -> memref<32x1024xf32, #tpu.memory_space<vmem>>
    tpu.wait_dma2 semaphore(%arg9 : memref<!tpu.dma_semaphore, #tpu.memory_space<semaphore_mem>>) src(%dma_wait3A_2715 : memref<32x1024xf32, #tpu.memory_space<vmem>>) dst(%dma_wait3A_2711 : memref<32x1024xf32, #tpu.memory_space<hbm>>)
    %dma_start3A_2716 = arith.constant 23 : i32
    %dma_start3A_2717 = arith.constant 2 : i32
    %dma_start3A_2718 = arith.constant 0 : i32
    %dma_start3A_2719 = arith.constant 0 : i32
    %dma_start3A_2720 = tpu.memref_slice %arg7[%dma_start3A_2717, %dma_start3A_2718, %dma_start3A_2719] : memref<3x32x1024xf32, #tpu.memory_space<vmem>> -> memref<1x32x1024xf32, #tpu.memory_space<vmem>>
    %dma_start3A_2721 = tpu.memref_squeeze %dma_start3A_2720 : memref<1x32x1024xf32, #tpu.memory_space<vmem>> -> memref<32x1024xf32, #tpu.memory_space<vmem>>
    %dma_start3A_2722 = arith.constant 0 : i32
    %dma_start3A_2723 = tpu.memref_slice %arg6[%dma_start3A_2716, %dma_start3A_2722] : memref<32x32xi32, #tpu.memory_space<vmem>> -> memref<1x32xi32, #tpu.memory_space<vmem>>
    %dma_start3A_2724 = tpu.memref_squeeze %dma_start3A_2723 : memref<1x32xi32, #tpu.memory_space<vmem>> -> memref<32xi32, #tpu.memory_space<vmem>>
    %dma_start3A_2725 = arith.constant 0 : i32
    %dma_start3A_2726 = arith.constant 0 : i32
    %dma_start3A_2727 = tpu.memref_slice %arg2[%dma_start3A_2725, %dma_start3A_2726] : memref<8194x1024xf32, #tpu.memory_space<hbm>> -> memref<8194x1024xf32, #tpu.memory_space<hbm>>
    tpu.enqueue_indirect_dma source(%dma_start3A_2727 : memref<8194x1024xf32, #tpu.memory_space<hbm>>) target(%dma_start3A_2721 : memref<32x1024xf32, #tpu.memory_space<vmem>>) offsets(%dma_start3A_2724 : memref<32xi32, #tpu.memory_space<vmem>>) semaphore(%arg8 : memref<!tpu.dma_semaphore, #tpu.memory_space<semaphore_mem>>)
    %dma_wait3A_2728 = arith.constant 22 : i32
    %dma_wait3A_2729 = arith.constant 1 : i32
    %dma_wait3A_2730 = arith.constant 0 : i32
    %dma_wait3A_2731 = arith.constant 0 : i32
    %dma_wait3A_2732 = tpu.memref_slice %arg7[%dma_wait3A_2729, %dma_wait3A_2730, %dma_wait3A_2731] : memref<3x32x1024xf32, #tpu.memory_space<vmem>> -> memref<1x32x1024xf32, #tpu.memory_space<vmem>>
    %dma_wait3A_2733 = tpu.memref_squeeze %dma_wait3A_2732 : memref<1x32x1024xf32, #tpu.memory_space<vmem>> -> memref<32x1024xf32, #tpu.memory_space<vmem>>
    %dma_wait3A_2734 = arith.constant 0 : i32
    %dma_wait3A_2735 = tpu.memref_slice %arg6[%dma_wait3A_2728, %dma_wait3A_2734] : memref<32x32xi32, #tpu.memory_space<vmem>> -> memref<1x32xi32, #tpu.memory_space<vmem>>
    %dma_wait3A_2736 = tpu.memref_squeeze %dma_wait3A_2735 : memref<1x32xi32, #tpu.memory_space<vmem>> -> memref<32xi32, #tpu.memory_space<vmem>>
    %dma_wait3A_2737 = arith.constant 0 : i32
    %dma_wait3A_2738 = arith.constant 0 : i32
    %dma_wait3A_2739 = tpu.memref_slice %arg2[%dma_wait3A_2737, %dma_wait3A_2738] : memref<8194x1024xf32, #tpu.memory_space<hbm>> -> memref<8194x1024xf32, #tpu.memory_space<hbm>>
    tpu.wait_indirect_dma semaphore(%arg8 : memref<!tpu.dma_semaphore, #tpu.memory_space<semaphore_mem>>) src(%dma_wait3A_2739 : memref<8194x1024xf32, #tpu.memory_space<hbm>>) dst(%dma_wait3A_2733 : memref<32x1024xf32, #tpu.memory_space<vmem>>)
    %add3A_2740 = arith.constant 704 : i32
    %add3A_2741 = arith.addi %mul3A_2, %add3A_2740 : i32
    %dma_start3A_2742 = arith.constant 1 : i32
    %dma_start3A_2743 = arith.constant 0 : i32
    %dma_start3A_2744 = arith.constant 0 : i32
    %dma_start3A_2745 = tpu.memref_slice %arg7[%dma_start3A_2742, %dma_start3A_2743, %dma_start3A_2744] : memref<3x32x1024xf32, #tpu.memory_space<vmem>> -> memref<1x32x1024xf32, #tpu.memory_space<vmem>>
    %dma_start3A_2746 = tpu.memref_squeeze %dma_start3A_2745 : memref<1x32x1024xf32, #tpu.memory_space<vmem>> -> memref<32x1024xf32, #tpu.memory_space<vmem>>
    %dma_start3A_2747 = arith.constant 0 : i32
    %dma_start3A_2748 = tpu.memref_slice %arg4[%add3A_2741, %dma_start3A_2747] : memref<32768x1024xf32, #tpu.memory_space<hbm>> -> memref<32x1024xf32, #tpu.memory_space<hbm>>
    %dma_start3A_2749 = arith.constant 0 : i32
    %dma_start3A_2750 = tpu.memref_slice %arg4[%add3A_2741, %dma_start3A_2749] : memref<32768x1024xf32, #tpu.memory_space<hbm>> -> memref<32x1024xf32, #tpu.memory_space<hbm>>
    %dma_start3A_2751 = arith.constant 0 : i32
    %dma_start3A_2752 = arith.constant 0 : i32
    %dma_start3A_2753 = tpu.memref_slice %arg7[%dma_start3A_2742, %dma_start3A_2751, %dma_start3A_2752] : memref<3x32x1024xf32, #tpu.memory_space<vmem>> -> memref<1x32x1024xf32, #tpu.memory_space<vmem>>
    %dma_start3A_2754 = tpu.memref_squeeze %dma_start3A_2753 : memref<1x32x1024xf32, #tpu.memory_space<vmem>> -> memref<32x1024xf32, #tpu.memory_space<vmem>>
    tpu.enqueue_dma source(%dma_start3A_2754 : memref<32x1024xf32, #tpu.memory_space<vmem>>) target(%dma_start3A_2750 : memref<32x1024xf32, #tpu.memory_space<hbm>>) target_semaphore(%arg9 : memref<!tpu.dma_semaphore, #tpu.memory_space<semaphore_mem>>)
    %add3A_2755 = arith.constant 672 : i32
    %add3A_2756 = arith.addi %mul3A_2, %add3A_2755 : i32
    %dma_wait3A_2757 = arith.constant 0 : i32
    %dma_wait3A_2758 = arith.constant 0 : i32
    %dma_wait3A_2759 = arith.constant 0 : i32
    %dma_wait3A_2760 = tpu.memref_slice %arg7[%dma_wait3A_2757, %dma_wait3A_2758, %dma_wait3A_2759] : memref<3x32x1024xf32, #tpu.memory_space<vmem>> -> memref<1x32x1024xf32, #tpu.memory_space<vmem>>
    %dma_wait3A_2761 = tpu.memref_squeeze %dma_wait3A_2760 : memref<1x32x1024xf32, #tpu.memory_space<vmem>> -> memref<32x1024xf32, #tpu.memory_space<vmem>>
    %dma_wait3A_2762 = arith.constant 0 : i32
    %dma_wait3A_2763 = tpu.memref_slice %arg4[%add3A_2756, %dma_wait3A_2762] : memref<32768x1024xf32, #tpu.memory_space<hbm>> -> memref<32x1024xf32, #tpu.memory_space<hbm>>
    %dma_wait3A_2764 = arith.constant 0 : i32
    %dma_wait3A_2765 = tpu.memref_slice %arg4[%add3A_2756, %dma_wait3A_2764] : memref<32768x1024xf32, #tpu.memory_space<hbm>> -> memref<32x1024xf32, #tpu.memory_space<hbm>>
    %dma_wait3A_2766 = arith.constant 0 : i32
    %dma_wait3A_2767 = arith.constant 0 : i32
    %dma_wait3A_2768 = tpu.memref_slice %arg7[%dma_wait3A_2757, %dma_wait3A_2766, %dma_wait3A_2767] : memref<3x32x1024xf32, #tpu.memory_space<vmem>> -> memref<1x32x1024xf32, #tpu.memory_space<vmem>>
    %dma_wait3A_2769 = tpu.memref_squeeze %dma_wait3A_2768 : memref<1x32x1024xf32, #tpu.memory_space<vmem>> -> memref<32x1024xf32, #tpu.memory_space<vmem>>
    tpu.wait_dma2 semaphore(%arg9 : memref<!tpu.dma_semaphore, #tpu.memory_space<semaphore_mem>>) src(%dma_wait3A_2769 : memref<32x1024xf32, #tpu.memory_space<vmem>>) dst(%dma_wait3A_2765 : memref<32x1024xf32, #tpu.memory_space<hbm>>)
    %dma_start3A_2770 = arith.constant 24 : i32
    %dma_start3A_2771 = arith.constant 0 : i32
    %dma_start3A_2772 = arith.constant 0 : i32
    %dma_start3A_2773 = arith.constant 0 : i32
    %dma_start3A_2774 = tpu.memref_slice %arg7[%dma_start3A_2771, %dma_start3A_2772, %dma_start3A_2773] : memref<3x32x1024xf32, #tpu.memory_space<vmem>> -> memref<1x32x1024xf32, #tpu.memory_space<vmem>>
    %dma_start3A_2775 = tpu.memref_squeeze %dma_start3A_2774 : memref<1x32x1024xf32, #tpu.memory_space<vmem>> -> memref<32x1024xf32, #tpu.memory_space<vmem>>
    %dma_start3A_2776 = arith.constant 0 : i32
    %dma_start3A_2777 = tpu.memref_slice %arg6[%dma_start3A_2770, %dma_start3A_2776] : memref<32x32xi32, #tpu.memory_space<vmem>> -> memref<1x32xi32, #tpu.memory_space<vmem>>
    %dma_start3A_2778 = tpu.memref_squeeze %dma_start3A_2777 : memref<1x32xi32, #tpu.memory_space<vmem>> -> memref<32xi32, #tpu.memory_space<vmem>>
    %dma_start3A_2779 = arith.constant 0 : i32
    %dma_start3A_2780 = arith.constant 0 : i32
    %dma_start3A_2781 = tpu.memref_slice %arg2[%dma_start3A_2779, %dma_start3A_2780] : memref<8194x1024xf32, #tpu.memory_space<hbm>> -> memref<8194x1024xf32, #tpu.memory_space<hbm>>
    tpu.enqueue_indirect_dma source(%dma_start3A_2781 : memref<8194x1024xf32, #tpu.memory_space<hbm>>) target(%dma_start3A_2775 : memref<32x1024xf32, #tpu.memory_space<vmem>>) offsets(%dma_start3A_2778 : memref<32xi32, #tpu.memory_space<vmem>>) semaphore(%arg8 : memref<!tpu.dma_semaphore, #tpu.memory_space<semaphore_mem>>)
    %dma_wait3A_2782 = arith.constant 23 : i32
    %dma_wait3A_2783 = arith.constant 2 : i32
    %dma_wait3A_2784 = arith.constant 0 : i32
    %dma_wait3A_2785 = arith.constant 0 : i32
    %dma_wait3A_2786 = tpu.memref_slice %arg7[%dma_wait3A_2783, %dma_wait3A_2784, %dma_wait3A_2785] : memref<3x32x1024xf32, #tpu.memory_space<vmem>> -> memref<1x32x1024xf32, #tpu.memory_space<vmem>>
    %dma_wait3A_2787 = tpu.memref_squeeze %dma_wait3A_2786 : memref<1x32x1024xf32, #tpu.memory_space<vmem>> -> memref<32x1024xf32, #tpu.memory_space<vmem>>
    %dma_wait3A_2788 = arith.constant 0 : i32
    %dma_wait3A_2789 = tpu.memref_slice %arg6[%dma_wait3A_2782, %dma_wait3A_2788] : memref<32x32xi32, #tpu.memory_space<vmem>> -> memref<1x32xi32, #tpu.memory_space<vmem>>
    %dma_wait3A_2790 = tpu.memref_squeeze %dma_wait3A_2789 : memref<1x32xi32, #tpu.memory_space<vmem>> -> memref<32xi32, #tpu.memory_space<vmem>>
    %dma_wait3A_2791 = arith.constant 0 : i32
    %dma_wait3A_2792 = arith.constant 0 : i32
    %dma_wait3A_2793 = tpu.memref_slice %arg2[%dma_wait3A_2791, %dma_wait3A_2792] : memref<8194x1024xf32, #tpu.memory_space<hbm>> -> memref<8194x1024xf32, #tpu.memory_space<hbm>>
    tpu.wait_indirect_dma semaphore(%arg8 : memref<!tpu.dma_semaphore, #tpu.memory_space<semaphore_mem>>) src(%dma_wait3A_2793 : memref<8194x1024xf32, #tpu.memory_space<hbm>>) dst(%dma_wait3A_2787 : memref<32x1024xf32, #tpu.memory_space<vmem>>)
    %add3A_2794 = arith.constant 736 : i32
    %add3A_2795 = arith.addi %mul3A_2, %add3A_2794 : i32
    %dma_start3A_2796 = arith.constant 2 : i32
    %dma_start3A_2797 = arith.constant 0 : i32
    %dma_start3A_2798 = arith.constant 0 : i32
    %dma_start3A_2799 = tpu.memref_slice %arg7[%dma_start3A_2796, %dma_start3A_2797, %dma_start3A_2798] : memref<3x32x1024xf32, #tpu.memory_space<vmem>> -> memref<1x32x1024xf32, #tpu.memory_space<vmem>>
    %dma_start3A_2800 = tpu.memref_squeeze %dma_start3A_2799 : memref<1x32x1024xf32, #tpu.memory_space<vmem>> -> memref<32x1024xf32, #tpu.memory_space<vmem>>
    %dma_start3A_2801 = arith.constant 0 : i32
    %dma_start3A_2802 = tpu.memref_slice %arg4[%add3A_2795, %dma_start3A_2801] : memref<32768x1024xf32, #tpu.memory_space<hbm>> -> memref<32x1024xf32, #tpu.memory_space<hbm>>
    %dma_start3A_2803 = arith.constant 0 : i32
    %dma_start3A_2804 = tpu.memref_slice %arg4[%add3A_2795, %dma_start3A_2803] : memref<32768x1024xf32, #tpu.memory_space<hbm>> -> memref<32x1024xf32, #tpu.memory_space<hbm>>
    %dma_start3A_2805 = arith.constant 0 : i32
    %dma_start3A_2806 = arith.constant 0 : i32
    %dma_start3A_2807 = tpu.memref_slice %arg7[%dma_start3A_2796, %dma_start3A_2805, %dma_start3A_2806] : memref<3x32x1024xf32, #tpu.memory_space<vmem>> -> memref<1x32x1024xf32, #tpu.memory_space<vmem>>
    %dma_start3A_2808 = tpu.memref_squeeze %dma_start3A_2807 : memref<1x32x1024xf32, #tpu.memory_space<vmem>> -> memref<32x1024xf32, #tpu.memory_space<vmem>>
    tpu.enqueue_dma source(%dma_start3A_2808 : memref<32x1024xf32, #tpu.memory_space<vmem>>) target(%dma_start3A_2804 : memref<32x1024xf32, #tpu.memory_space<hbm>>) target_semaphore(%arg9 : memref<!tpu.dma_semaphore, #tpu.memory_space<semaphore_mem>>)
    %add3A_2809 = arith.constant 704 : i32
    %add3A_2810 = arith.addi %mul3A_2, %add3A_2809 : i32
    %dma_wait3A_2811 = arith.constant 1 : i32
    %dma_wait3A_2812 = arith.constant 0 : i32
    %dma_wait3A_2813 = arith.constant 0 : i32
    %dma_wait3A_2814 = tpu.memref_slice %arg7[%dma_wait3A_2811, %dma_wait3A_2812, %dma_wait3A_2813] : memref<3x32x1024xf32, #tpu.memory_space<vmem>> -> memref<1x32x1024xf32, #tpu.memory_space<vmem>>
    %dma_wait3A_2815 = tpu.memref_squeeze %dma_wait3A_2814 : memref<1x32x1024xf32, #tpu.memory_space<vmem>> -> memref<32x1024xf32, #tpu.memory_space<vmem>>
    %dma_wait3A_2816 = arith.constant 0 : i32
    %dma_wait3A_2817 = tpu.memref_slice %arg4[%add3A_2810, %dma_wait3A_2816] : memref<32768x1024xf32, #tpu.memory_space<hbm>> -> memref<32x1024xf32, #tpu.memory_space<hbm>>
    %dma_wait3A_2818 = arith.constant 0 : i32
    %dma_wait3A_2819 = tpu.memref_slice %arg4[%add3A_2810, %dma_wait3A_2818] : memref<32768x1024xf32, #tpu.memory_space<hbm>> -> memref<32x1024xf32, #tpu.memory_space<hbm>>
    %dma_wait3A_2820 = arith.constant 0 : i32
    %dma_wait3A_2821 = arith.constant 0 : i32
    %dma_wait3A_2822 = tpu.memref_slice %arg7[%dma_wait3A_2811, %dma_wait3A_2820, %dma_wait3A_2821] : memref<3x32x1024xf32, #tpu.memory_space<vmem>> -> memref<1x32x1024xf32, #tpu.memory_space<vmem>>
    %dma_wait3A_2823 = tpu.memref_squeeze %dma_wait3A_2822 : memref<1x32x1024xf32, #tpu.memory_space<vmem>> -> memref<32x1024xf32, #tpu.memory_space<vmem>>
    tpu.wait_dma2 semaphore(%arg9 : memref<!tpu.dma_semaphore, #tpu.memory_space<semaphore_mem>>) src(%dma_wait3A_2823 : memref<32x1024xf32, #tpu.memory_space<vmem>>) dst(%dma_wait3A_2819 : memref<32x1024xf32, #tpu.memory_space<hbm>>)
    %dma_start3A_2824 = arith.constant 25 : i32
    %dma_start3A_2825 = arith.constant 1 : i32
    %dma_start3A_2826 = arith.constant 0 : i32
    %dma_start3A_2827 = arith.constant 0 : i32
    %dma_start3A_2828 = tpu.memref_slice %arg7[%dma_start3A_2825, %dma_start3A_2826, %dma_start3A_2827] : memref<3x32x1024xf32, #tpu.memory_space<vmem>> -> memref<1x32x1024xf32, #tpu.memory_space<vmem>>
    %dma_start3A_2829 = tpu.memref_squeeze %dma_start3A_2828 : memref<1x32x1024xf32, #tpu.memory_space<vmem>> -> memref<32x1024xf32, #tpu.memory_space<vmem>>
    %dma_start3A_2830 = arith.constant 0 : i32
    %dma_start3A_2831 = tpu.memref_slice %arg6[%dma_start3A_2824, %dma_start3A_2830] : memref<32x32xi32, #tpu.memory_space<vmem>> -> memref<1x32xi32, #tpu.memory_space<vmem>>
    %dma_start3A_2832 = tpu.memref_squeeze %dma_start3A_2831 : memref<1x32xi32, #tpu.memory_space<vmem>> -> memref<32xi32, #tpu.memory_space<vmem>>
    %dma_start3A_2833 = arith.constant 0 : i32
    %dma_start3A_2834 = arith.constant 0 : i32
    %dma_start3A_2835 = tpu.memref_slice %arg2[%dma_start3A_2833, %dma_start3A_2834] : memref<8194x1024xf32, #tpu.memory_space<hbm>> -> memref<8194x1024xf32, #tpu.memory_space<hbm>>
    tpu.enqueue_indirect_dma source(%dma_start3A_2835 : memref<8194x1024xf32, #tpu.memory_space<hbm>>) target(%dma_start3A_2829 : memref<32x1024xf32, #tpu.memory_space<vmem>>) offsets(%dma_start3A_2832 : memref<32xi32, #tpu.memory_space<vmem>>) semaphore(%arg8 : memref<!tpu.dma_semaphore, #tpu.memory_space<semaphore_mem>>)
    %dma_wait3A_2836 = arith.constant 24 : i32
    %dma_wait3A_2837 = arith.constant 0 : i32
    %dma_wait3A_2838 = arith.constant 0 : i32
    %dma_wait3A_2839 = arith.constant 0 : i32
    %dma_wait3A_2840 = tpu.memref_slice %arg7[%dma_wait3A_2837, %dma_wait3A_2838, %dma_wait3A_2839] : memref<3x32x1024xf32, #tpu.memory_space<vmem>> -> memref<1x32x1024xf32, #tpu.memory_space<vmem>>
    %dma_wait3A_2841 = tpu.memref_squeeze %dma_wait3A_2840 : memref<1x32x1024xf32, #tpu.memory_space<vmem>> -> memref<32x1024xf32, #tpu.memory_space<vmem>>
    %dma_wait3A_2842 = arith.constant 0 : i32
    %dma_wait3A_2843 = tpu.memref_slice %arg6[%dma_wait3A_2836, %dma_wait3A_2842] : memref<32x32xi32, #tpu.memory_space<vmem>> -> memref<1x32xi32, #tpu.memory_space<vmem>>
    %dma_wait3A_2844 = tpu.memref_squeeze %dma_wait3A_2843 : memref<1x32xi32, #tpu.memory_space<vmem>> -> memref<32xi32, #tpu.memory_space<vmem>>
    %dma_wait3A_2845 = arith.constant 0 : i32
    %dma_wait3A_2846 = arith.constant 0 : i32
    %dma_wait3A_2847 = tpu.memref_slice %arg2[%dma_wait3A_2845, %dma_wait3A_2846] : memref<8194x1024xf32, #tpu.memory_space<hbm>> -> memref<8194x1024xf32, #tpu.memory_space<hbm>>
    tpu.wait_indirect_dma semaphore(%arg8 : memref<!tpu.dma_semaphore, #tpu.memory_space<semaphore_mem>>) src(%dma_wait3A_2847 : memref<8194x1024xf32, #tpu.memory_space<hbm>>) dst(%dma_wait3A_2841 : memref<32x1024xf32, #tpu.memory_space<vmem>>)
    %add3A_2848 = arith.constant 768 : i32
    %add3A_2849 = arith.addi %mul3A_2, %add3A_2848 : i32
    %dma_start3A_2850 = arith.constant 0 : i32
    %dma_start3A_2851 = arith.constant 0 : i32
    %dma_start3A_2852 = arith.constant 0 : i32
    %dma_start3A_2853 = tpu.memref_slice %arg7[%dma_start3A_2850, %dma_start3A_2851, %dma_start3A_2852] : memref<3x32x1024xf32, #tpu.memory_space<vmem>> -> memref<1x32x1024xf32, #tpu.memory_space<vmem>>
    %dma_start3A_2854 = tpu.memref_squeeze %dma_start3A_2853 : memref<1x32x1024xf32, #tpu.memory_space<vmem>> -> memref<32x1024xf32, #tpu.memory_space<vmem>>
    %dma_start3A_2855 = arith.constant 0 : i32
    %dma_start3A_2856 = tpu.memref_slice %arg4[%add3A_2849, %dma_start3A_2855] : memref<32768x1024xf32, #tpu.memory_space<hbm>> -> memref<32x1024xf32, #tpu.memory_space<hbm>>
    %dma_start3A_2857 = arith.constant 0 : i32
    %dma_start3A_2858 = tpu.memref_slice %arg4[%add3A_2849, %dma_start3A_2857] : memref<32768x1024xf32, #tpu.memory_space<hbm>> -> memref<32x1024xf32, #tpu.memory_space<hbm>>
    %dma_start3A_2859 = arith.constant 0 : i32
    %dma_start3A_2860 = arith.constant 0 : i32
    %dma_start3A_2861 = tpu.memref_slice %arg7[%dma_start3A_2850, %dma_start3A_2859, %dma_start3A_2860] : memref<3x32x1024xf32, #tpu.memory_space<vmem>> -> memref<1x32x1024xf32, #tpu.memory_space<vmem>>
    %dma_start3A_2862 = tpu.memref_squeeze %dma_start3A_2861 : memref<1x32x1024xf32, #tpu.memory_space<vmem>> -> memref<32x1024xf32, #tpu.memory_space<vmem>>
    tpu.enqueue_dma source(%dma_start3A_2862 : memref<32x1024xf32, #tpu.memory_space<vmem>>) target(%dma_start3A_2858 : memref<32x1024xf32, #tpu.memory_space<hbm>>) target_semaphore(%arg9 : memref<!tpu.dma_semaphore, #tpu.memory_space<semaphore_mem>>)
    %add3A_2863 = arith.constant 736 : i32
    %add3A_2864 = arith.addi %mul3A_2, %add3A_2863 : i32
    %dma_wait3A_2865 = arith.constant 2 : i32
    %dma_wait3A_2866 = arith.constant 0 : i32
    %dma_wait3A_2867 = arith.constant 0 : i32
    %dma_wait3A_2868 = tpu.memref_slice %arg7[%dma_wait3A_2865, %dma_wait3A_2866, %dma_wait3A_2867] : memref<3x32x1024xf32, #tpu.memory_space<vmem>> -> memref<1x32x1024xf32, #tpu.memory_space<vmem>>
    %dma_wait3A_2869 = tpu.memref_squeeze %dma_wait3A_2868 : memref<1x32x1024xf32, #tpu.memory_space<vmem>> -> memref<32x1024xf32, #tpu.memory_space<vmem>>
    %dma_wait3A_2870 = arith.constant 0 : i32
    %dma_wait3A_2871 = tpu.memref_slice %arg4[%add3A_2864, %dma_wait3A_2870] : memref<32768x1024xf32, #tpu.memory_space<hbm>> -> memref<32x1024xf32, #tpu.memory_space<hbm>>
    %dma_wait3A_2872 = arith.constant 0 : i32
    %dma_wait3A_2873 = tpu.memref_slice %arg4[%add3A_2864, %dma_wait3A_2872] : memref<32768x1024xf32, #tpu.memory_space<hbm>> -> memref<32x1024xf32, #tpu.memory_space<hbm>>
    %dma_wait3A_2874 = arith.constant 0 : i32
    %dma_wait3A_2875 = arith.constant 0 : i32
    %dma_wait3A_2876 = tpu.memref_slice %arg7[%dma_wait3A_2865, %dma_wait3A_2874, %dma_wait3A_2875] : memref<3x32x1024xf32, #tpu.memory_space<vmem>> -> memref<1x32x1024xf32, #tpu.memory_space<vmem>>
    %dma_wait3A_2877 = tpu.memref_squeeze %dma_wait3A_2876 : memref<1x32x1024xf32, #tpu.memory_space<vmem>> -> memref<32x1024xf32, #tpu.memory_space<vmem>>
    tpu.wait_dma2 semaphore(%arg9 : memref<!tpu.dma_semaphore, #tpu.memory_space<semaphore_mem>>) src(%dma_wait3A_2877 : memref<32x1024xf32, #tpu.memory_space<vmem>>) dst(%dma_wait3A_2873 : memref<32x1024xf32, #tpu.memory_space<hbm>>)
    %dma_start3A_2878 = arith.constant 26 : i32
    %dma_start3A_2879 = arith.constant 2 : i32
    %dma_start3A_2880 = arith.constant 0 : i32
    %dma_start3A_2881 = arith.constant 0 : i32
    %dma_start3A_2882 = tpu.memref_slice %arg7[%dma_start3A_2879, %dma_start3A_2880, %dma_start3A_2881] : memref<3x32x1024xf32, #tpu.memory_space<vmem>> -> memref<1x32x1024xf32, #tpu.memory_space<vmem>>
    %dma_start3A_2883 = tpu.memref_squeeze %dma_start3A_2882 : memref<1x32x1024xf32, #tpu.memory_space<vmem>> -> memref<32x1024xf32, #tpu.memory_space<vmem>>
    %dma_start3A_2884 = arith.constant 0 : i32
    %dma_start3A_2885 = tpu.memref_slice %arg6[%dma_start3A_2878, %dma_start3A_2884] : memref<32x32xi32, #tpu.memory_space<vmem>> -> memref<1x32xi32, #tpu.memory_space<vmem>>
    %dma_start3A_2886 = tpu.memref_squeeze %dma_start3A_2885 : memref<1x32xi32, #tpu.memory_space<vmem>> -> memref<32xi32, #tpu.memory_space<vmem>>
    %dma_start3A_2887 = arith.constant 0 : i32
    %dma_start3A_2888 = arith.constant 0 : i32
    %dma_start3A_2889 = tpu.memref_slice %arg2[%dma_start3A_2887, %dma_start3A_2888] : memref<8194x1024xf32, #tpu.memory_space<hbm>> -> memref<8194x1024xf32, #tpu.memory_space<hbm>>
    tpu.enqueue_indirect_dma source(%dma_start3A_2889 : memref<8194x1024xf32, #tpu.memory_space<hbm>>) target(%dma_start3A_2883 : memref<32x1024xf32, #tpu.memory_space<vmem>>) offsets(%dma_start3A_2886 : memref<32xi32, #tpu.memory_space<vmem>>) semaphore(%arg8 : memref<!tpu.dma_semaphore, #tpu.memory_space<semaphore_mem>>)
    %dma_wait3A_2890 = arith.constant 25 : i32
    %dma_wait3A_2891 = arith.constant 1 : i32
    %dma_wait3A_2892 = arith.constant 0 : i32
    %dma_wait3A_2893 = arith.constant 0 : i32
    %dma_wait3A_2894 = tpu.memref_slice %arg7[%dma_wait3A_2891, %dma_wait3A_2892, %dma_wait3A_2893] : memref<3x32x1024xf32, #tpu.memory_space<vmem>> -> memref<1x32x1024xf32, #tpu.memory_space<vmem>>
    %dma_wait3A_2895 = tpu.memref_squeeze %dma_wait3A_2894 : memref<1x32x1024xf32, #tpu.memory_space<vmem>> -> memref<32x1024xf32, #tpu.memory_space<vmem>>
    %dma_wait3A_2896 = arith.constant 0 : i32
    %dma_wait3A_2897 = tpu.memref_slice %arg6[%dma_wait3A_2890, %dma_wait3A_2896] : memref<32x32xi32, #tpu.memory_space<vmem>> -> memref<1x32xi32, #tpu.memory_space<vmem>>
    %dma_wait3A_2898 = tpu.memref_squeeze %dma_wait3A_2897 : memref<1x32xi32, #tpu.memory_space<vmem>> -> memref<32xi32, #tpu.memory_space<vmem>>
    %dma_wait3A_2899 = arith.constant 0 : i32
    %dma_wait3A_2900 = arith.constant 0 : i32
    %dma_wait3A_2901 = tpu.memref_slice %arg2[%dma_wait3A_2899, %dma_wait3A_2900] : memref<8194x1024xf32, #tpu.memory_space<hbm>> -> memref<8194x1024xf32, #tpu.memory_space<hbm>>
    tpu.wait_indirect_dma semaphore(%arg8 : memref<!tpu.dma_semaphore, #tpu.memory_space<semaphore_mem>>) src(%dma_wait3A_2901 : memref<8194x1024xf32, #tpu.memory_space<hbm>>) dst(%dma_wait3A_2895 : memref<32x1024xf32, #tpu.memory_space<vmem>>)
    %add3A_2902 = arith.constant 800 : i32
    %add3A_2903 = arith.addi %mul3A_2, %add3A_2902 : i32
    %dma_start3A_2904 = arith.constant 1 : i32
    %dma_start3A_2905 = arith.constant 0 : i32
    %dma_start3A_2906 = arith.constant 0 : i32
    %dma_start3A_2907 = tpu.memref_slice %arg7[%dma_start3A_2904, %dma_start3A_2905, %dma_start3A_2906] : memref<3x32x1024xf32, #tpu.memory_space<vmem>> -> memref<1x32x1024xf32, #tpu.memory_space<vmem>>
    %dma_start3A_2908 = tpu.memref_squeeze %dma_start3A_2907 : memref<1x32x1024xf32, #tpu.memory_space<vmem>> -> memref<32x1024xf32, #tpu.memory_space<vmem>>
    %dma_start3A_2909 = arith.constant 0 : i32
    %dma_start3A_2910 = tpu.memref_slice %arg4[%add3A_2903, %dma_start3A_2909] : memref<32768x1024xf32, #tpu.memory_space<hbm>> -> memref<32x1024xf32, #tpu.memory_space<hbm>>
    %dma_start3A_2911 = arith.constant 0 : i32
    %dma_start3A_2912 = tpu.memref_slice %arg4[%add3A_2903, %dma_start3A_2911] : memref<32768x1024xf32, #tpu.memory_space<hbm>> -> memref<32x1024xf32, #tpu.memory_space<hbm>>
    %dma_start3A_2913 = arith.constant 0 : i32
    %dma_start3A_2914 = arith.constant 0 : i32
    %dma_start3A_2915 = tpu.memref_slice %arg7[%dma_start3A_2904, %dma_start3A_2913, %dma_start3A_2914] : memref<3x32x1024xf32, #tpu.memory_space<vmem>> -> memref<1x32x1024xf32, #tpu.memory_space<vmem>>
    %dma_start3A_2916 = tpu.memref_squeeze %dma_start3A_2915 : memref<1x32x1024xf32, #tpu.memory_space<vmem>> -> memref<32x1024xf32, #tpu.memory_space<vmem>>
    tpu.enqueue_dma source(%dma_start3A_2916 : memref<32x1024xf32, #tpu.memory_space<vmem>>) target(%dma_start3A_2912 : memref<32x1024xf32, #tpu.memory_space<hbm>>) target_semaphore(%arg9 : memref<!tpu.dma_semaphore, #tpu.memory_space<semaphore_mem>>)
    %add3A_2917 = arith.constant 768 : i32
    %add3A_2918 = arith.addi %mul3A_2, %add3A_2917 : i32
    %dma_wait3A_2919 = arith.constant 0 : i32
    %dma_wait3A_2920 = arith.constant 0 : i32
    %dma_wait3A_2921 = arith.constant 0 : i32
    %dma_wait3A_2922 = tpu.memref_slice %arg7[%dma_wait3A_2919, %dma_wait3A_2920, %dma_wait3A_2921] : memref<3x32x1024xf32, #tpu.memory_space<vmem>> -> memref<1x32x1024xf32, #tpu.memory_space<vmem>>
    %dma_wait3A_2923 = tpu.memref_squeeze %dma_wait3A_2922 : memref<1x32x1024xf32, #tpu.memory_space<vmem>> -> memref<32x1024xf32, #tpu.memory_space<vmem>>
    %dma_wait3A_2924 = arith.constant 0 : i32
    %dma_wait3A_2925 = tpu.memref_slice %arg4[%add3A_2918, %dma_wait3A_2924] : memref<32768x1024xf32, #tpu.memory_space<hbm>> -> memref<32x1024xf32, #tpu.memory_space<hbm>>
    %dma_wait3A_2926 = arith.constant 0 : i32
    %dma_wait3A_2927 = tpu.memref_slice %arg4[%add3A_2918, %dma_wait3A_2926] : memref<32768x1024xf32, #tpu.memory_space<hbm>> -> memref<32x1024xf32, #tpu.memory_space<hbm>>
    %dma_wait3A_2928 = arith.constant 0 : i32
    %dma_wait3A_2929 = arith.constant 0 : i32
    %dma_wait3A_2930 = tpu.memref_slice %arg7[%dma_wait3A_2919, %dma_wait3A_2928, %dma_wait3A_2929] : memref<3x32x1024xf32, #tpu.memory_space<vmem>> -> memref<1x32x1024xf32, #tpu.memory_space<vmem>>
    %dma_wait3A_2931 = tpu.memref_squeeze %dma_wait3A_2930 : memref<1x32x1024xf32, #tpu.memory_space<vmem>> -> memref<32x1024xf32, #tpu.memory_space<vmem>>
    tpu.wait_dma2 semaphore(%arg9 : memref<!tpu.dma_semaphore, #tpu.memory_space<semaphore_mem>>) src(%dma_wait3A_2931 : memref<32x1024xf32, #tpu.memory_space<vmem>>) dst(%dma_wait3A_2927 : memref<32x1024xf32, #tpu.memory_space<hbm>>)
    %dma_start3A_2932 = arith.constant 27 : i32
    %dma_start3A_2933 = arith.constant 0 : i32
    %dma_start3A_2934 = arith.constant 0 : i32
    %dma_start3A_2935 = arith.constant 0 : i32
    %dma_start3A_2936 = tpu.memref_slice %arg7[%dma_start3A_2933, %dma_start3A_2934, %dma_start3A_2935] : memref<3x32x1024xf32, #tpu.memory_space<vmem>> -> memref<1x32x1024xf32, #tpu.memory_space<vmem>>
    %dma_start3A_2937 = tpu.memref_squeeze %dma_start3A_2936 : memref<1x32x1024xf32, #tpu.memory_space<vmem>> -> memref<32x1024xf32, #tpu.memory_space<vmem>>
    %dma_start3A_2938 = arith.constant 0 : i32
    %dma_start3A_2939 = tpu.memref_slice %arg6[%dma_start3A_2932, %dma_start3A_2938] : memref<32x32xi32, #tpu.memory_space<vmem>> -> memref<1x32xi32, #tpu.memory_space<vmem>>
    %dma_start3A_2940 = tpu.memref_squeeze %dma_start3A_2939 : memref<1x32xi32, #tpu.memory_space<vmem>> -> memref<32xi32, #tpu.memory_space<vmem>>
    %dma_start3A_2941 = arith.constant 0 : i32
    %dma_start3A_2942 = arith.constant 0 : i32
    %dma_start3A_2943 = tpu.memref_slice %arg2[%dma_start3A_2941, %dma_start3A_2942] : memref<8194x1024xf32, #tpu.memory_space<hbm>> -> memref<8194x1024xf32, #tpu.memory_space<hbm>>
    tpu.enqueue_indirect_dma source(%dma_start3A_2943 : memref<8194x1024xf32, #tpu.memory_space<hbm>>) target(%dma_start3A_2937 : memref<32x1024xf32, #tpu.memory_space<vmem>>) offsets(%dma_start3A_2940 : memref<32xi32, #tpu.memory_space<vmem>>) semaphore(%arg8 : memref<!tpu.dma_semaphore, #tpu.memory_space<semaphore_mem>>)
    %dma_wait3A_2944 = arith.constant 26 : i32
    %dma_wait3A_2945 = arith.constant 2 : i32
    %dma_wait3A_2946 = arith.constant 0 : i32
    %dma_wait3A_2947 = arith.constant 0 : i32
    %dma_wait3A_2948 = tpu.memref_slice %arg7[%dma_wait3A_2945, %dma_wait3A_2946, %dma_wait3A_2947] : memref<3x32x1024xf32, #tpu.memory_space<vmem>> -> memref<1x32x1024xf32, #tpu.memory_space<vmem>>
    %dma_wait3A_2949 = tpu.memref_squeeze %dma_wait3A_2948 : memref<1x32x1024xf32, #tpu.memory_space<vmem>> -> memref<32x1024xf32, #tpu.memory_space<vmem>>
    %dma_wait3A_2950 = arith.constant 0 : i32
    %dma_wait3A_2951 = tpu.memref_slice %arg6[%dma_wait3A_2944, %dma_wait3A_2950] : memref<32x32xi32, #tpu.memory_space<vmem>> -> memref<1x32xi32, #tpu.memory_space<vmem>>
    %dma_wait3A_2952 = tpu.memref_squeeze %dma_wait3A_2951 : memref<1x32xi32, #tpu.memory_space<vmem>> -> memref<32xi32, #tpu.memory_space<vmem>>
    %dma_wait3A_2953 = arith.constant 0 : i32
    %dma_wait3A_2954 = arith.constant 0 : i32
    %dma_wait3A_2955 = tpu.memref_slice %arg2[%dma_wait3A_2953, %dma_wait3A_2954] : memref<8194x1024xf32, #tpu.memory_space<hbm>> -> memref<8194x1024xf32, #tpu.memory_space<hbm>>
    tpu.wait_indirect_dma semaphore(%arg8 : memref<!tpu.dma_semaphore, #tpu.memory_space<semaphore_mem>>) src(%dma_wait3A_2955 : memref<8194x1024xf32, #tpu.memory_space<hbm>>) dst(%dma_wait3A_2949 : memref<32x1024xf32, #tpu.memory_space<vmem>>)
    %add3A_2956 = arith.constant 832 : i32
    %add3A_2957 = arith.addi %mul3A_2, %add3A_2956 : i32
    %dma_start3A_2958 = arith.constant 2 : i32
    %dma_start3A_2959 = arith.constant 0 : i32
    %dma_start3A_2960 = arith.constant 0 : i32
    %dma_start3A_2961 = tpu.memref_slice %arg7[%dma_start3A_2958, %dma_start3A_2959, %dma_start3A_2960] : memref<3x32x1024xf32, #tpu.memory_space<vmem>> -> memref<1x32x1024xf32, #tpu.memory_space<vmem>>
    %dma_start3A_2962 = tpu.memref_squeeze %dma_start3A_2961 : memref<1x32x1024xf32, #tpu.memory_space<vmem>> -> memref<32x1024xf32, #tpu.memory_space<vmem>>
    %dma_start3A_2963 = arith.constant 0 : i32
    %dma_start3A_2964 = tpu.memref_slice %arg4[%add3A_2957, %dma_start3A_2963] : memref<32768x1024xf32, #tpu.memory_space<hbm>> -> memref<32x1024xf32, #tpu.memory_space<hbm>>
    %dma_start3A_2965 = arith.constant 0 : i32
    %dma_start3A_2966 = tpu.memref_slice %arg4[%add3A_2957, %dma_start3A_2965] : memref<32768x1024xf32, #tpu.memory_space<hbm>> -> memref<32x1024xf32, #tpu.memory_space<hbm>>
    %dma_start3A_2967 = arith.constant 0 : i32
    %dma_start3A_2968 = arith.constant 0 : i32
    %dma_start3A_2969 = tpu.memref_slice %arg7[%dma_start3A_2958, %dma_start3A_2967, %dma_start3A_2968] : memref<3x32x1024xf32, #tpu.memory_space<vmem>> -> memref<1x32x1024xf32, #tpu.memory_space<vmem>>
    %dma_start3A_2970 = tpu.memref_squeeze %dma_start3A_2969 : memref<1x32x1024xf32, #tpu.memory_space<vmem>> -> memref<32x1024xf32, #tpu.memory_space<vmem>>
    tpu.enqueue_dma source(%dma_start3A_2970 : memref<32x1024xf32, #tpu.memory_space<vmem>>) target(%dma_start3A_2966 : memref<32x1024xf32, #tpu.memory_space<hbm>>) target_semaphore(%arg9 : memref<!tpu.dma_semaphore, #tpu.memory_space<semaphore_mem>>)
    %add3A_2971 = arith.constant 800 : i32
    %add3A_2972 = arith.addi %mul3A_2, %add3A_2971 : i32
    %dma_wait3A_2973 = arith.constant 1 : i32
    %dma_wait3A_2974 = arith.constant 0 : i32
    %dma_wait3A_2975 = arith.constant 0 : i32
    %dma_wait3A_2976 = tpu.memref_slice %arg7[%dma_wait3A_2973, %dma_wait3A_2974, %dma_wait3A_2975] : memref<3x32x1024xf32, #tpu.memory_space<vmem>> -> memref<1x32x1024xf32, #tpu.memory_space<vmem>>
    %dma_wait3A_2977 = tpu.memref_squeeze %dma_wait3A_2976 : memref<1x32x1024xf32, #tpu.memory_space<vmem>> -> memref<32x1024xf32, #tpu.memory_space<vmem>>
    %dma_wait3A_2978 = arith.constant 0 : i32
    %dma_wait3A_2979 = tpu.memref_slice %arg4[%add3A_2972, %dma_wait3A_2978] : memref<32768x1024xf32, #tpu.memory_space<hbm>> -> memref<32x1024xf32, #tpu.memory_space<hbm>>
    %dma_wait3A_2980 = arith.constant 0 : i32
    %dma_wait3A_2981 = tpu.memref_slice %arg4[%add3A_2972, %dma_wait3A_2980] : memref<32768x1024xf32, #tpu.memory_space<hbm>> -> memref<32x1024xf32, #tpu.memory_space<hbm>>
    %dma_wait3A_2982 = arith.constant 0 : i32
    %dma_wait3A_2983 = arith.constant 0 : i32
    %dma_wait3A_2984 = tpu.memref_slice %arg7[%dma_wait3A_2973, %dma_wait3A_2982, %dma_wait3A_2983] : memref<3x32x1024xf32, #tpu.memory_space<vmem>> -> memref<1x32x1024xf32, #tpu.memory_space<vmem>>
    %dma_wait3A_2985 = tpu.memref_squeeze %dma_wait3A_2984 : memref<1x32x1024xf32, #tpu.memory_space<vmem>> -> memref<32x1024xf32, #tpu.memory_space<vmem>>
    tpu.wait_dma2 semaphore(%arg9 : memref<!tpu.dma_semaphore, #tpu.memory_space<semaphore_mem>>) src(%dma_wait3A_2985 : memref<32x1024xf32, #tpu.memory_space<vmem>>) dst(%dma_wait3A_2981 : memref<32x1024xf32, #tpu.memory_space<hbm>>)
    %dma_start3A_2986 = arith.constant 28 : i32
    %dma_start3A_2987 = arith.constant 1 : i32
    %dma_start3A_2988 = arith.constant 0 : i32
    %dma_start3A_2989 = arith.constant 0 : i32
    %dma_start3A_2990 = tpu.memref_slice %arg7[%dma_start3A_2987, %dma_start3A_2988, %dma_start3A_2989] : memref<3x32x1024xf32, #tpu.memory_space<vmem>> -> memref<1x32x1024xf32, #tpu.memory_space<vmem>>
    %dma_start3A_2991 = tpu.memref_squeeze %dma_start3A_2990 : memref<1x32x1024xf32, #tpu.memory_space<vmem>> -> memref<32x1024xf32, #tpu.memory_space<vmem>>
    %dma_start3A_2992 = arith.constant 0 : i32
    %dma_start3A_2993 = tpu.memref_slice %arg6[%dma_start3A_2986, %dma_start3A_2992] : memref<32x32xi32, #tpu.memory_space<vmem>> -> memref<1x32xi32, #tpu.memory_space<vmem>>
    %dma_start3A_2994 = tpu.memref_squeeze %dma_start3A_2993 : memref<1x32xi32, #tpu.memory_space<vmem>> -> memref<32xi32, #tpu.memory_space<vmem>>
    %dma_start3A_2995 = arith.constant 0 : i32
    %dma_start3A_2996 = arith.constant 0 : i32
    %dma_start3A_2997 = tpu.memref_slice %arg2[%dma_start3A_2995, %dma_start3A_2996] : memref<8194x1024xf32, #tpu.memory_space<hbm>> -> memref<8194x1024xf32, #tpu.memory_space<hbm>>
    tpu.enqueue_indirect_dma source(%dma_start3A_2997 : memref<8194x1024xf32, #tpu.memory_space<hbm>>) target(%dma_start3A_2991 : memref<32x1024xf32, #tpu.memory_space<vmem>>) offsets(%dma_start3A_2994 : memref<32xi32, #tpu.memory_space<vmem>>) semaphore(%arg8 : memref<!tpu.dma_semaphore, #tpu.memory_space<semaphore_mem>>)
    %dma_wait3A_2998 = arith.constant 27 : i32
    %dma_wait3A_2999 = arith.constant 0 : i32
    %dma_wait3A_3000 = arith.constant 0 : i32
    %dma_wait3A_3001 = arith.constant 0 : i32
    %dma_wait3A_3002 = tpu.memref_slice %arg7[%dma_wait3A_2999, %dma_wait3A_3000, %dma_wait3A_3001] : memref<3x32x1024xf32, #tpu.memory_space<vmem>> -> memref<1x32x1024xf32, #tpu.memory_space<vmem>>
    %dma_wait3A_3003 = tpu.memref_squeeze %dma_wait3A_3002 : memref<1x32x1024xf32, #tpu.memory_space<vmem>> -> memref<32x1024xf32, #tpu.memory_space<vmem>>
    %dma_wait3A_3004 = arith.constant 0 : i32
    %dma_wait3A_3005 = tpu.memref_slice %arg6[%dma_wait3A_2998, %dma_wait3A_3004] : memref<32x32xi32, #tpu.memory_space<vmem>> -> memref<1x32xi32, #tpu.memory_space<vmem>>
    %dma_wait3A_3006 = tpu.memref_squeeze %dma_wait3A_3005 : memref<1x32xi32, #tpu.memory_space<vmem>> -> memref<32xi32, #tpu.memory_space<vmem>>
    %dma_wait3A_3007 = arith.constant 0 : i32
    %dma_wait3A_3008 = arith.constant 0 : i32
    %dma_wait3A_3009 = tpu.memref_slice %arg2[%dma_wait3A_3007, %dma_wait3A_3008] : memref<8194x1024xf32, #tpu.memory_space<hbm>> -> memref<8194x1024xf32, #tpu.memory_space<hbm>>
    tpu.wait_indirect_dma semaphore(%arg8 : memref<!tpu.dma_semaphore, #tpu.memory_space<semaphore_mem>>) src(%dma_wait3A_3009 : memref<8194x1024xf32, #tpu.memory_space<hbm>>) dst(%dma_wait3A_3003 : memref<32x1024xf32, #tpu.memory_space<vmem>>)
    %add3A_3010 = arith.constant 864 : i32
    %add3A_3011 = arith.addi %mul3A_2, %add3A_3010 : i32
    %dma_start3A_3012 = arith.constant 0 : i32
    %dma_start3A_3013 = arith.constant 0 : i32
    %dma_start3A_3014 = arith.constant 0 : i32
    %dma_start3A_3015 = tpu.memref_slice %arg7[%dma_start3A_3012, %dma_start3A_3013, %dma_start3A_3014] : memref<3x32x1024xf32, #tpu.memory_space<vmem>> -> memref<1x32x1024xf32, #tpu.memory_space<vmem>>
    %dma_start3A_3016 = tpu.memref_squeeze %dma_start3A_3015 : memref<1x32x1024xf32, #tpu.memory_space<vmem>> -> memref<32x1024xf32, #tpu.memory_space<vmem>>
    %dma_start3A_3017 = arith.constant 0 : i32
    %dma_start3A_3018 = tpu.memref_slice %arg4[%add3A_3011, %dma_start3A_3017] : memref<32768x1024xf32, #tpu.memory_space<hbm>> -> memref<32x1024xf32, #tpu.memory_space<hbm>>
    %dma_start3A_3019 = arith.constant 0 : i32
    %dma_start3A_3020 = tpu.memref_slice %arg4[%add3A_3011, %dma_start3A_3019] : memref<32768x1024xf32, #tpu.memory_space<hbm>> -> memref<32x1024xf32, #tpu.memory_space<hbm>>
    %dma_start3A_3021 = arith.constant 0 : i32
    %dma_start3A_3022 = arith.constant 0 : i32
    %dma_start3A_3023 = tpu.memref_slice %arg7[%dma_start3A_3012, %dma_start3A_3021, %dma_start3A_3022] : memref<3x32x1024xf32, #tpu.memory_space<vmem>> -> memref<1x32x1024xf32, #tpu.memory_space<vmem>>
    %dma_start3A_3024 = tpu.memref_squeeze %dma_start3A_3023 : memref<1x32x1024xf32, #tpu.memory_space<vmem>> -> memref<32x1024xf32, #tpu.memory_space<vmem>>
    tpu.enqueue_dma source(%dma_start3A_3024 : memref<32x1024xf32, #tpu.memory_space<vmem>>) target(%dma_start3A_3020 : memref<32x1024xf32, #tpu.memory_space<hbm>>) target_semaphore(%arg9 : memref<!tpu.dma_semaphore, #tpu.memory_space<semaphore_mem>>)
    %add3A_3025 = arith.constant 832 : i32
    %add3A_3026 = arith.addi %mul3A_2, %add3A_3025 : i32
    %dma_wait3A_3027 = arith.constant 2 : i32
    %dma_wait3A_3028 = arith.constant 0 : i32
    %dma_wait3A_3029 = arith.constant 0 : i32
    %dma_wait3A_3030 = tpu.memref_slice %arg7[%dma_wait3A_3027, %dma_wait3A_3028, %dma_wait3A_3029] : memref<3x32x1024xf32, #tpu.memory_space<vmem>> -> memref<1x32x1024xf32, #tpu.memory_space<vmem>>
    %dma_wait3A_3031 = tpu.memref_squeeze %dma_wait3A_3030 : memref<1x32x1024xf32, #tpu.memory_space<vmem>> -> memref<32x1024xf32, #tpu.memory_space<vmem>>
    %dma_wait3A_3032 = arith.constant 0 : i32
    %dma_wait3A_3033 = tpu.memref_slice %arg4[%add3A_3026, %dma_wait3A_3032] : memref<32768x1024xf32, #tpu.memory_space<hbm>> -> memref<32x1024xf32, #tpu.memory_space<hbm>>
    %dma_wait3A_3034 = arith.constant 0 : i32
    %dma_wait3A_3035 = tpu.memref_slice %arg4[%add3A_3026, %dma_wait3A_3034] : memref<32768x1024xf32, #tpu.memory_space<hbm>> -> memref<32x1024xf32, #tpu.memory_space<hbm>>
    %dma_wait3A_3036 = arith.constant 0 : i32
    %dma_wait3A_3037 = arith.constant 0 : i32
    %dma_wait3A_3038 = tpu.memref_slice %arg7[%dma_wait3A_3027, %dma_wait3A_3036, %dma_wait3A_3037] : memref<3x32x1024xf32, #tpu.memory_space<vmem>> -> memref<1x32x1024xf32, #tpu.memory_space<vmem>>
    %dma_wait3A_3039 = tpu.memref_squeeze %dma_wait3A_3038 : memref<1x32x1024xf32, #tpu.memory_space<vmem>> -> memref<32x1024xf32, #tpu.memory_space<vmem>>
    tpu.wait_dma2 semaphore(%arg9 : memref<!tpu.dma_semaphore, #tpu.memory_space<semaphore_mem>>) src(%dma_wait3A_3039 : memref<32x1024xf32, #tpu.memory_space<vmem>>) dst(%dma_wait3A_3035 : memref<32x1024xf32, #tpu.memory_space<hbm>>)
    %dma_start3A_3040 = arith.constant 29 : i32
    %dma_start3A_3041 = arith.constant 2 : i32
    %dma_start3A_3042 = arith.constant 0 : i32
    %dma_start3A_3043 = arith.constant 0 : i32
    %dma_start3A_3044 = tpu.memref_slice %arg7[%dma_start3A_3041, %dma_start3A_3042, %dma_start3A_3043] : memref<3x32x1024xf32, #tpu.memory_space<vmem>> -> memref<1x32x1024xf32, #tpu.memory_space<vmem>>
    %dma_start3A_3045 = tpu.memref_squeeze %dma_start3A_3044 : memref<1x32x1024xf32, #tpu.memory_space<vmem>> -> memref<32x1024xf32, #tpu.memory_space<vmem>>
    %dma_start3A_3046 = arith.constant 0 : i32
    %dma_start3A_3047 = tpu.memref_slice %arg6[%dma_start3A_3040, %dma_start3A_3046] : memref<32x32xi32, #tpu.memory_space<vmem>> -> memref<1x32xi32, #tpu.memory_space<vmem>>
    %dma_start3A_3048 = tpu.memref_squeeze %dma_start3A_3047 : memref<1x32xi32, #tpu.memory_space<vmem>> -> memref<32xi32, #tpu.memory_space<vmem>>
    %dma_start3A_3049 = arith.constant 0 : i32
    %dma_start3A_3050 = arith.constant 0 : i32
    %dma_start3A_3051 = tpu.memref_slice %arg2[%dma_start3A_3049, %dma_start3A_3050] : memref<8194x1024xf32, #tpu.memory_space<hbm>> -> memref<8194x1024xf32, #tpu.memory_space<hbm>>
    tpu.enqueue_indirect_dma source(%dma_start3A_3051 : memref<8194x1024xf32, #tpu.memory_space<hbm>>) target(%dma_start3A_3045 : memref<32x1024xf32, #tpu.memory_space<vmem>>) offsets(%dma_start3A_3048 : memref<32xi32, #tpu.memory_space<vmem>>) semaphore(%arg8 : memref<!tpu.dma_semaphore, #tpu.memory_space<semaphore_mem>>)
    %dma_wait3A_3052 = arith.constant 28 : i32
    %dma_wait3A_3053 = arith.constant 1 : i32
    %dma_wait3A_3054 = arith.constant 0 : i32
    %dma_wait3A_3055 = arith.constant 0 : i32
    %dma_wait3A_3056 = tpu.memref_slice %arg7[%dma_wait3A_3053, %dma_wait3A_3054, %dma_wait3A_3055] : memref<3x32x1024xf32, #tpu.memory_space<vmem>> -> memref<1x32x1024xf32, #tpu.memory_space<vmem>>
    %dma_wait3A_3057 = tpu.memref_squeeze %dma_wait3A_3056 : memref<1x32x1024xf32, #tpu.memory_space<vmem>> -> memref<32x1024xf32, #tpu.memory_space<vmem>>
    %dma_wait3A_3058 = arith.constant 0 : i32
    %dma_wait3A_3059 = tpu.memref_slice %arg6[%dma_wait3A_3052, %dma_wait3A_3058] : memref<32x32xi32, #tpu.memory_space<vmem>> -> memref<1x32xi32, #tpu.memory_space<vmem>>
    %dma_wait3A_3060 = tpu.memref_squeeze %dma_wait3A_3059 : memref<1x32xi32, #tpu.memory_space<vmem>> -> memref<32xi32, #tpu.memory_space<vmem>>
    %dma_wait3A_3061 = arith.constant 0 : i32
    %dma_wait3A_3062 = arith.constant 0 : i32
    %dma_wait3A_3063 = tpu.memref_slice %arg2[%dma_wait3A_3061, %dma_wait3A_3062] : memref<8194x1024xf32, #tpu.memory_space<hbm>> -> memref<8194x1024xf32, #tpu.memory_space<hbm>>
    tpu.wait_indirect_dma semaphore(%arg8 : memref<!tpu.dma_semaphore, #tpu.memory_space<semaphore_mem>>) src(%dma_wait3A_3063 : memref<8194x1024xf32, #tpu.memory_space<hbm>>) dst(%dma_wait3A_3057 : memref<32x1024xf32, #tpu.memory_space<vmem>>)
    %add3A_3064 = arith.constant 896 : i32
    %add3A_3065 = arith.addi %mul3A_2, %add3A_3064 : i32
    %dma_start3A_3066 = arith.constant 1 : i32
    %dma_start3A_3067 = arith.constant 0 : i32
    %dma_start3A_3068 = arith.constant 0 : i32
    %dma_start3A_3069 = tpu.memref_slice %arg7[%dma_start3A_3066, %dma_start3A_3067, %dma_start3A_3068] : memref<3x32x1024xf32, #tpu.memory_space<vmem>> -> memref<1x32x1024xf32, #tpu.memory_space<vmem>>
    %dma_start3A_3070 = tpu.memref_squeeze %dma_start3A_3069 : memref<1x32x1024xf32, #tpu.memory_space<vmem>> -> memref<32x1024xf32, #tpu.memory_space<vmem>>
    %dma_start3A_3071 = arith.constant 0 : i32
    %dma_start3A_3072 = tpu.memref_slice %arg4[%add3A_3065, %dma_start3A_3071] : memref<32768x1024xf32, #tpu.memory_space<hbm>> -> memref<32x1024xf32, #tpu.memory_space<hbm>>
    %dma_start3A_3073 = arith.constant 0 : i32
    %dma_start3A_3074 = tpu.memref_slice %arg4[%add3A_3065, %dma_start3A_3073] : memref<32768x1024xf32, #tpu.memory_space<hbm>> -> memref<32x1024xf32, #tpu.memory_space<hbm>>
    %dma_start3A_3075 = arith.constant 0 : i32
    %dma_start3A_3076 = arith.constant 0 : i32
    %dma_start3A_3077 = tpu.memref_slice %arg7[%dma_start3A_3066, %dma_start3A_3075, %dma_start3A_3076] : memref<3x32x1024xf32, #tpu.memory_space<vmem>> -> memref<1x32x1024xf32, #tpu.memory_space<vmem>>
    %dma_start3A_3078 = tpu.memref_squeeze %dma_start3A_3077 : memref<1x32x1024xf32, #tpu.memory_space<vmem>> -> memref<32x1024xf32, #tpu.memory_space<vmem>>
    tpu.enqueue_dma source(%dma_start3A_3078 : memref<32x1024xf32, #tpu.memory_space<vmem>>) target(%dma_start3A_3074 : memref<32x1024xf32, #tpu.memory_space<hbm>>) target_semaphore(%arg9 : memref<!tpu.dma_semaphore, #tpu.memory_space<semaphore_mem>>)
    %add3A_3079 = arith.constant 864 : i32
    %add3A_3080 = arith.addi %mul3A_2, %add3A_3079 : i32
    %dma_wait3A_3081 = arith.constant 0 : i32
    %dma_wait3A_3082 = arith.constant 0 : i32
    %dma_wait3A_3083 = arith.constant 0 : i32
    %dma_wait3A_3084 = tpu.memref_slice %arg7[%dma_wait3A_3081, %dma_wait3A_3082, %dma_wait3A_3083] : memref<3x32x1024xf32, #tpu.memory_space<vmem>> -> memref<1x32x1024xf32, #tpu.memory_space<vmem>>
    %dma_wait3A_3085 = tpu.memref_squeeze %dma_wait3A_3084 : memref<1x32x1024xf32, #tpu.memory_space<vmem>> -> memref<32x1024xf32, #tpu.memory_space<vmem>>
    %dma_wait3A_3086 = arith.constant 0 : i32
    %dma_wait3A_3087 = tpu.memref_slice %arg4[%add3A_3080, %dma_wait3A_3086] : memref<32768x1024xf32, #tpu.memory_space<hbm>> -> memref<32x1024xf32, #tpu.memory_space<hbm>>
    %dma_wait3A_3088 = arith.constant 0 : i32
    %dma_wait3A_3089 = tpu.memref_slice %arg4[%add3A_3080, %dma_wait3A_3088] : memref<32768x1024xf32, #tpu.memory_space<hbm>> -> memref<32x1024xf32, #tpu.memory_space<hbm>>
    %dma_wait3A_3090 = arith.constant 0 : i32
    %dma_wait3A_3091 = arith.constant 0 : i32
    %dma_wait3A_3092 = tpu.memref_slice %arg7[%dma_wait3A_3081, %dma_wait3A_3090, %dma_wait3A_3091] : memref<3x32x1024xf32, #tpu.memory_space<vmem>> -> memref<1x32x1024xf32, #tpu.memory_space<vmem>>
    %dma_wait3A_3093 = tpu.memref_squeeze %dma_wait3A_3092 : memref<1x32x1024xf32, #tpu.memory_space<vmem>> -> memref<32x1024xf32, #tpu.memory_space<vmem>>
    tpu.wait_dma2 semaphore(%arg9 : memref<!tpu.dma_semaphore, #tpu.memory_space<semaphore_mem>>) src(%dma_wait3A_3093 : memref<32x1024xf32, #tpu.memory_space<vmem>>) dst(%dma_wait3A_3089 : memref<32x1024xf32, #tpu.memory_space<hbm>>)
    %dma_start3A_3094 = arith.constant 30 : i32
    %dma_start3A_3095 = arith.constant 0 : i32
    %dma_start3A_3096 = arith.constant 0 : i32
    %dma_start3A_3097 = arith.constant 0 : i32
    %dma_start3A_3098 = tpu.memref_slice %arg7[%dma_start3A_3095, %dma_start3A_3096, %dma_start3A_3097] : memref<3x32x1024xf32, #tpu.memory_space<vmem>> -> memref<1x32x1024xf32, #tpu.memory_space<vmem>>
    %dma_start3A_3099 = tpu.memref_squeeze %dma_start3A_3098 : memref<1x32x1024xf32, #tpu.memory_space<vmem>> -> memref<32x1024xf32, #tpu.memory_space<vmem>>
    %dma_start3A_3100 = arith.constant 0 : i32
    %dma_start3A_3101 = tpu.memref_slice %arg6[%dma_start3A_3094, %dma_start3A_3100] : memref<32x32xi32, #tpu.memory_space<vmem>> -> memref<1x32xi32, #tpu.memory_space<vmem>>
    %dma_start3A_3102 = tpu.memref_squeeze %dma_start3A_3101 : memref<1x32xi32, #tpu.memory_space<vmem>> -> memref<32xi32, #tpu.memory_space<vmem>>
    %dma_start3A_3103 = arith.constant 0 : i32
    %dma_start3A_3104 = arith.constant 0 : i32
    %dma_start3A_3105 = tpu.memref_slice %arg2[%dma_start3A_3103, %dma_start3A_3104] : memref<8194x1024xf32, #tpu.memory_space<hbm>> -> memref<8194x1024xf32, #tpu.memory_space<hbm>>
    tpu.enqueue_indirect_dma source(%dma_start3A_3105 : memref<8194x1024xf32, #tpu.memory_space<hbm>>) target(%dma_start3A_3099 : memref<32x1024xf32, #tpu.memory_space<vmem>>) offsets(%dma_start3A_3102 : memref<32xi32, #tpu.memory_space<vmem>>) semaphore(%arg8 : memref<!tpu.dma_semaphore, #tpu.memory_space<semaphore_mem>>)
    %dma_wait3A_3106 = arith.constant 29 : i32
    %dma_wait3A_3107 = arith.constant 2 : i32
    %dma_wait3A_3108 = arith.constant 0 : i32
    %dma_wait3A_3109 = arith.constant 0 : i32
    %dma_wait3A_3110 = tpu.memref_slice %arg7[%dma_wait3A_3107, %dma_wait3A_3108, %dma_wait3A_3109] : memref<3x32x1024xf32, #tpu.memory_space<vmem>> -> memref<1x32x1024xf32, #tpu.memory_space<vmem>>
    %dma_wait3A_3111 = tpu.memref_squeeze %dma_wait3A_3110 : memref<1x32x1024xf32, #tpu.memory_space<vmem>> -> memref<32x1024xf32, #tpu.memory_space<vmem>>
    %dma_wait3A_3112 = arith.constant 0 : i32
    %dma_wait3A_3113 = tpu.memref_slice %arg6[%dma_wait3A_3106, %dma_wait3A_3112] : memref<32x32xi32, #tpu.memory_space<vmem>> -> memref<1x32xi32, #tpu.memory_space<vmem>>
    %dma_wait3A_3114 = tpu.memref_squeeze %dma_wait3A_3113 : memref<1x32xi32, #tpu.memory_space<vmem>> -> memref<32xi32, #tpu.memory_space<vmem>>
    %dma_wait3A_3115 = arith.constant 0 : i32
    %dma_wait3A_3116 = arith.constant 0 : i32
    %dma_wait3A_3117 = tpu.memref_slice %arg2[%dma_wait3A_3115, %dma_wait3A_3116] : memref<8194x1024xf32, #tpu.memory_space<hbm>> -> memref<8194x1024xf32, #tpu.memory_space<hbm>>
    tpu.wait_indirect_dma semaphore(%arg8 : memref<!tpu.dma_semaphore, #tpu.memory_space<semaphore_mem>>) src(%dma_wait3A_3117 : memref<8194x1024xf32, #tpu.memory_space<hbm>>) dst(%dma_wait3A_3111 : memref<32x1024xf32, #tpu.memory_space<vmem>>)
    %add3A_3118 = arith.constant 928 : i32
    %add3A_3119 = arith.addi %mul3A_2, %add3A_3118 : i32
    %dma_start3A_3120 = arith.constant 2 : i32
    %dma_start3A_3121 = arith.constant 0 : i32
    %dma_start3A_3122 = arith.constant 0 : i32
    %dma_start3A_3123 = tpu.memref_slice %arg7[%dma_start3A_3120, %dma_start3A_3121, %dma_start3A_3122] : memref<3x32x1024xf32, #tpu.memory_space<vmem>> -> memref<1x32x1024xf32, #tpu.memory_space<vmem>>
    %dma_start3A_3124 = tpu.memref_squeeze %dma_start3A_3123 : memref<1x32x1024xf32, #tpu.memory_space<vmem>> -> memref<32x1024xf32, #tpu.memory_space<vmem>>
    %dma_start3A_3125 = arith.constant 0 : i32
    %dma_start3A_3126 = tpu.memref_slice %arg4[%add3A_3119, %dma_start3A_3125] : memref<32768x1024xf32, #tpu.memory_space<hbm>> -> memref<32x1024xf32, #tpu.memory_space<hbm>>
    %dma_start3A_3127 = arith.constant 0 : i32
    %dma_start3A_3128 = tpu.memref_slice %arg4[%add3A_3119, %dma_start3A_3127] : memref<32768x1024xf32, #tpu.memory_space<hbm>> -> memref<32x1024xf32, #tpu.memory_space<hbm>>
    %dma_start3A_3129 = arith.constant 0 : i32
    %dma_start3A_3130 = arith.constant 0 : i32
    %dma_start3A_3131 = tpu.memref_slice %arg7[%dma_start3A_3120, %dma_start3A_3129, %dma_start3A_3130] : memref<3x32x1024xf32, #tpu.memory_space<vmem>> -> memref<1x32x1024xf32, #tpu.memory_space<vmem>>
    %dma_start3A_3132 = tpu.memref_squeeze %dma_start3A_3131 : memref<1x32x1024xf32, #tpu.memory_space<vmem>> -> memref<32x1024xf32, #tpu.memory_space<vmem>>
    tpu.enqueue_dma source(%dma_start3A_3132 : memref<32x1024xf32, #tpu.memory_space<vmem>>) target(%dma_start3A_3128 : memref<32x1024xf32, #tpu.memory_space<hbm>>) target_semaphore(%arg9 : memref<!tpu.dma_semaphore, #tpu.memory_space<semaphore_mem>>)
    %add3A_3133 = arith.constant 896 : i32
    %add3A_3134 = arith.addi %mul3A_2, %add3A_3133 : i32
    %dma_wait3A_3135 = arith.constant 1 : i32
    %dma_wait3A_3136 = arith.constant 0 : i32
    %dma_wait3A_3137 = arith.constant 0 : i32
    %dma_wait3A_3138 = tpu.memref_slice %arg7[%dma_wait3A_3135, %dma_wait3A_3136, %dma_wait3A_3137] : memref<3x32x1024xf32, #tpu.memory_space<vmem>> -> memref<1x32x1024xf32, #tpu.memory_space<vmem>>
    %dma_wait3A_3139 = tpu.memref_squeeze %dma_wait3A_3138 : memref<1x32x1024xf32, #tpu.memory_space<vmem>> -> memref<32x1024xf32, #tpu.memory_space<vmem>>
    %dma_wait3A_3140 = arith.constant 0 : i32
    %dma_wait3A_3141 = tpu.memref_slice %arg4[%add3A_3134, %dma_wait3A_3140] : memref<32768x1024xf32, #tpu.memory_space<hbm>> -> memref<32x1024xf32, #tpu.memory_space<hbm>>
    %dma_wait3A_3142 = arith.constant 0 : i32
    %dma_wait3A_3143 = tpu.memref_slice %arg4[%add3A_3134, %dma_wait3A_3142] : memref<32768x1024xf32, #tpu.memory_space<hbm>> -> memref<32x1024xf32, #tpu.memory_space<hbm>>
    %dma_wait3A_3144 = arith.constant 0 : i32
    %dma_wait3A_3145 = arith.constant 0 : i32
    %dma_wait3A_3146 = tpu.memref_slice %arg7[%dma_wait3A_3135, %dma_wait3A_3144, %dma_wait3A_3145] : memref<3x32x1024xf32, #tpu.memory_space<vmem>> -> memref<1x32x1024xf32, #tpu.memory_space<vmem>>
    %dma_wait3A_3147 = tpu.memref_squeeze %dma_wait3A_3146 : memref<1x32x1024xf32, #tpu.memory_space<vmem>> -> memref<32x1024xf32, #tpu.memory_space<vmem>>
    tpu.wait_dma2 semaphore(%arg9 : memref<!tpu.dma_semaphore, #tpu.memory_space<semaphore_mem>>) src(%dma_wait3A_3147 : memref<32x1024xf32, #tpu.memory_space<vmem>>) dst(%dma_wait3A_3143 : memref<32x1024xf32, #tpu.memory_space<hbm>>)
    %dma_start3A_3148 = arith.constant 31 : i32
    %dma_start3A_3149 = arith.constant 1 : i32
    %dma_start3A_3150 = arith.constant 0 : i32
    %dma_start3A_3151 = arith.constant 0 : i32
    %dma_start3A_3152 = tpu.memref_slice %arg7[%dma_start3A_3149, %dma_start3A_3150, %dma_start3A_3151] : memref<3x32x1024xf32, #tpu.memory_space<vmem>> -> memref<1x32x1024xf32, #tpu.memory_space<vmem>>
    %dma_start3A_3153 = tpu.memref_squeeze %dma_start3A_3152 : memref<1x32x1024xf32, #tpu.memory_space<vmem>> -> memref<32x1024xf32, #tpu.memory_space<vmem>>
    %dma_start3A_3154 = arith.constant 0 : i32
    %dma_start3A_3155 = tpu.memref_slice %arg6[%dma_start3A_3148, %dma_start3A_3154] : memref<32x32xi32, #tpu.memory_space<vmem>> -> memref<1x32xi32, #tpu.memory_space<vmem>>
    %dma_start3A_3156 = tpu.memref_squeeze %dma_start3A_3155 : memref<1x32xi32, #tpu.memory_space<vmem>> -> memref<32xi32, #tpu.memory_space<vmem>>
    %dma_start3A_3157 = arith.constant 0 : i32
    %dma_start3A_3158 = arith.constant 0 : i32
    %dma_start3A_3159 = tpu.memref_slice %arg2[%dma_start3A_3157, %dma_start3A_3158] : memref<8194x1024xf32, #tpu.memory_space<hbm>> -> memref<8194x1024xf32, #tpu.memory_space<hbm>>
    tpu.enqueue_indirect_dma source(%dma_start3A_3159 : memref<8194x1024xf32, #tpu.memory_space<hbm>>) target(%dma_start3A_3153 : memref<32x1024xf32, #tpu.memory_space<vmem>>) offsets(%dma_start3A_3156 : memref<32xi32, #tpu.memory_space<vmem>>) semaphore(%arg8 : memref<!tpu.dma_semaphore, #tpu.memory_space<semaphore_mem>>)
    %dma_wait3A_3160 = arith.constant 30 : i32
    %dma_wait3A_3161 = arith.constant 0 : i32
    %dma_wait3A_3162 = arith.constant 0 : i32
    %dma_wait3A_3163 = arith.constant 0 : i32
    %dma_wait3A_3164 = tpu.memref_slice %arg7[%dma_wait3A_3161, %dma_wait3A_3162, %dma_wait3A_3163] : memref<3x32x1024xf32, #tpu.memory_space<vmem>> -> memref<1x32x1024xf32, #tpu.memory_space<vmem>>
    %dma_wait3A_3165 = tpu.memref_squeeze %dma_wait3A_3164 : memref<1x32x1024xf32, #tpu.memory_space<vmem>> -> memref<32x1024xf32, #tpu.memory_space<vmem>>
    %dma_wait3A_3166 = arith.constant 0 : i32
    %dma_wait3A_3167 = tpu.memref_slice %arg6[%dma_wait3A_3160, %dma_wait3A_3166] : memref<32x32xi32, #tpu.memory_space<vmem>> -> memref<1x32xi32, #tpu.memory_space<vmem>>
    %dma_wait3A_3168 = tpu.memref_squeeze %dma_wait3A_3167 : memref<1x32xi32, #tpu.memory_space<vmem>> -> memref<32xi32, #tpu.memory_space<vmem>>
    %dma_wait3A_3169 = arith.constant 0 : i32
    %dma_wait3A_3170 = arith.constant 0 : i32
    %dma_wait3A_3171 = tpu.memref_slice %arg2[%dma_wait3A_3169, %dma_wait3A_3170] : memref<8194x1024xf32, #tpu.memory_space<hbm>> -> memref<8194x1024xf32, #tpu.memory_space<hbm>>
    tpu.wait_indirect_dma semaphore(%arg8 : memref<!tpu.dma_semaphore, #tpu.memory_space<semaphore_mem>>) src(%dma_wait3A_3171 : memref<8194x1024xf32, #tpu.memory_space<hbm>>) dst(%dma_wait3A_3165 : memref<32x1024xf32, #tpu.memory_space<vmem>>)
    %add3A_3172 = arith.constant 960 : i32
    %add3A_3173 = arith.addi %mul3A_2, %add3A_3172 : i32
    %dma_start3A_3174 = arith.constant 0 : i32
    %dma_start3A_3175 = arith.constant 0 : i32
    %dma_start3A_3176 = arith.constant 0 : i32
    %dma_start3A_3177 = tpu.memref_slice %arg7[%dma_start3A_3174, %dma_start3A_3175, %dma_start3A_3176] : memref<3x32x1024xf32, #tpu.memory_space<vmem>> -> memref<1x32x1024xf32, #tpu.memory_space<vmem>>
    %dma_start3A_3178 = tpu.memref_squeeze %dma_start3A_3177 : memref<1x32x1024xf32, #tpu.memory_space<vmem>> -> memref<32x1024xf32, #tpu.memory_space<vmem>>
    %dma_start3A_3179 = arith.constant 0 : i32
    %dma_start3A_3180 = tpu.memref_slice %arg4[%add3A_3173, %dma_start3A_3179] : memref<32768x1024xf32, #tpu.memory_space<hbm>> -> memref<32x1024xf32, #tpu.memory_space<hbm>>
    %dma_start3A_3181 = arith.constant 0 : i32
    %dma_start3A_3182 = tpu.memref_slice %arg4[%add3A_3173, %dma_start3A_3181] : memref<32768x1024xf32, #tpu.memory_space<hbm>> -> memref<32x1024xf32, #tpu.memory_space<hbm>>
    %dma_start3A_3183 = arith.constant 0 : i32
    %dma_start3A_3184 = arith.constant 0 : i32
    %dma_start3A_3185 = tpu.memref_slice %arg7[%dma_start3A_3174, %dma_start3A_3183, %dma_start3A_3184] : memref<3x32x1024xf32, #tpu.memory_space<vmem>> -> memref<1x32x1024xf32, #tpu.memory_space<vmem>>
    %dma_start3A_3186 = tpu.memref_squeeze %dma_start3A_3185 : memref<1x32x1024xf32, #tpu.memory_space<vmem>> -> memref<32x1024xf32, #tpu.memory_space<vmem>>
    tpu.enqueue_dma source(%dma_start3A_3186 : memref<32x1024xf32, #tpu.memory_space<vmem>>) target(%dma_start3A_3182 : memref<32x1024xf32, #tpu.memory_space<hbm>>) target_semaphore(%arg9 : memref<!tpu.dma_semaphore, #tpu.memory_space<semaphore_mem>>)
    %dma_wait3A_3187 = arith.constant 31 : i32
    %dma_wait3A_3188 = arith.constant 1 : i32
    %dma_wait3A_3189 = arith.constant 0 : i32
    %dma_wait3A_3190 = arith.constant 0 : i32
    %dma_wait3A_3191 = tpu.memref_slice %arg7[%dma_wait3A_3188, %dma_wait3A_3189, %dma_wait3A_3190] : memref<3x32x1024xf32, #tpu.memory_space<vmem>> -> memref<1x32x1024xf32, #tpu.memory_space<vmem>>
    %dma_wait3A_3192 = tpu.memref_squeeze %dma_wait3A_3191 : memref<1x32x1024xf32, #tpu.memory_space<vmem>> -> memref<32x1024xf32, #tpu.memory_space<vmem>>
    %dma_wait3A_3193 = arith.constant 0 : i32
    %dma_wait3A_3194 = tpu.memref_slice %arg6[%dma_wait3A_3187, %dma_wait3A_3193] : memref<32x32xi32, #tpu.memory_space<vmem>> -> memref<1x32xi32, #tpu.memory_space<vmem>>
    %dma_wait3A_3195 = tpu.memref_squeeze %dma_wait3A_3194 : memref<1x32xi32, #tpu.memory_space<vmem>> -> memref<32xi32, #tpu.memory_space<vmem>>
    %dma_wait3A_3196 = arith.constant 0 : i32
    %dma_wait3A_3197 = arith.constant 0 : i32
    %dma_wait3A_3198 = tpu.memref_slice %arg2[%dma_wait3A_3196, %dma_wait3A_3197] : memref<8194x1024xf32, #tpu.memory_space<hbm>> -> memref<8194x1024xf32, #tpu.memory_space<hbm>>
    tpu.wait_indirect_dma semaphore(%arg8 : memref<!tpu.dma_semaphore, #tpu.memory_space<semaphore_mem>>) src(%dma_wait3A_3198 : memref<8194x1024xf32, #tpu.memory_space<hbm>>) dst(%dma_wait3A_3192 : memref<32x1024xf32, #tpu.memory_space<vmem>>)
    %add3A_3199 = arith.constant 992 : i32
    %add3A_3200 = arith.addi %mul3A_2, %add3A_3199 : i32
    %dma_start3A_3201 = arith.constant 1 : i32
    %dma_start3A_3202 = arith.constant 0 : i32
    %dma_start3A_3203 = arith.constant 0 : i32
    %dma_start3A_3204 = tpu.memref_slice %arg7[%dma_start3A_3201, %dma_start3A_3202, %dma_start3A_3203] : memref<3x32x1024xf32, #tpu.memory_space<vmem>> -> memref<1x32x1024xf32, #tpu.memory_space<vmem>>
    %dma_start3A_3205 = tpu.memref_squeeze %dma_start3A_3204 : memref<1x32x1024xf32, #tpu.memory_space<vmem>> -> memref<32x1024xf32, #tpu.memory_space<vmem>>
    %dma_start3A_3206 = arith.constant 0 : i32
    %dma_start3A_3207 = tpu.memref_slice %arg4[%add3A_3200, %dma_start3A_3206] : memref<32768x1024xf32, #tpu.memory_space<hbm>> -> memref<32x1024xf32, #tpu.memory_space<hbm>>
    %dma_start3A_3208 = arith.constant 0 : i32
    %dma_start3A_3209 = tpu.memref_slice %arg4[%add3A_3200, %dma_start3A_3208] : memref<32768x1024xf32, #tpu.memory_space<hbm>> -> memref<32x1024xf32, #tpu.memory_space<hbm>>
    %dma_start3A_3210 = arith.constant 0 : i32
    %dma_start3A_3211 = arith.constant 0 : i32
    %dma_start3A_3212 = tpu.memref_slice %arg7[%dma_start3A_3201, %dma_start3A_3210, %dma_start3A_3211] : memref<3x32x1024xf32, #tpu.memory_space<vmem>> -> memref<1x32x1024xf32, #tpu.memory_space<vmem>>
    %dma_start3A_3213 = tpu.memref_squeeze %dma_start3A_3212 : memref<1x32x1024xf32, #tpu.memory_space<vmem>> -> memref<32x1024xf32, #tpu.memory_space<vmem>>
    tpu.enqueue_dma source(%dma_start3A_3213 : memref<32x1024xf32, #tpu.memory_space<vmem>>) target(%dma_start3A_3209 : memref<32x1024xf32, #tpu.memory_space<hbm>>) target_semaphore(%arg9 : memref<!tpu.dma_semaphore, #tpu.memory_space<semaphore_mem>>)
    %add3A_3214 = arith.constant 928 : i32
    %add3A_3215 = arith.addi %mul3A_2, %add3A_3214 : i32
    %dma_wait3A_3216 = arith.constant 2 : i32
    %dma_wait3A_3217 = arith.constant 0 : i32
    %dma_wait3A_3218 = arith.constant 0 : i32
    %dma_wait3A_3219 = tpu.memref_slice %arg7[%dma_wait3A_3216, %dma_wait3A_3217, %dma_wait3A_3218] : memref<3x32x1024xf32, #tpu.memory_space<vmem>> -> memref<1x32x1024xf32, #tpu.memory_space<vmem>>
    %dma_wait3A_3220 = tpu.memref_squeeze %dma_wait3A_3219 : memref<1x32x1024xf32, #tpu.memory_space<vmem>> -> memref<32x1024xf32, #tpu.memory_space<vmem>>
    %dma_wait3A_3221 = arith.constant 0 : i32
    %dma_wait3A_3222 = tpu.memref_slice %arg4[%add3A_3215, %dma_wait3A_3221] : memref<32768x1024xf32, #tpu.memory_space<hbm>> -> memref<32x1024xf32, #tpu.memory_space<hbm>>
    %dma_wait3A_3223 = arith.constant 0 : i32
    %dma_wait3A_3224 = tpu.memref_slice %arg4[%add3A_3215, %dma_wait3A_3223] : memref<32768x1024xf32, #tpu.memory_space<hbm>> -> memref<32x1024xf32, #tpu.memory_space<hbm>>
    %dma_wait3A_3225 = arith.constant 0 : i32
    %dma_wait3A_3226 = arith.constant 0 : i32
    %dma_wait3A_3227 = tpu.memref_slice %arg7[%dma_wait3A_3216, %dma_wait3A_3225, %dma_wait3A_3226] : memref<3x32x1024xf32, #tpu.memory_space<vmem>> -> memref<1x32x1024xf32, #tpu.memory_space<vmem>>
    %dma_wait3A_3228 = tpu.memref_squeeze %dma_wait3A_3227 : memref<1x32x1024xf32, #tpu.memory_space<vmem>> -> memref<32x1024xf32, #tpu.memory_space<vmem>>
    tpu.wait_dma2 semaphore(%arg9 : memref<!tpu.dma_semaphore, #tpu.memory_space<semaphore_mem>>) src(%dma_wait3A_3228 : memref<32x1024xf32, #tpu.memory_space<vmem>>) dst(%dma_wait3A_3224 : memref<32x1024xf32, #tpu.memory_space<hbm>>)
    %add3A_3229 = arith.constant 960 : i32
    %add3A_3230 = arith.addi %mul3A_2, %add3A_3229 : i32
    %dma_wait3A_3231 = arith.constant 0 : i32
    %dma_wait3A_3232 = arith.constant 0 : i32
    %dma_wait3A_3233 = arith.constant 0 : i32
    %dma_wait3A_3234 = tpu.memref_slice %arg7[%dma_wait3A_3231, %dma_wait3A_3232, %dma_wait3A_3233] : memref<3x32x1024xf32, #tpu.memory_space<vmem>> -> memref<1x32x1024xf32, #tpu.memory_space<vmem>>
    %dma_wait3A_3235 = tpu.memref_squeeze %dma_wait3A_3234 : memref<1x32x1024xf32, #tpu.memory_space<vmem>> -> memref<32x1024xf32, #tpu.memory_space<vmem>>
    %dma_wait3A_3236 = arith.constant 0 : i32
    %dma_wait3A_3237 = tpu.memref_slice %arg4[%add3A_3230, %dma_wait3A_3236] : memref<32768x1024xf32, #tpu.memory_space<hbm>> -> memref<32x1024xf32, #tpu.memory_space<hbm>>
    %dma_wait3A_3238 = arith.constant 0 : i32
    %dma_wait3A_3239 = tpu.memref_slice %arg4[%add3A_3230, %dma_wait3A_3238] : memref<32768x1024xf32, #tpu.memory_space<hbm>> -> memref<32x1024xf32, #tpu.memory_space<hbm>>
    %dma_wait3A_3240 = arith.constant 0 : i32
    %dma_wait3A_3241 = arith.constant 0 : i32
    %dma_wait3A_3242 = tpu.memref_slice %arg7[%dma_wait3A_3231, %dma_wait3A_3240, %dma_wait3A_3241] : memref<3x32x1024xf32, #tpu.memory_space<vmem>> -> memref<1x32x1024xf32, #tpu.memory_space<vmem>>
    %dma_wait3A_3243 = tpu.memref_squeeze %dma_wait3A_3242 : memref<1x32x1024xf32, #tpu.memory_space<vmem>> -> memref<32x1024xf32, #tpu.memory_space<vmem>>
    tpu.wait_dma2 semaphore(%arg9 : memref<!tpu.dma_semaphore, #tpu.memory_space<semaphore_mem>>) src(%dma_wait3A_3243 : memref<32x1024xf32, #tpu.memory_space<vmem>>) dst(%dma_wait3A_3239 : memref<32x1024xf32, #tpu.memory_space<hbm>>)
    %add3A_3244 = arith.constant 992 : i32
    %add3A_3245 = arith.addi %mul3A_2, %add3A_3244 : i32
    %dma_wait3A_3246 = arith.constant 1 : i32
    %dma_wait3A_3247 = arith.constant 0 : i32
    %dma_wait3A_3248 = arith.constant 0 : i32
    %dma_wait3A_3249 = tpu.memref_slice %arg7[%dma_wait3A_3246, %dma_wait3A_3247, %dma_wait3A_3248] : memref<3x32x1024xf32, #tpu.memory_space<vmem>> -> memref<1x32x1024xf32, #tpu.memory_space<vmem>>
    %dma_wait3A_3250 = tpu.memref_squeeze %dma_wait3A_3249 : memref<1x32x1024xf32, #tpu.memory_space<vmem>> -> memref<32x1024xf32, #tpu.memory_space<vmem>>
    %dma_wait3A_3251 = arith.constant 0 : i32
    %dma_wait3A_3252 = tpu.memref_slice %arg4[%add3A_3245, %dma_wait3A_3251] : memref<32768x1024xf32, #tpu.memory_space<hbm>> -> memref<32x1024xf32, #tpu.memory_space<hbm>>
    %dma_wait3A_3253 = arith.constant 0 : i32
    %dma_wait3A_3254 = tpu.memref_slice %arg4[%add3A_3245, %dma_wait3A_3253] : memref<32768x1024xf32, #tpu.memory_space<hbm>> -> memref<32x1024xf32, #tpu.memory_space<hbm>>
    %dma_wait3A_3255 = arith.constant 0 : i32
    %dma_wait3A_3256 = arith.constant 0 : i32
    %dma_wait3A_3257 = tpu.memref_slice %arg7[%dma_wait3A_3246, %dma_wait3A_3255, %dma_wait3A_3256] : memref<3x32x1024xf32, #tpu.memory_space<vmem>> -> memref<1x32x1024xf32, #tpu.memory_space<vmem>>
    %dma_wait3A_3258 = tpu.memref_squeeze %dma_wait3A_3257 : memref<1x32x1024xf32, #tpu.memory_space<vmem>> -> memref<32x1024xf32, #tpu.memory_space<vmem>>
    tpu.wait_dma2 semaphore(%arg9 : memref<!tpu.dma_semaphore, #tpu.memory_space<semaphore_mem>>) src(%dma_wait3A_3258 : memref<32x1024xf32, #tpu.memory_space<vmem>>) dst(%dma_wait3A_3254 : memref<32x1024xf32, #tpu.memory_space<hbm>>)
    return
  }
}

</mosaic_0001>

<sc_bundles>
// kernel: kernel.3.cloned.1.call-start
scs
__scs_entry_jumppad:
0x0: {  	(pc) =	sbr.rel $0x88, $3  }
0x1: {  	(tag) =	ssettag $0x0;
	lr =	simm.s32 $0x1  }
0x2: {  	[smem:$0x3FA0] =	sst lr;
	_ =	strace $0xD0000000  }
0x3: {  	_ = 	snop  }
0x4: {  	_ = 	snop  }
0x5: {  	_ = 	snop  }
0x6: {  	_ = 	snop  }
0x7: {  	_ = 	snop  }
__scs_overlays_trampoline_lowered:
0x8: {  	[smem:$0x3FAF] =	sst s0  }
0x9: {  	[smem:$0x3FB0] =	sst s1  }
0xa: {  	[smem:$0x3FB1] =	sst s2  }
0xb: {  	[smem:$0x3FB2] =	sst s3  }
0xc: {  	[smem:$0x3FB3] =	sst s4  }
0xd: {  	[smem:$0x3FB4] =	sst s5  }
0xe: {  	[smem:$0x3FB5] =	sst s6  }
0xf: {  	[smem:$0x3FB6] =	sst s7  }
0x10: {  	[smem:$0x3FB7] =	sst s8  }
0x11: {  	[smem:$0x3FB8] =	sst s9;
	s0 =	simm.s32 @!p0 $0x0  }
0x12: {  	s1 =	sld [smem:$0x3F9E];
	s0 =	simm.s32 @p0 $0x1  }
0x13: {  	[smem:$0x3FB9] =	sst s0;
	s0 =	simm.s32 @!p1 $0x0  }
0x14: {  	s2 =	sld [smem:$0x3F9D];
	s0 =	simm.s32 @p1 $0x1  }
0x15: {  	[smem:$0x3FBA] =	sst s0;
	s0 =	simm.s32 @!p2 $0x0  }
0x16: {  	s3 =	sld [smem:$0x3FDB];
	s0 =	simm.s32 @p2 $0x1  }
0x17: {  	s4 =	simm.s32 $0x1BF5;
	[smem:$0x3FBC] =	sst s0  }
0x18: {  	s0 =	sld [smem:$0x3F9F];
	_ =	swait.ge [sflag:s4], $0x0  }
0x19: {  	s7 =	sld [smem:$0x3FA0]  }
0x1a: {  	s8 =	sadd.s32 $0xFFFFE003, lr  }
0x1b: {  	s9 =	sadd.s32 $0xFFFFFEF7, lr;
	s5 =	simm.s32 $0xFFFFFFFF;
	p2 =	slt.u32 s8, $0xFFFFF086  }
0x1c: {  	p1 =	slt.u32 s9, $0xF7A;
	s5 =	simm.s32 @!p2 $0x0  }
0x1d: {  	s5 =	simm.s32 @p1 $0x1;
	p0 =	seq.s32 s7, s2  }
0x1e: {  	s7 =	smul.u32 @!p0 $0xF7A, s2;
	p2 =	seq.s32 @!p0 s5, $0x0  }
0x1f: {  	s9 =	smul.u32 $0xF7A, s1;
	s8 =	simm.s32 @!p0 $0x1BF5;
	p2 =	por !p2, p0  }
0x20: {  	[sflag:s8] =	ssyncset.s32 @!p0 $0xFFFFF086;
	s6 =	sadd.s32 @!p0 s3, s7;
	s7 =	simm.s32 @!p0 $0x108  }
0x21: {  	s3 =	sadd.s32 s3, s9;
	s6 =	sadd.s32 @!p0 $0x88, s6;
	s7 =	simm.s32 @p2 $0x1082  }
0x22: {  	[simem:s7], [sflag:s8] =	dma.local @!p0 [hbm:s6], $0xF7A  }
0x23: {  	s9 =	sor.u32 $0xD0000000, s2;
	s6 =	simm.s32 $0x108;
	_ =	swait.ge @!p0 [sflag:s8], $0x0  }
0x24: {  	s3 =	sadd.s32 $0x88, s3;
	s6 =	simm.s32 @!p1 $0x1082;
	[sflag:s4] =	ssyncset.s32 $0xFFFFF086  }
0x25: {  	[simem:s6], [sflag:s4] =	dma.local [hbm:s3], $0xF7A  }
0x26: {  	[smem:$0x3FA0] =	sst s1;
	(tag) =	ssettag s2;
	_ =	strace s9  }
0x27: {  	s1 =	sld [smem:$0x3FB0]  }
0x28: {  	s2 =	sld [smem:$0x3FB1]  }
0x29: {  	s4 =	sld [smem:$0x3FB3]  }
0x2a: {  	p0 =	seq.s32 s5, $0x0;
	s5 =	sld [smem:$0x3FB4]  }
0x2b: {  	s6 =	sld [smem:$0x3FB5]  }
0x2c: {  	s7 =	sld [smem:$0x3FB6]  }
0x2d: {  	s3 =	simm.s32 $0x108;
	s8 =	sld [smem:$0x3FB7]  }
0x2e: {  	s3 =	simm.s32 @!p0 $0x1082;
	s9 =	sld [smem:$0x3FB8]  }
0x2f: {  	lr =	sadd.s32 s0, s3;
	s0 =	sld [smem:$0x3FAF]  }
0x30: {  	s3 =	sld [smem:$0x3FB2]  }
0x31: {  	[smem:$0x3FBB] =	sst s10  }
0x32: {  	s10 =	sld [smem:$0x3FB9];
	_ =	sdelay $0x3  }
0x33: {  	p0 =	seq.s32 s10, $0x1;
	s10 =	sld [smem:$0x3FBB];
	_ =	sdelay $0x3  }
0x34: {  	[smem:$0x3FBB] =	sst s10  }
0x35: {  	s10 =	sld [smem:$0x3FBA];
	_ =	sdelay $0x3  }
0x36: {  	p1 =	seq.s32 s10, $0x1;
	s10 =	sld [smem:$0x3FBB];
	_ =	sdelay $0x3  }
0x37: {  	[smem:$0x3FBB] =	sst s10  }
0x38: {  	s10 =	sld [smem:$0x3FBC]  }
0x39: {  	_ = 	snop;
	(pc) =	sbr.ind lr, $3  }
0x3a: {  	_ = 	snop  }
0x3b: {  	_ = 	snop  }
0x3c: {  	p2 =	seq.s32 s10, $0x1;
	s10 =	sld [smem:$0x3FBB]  }
0x3d: {  	_ =	shalt  }
0x3e: {  	_ =	shalt  }
0x3f: {  	_ =	shalt  }
0x40: {  	_ =	shalt  }
0x41: {  	_ =	shalt  }
0x42: {  	_ =	shalt  }
0x43: {  	_ =	shalt  }
0x44: {  	_ =	shalt  }
0x45: {  	_ =	shalt  }
0x46: {  	_ =	shalt  }
0x47: {  	_ =	shalt  }
0x48: {  	_ =	shalt  }
0x49: {  	_ =	shalt  }
0x4a: {  	_ =	shalt  }
0x4b: {  	_ =	shalt  }
0x4c: {  	_ =	shalt  }
0x4d: {  	_ =	shalt  }
0x4e: {  	_ =	shalt  }
0x4f: {  	_ =	shalt  }
0x50: {  	_ =	shalt  }
0x51: {  	_ =	shalt  }
0x52: {  	_ =	shalt  }
0x53: {  	_ =	shalt  }
0x54: {  	_ =	shalt  }
0x55: {  	_ =	shalt  }
0x56: {  	_ =	shalt  }
0x57: {  	_ =	shalt  }
0x58: {  	_ =	shalt  }
0x59: {  	_ =	shalt  }
0x5a: {  	_ =	shalt  }
0x5b: {  	_ =	shalt  }
0x5c: {  	_ =	shalt  }
0x5d: {  	_ =	shalt  }
0x5e: {  	_ =	shalt  }
0x5f: {  	_ =	shalt  }
0x60: {  	_ =	shalt  }
0x61: {  	_ =	shalt  }
0x62: {  	_ =	shalt  }
0x63: {  	_ =	shalt  }
0x64: {  	_ =	shalt  }
0x65: {  	_ =	shalt  }
0x66: {  	_ =	shalt  }
0x67: {  	_ =	shalt  }
0x68: {  	_ =	shalt  }
0x69: {  	_ =	shalt  }
0x6a: {  	_ =	shalt  }
0x6b: {  	_ =	shalt  }
0x6c: {  	_ =	shalt  }
0x6d: {  	_ =	shalt  }
0x6e: {  	_ =	shalt  }
0x6f: {  	_ =	shalt  }
0x70: {  	_ =	shalt  }
0x71: {  	_ =	shalt  }
0x72: {  	_ =	shalt  }
0x73: {  	_ =	shalt  }
0x74: {  	_ =	shalt  }
0x75: {  	_ =	shalt  }
0x76: {  	_ =	shalt  }
0x77: {  	_ =	shalt  }
0x78: {  	_ =	shalt  }
0x79: {  	_ =	shalt  }
0x7a: {  	_ =	shalt  }
0x7b: {  	_ =	shalt  }
0x7c: {  	_ =	shalt  }
0x7d: {  	_ =	shalt  }
0x7e: {  	_ =	shalt  }
0x7f: {  	_ =	shalt  }
0x80: {  	_ =	shalt  }
0x81: {  	_ =	shalt  }
0x82: {  	_ =	shalt  }
0x83: {  	_ =	shalt  }
0x84: {  	_ =	shalt  }
0x85: {  	_ =	shalt  }
0x86: {  	_ =	shalt  }
0x87: {  	_ =	shalt  }
.Lfunc_end0:
.L_simem_size_0:
called_computation_lowered:
.L_overlay_start_0:
0x88: {  	s2 =	sld [smem:$0x3FD9]  }
0x89: {  	s3 =	sld [smem:$0x3FFE];
	_ =	sdelay $0x1  }
0x8a: {  	s1 =	srdreg.scid  }
0x8b: {  	s0 =	sand.u32 $0x1, s1  }
0x8c: {  	s17 =	sshll.u32 s0, $0xA;
	s2 =	sadd.s32 s3, s2  }
0x8d: {  	s2 =	sadd.s32 s2, s17  }
0x8e: {  	[smem:$0x3FC7] =	sst s2  }
0x8f: {  	_ = 	snop  }
0x90: {  	s2 =	sld [smem:$0x3FD0];
	(tm) =	ssettm $0x1  }
0x91: {  	s18 =	sld [smem:$0x3FFB];
	_ =	sdelay $0x3  }
0x92: {  	_ =	strace s18  }
0x93: {  	s3 =	sld [smem:$0x3FFC];
	_ =	sdelay $0x3  }
0x94: {  	_ =	strace s3  }
0x95: {  	s3 =	sld [smem:$0x3FFD];
	_ =	sdelay $0x3  }
0x96: {  	_ =	strace s3  }
0x97: {  	_ =	strace $0x8FFFFFFF  }
0x98: {  	s19 =	sld [smem:$0x3FDB];
	_ =	sdelay $0x1  }
0x99: {  	s4 =	simm.s32 $_scs_section_size  }
0x9a: {  	s5 =	simm.s32 $_size__tile_overlayer_lowered;
	s6 =	simm.s32 $_tile_overlayer_lowered  }
0x9b: {  	s22 =	simm.s32 $0x1BFF;
	s21 =	sshll.u32 s6, $0x1;
	s3 =	sadd.s32 s4, s19  }
0x9c: {  	s7 =	simm.s32 $0x0;
	s20 =	sshll.u32 s5, $0x1;
	s5 =	sadd.s32 s21, s3  }
0x9d: {  	[timem:s7], [sflag:s22] =	dma.local [hbm:s5], s20  }
0x9e: {  	_ =	swait.ge [sflag:s22], s20  }
0x9f: {  	s4 =	ssub.s32 $0x0, s20;
	[sflag:s22] =	ssyncset.done $0x0  }
0xa0: {  	[sflag:s22] =	ssyncadd.s32 s4;
	_ =	sdelay $0x1  }
0xa1: {  	s23 =	simm.s32 $0x1B8B  }
0xa2: {  	_ =	swait.ge [sflag:s23], $0x1  }
0xa3: {  	[sflag:s23] =	ssyncset.done $0x0  }
0xa4: {  	s25 =	simm.s32 $0x1B8E;
	s24 =	sld [smem:$0x3FFE];
	[sflag:s23] =	ssyncadd.s32 $0xFFFFFFFF  }
0xa5: {  	s26 =	simm.s32 $execute0_lowered;
	[smem:$0x3FD2] =	sst s25  }
0xa6: {  	s5 =	sshll.u32 s26, $0x1;
	_ =	strace $0x80000046;
	[dreg:$0x1] =	wrdreg $0xFFFFFFFF  }
0xa7: {  	s28 =	simm.s32 $_size_execute0_lowered;
	s3 =	sadd.s32 s3, s5;
	[dreg:$0x0] =	wrdreg $0x0  }
0xa8: {  	s5 =	sshll.u32 s28, $0x1;
	[dreg:$0x2] =	wrdreg s3  }
0xa9: {  	[dreg:$0x3] =	wrdreg s5  }
0xaa: {  	[dreg:$0x4] =	wrdreg $0xC0  }
0xab: {  	_ =	task [dreg:s7], $0x5FFFF  }
0xac: {  	[dreg:$0x1] =	wrdreg $0xFFFFFFFF  }
0xad: {  	[dreg:$0x0] =	wrdreg $0x60  }
0xae: {  	[dreg:$0x2] =	wrdreg s24  }
0xaf: {  	[dreg:$0x3] =	wrdreg s2  }
0xb0: {  	[dreg:$0x4] =	wrdreg $0x9  }
0xb1: {  	_ =	task.clear_ibuf [dreg:s7], $0x5FFFF;
	_ =	strace $0x90000046  }
0xb2: {  	s29 =	simm.s32 $0x9;
	_ =	strace $0x80000048  }
0xb3: {  	_ =	swait.ge [sflag:s29], $0x1  }
0xb4: {  	[sflag:s29] =	ssyncadd.s32 $0xFFFFFFFF  }
0xb5: {  	_ =	strace $0x90000048  }
0xb6: {  	_ =	sfence  }
0xb7: {  	s30 =	sld [smem:$0x0];
	_ =	sdelay $0x2  }
0xb8: {  	s31 =	sshll.u32 s1, $0xD;
	s1 =	sshrl.u32 s1, $0x2  }
0xb9: {  	s3 =	sand.u32 $0x4000, s31;
	s1 =	sadd.s32 s1, s30  }
0xba: {  	s0 =	sor.u32 s3, s0;
	s1 =	sshll.u32 s1, $0x11  }
0xbb: {  	s0 =	sor.u32 s1, s0  }
0xbc: {  	s0 =	sadd.s32 $0x8F2B, s0  }
0xbd: {  	[sflag:s0] =	ssyncadd.remote.s32 $0x1  }
0xbe: {  	_ =	sfence.sel $0xFFFF  }
0xbf: {  	[dreg:$0x0] =	wrdreg $0xFFFFFFFF;
	(pc) =	sbr.abs _section_cstart, $3  }
0xc0: {  	[dreg:$0x1] =	wrdreg $0xFFFFFFFF  }
0xc1: {  	_ =	task.clear_ibuf [dreg:s7], $0x2FFFF;
	_ =	strace $0x9FFFFFFF  }
0xc2: {  	(tm) =	ssettm $0x7FFFFFFF  }
0xc3: {  	_ =	shalt  }
tec
execute0_lowered:
.L_overlay_start_1:
0x0: {  	(tag) =	ssettag $0x1  }
0x1: {  	s0 =	srdreg.scid  }
0x2: {  	s1 =	stileid.u32;
	s5 =	rddreg [dreg:$0x0];
	s0 =	sand.u32 $0x1, s0  }
0x3: {  	s3 =	rddreg [dreg:$0x1];
	s1 =	sshll.u32 s1, $0xB;
	s2 =	sshll.u32 s0, $0xA  }
0x4: {  	s0 =	ssub.s32 $0x2, s0;
	s1 =	sor.u32 s2, s1;
	s2 =	simm.s32 $0x0  }
0x5: {  	s30 =	sshrl.u32 s0, $0x1;
	s4 =	sshrl.u32 s1, $0x3;
	[smem:$0x7FF] =	sst s2  }
0x6: {  	s17 =	sshll.u32 s1, $0x7;
	s0 =	ssub.s32 s0, s30;
	s4 =	sadd.s32 s4, s5  }
0x7: {  	_ =	strace $0x80000047;
	s9 =	sadd.s32 s3, s17;
	[smem:$0x7E3] =	sst s0  }
0x8: {  	s4 =	sadd.s32 $0x600, s4;
	[smem:$0x7DD] =	sst s9  }
0x9: {  	s3 =	sadd.s32 $0x1000, s9;
	[dreg:$0x3] =	wrdreg s4  }
0xa: {  	s18 =	sadd.s32 $0x2000, s9;
	[dreg:$0x4] =	wrdreg s3  }
0xb: {  	s19 =	sadd.s32 $0x3000, s9;
	[dreg:$0x5] =	wrdreg s18  }
0xc: {  	s20 =	sadd.s32 $0x4000, s9;
	[dreg:$0x6] =	wrdreg s19  }
0xd: {  	s21 =	sadd.s32 $0x5000, s9;
	[dreg:$0x7] =	wrdreg s20  }
0xe: {  	s22 =	sadd.s32 $0x6000, s9;
	[dreg:$0x8] =	wrdreg s21  }
0xf: {  	s23 =	sadd.s32 $0x7000, s9;
	[dreg:$0x9] =	wrdreg s22  }
0x10: {  	s24 =	sadd.s32 $0x8000, s9;
	[dreg:$0xa] =	wrdreg s23  }
0x11: {  	s25 =	sadd.s32 $0x9000, s9;
	[dreg:$0xb] =	wrdreg s24  }
0x12: {  	s26 =	sadd.s32 $0xA000, s9;
	[dreg:$0xc] =	wrdreg s25  }
0x13: {  	s28 =	sadd.s32 $0xB000, s9;
	[dreg:$0xd] =	wrdreg s26  }
0x14: {  	s29 =	sadd.s32 $0xC000, s9;
	[dreg:$0xe] =	wrdreg s28  }
0x15: {  	s31 =	sadd.s32 $0xD000, s9;
	[dreg:$0xf] =	wrdreg s29  }
0x16: {  	s5 =	sadd.s32 $0xF000, s9;
	[dreg:$0x10] =	wrdreg s31  }
0x17: {  	s6 =	sadd.s32 $0x10000, s9;
	[dreg:$0x12] =	wrdreg s5  }
0x18: {  	s8 =	sadd.s32 $0x11000, s9;
	[dreg:$0x13] =	wrdreg s6  }
0x19: {  	s11 =	sadd.s32 $0x12000, s9;
	[dreg:$0x14] =	wrdreg s8  }
0x1a: {  	s13 =	sadd.s32 $0x13000, s9;
	[dreg:$0x15] =	wrdreg s11  }
0x1b: {  	s14 =	sadd.s32 $0x14000, s9;
	[dreg:$0x16] =	wrdreg s13  }
0x1c: {  	s15 =	sadd.s32 $0x15000, s9;
	[dreg:$0x17] =	wrdreg s14  }
0x1d: {  	s16 =	sadd.s32 $0x16000, s9;
	[dreg:$0x18] =	wrdreg s15  }
0x1e: {  	s17 =	sadd.s32 $0x17000, s9;
	[dreg:$0x19] =	wrdreg s16  }
0x1f: {  	s30 =	sadd.s32 $0x1E000, s9;
	[dreg:$0x1a] =	wrdreg s17  }
0x20: {  	s4 =	sadd.s32 $0xE000, s9;
	[smem:$0x7DC] =	sst s30  }
0x21: {  	s18 =	sadd.s32 $0x18000, s9;
	[dreg:$0x11] =	wrdreg s4  }
0x22: {  	s21 =	sadd.s32 $0x19000, s9;
	[dreg:$0x1b] =	wrdreg s18  }
0x23: {  	s22 =	sadd.s32 $0x1A000, s9;
	[dreg:$0x1c] =	wrdreg s21  }
0x24: {  	s24 =	sadd.s32 $0x1B000, s9;
	[dreg:$0x1d] =	wrdreg s22  }
0x25: {  	s28 =	sadd.s32 $0x1C000, s9;
	[dreg:$0x1e] =	wrdreg s24  }
0x26: {  	s29 =	sadd.s32 $0x1D000, s9;
	[dreg:$0x1f] =	wrdreg s28  }
0x27: {  	s3 =	sand.u32 $0x1C00, s1;
	s31 =	sadd.s32 $0x1F000, s9;
	[smem:$0x7DB] =	sst s29  }
0x28: {  	s1 =	sor.u32 $0x2, s3;
	[smem:$0x7DE] =	sst s31  }
0x29: {  	s7 =	sor.u32 $0x12, s3;
	[smem:$0x7DF] =	sst s1  }
0x2a: {  	s10 =	sor.u32 $0x22, s3;
	[smem:$0x7E0] =	sst s7  }
0x2b: {  	s12 =	sor.u32 $0x32, s3;
	[smem:$0x7E1] =	sst s10  }
0x2c: {  	s28 =	sor.u32 $0x202, s3;
	[smem:$0x7E2] =	sst s12  }
0x2d: {  	v0 =	vlaneseq.u32;
	s8 =	sor.u32 $0xB2, s3;
	[smem:$0x7E4] =	sst s28  }
0x2e: {  	s28 =	sor.u32 $0x212, s3;
	v12 =	vadd.s32 s8, v0;
	s8 =	sld [smem:$0x7E3]  }
0x2f: {  	s16 =	sor.u32 $0x182, s3;
	[smem:$0x7E5] =	sst s28  }
0x30: {  	v25 =	vadd.s32 s16, v0;
	s28 =	sor.u32 $0x222, s3;
	s16 =	sld [smem:$0x7E4]  }
0x31: {  	s17 =	sor.u32 $0x192, s3;
	[smem:$0x7E6] =	sst s28  }
0x32: {  	v26 =	vadd.s32 s17, v0;
	s28 =	sor.u32 $0x232, s3;
	s17 =	sld [smem:$0x7E5]  }
0x33: {  	s18 =	sor.u32 $0x172, s3;
	[smem:$0x7E7] =	sst s28  }
0x34: {  	v24 =	vadd.s32 s18, v0;
	s28 =	sor.u32 $0x242, s3;
	s18 =	sld [smem:$0x7E6]  }
0x35: {  	s21 =	sor.u32 $0x1B2, s3;
	[smem:$0x7E8] =	sst s28  }
0x36: {  	v28 =	vadd.s32 s21, v0;
	s28 =	sor.u32 $0x252, s3;
	s21 =	sld [smem:$0x7E7]  }
0x37: {  	s22 =	sor.u32 $0x1C2, s3;
	[smem:$0x7E9] =	sst s28  }
0x38: {  	v29 =	vadd.s32 s22, v0;
	s28 =	sor.u32 $0x262, s3;
	s22 =	sld [smem:$0x7E8]  }
0x39: {  	s24 =	sor.u32 $0x1A2, s3;
	[smem:$0x7EA] =	sst s28  }
0x3a: {  	v27 =	vadd.s32 s24, v0;
	s28 =	sor.u32 $0x272, s3;
	s24 =	sld [smem:$0x7E9]  }
0x3b: {  	s29 =	sor.u32 $0x1D2, s3;
	[smem:$0x7EB] =	sst s28  }
0x3c: {  	v30 =	vadd.s32 s29, v0;
	s28 =	sor.u32 $0x282, s3;
	s29 =	sld [smem:$0x7EA]  }
0x3d: {  	s30 =	sor.u32 $0x1E2, s3;
	[smem:$0x7EC] =	sst s28  }
0x3e: {  	v31 =	vadd.s32 s30, v0;
	s28 =	sor.u32 $0x292, s3;
	s30 =	sld [smem:$0x7EB]  }
0x3f: {  	s31 =	sor.u32 $0x1F2, s3;
	[smem:$0x7ED] =	sst s28  }
0x40: {  	v32 =	vadd.s32 s31, v0;
	s28 =	sor.u32 $0x2A2, s3;
	s31 =	sld [smem:$0x7EC]  }
0x41: {  	s1 =	sor.u32 $0x122, s3;
	[smem:$0x7EE] =	sst s28  }
0x42: {  	v19 =	vadd.s32 s1, v0;
	s28 =	sor.u32 $0x2B2, s3;
	s1 =	sld [smem:$0x7ED]  }
0x43: {  	[smem:$0x7EF] =	sst s28;
	s28 =	sor.u32 $0x2C2, s3  }
0x44: {  	s9 =	sor.u32 $0x132, s3;
	[smem:$0x7F0] =	sst s28  }
0x45: {  	v20 =	vadd.s32 s9, v0;
	s28 =	sor.u32 $0x2D2, s3;
	s9 =	sld [smem:$0x7EF]  }
0x46: {  	s10 =	sor.u32 $0xF2, s3;
	[smem:$0x7F1] =	sst s28  }
0x47: {  	v16 =	vadd.s32 s10, v0;
	s28 =	sor.u32 $0x2E2, s3;
	s10 =	sld [smem:$0x7F0]  }
0x48: {  	[smem:$0x7F2] =	sst s28;
	s28 =	sor.u32 $0x2F2, s3  }
0x49: {  	[smem:$0x7F3] =	sst s28;
	s28 =	sor.u32 $0x302, s3  }
0x4a: {  	[smem:$0x7F4] =	sst s28;
	s28 =	sor.u32 $0x312, s3  }
0x4b: {  	[smem:$0x7F5] =	sst s28;
	s28 =	sor.u32 $0x322, s3  }
0x4c: {  	[smem:$0x7F6] =	sst s28;
	s28 =	sor.u32 $0x332, s3  }
0x4d: {  	[smem:$0x7F7] =	sst s28;
	s28 =	sor.u32 $0x342, s3  }
0x4e: {  	[smem:$0x7F8] =	sst s28;
	s28 =	sor.u32 $0x352, s3  }
0x4f: {  	[smem:$0x7F9] =	sst s28  }
0x50: {  	s11 =	sor.u32 $0x112, s3;
	s28 =	sld [smem:$0x7DF]  }
0x51: {  	s12 =	sor.u32 $0xE2, s3;
	v18 =	vadd.s32 s11, v0;
	s11 =	sld [smem:$0x7F1]  }
0x52: {  	v15 =	vadd.s32 s12, v0;
	s12 =	sld [smem:$0x7F2]  }
0x53: {  	s13 =	sor.u32 $0x152, s3;
	v1 =	vadd.s32 s28, v0;
	s28 =	sld [smem:$0x7E0]  }
0x54: {  	s14 =	sor.u32 $0x162, s3;
	v22 =	vadd.s32 s13, v0;
	s13 =	sld [smem:$0x7F3]  }
0x55: {  	s15 =	sor.u32 $0x142, s3;
	v23 =	vadd.s32 s14, v0;
	s14 =	sld [smem:$0x7F4]  }
0x56: {  	v21 =	vadd.s32 s15, v0;
	s15 =	sld [smem:$0x7F5];
	[tilespmem:$0x1FF50] =	vst v1;
	v1 =	vadd.s32 s28, v0;
	s28 =	sor.u32 $0x362, s3  }
0x57: {  	[smem:$0x7FA] =	sst s28;
	s28 =	sor.u32 $0x372, s3  }
0x58: {  	[smem:$0x7FB] =	sst s28;
	s28 =	sor.u32 $0x382, s3  }
0x59: {  	[smem:$0x7FC] =	sst s28  }
0x5a: {  	s28 =	sld [smem:$0x7E1]  }
0x5b: {  	v33 =	vadd.s32 s16, v0;
	s16 =	sld [smem:$0x7F6]  }
0x5c: {  	vm0 =	vmmov $0xffff;
	s6 =	sor.u32 $0xD2, s3;
	s0 =	sor.u32 $0x102, s3;
	v34 =	vadd.s32 s17, v0;
	s17 =	sld [smem:$0x7F7]  }
0x5d: {  	s7 =	sor.u32 $0xC2, s3;
	v14 =	vadd.s32 s6, v0;
	v17 =	vadd.s32 s0, v0;
	[tilespmem:$0x1FF60] =	vst v1;
	v1 =	vadd.s32 s28, v0;
	s28 =	sld [smem:$0x7E2]  }
0x5e: {  	v13 =	vadd.s32 s7, v0;
	v35 =	vadd.s32 s18, v0;
	v36 =	vadd.s32 s21, v0;
	s21 =	sld [smem:$0x7F8]  }
0x5f: {  	s25 =	sor.u32 $0x42, s3;
	s26 =	sor.u32 $0x52, s3;
	v37 =	vadd.s32 s22, v0;
	v38 =	vadd.s32 s24, v0;
	v39 =	vadd.s32 s29, v0;
	s22 =	sld [smem:$0x7F9]  }
0x60: {  	s23 =	sor.u32 $0x62, s3;
	s19 =	sor.u32 $0x72, s3;
	v40 =	vadd.s32 s30, v0;
	v41 =	vadd.s32 s31, v0;
	s24 =	sld [smem:$0x7FA];
	[tilespmem:$0x1FF70] =	vst v1;
	v1 =	vadd.s32 s28, v0  }
0x61: {  	s20 =	sor.u32 $0x82, s3;
	s5 =	sor.u32 $0x92, s3;
	v42 =	vadd.s32 s1, v0;
	v44 =	vadd.s32 s9, v0;
	s29 =	sld [smem:$0x7FB];
	[tilespmem:$0x1FF80] =	vst v1;
	v1 =	vadd.s32 s25, v0  }
0x62: {  	s4 =	sor.u32 $0xA2, s3;
	v45 =	vadd.s32 s10, v0;
	v46 =	vadd.s32 s11, v0;
	s30 =	sld [smem:$0x7FC];
	s25 =	sor.u32 $0x3A2, s3;
	[tilespmem:$0x1FF90] =	vst v1;
	v1 =	vadd.s32 s26, v0  }
0x63: {  	v47 =	vadd.s32 s12, v0;
	v48 =	vadd.s32 s13, v0;
	s28 =	sor.u32 $0x392, s3;
	[smem:$0x7FD] =	sst s25;
	s25 =	sor.u32 $0x3B2, s3;
	[tilespmem:$0x1FFA0] =	vst v1;
	v1 =	vadd.s32 s23, v0  }
0x64: {  	v49 =	vadd.s32 s14, v0;
	v50 =	vadd.s32 s15, v0;
	s26 =	sor.u32 $0x3D2, s3;
	s23 =	sor.u32 $0x3C2, s3;
	s31 =	sld [smem:$0x7FD];
	[tilespmem:$0x1FFB0] =	vst v1;
	v1 =	vadd.s32 s19, v0  }
0x65: {  	v51 =	vadd.s32 s16, v0;
	v52 =	vadd.s32 s17, v0;
	s19 =	sor.u32 $0x3E2, s3;
	[tilespmem:$0x1FFC0] =	vst v1;
	v1 =	vadd.s32 s20, v0;
	s20 =	sor.u32 $0x3F2, s3;
	s3 =	rddreg [dreg:$0x0]  }
0x66: {  	v53 =	vadd.s32 s21, v0;
	v54 =	vadd.s32 s22, v0;
	[tilespmem:$0x1FFD0] =	vst v1;
	v1 =	vadd.s32 s5, v0;
	s5 =	sadd.s32 $0x1700, s3;
	s6 =	sadd.s32 $0x1800, s3;
	s7 =	sadd.s32 $0x1900, s3  }
0x67: {  	v55 =	vadd.s32 s24, v0;
	v56 =	vadd.s32 s29, v0;
	[tilespmem:$0x1FFE0] =	vst v1;
	v1 =	vadd.s32 s4, v0;
	s4 =	sadd.s32 $0x1600, s3;
	s3 =	smax.u32 s8, $0x1;
	s8 =	sld [smem:$0x7EE]  }
0x68: {  	v57 =	vadd.s32 s30, v0;
	v58 =	vadd.s32 s28, v0;
	v60 =	vadd.s32 s25, v0  }
0x69: {  	v62 =	vadd.s32 s26, v0;
	v61 =	vadd.s32 s23, v0;
	v63 =	vadd.s32 s19, v0  }
0x6a: {  	s18 =	simm.s32 $0x1;
	v59 =	vadd.s32 s31, v0;
	[tilespmem:$0x1FFF0] =	vst v1;
	v1 =	vadd.s32 s20, v0;
	s20 =	simm.s32 $0x2;
	v43 =	vadd.s32 s8, v0  }
.LBB2_1:
0x6b: {  	[smem:$0x7DA] =	sst s3  }
0x6c: {  	s21 =	rddreg [dreg:$0x3];
	s14 =	simm.s32 $0x3  }
0x6d: {  	[tilespmem:s2], [sflag:$0x3] =	stream.linear.gather [hbm4b:s21+s2], $0x400, $0x38;
	[tilespmem:$0x19400] =	vst v63  }
0x6e: {  	_ =	swait.ge [sflag:s14], $0x400  }
0x6f: {  	[sflag:s14] =	ssyncset.done $0x0  }
0x70: {  	[sflag:s14] =	ssyncadd.s32 $0xFFFFFC00  }
0x71: {  	v2 =	vld [tilespmem:$0x0];
	_ =	sdelay $0x3  }
0x72: {  	v3 =	vld [tilespmem:$0x10]  }
0x73: {  	vm1 =	veq.s32 v2, $0x1;
	v2 =	vld [tilespmem:$0x1FF50]  }
0x74: {  	v10 =	vld [tilespmem:$0x1FF60];
	_ =	sdelay $0x3  }
0x75: {  	v2 =	vsel vm1, $0x1, v2;
	vm1 =	veq.s32 v3, $0x1  }
0x76: {  	v4 =	vld [tilespmem:$0x20];
	v10 =	vsel vm1, $0x1, v10  }
0x77: {  	[tilespmem:$0x410] =	vst v10;
	v10 =	vld [tilespmem:$0x1FF70];
	_ =	sdelay $0x3  }
0x78: {  	vm1 =	veq.s32 v4, $0x1  }
0x79: {  	v5 =	vld [tilespmem:$0x30];
	v10 =	vsel vm1, $0x1, v10  }
0x7a: {  	[tilespmem:$0x480] =	vst v10;
	v10 =	vld [tilespmem:$0x1FF80];
	_ =	sdelay $0x3  }
0x7b: {  	vm1 =	veq.s32 v5, $0x1  }
0x7c: {  	v6 =	vld [tilespmem:$0x40];
	v10 =	vsel vm1, $0x1, v10  }
0x7d: {  	[tilespmem:$0x490] =	vst v10;
	v10 =	vld [tilespmem:$0x1FF90];
	_ =	sdelay $0x3  }
0x7e: {  	vm1 =	veq.s32 v6, $0x1  }
0x7f: {  	v7 =	vld [tilespmem:$0x50];
	v10 =	vsel vm1, $0x1, v10  }
0x80: {  	[tilespmem:$0x500] =	vst v10;
	v10 =	vld [tilespmem:$0x1FFA0];
	_ =	sdelay $0x3  }
0x81: {  	vm1 =	veq.s32 v7, $0x1  }
0x82: {  	v8 =	vld [tilespmem:$0x60];
	v10 =	vsel vm1, $0x1, v10  }
0x83: {  	[tilespmem:$0x510] =	vst v10;
	v10 =	vld [tilespmem:$0x1FFB0];
	_ =	sdelay $0x3  }
0x84: {  	vm1 =	veq.s32 v8, $0x1  }
0x85: {  	v9 =	vld [tilespmem:$0x70];
	v10 =	vsel vm1, $0x1, v10  }
0x86: {  	[tilespmem:$0x580] =	vst v10;
	v10 =	vld [tilespmem:$0x1FFC0];
	_ =	sdelay $0x3  }
0x87: {  	vm1 =	veq.s32 v9, $0x1  }
0x88: {  	v3 =	vld [tilespmem:$0x80];
	v10 =	vsel vm1, $0x1, v10  }
0x89: {  	[tilespmem:$0x590] =	vst v10;
	v10 =	vld [tilespmem:$0x1FFD0];
	_ =	sdelay $0x3  }
0x8a: {  	vm1 =	veq.s32 v3, $0x1  }
0x8b: {  	v4 =	vld [tilespmem:$0x90];
	v10 =	vsel vm1, $0x1, v10  }
0x8c: {  	[tilespmem:$0x600] =	vst v10;
	v10 =	vld [tilespmem:$0x1FFE0];
	_ =	sdelay $0x1  }
0x8d: {  	v5 =	vld [tilespmem:$0xA0]  }
0x8e: {  	v6 =	vld [tilespmem:$0xB0]  }
0x8f: {  	v7 =	vld [tilespmem:$0xC0];
	vm1 =	veq.s32 v4, $0x1  }
0x90: {  	v8 =	vld [tilespmem:$0xD0];
	v10 =	vsel vm1, $0x1, v10  }
0x91: {  	[tilespmem:$0x610] =	vst v10;
	v10 =	vld [tilespmem:$0x1FFF0]  }
0x92: {  	v9 =	vld [tilespmem:$0xE0]  }
0x93: {  	v3 =	vld [tilespmem:$0xF0]  }
0x94: {  	v4 =	vld [tilespmem:$0x100]  }
0x95: {  	vm1 =	veq.s32 v5, $0x1;
	v5 =	vld [tilespmem:$0x110]  }
0x96: {  	[tilespmem:$0x400] =	vst v2;
	v10 =	vsel vm1, $0x1, v10;
	vm1 =	veq.s32 v6, $0x1;
	v6 =	vld [tilespmem:$0x120]  }
0x97: {  	[tilespmem:$0x680] =	vst v10;
	v10 =	vsel vm1, $0x1, v12;
	vm1 =	veq.s32 v7, $0x1;
	v7 =	vld [tilespmem:$0x130]  }
0x98: {  	[tilespmem:$0x690] =	vst v10;
	v10 =	vsel vm1, $0x1, v13;
	vm1 =	veq.s32 v8, $0x1;
	v8 =	vld [tilespmem:$0x140]  }
0x99: {  	[tilespmem:$0x700] =	vst v10;
	v10 =	vsel vm1, $0x1, v14;
	vm1 =	veq.s32 v9, $0x1;
	v9 =	vld [tilespmem:$0x150]  }
0x9a: {  	[tilespmem:$0x710] =	vst v10;
	v10 =	vsel vm1, $0x1, v15;
	vm1 =	veq.s32 v3, $0x1;
	v3 =	vld [tilespmem:$0x160]  }
0x9b: {  	[tilespmem:$0x780] =	vst v10;
	v10 =	vsel vm1, $0x1, v16;
	vm1 =	veq.s32 v4, $0x1;
	v4 =	vld [tilespmem:$0x170]  }
0x9c: {  	[tilespmem:$0x790] =	vst v10;
	v10 =	vsel vm1, $0x1, v17;
	vm1 =	veq.s32 v5, $0x1;
	v5 =	vld [tilespmem:$0x180]  }
0x9d: {  	[tilespmem:$0x800] =	vst v10;
	v10 =	vsel vm1, $0x1, v18;
	vm1 =	veq.s32 v6, $0x1;
	v6 =	vld [tilespmem:$0x190]  }
0x9e: {  	[tilespmem:$0x810] =	vst v10;
	v10 =	vsel vm1, $0x1, v19;
	vm1 =	veq.s32 v7, $0x1;
	v7 =	vld [tilespmem:$0x1A0]  }
0x9f: {  	[tilespmem:$0x880] =	vst v10;
	v10 =	vsel vm1, $0x1, v20;
	vm1 =	veq.s32 v8, $0x1;
	v8 =	vld [tilespmem:$0x1B0]  }
0xa0: {  	[tilespmem:$0x890] =	vst v10;
	v10 =	vsel vm1, $0x1, v21;
	vm1 =	veq.s32 v9, $0x1;
	v9 =	vld [tilespmem:$0x1C0]  }
0xa1: {  	[tilespmem:$0x900] =	vst v10;
	v10 =	vsel vm1, $0x1, v22;
	vm1 =	veq.s32 v3, $0x1;
	v3 =	vld [tilespmem:$0x1D0]  }
0xa2: {  	[tilespmem:$0x910] =	vst v10;
	v10 =	vsel vm1, $0x1, v23;
	vm1 =	veq.s32 v4, $0x1;
	v4 =	vld [tilespmem:$0x1E0]  }
0xa3: {  	[tilespmem:$0x980] =	vst v10;
	v10 =	vsel vm1, $0x1, v24;
	vm1 =	veq.s32 v5, $0x1;
	v5 =	vld [tilespmem:$0x1F0]  }
0xa4: {  	[tilespmem:$0x990] =	vst v10;
	v10 =	vsel vm1, $0x1, v25;
	vm1 =	veq.s32 v6, $0x1;
	v6 =	vld [tilespmem:$0x200]  }
0xa5: {  	[tilespmem:$0xA00] =	vst v10;
	v10 =	vsel vm1, $0x1, v26;
	vm1 =	veq.s32 v7, $0x1;
	v7 =	vld [tilespmem:$0x210]  }
0xa6: {  	[tilespmem:$0xA10] =	vst v10;
	v10 =	vsel vm1, $0x1, v27;
	vm1 =	veq.s32 v8, $0x1;
	v8 =	vld [tilespmem:$0x220]  }
0xa7: {  	[tilespmem:$0xA80] =	vst v10;
	v10 =	vsel vm1, $0x1, v28;
	vm1 =	veq.s32 v9, $0x1;
	v9 =	vld [tilespmem:$0x230]  }
0xa8: {  	[tilespmem:$0xA90] =	vst v10;
	v10 =	vsel vm1, $0x1, v29;
	vm1 =	veq.s32 v3, $0x1;
	v3 =	vld [tilespmem:$0x240]  }
0xa9: {  	[tilespmem:$0xB00] =	vst v10;
	v10 =	vsel vm1, $0x1, v30;
	vm1 =	veq.s32 v4, $0x1;
	v4 =	vld [tilespmem:$0x250]  }
0xaa: {  	[tilespmem:$0xB10] =	vst v10;
	v10 =	vsel vm1, $0x1, v31;
	vm1 =	veq.s32 v5, $0x1;
	v5 =	vld [tilespmem:$0x260]  }
0xab: {  	[tilespmem:$0xB80] =	vst v10;
	v10 =	vsel vm1, $0x1, v32;
	vm1 =	veq.s32 v6, $0x1;
	v6 =	vld [tilespmem:$0x270]  }
0xac: {  	[tilespmem:$0xB90] =	vst v10;
	v10 =	vsel vm1, $0x1, v33;
	vm1 =	veq.s32 v7, $0x1;
	v7 =	vld [tilespmem:$0x280]  }
0xad: {  	[tilespmem:$0xC00] =	vst v10;
	v10 =	vsel vm1, $0x1, v34;
	vm1 =	veq.s32 v8, $0x1;
	v8 =	vld [tilespmem:$0x290]  }
0xae: {  	[tilespmem:$0xC10] =	vst v10;
	v10 =	vsel vm1, $0x1, v35;
	vm1 =	veq.s32 v9, $0x1;
	v9 =	vld [tilespmem:$0x2A0]  }
0xaf: {  	[tilespmem:$0xC80] =	vst v10;
	v10 =	vsel vm1, $0x1, v36;
	vm1 =	veq.s32 v3, $0x1;
	v3 =	vld [tilespmem:$0x2B0]  }
0xb0: {  	[tilespmem:$0xC90] =	vst v10;
	v10 =	vsel vm1, $0x1, v37;
	vm1 =	veq.s32 v4, $0x1;
	v4 =	vld [tilespmem:$0x2C0]  }
0xb1: {  	[tilespmem:$0xD00] =	vst v10;
	v10 =	vsel vm1, $0x1, v38;
	vm1 =	veq.s32 v5, $0x1;
	v5 =	vld [tilespmem:$0x2D0]  }
0xb2: {  	[tilespmem:$0xD10] =	vst v10;
	v10 =	vsel vm1, $0x1, v39;
	vm1 =	veq.s32 v6, $0x1;
	v6 =	vld [tilespmem:$0x2E0]  }
0xb3: {  	[tilespmem:$0xD80] =	vst v10;
	v10 =	vsel vm1, $0x1, v40;
	vm1 =	veq.s32 v7, $0x1;
	v7 =	vld [tilespmem:$0x2F0]  }
0xb4: {  	[tilespmem:$0xD90] =	vst v10;
	v10 =	vsel vm1, $0x1, v41;
	vm1 =	veq.s32 v8, $0x1;
	v8 =	vld [tilespmem:$0x300]  }
0xb5: {  	[tilespmem:$0xE00] =	vst v10;
	v10 =	vsel vm1, $0x1, v42;
	vm1 =	veq.s32 v9, $0x1;
	v9 =	vld [tilespmem:$0x310]  }
0xb6: {  	[tilespmem:$0xE10] =	vst v10;
	v10 =	vsel vm1, $0x1, v43;
	vm1 =	veq.s32 v3, $0x1;
	v3 =	vld [tilespmem:$0x320]  }
0xb7: {  	[tilespmem:$0xE80] =	vst v10;
	v10 =	vsel vm1, $0x1, v44;
	vm1 =	veq.s32 v4, $0x1;
	v4 =	vld [tilespmem:$0x330]  }
0xb8: {  	[tilespmem:$0xE90] =	vst v10;
	v10 =	vsel vm1, $0x1, v45;
	vm1 =	veq.s32 v5, $0x1;
	v5 =	vld [tilespmem:$0x340]  }
0xb9: {  	[tilespmem:$0xF00] =	vst v10;
	v10 =	vsel vm1, $0x1, v46;
	vm1 =	veq.s32 v6, $0x1;
	v6 =	vld [tilespmem:$0x350]  }
0xba: {  	[tilespmem:$0xF10] =	vst v10;
	v10 =	vsel vm1, $0x1, v47;
	vm1 =	veq.s32 v7, $0x1;
	v7 =	vld [tilespmem:$0x360]  }
0xbb: {  	[tilespmem:$0xF80] =	vst v10;
	v10 =	vsel vm1, $0x1, v48;
	vm1 =	veq.s32 v8, $0x1;
	v8 =	vld [tilespmem:$0x370]  }
0xbc: {  	[tilespmem:$0xF90] =	vst v10;
	v10 =	vsel vm1, $0x1, v49;
	vm1 =	veq.s32 v9, $0x1;
	v9 =	vld [tilespmem:$0x380]  }
0xbd: {  	[tilespmem:$0x1000] =	vst v10;
	v10 =	vsel vm1, $0x1, v50;
	vm1 =	veq.s32 v3, $0x1  }
0xbe: {  	v3 =	vld [tilespmem:$0x390];
	[tilespmem:$0x1010] =	vst v10;
	v10 =	vsel vm1, $0x1, v51;
	vm1 =	veq.s32 v4, $0x1  }
0xbf: {  	v4 =	vld [tilespmem:$0x3A0];
	vm2 =	veq.s32 v6, $0x1;
	[tilespmem:$0x1080] =	vst v10;
	v10 =	vsel vm1, $0x1, v52;
	vm1 =	veq.s32 v5, $0x1  }
0xc0: {  	v6 =	vsel vm2, $0x1, v54;
	[tilespmem:$0x1090] =	vst v10;
	v5 =	vsel vm1, $0x1, v53;
	vm1 =	veq.s32 v7, $0x1  }
0xc1: {  	v7 =	vld [tilespmem:$0x3B0];
	[tilespmem:$0x1100] =	vst v5;
	v5 =	vsel vm1, $0x1, v55;
	vm1 =	veq.s32 v8, $0x1;
	vm2 =	veq.s32 v9, $0x1  }
0xc2: {  	v11 =	vshrl.u32 v0, $0x3;
	[tilespmem:$0x1110] =	vst v6;
	v9 =	vld [tilespmem:$0x3C0];
	v6 =	vsel vm1, $0x1, v56;
	v8 =	vsel vm2, $0x1, v57  }
0xc3: {  	v10 =	vld [tilespmem:$0x3E0];
	vm1 =	veq.s32 v3, $0x1;
	[tilespmem:$0x1180] =	vst v5;
	v5 =	vshll.u32 v2, $0x3;
	v2 =	vand.u32 $0x7, v2  }
0xc4: {  	v3 =	vsel vm1, $0x1, v58;
	vm1 =	veq.s32 v4, $0x1;
	v4 =	vld [tilespmem:$0x3D0];
	[tilespmem:$0x1190] =	vst v6;
	v5 =	vand.u32 $0x7FFFFFC0, v5  }
0xc5: {  	[tilespmem:$0x1200] =	vst v8;
	v8 =	vld [tilespmem:$0x3F0];
	v6 =	vsel vm1, $0x1, v59;
	v5 =	vor.u32 v2, v5;
	v2 =	vand.u32 $0x7, v0  }
0xc6: {  	[tilespmem:$0x1210] =	vst v3;
	v3 =	vmul.u32 $0x8, v11;
	vm1 =	veq.s32 v7, $0x1;
	v7 =	vperm.xlane v5, v2  }
0xc7: {  	[tilespmem:$0x1280] =	vst v6;
	vm2 =	veq.s32 v9, $0x1;
	v9 =	vsel vm1, $0x1, v60  }
0xc8: {  	[tilespmem:$0x1290] =	vst v9;
	v11 =	vsel vm2, $0x1, v61;
	v9 =	vadd.s32 v3, v7;
	vm2 =	veq.s32 v10, $0x1  }
0xc9: {  	vm1 =	veq.s32 v4, $0x1;
	[tilespmem:$0x1300] =	vst v11;
	v11 =	vsel vm2, $0x1, v63  }
0xca: {  	v10 =	vsel vm1, $0x1, v62;
	vm1 =	veq.s32 v8, $0x1;
	[tilespmem:$0x1380] =	vst v11  }
0xcb: {  	[tilespmem:$0x1310] =	vst v10;
	v8 =	vsel vm1, $0x1, v1  }
0xcc: {  	s0 =	simm.s32 $0x1400;
	[tilespmem:$0x1390] =	vst v8  }
0xcd: {  	v4 =	vor.u32 $0x8, v0;
	[tilespmem:s0], [sflag:$0x1] =	stream.indirect_vreg.gather [hbm4b:s4+s2], $0x80, v9, vm0, $0xb8;
	[tilespmem:$0x19400] =	vst v63  }
0xce: {  	s15 =	simm.s32 $0x1C00;
	v5 =	vperm.xlane v5, v4  }
0xcf: {  	[tilespmem:s15], [sflag:$0x1] =	stream.indirect_vreg.gather [hbm4b:s5+s2], $0x80, v9, vm0, $0xb8;
	[tilespmem:$0x19400] =	vst v63  }
0xd0: {  	s16 =	simm.s32 $0x2400;
	v5 =	vadd.s32 v3, v5  }
0xd1: {  	[tilespmem:s16], [sflag:$0x1] =	stream.indirect_vreg.gather [hbm4b:s6+s2], $0x80, v9, vm0, $0xb8;
	[tilespmem:$0x19400] =	vst v63  }
0xd2: {  	s17 =	simm.s32 $0x2C00  }
0xd3: {  	[tilespmem:s17], [sflag:$0x1] =	stream.indirect_vreg.gather [hbm4b:s7+s2], $0x80, v9, vm0, $0xb8;
	[tilespmem:$0x19400] =	vst v63  }
0xd4: {  	s19 =	simm.s32 $0x3400  }
0xd5: {  	[tilespmem:s19], [sflag:$0x1] =	stream.indirect_vreg.gather [hbm4b:s4+s2], $0x80, v5, vm0, $0xb8;
	[tilespmem:$0x19400] =	vst v63  }
0xd6: {  	s21 =	simm.s32 $0x3C00  }
0xd7: {  	[tilespmem:s21], [sflag:$0x1] =	stream.indirect_vreg.gather [hbm4b:s5+s2], $0x80, v5, vm0, $0xb8;
	[tilespmem:$0x19400] =	vst v63  }
0xd8: {  	s22 =	simm.s32 $0x4400  }
0xd9: {  	[tilespmem:s22], [sflag:$0x1] =	stream.indirect_vreg.gather [hbm4b:s6+s2], $0x80, v5, vm0, $0xb8;
	[tilespmem:$0x19400] =	vst v63  }
0xda: {  	s23 =	simm.s32 $0x4C00  }
0xdb: {  	[tilespmem:s23], [sflag:$0x1] =	stream.indirect_vreg.gather [hbm4b:s7+s2], $0x80, v5, vm0, $0xb8;
	[tilespmem:$0x19400] =	vst v63  }
0xdc: {  	v5 =	vld [tilespmem:$0x410];
	_ =	sdelay $0x4  }
0xdd: {  	v9 =	vshll.u32 v5, $0x3  }
0xde: {  	v5 =	vand.u32 $0x7, v5;
	v6 =	vand.u32 $0xFFFFFFC0, v9  }
0xdf: {  	v5 =	vor.u32 v5, v6  }
0xe0: {  	v6 =	vperm.xlane v5, v2;
	_ =	sdelay $0x1  }
0xe1: {  	v6 =	vadd.s32 v3, v6;
	_ =	sdelay $0x3  }
0xe2: {  	s24 =	simm.s32 $0x5400  }
0xe3: {  	[tilespmem:s24], [sflag:$0x1] =	stream.indirect_vreg.gather [hbm4b:s4+s2], $0x80, v6, vm0, $0xb8;
	[tilespmem:$0x19400] =	vst v63  }
0xe4: {  	s26 =	simm.s32 $0x5C00;
	v5 =	vperm.xlane v5, v4  }
0xe5: {  	[tilespmem:s26], [sflag:$0x1] =	stream.indirect_vreg.gather [hbm4b:s5+s2], $0x80, v6, vm0, $0xb8;
	[tilespmem:$0x19400] =	vst v63  }
0xe6: {  	s28 =	simm.s32 $0x6400;
	v5 =	vadd.s32 v3, v5  }
0xe7: {  	[tilespmem:s28], [sflag:$0x1] =	stream.indirect_vreg.gather [hbm4b:s6+s2], $0x80, v6, vm0, $0xb8;
	[tilespmem:$0x19400] =	vst v63  }
0xe8: {  	s29 =	simm.s32 $0x6C00  }
0xe9: {  	[tilespmem:s29], [sflag:$0x1] =	stream.indirect_vreg.gather [hbm4b:s7+s2], $0x80, v6, vm0, $0xb8;
	[tilespmem:$0x19400] =	vst v63  }
0xea: {  	s30 =	simm.s32 $0x7400  }
0xeb: {  	[tilespmem:s30], [sflag:$0x1] =	stream.indirect_vreg.gather [hbm4b:s4+s2], $0x80, v5, vm0, $0xb8;
	[tilespmem:$0x19400] =	vst v63  }
0xec: {  	s1 =	simm.s32 $0x7C00  }
0xed: {  	[tilespmem:s1], [sflag:$0x1] =	stream.indirect_vreg.gather [hbm4b:s5+s2], $0x80, v5, vm0, $0xb8;
	[tilespmem:$0x19400] =	vst v63  }
0xee: {  	s11 =	simm.s32 $0x8400  }
0xef: {  	[tilespmem:s11], [sflag:$0x1] =	stream.indirect_vreg.gather [hbm4b:s6+s2], $0x80, v5, vm0, $0xb8;
	[tilespmem:$0x19400] =	vst v63  }
0xf0: {  	s12 =	simm.s32 $0x8C00  }
0xf1: {  	[tilespmem:s12], [sflag:$0x1] =	stream.indirect_vreg.gather [hbm4b:s7+s2], $0x80, v5, vm0, $0xb8;
	[tilespmem:$0x19400] =	vst v63  }
0xf2: {  	v5 =	vld [tilespmem:$0x480];
	_ =	sdelay $0x4  }
0xf3: {  	v10 =	vshll.u32 v5, $0x3  }
0xf4: {  	v5 =	vand.u32 $0x7, v5;
	v6 =	vand.u32 $0xFFFFFFC0, v10  }
0xf5: {  	v5 =	vor.u32 v5, v6  }
0xf6: {  	v6 =	vperm.xlane v5, v2;
	_ =	sdelay $0x1  }
0xf7: {  	v6 =	vadd.s32 v3, v6;
	_ =	sdelay $0x3  }
0xf8: {  	s13 =	simm.s32 $0x9400  }
0xf9: {  	[tilespmem:s13], [sflag:$0x1] =	stream.indirect_vreg.gather [hbm4b:s4+s2], $0x80, v6, vm0, $0xb8;
	[tilespmem:$0x19400] =	vst v63  }
0xfa: {  	s15 =	simm.s32 $0x9C00;
	v5 =	vperm.xlane v5, v4  }
0xfb: {  	[tilespmem:s15], [sflag:$0x1] =	stream.indirect_vreg.gather [hbm4b:s5+s2], $0x80, v6, vm0, $0xb8;
	[tilespmem:$0x19400] =	vst v63  }
0xfc: {  	s21 =	simm.s32 $0xA400;
	v5 =	vadd.s32 v3, v5  }
0xfd: {  	[tilespmem:s21], [sflag:$0x1] =	stream.indirect_vreg.gather [hbm4b:s6+s2], $0x80, v6, vm0, $0xb8;
	[tilespmem:$0x19400] =	vst v63  }
0xfe: {  	s26 =	simm.s32 $0xAC00  }
0xff: {  	[tilespmem:s26], [sflag:$0x1] =	stream.indirect_vreg.gather [hbm4b:s7+s2], $0x80, v6, vm0, $0xb8;
	[tilespmem:$0x19400] =	vst v63  }
0x100: {  	s28 =	simm.s32 $0xB400  }
0x101: {  	[tilespmem:s28], [sflag:$0x1] =	stream.indirect_vreg.gather [hbm4b:s4+s2], $0x80, v5, vm0, $0xb8;
	[tilespmem:$0x19400] =	vst v63  }
0x102: {  	s11 =	simm.s32 $0xBC00  }
0x103: {  	[tilespmem:s11], [sflag:$0x1] =	stream.indirect_vreg.gather [hbm4b:s5+s2], $0x80, v5, vm0, $0xb8;
	[tilespmem:$0x19400] =	vst v63  }
0x104: {  	s12 =	simm.s32 $0xC400  }
0x105: {  	[tilespmem:s12], [sflag:$0x1] =	stream.indirect_vreg.gather [hbm4b:s6+s2], $0x80, v5, vm0, $0xb8;
	[tilespmem:$0x19400] =	vst v63  }
0x106: {  	s13 =	simm.s32 $0xCC00  }
0x107: {  	[tilespmem:s13], [sflag:$0x1] =	stream.indirect_vreg.gather [hbm4b:s7+s2], $0x80, v5, vm0, $0xb8;
	[tilespmem:$0x19400] =	vst v63  }
0x108: {  	v5 =	vld [tilespmem:$0x490];
	_ =	sdelay $0x4  }
0x109: {  	v11 =	vshll.u32 v5, $0x3  }
0x10a: {  	v5 =	vand.u32 $0x7, v5;
	v6 =	vand.u32 $0xFFFFFFC0, v11  }
0x10b: {  	v5 =	vor.u32 v5, v6  }
0x10c: {  	v6 =	vperm.xlane v5, v2;
	_ =	sdelay $0x1  }
0x10d: {  	v6 =	vadd.s32 v3, v6;
	_ =	sdelay $0x3  }
0x10e: {  	s15 =	simm.s32 $0xD400  }
0x10f: {  	[tilespmem:s15], [sflag:$0x1] =	stream.indirect_vreg.gather [hbm4b:s4+s2], $0x80, v6, vm0, $0xb8;
	[tilespmem:$0x19400] =	vst v63  }
0x110: {  	s21 =	simm.s32 $0xDC00;
	v5 =	vperm.xlane v5, v4  }
0x111: {  	[tilespmem:s21], [sflag:$0x1] =	stream.indirect_vreg.gather [hbm4b:s5+s2], $0x80, v6, vm0, $0xb8;
	[tilespmem:$0x19400] =	vst v63  }
0x112: {  	s26 =	simm.s32 $0xE400;
	v5 =	vadd.s32 v3, v5  }
0x113: {  	[tilespmem:s26], [sflag:$0x1] =	stream.indirect_vreg.gather [hbm4b:s6+s2], $0x80, v6, vm0, $0xb8;
	[tilespmem:$0x19400] =	vst v63  }
0x114: {  	s28 =	simm.s32 $0xEC00  }
0x115: {  	[tilespmem:s28], [sflag:$0x1] =	stream.indirect_vreg.gather [hbm4b:s7+s2], $0x80, v6, vm0, $0xb8;
	[tilespmem:$0x19400] =	vst v63  }
0x116: {  	s15 =	simm.s32 $0xF400  }
0x117: {  	[tilespmem:s15], [sflag:$0x1] =	stream.indirect_vreg.gather [hbm4b:s4+s2], $0x80, v5, vm0, $0xb8;
	[tilespmem:$0x19400] =	vst v63  }
0x118: {  	s21 =	simm.s32 $0xFC00  }
0x119: {  	[tilespmem:s21], [sflag:$0x1] =	stream.indirect_vreg.gather [hbm4b:s5+s2], $0x80, v5, vm0, $0xb8;
	[tilespmem:$0x19400] =	vst v63  }
0x11a: {  	s26 =	simm.s32 $0x10400  }
0x11b: {  	[tilespmem:s26], [sflag:$0x1] =	stream.indirect_vreg.gather [hbm4b:s6+s2], $0x80, v5, vm0, $0xb8;
	[tilespmem:$0x19400] =	vst v63  }
0x11c: {  	s28 =	simm.s32 $0x10C00  }
0x11d: {  	[tilespmem:s28], [sflag:$0x1] =	stream.indirect_vreg.gather [hbm4b:s7+s2], $0x80, v5, vm0, $0xb8;
	[tilespmem:$0x19400] =	vst v63  }
0x11e: {  	_ =	swait.ge [sflag:s18], $0x8000  }
0x11f: {  	s0 =	sld [smem:$0x7DD]  }
0x120: {  	[sflag:s18] =	ssyncset.done $0x0  }
0x121: {  	s25 =	simm.s32 $0x1400;
	[sflag:s18] =	ssyncadd.s32 $0xFFFF8000  }
0x122: {  	[hbm4b:s0+s2] =	stream.linear.scatter [tilespmem:s25], [sflag:$0x2], $0x8000, $0x38;
	[tilespmem:$0x19400] =	vst v63  }
0x123: {  	v9 =	vld [tilespmem:$0x500];
	_ =	sdelay $0x4  }
0x124: {  	v10 =	vshll.u32 v9, $0x3  }
0x125: {  	v5 =	vand.u32 $0x7, v9;
	v6 =	vand.u32 $0xFFFFFFC0, v10  }
0x126: {  	v5 =	vor.u32 v5, v6  }
0x127: {  	v6 =	vperm.xlane v5, v2;
	_ =	sdelay $0x1  }
0x128: {  	v6 =	vadd.s32 v3, v6;
	_ =	sdelay $0x3  }
0x129: {  	s21 =	simm.s32 $0x11400  }
0x12a: {  	[tilespmem:s21], [sflag:$0x1] =	stream.indirect_vreg.gather [hbm4b:s4+s2], $0x80, v6, vm0, $0xb8;
	[tilespmem:$0x19400] =	vst v63  }
0x12b: {  	s26 =	simm.s32 $0x11C00;
	v5 =	vperm.xlane v5, v4  }
0x12c: {  	[tilespmem:s26], [sflag:$0x1] =	stream.indirect_vreg.gather [hbm4b:s5+s2], $0x80, v6, vm0, $0xb8;
	[tilespmem:$0x19400] =	vst v63  }
0x12d: {  	s28 =	simm.s32 $0x12400;
	v5 =	vadd.s32 v3, v5  }
0x12e: {  	[tilespmem:s28], [sflag:$0x1] =	stream.indirect_vreg.gather [hbm4b:s6+s2], $0x80, v6, vm0, $0xb8;
	[tilespmem:$0x19400] =	vst v63  }
0x12f: {  	s21 =	simm.s32 $0x12C00  }
0x130: {  	[tilespmem:s21], [sflag:$0x1] =	stream.indirect_vreg.gather [hbm4b:s7+s2], $0x80, v6, vm0, $0xb8;
	[tilespmem:$0x19400] =	vst v63  }
0x131: {  	s26 =	simm.s32 $0x13400  }
0x132: {  	[tilespmem:s26], [sflag:$0x1] =	stream.indirect_vreg.gather [hbm4b:s4+s2], $0x80, v5, vm0, $0xb8;
	[tilespmem:$0x19400] =	vst v63  }
0x133: {  	s28 =	simm.s32 $0x13C00  }
0x134: {  	[tilespmem:s28], [sflag:$0x1] =	stream.indirect_vreg.gather [hbm4b:s5+s2], $0x80, v5, vm0, $0xb8;
	[tilespmem:$0x19400] =	vst v63  }
0x135: {  	s21 =	simm.s32 $0x14400  }
0x136: {  	[tilespmem:s21], [sflag:$0x1] =	stream.indirect_vreg.gather [hbm4b:s6+s2], $0x80, v5, vm0, $0xb8;
	[tilespmem:$0x19400] =	vst v63  }
0x137: {  	s26 =	simm.s32 $0x14C00  }
0x138: {  	[tilespmem:s26], [sflag:$0x1] =	stream.indirect_vreg.gather [hbm4b:s7+s2], $0x80, v5, vm0, $0xb8;
	[tilespmem:$0x19400] =	vst v63  }
0x139: {  	v5 =	vld [tilespmem:$0x510];
	_ =	sdelay $0x4  }
0x13a: {  	v11 =	vshll.u32 v5, $0x3  }
0x13b: {  	v5 =	vand.u32 $0x7, v5;
	v6 =	vand.u32 $0xFFFFFFC0, v11  }
0x13c: {  	v5 =	vor.u32 v5, v6  }
0x13d: {  	v6 =	vperm.xlane v5, v2;
	_ =	sdelay $0x1  }
0x13e: {  	v6 =	vadd.s32 v3, v6;
	_ =	sdelay $0x3  }
0x13f: {  	s28 =	simm.s32 $0x15400  }
0x140: {  	[tilespmem:s28], [sflag:$0x1] =	stream.indirect_vreg.gather [hbm4b:s4+s2], $0x80, v6, vm0, $0xb8;
	[tilespmem:$0x19400] =	vst v63  }
0x141: {  	s21 =	simm.s32 $0x15C00;
	v5 =	vperm.xlane v5, v4  }
0x142: {  	[tilespmem:s21], [sflag:$0x1] =	stream.indirect_vreg.gather [hbm4b:s5+s2], $0x80, v6, vm0, $0xb8;
	[tilespmem:$0x19400] =	vst v63  }
0x143: {  	s26 =	simm.s32 $0x16400;
	v5 =	vadd.s32 v3, v5  }
0x144: {  	[tilespmem:s26], [sflag:$0x1] =	stream.indirect_vreg.gather [hbm4b:s6+s2], $0x80, v6, vm0, $0xb8;
	[tilespmem:$0x19400] =	vst v63  }
0x145: {  	s28 =	simm.s32 $0x16C00  }
0x146: {  	[tilespmem:s28], [sflag:$0x1] =	stream.indirect_vreg.gather [hbm4b:s7+s2], $0x80, v6, vm0, $0xb8;
	[tilespmem:$0x19400] =	vst v63  }
0x147: {  	s21 =	simm.s32 $0x17400  }
0x148: {  	[tilespmem:s21], [sflag:$0x1] =	stream.indirect_vreg.gather [hbm4b:s4+s2], $0x80, v5, vm0, $0xb8;
	[tilespmem:$0x19400] =	vst v63  }
0x149: {  	s26 =	simm.s32 $0x17C00  }
0x14a: {  	[tilespmem:s26], [sflag:$0x1] =	stream.indirect_vreg.gather [hbm4b:s5+s2], $0x80, v5, vm0, $0xb8;
	[tilespmem:$0x19400] =	vst v63  }
0x14b: {  	s28 =	simm.s32 $0x18400  }
0x14c: {  	[tilespmem:s28], [sflag:$0x1] =	stream.indirect_vreg.gather [hbm4b:s6+s2], $0x80, v5, vm0, $0xb8;
	[tilespmem:$0x19400] =	vst v63  }
0x14d: {  	s21 =	simm.s32 $0x18C00  }
0x14e: {  	[tilespmem:s21], [sflag:$0x1] =	stream.indirect_vreg.gather [hbm4b:s7+s2], $0x80, v5, vm0, $0xb8;
	[tilespmem:$0x19400] =	vst v63  }
0x14f: {  	_ =	swait.ge [sflag:s18], $0x8000  }
0x150: {  	[sflag:s18] =	ssyncset.done $0x0  }
0x151: {  	s28 =	simm.s32 $0x9400;
	s26 =	rddreg [dreg:$0x4];
	[sflag:s18] =	ssyncadd.s32 $0xFFFF8000  }
0x152: {  	[hbm4b:s26+s2] =	stream.linear.scatter [tilespmem:s28], [sflag:$0x2], $0x8000, $0x38;
	[tilespmem:$0x19400] =	vst v63  }
0x153: {  	_ =	swait.ge [sflag:s20], $0x8000  }
0x154: {  	[sflag:s20] =	ssyncset.done $0x0  }
0x155: {  	[sflag:s20] =	ssyncadd.s32 $0xFFFF8000  }
0x156: {  	v9 =	vld [tilespmem:$0x580];
	_ =	sdelay $0x4  }
0x157: {  	v10 =	vshll.u32 v9, $0x3  }
0x158: {  	v5 =	vand.u32 $0x7, v9;
	v6 =	vand.u32 $0xFFFFFFC0, v10  }
0x159: {  	v5 =	vor.u32 v5, v6  }
0x15a: {  	v6 =	vperm.xlane v5, v2;
	_ =	sdelay $0x1  }
0x15b: {  	v6 =	vadd.s32 v3, v6;
	_ =	sdelay $0x3  }
0x15c: {  	s25 =	simm.s32 $0x1400  }
0x15d: {  	[tilespmem:s25], [sflag:$0x1] =	stream.indirect_vreg.gather [hbm4b:s4+s2], $0x80, v6, vm0, $0xb8;
	[tilespmem:$0x19400] =	vst v63  }
0x15e: {  	s10 =	simm.s32 $0x1C00;
	v5 =	vperm.xlane v5, v4  }
0x15f: {  	[tilespmem:s10], [sflag:$0x1] =	stream.indirect_vreg.gather [hbm4b:s5+s2], $0x80, v6, vm0, $0xb8;
	[tilespmem:$0x19400] =	vst v63  }
0x160: {  	s3 =	simm.s32 $0x2400;
	v5 =	vadd.s32 v3, v5  }
0x161: {  	[tilespmem:s3], [sflag:$0x1] =	stream.indirect_vreg.gather [hbm4b:s6+s2], $0x80, v6, vm0, $0xb8;
	[tilespmem:$0x19400] =	vst v63  }
0x162: {  	s8 =	simm.s32 $0x2C00  }
0x163: {  	[tilespmem:s8], [sflag:$0x1] =	stream.indirect_vreg.gather [hbm4b:s7+s2], $0x80, v6, vm0, $0xb8;
	[tilespmem:$0x19400] =	vst v63  }
0x164: {  	s9 =	simm.s32 $0x3400  }
0x165: {  	[tilespmem:s9], [sflag:$0x1] =	stream.indirect_vreg.gather [hbm4b:s4+s2], $0x80, v5, vm0, $0xb8;
	[tilespmem:$0x19400] =	vst v63  }
0x166: {  	s14 =	simm.s32 $0x3C00  }
0x167: {  	[tilespmem:s14], [sflag:$0x1] =	stream.indirect_vreg.gather [hbm4b:s5+s2], $0x80, v5, vm0, $0xb8;
	[tilespmem:$0x19400] =	vst v63  }
0x168: {  	s19 =	simm.s32 $0x4400  }
0x169: {  	[tilespmem:s19], [sflag:$0x1] =	stream.indirect_vreg.gather [hbm4b:s6+s2], $0x80, v5, vm0, $0xb8;
	[tilespmem:$0x19400] =	vst v63  }
0x16a: {  	s16 =	simm.s32 $0x4C00  }
0x16b: {  	[tilespmem:s16], [sflag:$0x1] =	stream.indirect_vreg.gather [hbm4b:s7+s2], $0x80, v5, vm0, $0xb8;
	[tilespmem:$0x19400] =	vst v63  }
0x16c: {  	v5 =	vld [tilespmem:$0x590];
	_ =	sdelay $0x4  }
0x16d: {  	v11 =	vshll.u32 v5, $0x3  }
0x16e: {  	v5 =	vand.u32 $0x7, v5;
	v6 =	vand.u32 $0xFFFFFFC0, v11  }
0x16f: {  	v5 =	vor.u32 v5, v6  }
0x170: {  	v6 =	vperm.xlane v5, v2;
	_ =	sdelay $0x1  }
0x171: {  	v6 =	vadd.s32 v3, v6;
	_ =	sdelay $0x3  }
0x172: {  	s17 =	simm.s32 $0x5400  }
0x173: {  	[tilespmem:s17], [sflag:$0x1] =	stream.indirect_vreg.gather [hbm4b:s4+s2], $0x80, v6, vm0, $0xb8;
	[tilespmem:$0x19400] =	vst v63  }
0x174: {  	s22 =	simm.s32 $0x5C00;
	v5 =	vperm.xlane v5, v4  }
0x175: {  	[tilespmem:s22], [sflag:$0x1] =	stream.indirect_vreg.gather [hbm4b:s5+s2], $0x80, v6, vm0, $0xb8;
	[tilespmem:$0x19400] =	vst v63  }
0x176: {  	s31 =	simm.s32 $0x6400;
	v5 =	vadd.s32 v3, v5  }
0x177: {  	[tilespmem:s31], [sflag:$0x1] =	stream.indirect_vreg.gather [hbm4b:s6+s2], $0x80, v6, vm0, $0xb8;
	[tilespmem:$0x19400] =	vst v63  }
0x178: {  	s23 =	simm.s32 $0x6C00  }
0x179: {  	[tilespmem:s23], [sflag:$0x1] =	stream.indirect_vreg.gather [hbm4b:s7+s2], $0x80, v6, vm0, $0xb8;
	[tilespmem:$0x19400] =	vst v63  }
0x17a: {  	s24 =	simm.s32 $0x7400  }
0x17b: {  	[tilespmem:s24], [sflag:$0x1] =	stream.indirect_vreg.gather [hbm4b:s4+s2], $0x80, v5, vm0, $0xb8;
	[tilespmem:$0x19400] =	vst v63  }
0x17c: {  	s29 =	simm.s32 $0x7C00  }
0x17d: {  	[tilespmem:s29], [sflag:$0x1] =	stream.indirect_vreg.gather [hbm4b:s5+s2], $0x80, v5, vm0, $0xb8;
	[tilespmem:$0x19400] =	vst v63  }
0x17e: {  	s30 =	simm.s32 $0x8400  }
0x17f: {  	[tilespmem:s30], [sflag:$0x1] =	stream.indirect_vreg.gather [hbm4b:s6+s2], $0x80, v5, vm0, $0xb8;
	[tilespmem:$0x19400] =	vst v63  }
0x180: {  	s29 =	simm.s32 $0x8C00  }
0x181: {  	[tilespmem:s29], [sflag:$0x1] =	stream.indirect_vreg.gather [hbm4b:s7+s2], $0x80, v5, vm0, $0xb8;
	[tilespmem:$0x19400] =	vst v63  }
0x182: {  	_ =	swait.ge [sflag:s18], $0x8000  }
0x183: {  	[sflag:s18] =	ssyncset.done $0x0  }
0x184: {  	s16 =	simm.s32 $0x11400;
	s14 =	rddreg [dreg:$0x5];
	[sflag:s18] =	ssyncadd.s32 $0xFFFF8000  }
0x185: {  	[hbm4b:s14+s2] =	stream.linear.scatter [tilespmem:s16], [sflag:$0x2], $0x8000, $0x38;
	[tilespmem:$0x19400] =	vst v63  }
0x186: {  	_ =	swait.ge [sflag:s20], $0x8000  }
0x187: {  	[sflag:s20] =	ssyncset.done $0x0  }
0x188: {  	[sflag:s20] =	ssyncadd.s32 $0xFFFF8000  }
0x189: {  	v9 =	vld [tilespmem:$0x600];
	_ =	sdelay $0x4  }
0x18a: {  	v10 =	vshll.u32 v9, $0x3  }
0x18b: {  	v5 =	vand.u32 $0x7, v9;
	v6 =	vand.u32 $0xFFFFFFC0, v10  }
0x18c: {  	v5 =	vor.u32 v5, v6  }
0x18d: {  	v6 =	vperm.xlane v5, v2;
	_ =	sdelay $0x1  }
0x18e: {  	v6 =	vadd.s32 v3, v6;
	_ =	sdelay $0x4  }
0x18f: {  	[tilespmem:s28], [sflag:$0x1] =	stream.indirect_vreg.gather [hbm4b:s4+s2], $0x80, v6, vm0, $0xb8;
	[tilespmem:$0x19400] =	vst v63  }
0x190: {  	s1 =	simm.s32 $0x9C00;
	v5 =	vperm.xlane v5, v4  }
0x191: {  	[tilespmem:s1], [sflag:$0x1] =	stream.indirect_vreg.gather [hbm4b:s5+s2], $0x80, v6, vm0, $0xb8;
	[tilespmem:$0x19400] =	vst v63  }
0x192: {  	s17 =	simm.s32 $0xA400;
	v5 =	vadd.s32 v3, v5  }
0x193: {  	[tilespmem:s17], [sflag:$0x1] =	stream.indirect_vreg.gather [hbm4b:s6+s2], $0x80, v6, vm0, $0xb8;
	[tilespmem:$0x19400] =	vst v63  }
0x194: {  	s19 =	simm.s32 $0xAC00  }
0x195: {  	[tilespmem:s19], [sflag:$0x1] =	stream.indirect_vreg.gather [hbm4b:s7+s2], $0x80, v6, vm0, $0xb8;
	[tilespmem:$0x19400] =	vst v63  }
0x196: {  	s28 =	simm.s32 $0xB400  }
0x197: {  	[tilespmem:s28], [sflag:$0x1] =	stream.indirect_vreg.gather [hbm4b:s4+s2], $0x80, v5, vm0, $0xb8;
	[tilespmem:$0x19400] =	vst v63  }
0x198: {  	s21 =	simm.s32 $0xBC00  }
0x199: {  	[tilespmem:s21], [sflag:$0x1] =	stream.indirect_vreg.gather [hbm4b:s5+s2], $0x80, v5, vm0, $0xb8;
	[tilespmem:$0x19400] =	vst v63  }
0x19a: {  	s9 =	simm.s32 $0xC400  }
0x19b: {  	[tilespmem:s9], [sflag:$0x1] =	stream.indirect_vreg.gather [hbm4b:s6+s2], $0x80, v5, vm0, $0xb8;
	[tilespmem:$0x19400] =	vst v63  }
0x19c: {  	s11 =	simm.s32 $0xCC00  }
0x19d: {  	[tilespmem:s11], [sflag:$0x1] =	stream.indirect_vreg.gather [hbm4b:s7+s2], $0x80, v5, vm0, $0xb8;
	[tilespmem:$0x19400] =	vst v63  }
0x19e: {  	v5 =	vld [tilespmem:$0x610];
	_ =	sdelay $0x4  }
0x19f: {  	v11 =	vshll.u32 v5, $0x3  }
0x1a0: {  	v5 =	vand.u32 $0x7, v5;
	v6 =	vand.u32 $0xFFFFFFC0, v11  }
0x1a1: {  	v5 =	vor.u32 v5, v6  }
0x1a2: {  	v6 =	vperm.xlane v5, v2;
	_ =	sdelay $0x1  }
0x1a3: {  	v6 =	vadd.s32 v3, v6;
	_ =	sdelay $0x3  }
0x1a4: {  	s12 =	simm.s32 $0xD400  }
0x1a5: {  	[tilespmem:s12], [sflag:$0x1] =	stream.indirect_vreg.gather [hbm4b:s4+s2], $0x80, v6, vm0, $0xb8;
	[tilespmem:$0x19400] =	vst v63  }
0x1a6: {  	s13 =	simm.s32 $0xDC00;
	v5 =	vperm.xlane v5, v4  }
0x1a7: {  	[tilespmem:s13], [sflag:$0x1] =	stream.indirect_vreg.gather [hbm4b:s5+s2], $0x80, v6, vm0, $0xb8;
	[tilespmem:$0x19400] =	vst v63  }
0x1a8: {  	s19 =	simm.s32 $0xE400;
	v5 =	vadd.s32 v3, v5  }
0x1a9: {  	[tilespmem:s19], [sflag:$0x1] =	stream.indirect_vreg.gather [hbm4b:s6+s2], $0x80, v6, vm0, $0xb8;
	[tilespmem:$0x19400] =	vst v63  }
0x1aa: {  	s11 =	simm.s32 $0xEC00  }
0x1ab: {  	[tilespmem:s11], [sflag:$0x1] =	stream.indirect_vreg.gather [hbm4b:s7+s2], $0x80, v6, vm0, $0xb8;
	[tilespmem:$0x19400] =	vst v63  }
0x1ac: {  	s12 =	simm.s32 $0xF400  }
0x1ad: {  	[tilespmem:s12], [sflag:$0x1] =	stream.indirect_vreg.gather [hbm4b:s4+s2], $0x80, v5, vm0, $0xb8;
	[tilespmem:$0x19400] =	vst v63  }
0x1ae: {  	s13 =	simm.s32 $0xFC00  }
0x1af: {  	[tilespmem:s13], [sflag:$0x1] =	stream.indirect_vreg.gather [hbm4b:s5+s2], $0x80, v5, vm0, $0xb8;
	[tilespmem:$0x19400] =	vst v63  }
0x1b0: {  	s14 =	simm.s32 $0x10400  }
0x1b1: {  	[tilespmem:s14], [sflag:$0x1] =	stream.indirect_vreg.gather [hbm4b:s6+s2], $0x80, v5, vm0, $0xb8;
	[tilespmem:$0x19400] =	vst v63  }
0x1b2: {  	s15 =	simm.s32 $0x10C00  }
0x1b3: {  	[tilespmem:s15], [sflag:$0x1] =	stream.indirect_vreg.gather [hbm4b:s7+s2], $0x80, v5, vm0, $0xb8;
	[tilespmem:$0x19400] =	vst v63  }
0x1b4: {  	_ =	swait.ge [sflag:s18], $0x8000  }
0x1b5: {  	[sflag:s18] =	ssyncset.done $0x0  }
0x1b6: {  	s25 =	simm.s32 $0x1400;
	s22 =	rddreg [dreg:$0x6];
	[sflag:s18] =	ssyncadd.s32 $0xFFFF8000  }
0x1b7: {  	[hbm4b:s22+s2] =	stream.linear.scatter [tilespmem:s25], [sflag:$0x2], $0x8000, $0x38;
	[tilespmem:$0x19400] =	vst v63  }
0x1b8: {  	_ =	swait.ge [sflag:s20], $0x8000  }
0x1b9: {  	[sflag:s20] =	ssyncset.done $0x0  }
0x1ba: {  	[sflag:s20] =	ssyncadd.s32 $0xFFFF8000  }
0x1bb: {  	v9 =	vld [tilespmem:$0x680];
	_ =	sdelay $0x4  }
0x1bc: {  	v10 =	vshll.u32 v9, $0x3  }
0x1bd: {  	v5 =	vand.u32 $0x7, v9;
	v6 =	vand.u32 $0xFFFFFFC0, v10  }
0x1be: {  	v5 =	vor.u32 v5, v6  }
0x1bf: {  	v6 =	vperm.xlane v5, v2;
	_ =	sdelay $0x1  }
0x1c0: {  	v6 =	vadd.s32 v3, v6;
	_ =	sdelay $0x4  }
0x1c1: {  	[tilespmem:s16], [sflag:$0x1] =	stream.indirect_vreg.gather [hbm4b:s4+s2], $0x80, v6, vm0, $0xb8;
	[tilespmem:$0x19400] =	vst v63  }
0x1c2: {  	s23 =	simm.s32 $0x11C00;
	v5 =	vperm.xlane v5, v4  }
0x1c3: {  	[tilespmem:s23], [sflag:$0x1] =	stream.indirect_vreg.gather [hbm4b:s5+s2], $0x80, v6, vm0, $0xb8;
	[tilespmem:$0x19400] =	vst v63  }
0x1c4: {  	s30 =	simm.s32 $0x12400;
	v5 =	vadd.s32 v3, v5  }
0x1c5: {  	[tilespmem:s30], [sflag:$0x1] =	stream.indirect_vreg.gather [hbm4b:s6+s2], $0x80, v6, vm0, $0xb8;
	[tilespmem:$0x19400] =	vst v63  }
0x1c6: {  	s15 =	simm.s32 $0x12C00  }
0x1c7: {  	[tilespmem:s15], [sflag:$0x1] =	stream.indirect_vreg.gather [hbm4b:s7+s2], $0x80, v6, vm0, $0xb8;
	[tilespmem:$0x19400] =	vst v63  }
0x1c8: {  	s31 =	simm.s32 $0x13400  }
0x1c9: {  	[tilespmem:s31], [sflag:$0x1] =	stream.indirect_vreg.gather [hbm4b:s4+s2], $0x80, v5, vm0, $0xb8;
	[tilespmem:$0x19400] =	vst v63  }
0x1ca: {  	s24 =	simm.s32 $0x13C00  }
0x1cb: {  	[tilespmem:s24], [sflag:$0x1] =	stream.indirect_vreg.gather [hbm4b:s5+s2], $0x80, v5, vm0, $0xb8;
	[tilespmem:$0x19400] =	vst v63  }
0x1cc: {  	s16 =	simm.s32 $0x14400  }
0x1cd: {  	[tilespmem:s16], [sflag:$0x1] =	stream.indirect_vreg.gather [hbm4b:s6+s2], $0x80, v5, vm0, $0xb8;
	[tilespmem:$0x19400] =	vst v63  }
0x1ce: {  	s25 =	simm.s32 $0x14C00  }
0x1cf: {  	[tilespmem:s25], [sflag:$0x1] =	stream.indirect_vreg.gather [hbm4b:s7+s2], $0x80, v5, vm0, $0xb8;
	[tilespmem:$0x19400] =	vst v63  }
0x1d0: {  	v5 =	vld [tilespmem:$0x690];
	_ =	sdelay $0x4  }
0x1d1: {  	v11 =	vshll.u32 v5, $0x3  }
0x1d2: {  	v5 =	vand.u32 $0x7, v5;
	v6 =	vand.u32 $0xFFFFFFC0, v11  }
0x1d3: {  	v5 =	vor.u32 v5, v6  }
0x1d4: {  	v6 =	vperm.xlane v5, v2;
	_ =	sdelay $0x1  }
0x1d5: {  	v6 =	vadd.s32 v3, v6;
	_ =	sdelay $0x3  }
0x1d6: {  	s10 =	simm.s32 $0x15400  }
0x1d7: {  	[tilespmem:s10], [sflag:$0x1] =	stream.indirect_vreg.gather [hbm4b:s4+s2], $0x80, v6, vm0, $0xb8;
	[tilespmem:$0x19400] =	vst v63  }
0x1d8: {  	s17 =	simm.s32 $0x15C00;
	v5 =	vperm.xlane v5, v4  }
0x1d9: {  	[tilespmem:s17], [sflag:$0x1] =	stream.indirect_vreg.gather [hbm4b:s5+s2], $0x80, v6, vm0, $0xb8;
	[tilespmem:$0x19400] =	vst v63  }
0x1da: {  	v5 =	vadd.s32 v3, v5;
	s17 =	simm.s32 $0x16400  }
0x1db: {  	[tilespmem:s17], [sflag:$0x1] =	stream.indirect_vreg.gather [hbm4b:s6+s2], $0x80, v6, vm0, $0xb8;
	[tilespmem:$0x19400] =	vst v63  }
0x1dc: {  	s22 =	simm.s32 $0x16C00  }
0x1dd: {  	[tilespmem:s22], [sflag:$0x1] =	stream.indirect_vreg.gather [hbm4b:s7+s2], $0x80, v6, vm0, $0xb8;
	[tilespmem:$0x19400] =	vst v63  }
0x1de: {  	s23 =	simm.s32 $0x17400  }
0x1df: {  	[tilespmem:s23], [sflag:$0x1] =	stream.indirect_vreg.gather [hbm4b:s4+s2], $0x80, v5, vm0, $0xb8;
	[tilespmem:$0x19400] =	vst v63  }
0x1e0: {  	s24 =	simm.s32 $0x17C00  }
0x1e1: {  	[tilespmem:s24], [sflag:$0x1] =	stream.indirect_vreg.gather [hbm4b:s5+s2], $0x80, v5, vm0, $0xb8;
	[tilespmem:$0x19400] =	vst v63  }
0x1e2: {  	s25 =	simm.s32 $0x18400  }
0x1e3: {  	[tilespmem:s25], [sflag:$0x1] =	stream.indirect_vreg.gather [hbm4b:s6+s2], $0x80, v5, vm0, $0xb8;
	[tilespmem:$0x19400] =	vst v63  }
0x1e4: {  	s21 =	simm.s32 $0x18C00  }
0x1e5: {  	[tilespmem:s21], [sflag:$0x1] =	stream.indirect_vreg.gather [hbm4b:s7+s2], $0x80, v5, vm0, $0xb8;
	[tilespmem:$0x19400] =	vst v63  }
0x1e6: {  	_ =	swait.ge [sflag:s18], $0x8000  }
0x1e7: {  	[sflag:s18] =	ssyncset.done $0x0  }
0x1e8: {  	s3 =	simm.s32 $0x9400;
	s1 =	rddreg [dreg:$0x7];
	[sflag:s18] =	ssyncadd.s32 $0xFFFF8000  }
0x1e9: {  	[hbm4b:s1+s2] =	stream.linear.scatter [tilespmem:s3], [sflag:$0x2], $0x8000, $0x38;
	[tilespmem:$0x19400] =	vst v63  }
0x1ea: {  	_ =	swait.ge [sflag:s20], $0x8000  }
0x1eb: {  	[sflag:s20] =	ssyncset.done $0x0  }
0x1ec: {  	[sflag:s20] =	ssyncadd.s32 $0xFFFF8000  }
0x1ed: {  	v9 =	vld [tilespmem:$0x700];
	_ =	sdelay $0x4  }
0x1ee: {  	v10 =	vshll.u32 v9, $0x3  }
0x1ef: {  	v5 =	vand.u32 $0x7, v9;
	v6 =	vand.u32 $0xFFFFFFC0, v10  }
0x1f0: {  	v5 =	vor.u32 v5, v6  }
0x1f1: {  	v6 =	vperm.xlane v5, v2;
	_ =	sdelay $0x1  }
0x1f2: {  	v6 =	vadd.s32 v3, v6;
	_ =	sdelay $0x3  }
0x1f3: {  	s0 =	simm.s32 $0x1400  }
0x1f4: {  	[tilespmem:s0], [sflag:$0x1] =	stream.indirect_vreg.gather [hbm4b:s4+s2], $0x80, v6, vm0, $0xb8;
	[tilespmem:$0x19400] =	vst v63  }
0x1f5: {  	s3 =	simm.s32 $0x1C00;
	v5 =	vperm.xlane v5, v4  }
0x1f6: {  	[tilespmem:s3], [sflag:$0x1] =	stream.indirect_vreg.gather [hbm4b:s5+s2], $0x80, v6, vm0, $0xb8;
	[tilespmem:$0x19400] =	vst v63  }
0x1f7: {  	s26 =	simm.s32 $0x2400;
	v5 =	vadd.s32 v3, v5  }
0x1f8: {  	[tilespmem:s26], [sflag:$0x1] =	stream.indirect_vreg.gather [hbm4b:s6+s2], $0x80, v6, vm0, $0xb8;
	[tilespmem:$0x19400] =	vst v63  }
0x1f9: {  	s3 =	simm.s32 $0x2C00  }
0x1fa: {  	[tilespmem:s3], [sflag:$0x1] =	stream.indirect_vreg.gather [hbm4b:s7+s2], $0x80, v6, vm0, $0xb8;
	[tilespmem:$0x19400] =	vst v63  }
0x1fb: {  	s10 =	simm.s32 $0x3400  }
0x1fc: {  	[tilespmem:s10], [sflag:$0x1] =	stream.indirect_vreg.gather [hbm4b:s4+s2], $0x80, v5, vm0, $0xb8;
	[tilespmem:$0x19400] =	vst v63  }
0x1fd: {  	s21 =	simm.s32 $0x3C00  }
0x1fe: {  	[tilespmem:s21], [sflag:$0x1] =	stream.indirect_vreg.gather [hbm4b:s5+s2], $0x80, v5, vm0, $0xb8;
	[tilespmem:$0x19400] =	vst v63  }
0x1ff: {  	s26 =	simm.s32 $0x4400  }
0x200: {  	[tilespmem:s26], [sflag:$0x1] =	stream.indirect_vreg.gather [hbm4b:s6+s2], $0x80, v5, vm0, $0xb8;
	[tilespmem:$0x19400] =	vst v63  }
0x201: {  	s10 =	simm.s32 $0x4C00  }
0x202: {  	[tilespmem:s10], [sflag:$0x1] =	stream.indirect_vreg.gather [hbm4b:s7+s2], $0x80, v5, vm0, $0xb8;
	[tilespmem:$0x19400] =	vst v63  }
0x203: {  	v5 =	vld [tilespmem:$0x710];
	_ =	sdelay $0x4  }
0x204: {  	v11 =	vshll.u32 v5, $0x3  }
0x205: {  	v5 =	vand.u32 $0x7, v5;
	v6 =	vand.u32 $0xFFFFFFC0, v11  }
0x206: {  	v5 =	vor.u32 v5, v6  }
0x207: {  	v6 =	vperm.xlane v5, v2;
	_ =	sdelay $0x1  }
0x208: {  	v6 =	vadd.s32 v3, v6;
	_ =	sdelay $0x3  }
0x209: {  	s21 =	simm.s32 $0x5400  }
0x20a: {  	[tilespmem:s21], [sflag:$0x1] =	stream.indirect_vreg.gather [hbm4b:s4+s2], $0x80, v6, vm0, $0xb8;
	[tilespmem:$0x19400] =	vst v63  }
0x20b: {  	s26 =	simm.s32 $0x5C00;
	v5 =	vperm.xlane v5, v4  }
0x20c: {  	[tilespmem:s26], [sflag:$0x1] =	stream.indirect_vreg.gather [hbm4b:s5+s2], $0x80, v6, vm0, $0xb8;
	[tilespmem:$0x19400] =	vst v63  }
0x20d: {  	s10 =	simm.s32 $0x6400;
	v5 =	vadd.s32 v3, v5  }
0x20e: {  	[tilespmem:s10], [sflag:$0x1] =	stream.indirect_vreg.gather [hbm4b:s6+s2], $0x80, v6, vm0, $0xb8;
	[tilespmem:$0x19400] =	vst v63  }
0x20f: {  	s21 =	simm.s32 $0x6C00  }
0x210: {  	[tilespmem:s21], [sflag:$0x1] =	stream.indirect_vreg.gather [hbm4b:s7+s2], $0x80, v6, vm0, $0xb8;
	[tilespmem:$0x19400] =	vst v63  }
0x211: {  	s26 =	simm.s32 $0x7400  }
0x212: {  	[tilespmem:s26], [sflag:$0x1] =	stream.indirect_vreg.gather [hbm4b:s4+s2], $0x80, v5, vm0, $0xb8;
	[tilespmem:$0x19400] =	vst v63  }
0x213: {  	s10 =	simm.s32 $0x7C00  }
0x214: {  	[tilespmem:s10], [sflag:$0x1] =	stream.indirect_vreg.gather [hbm4b:s5+s2], $0x80, v5, vm0, $0xb8;
	[tilespmem:$0x19400] =	vst v63  }
0x215: {  	s21 =	simm.s32 $0x8400  }
0x216: {  	[tilespmem:s21], [sflag:$0x1] =	stream.indirect_vreg.gather [hbm4b:s6+s2], $0x80, v5, vm0, $0xb8;
	[tilespmem:$0x19400] =	vst v63  }
0x217: {  	_ = 	snop  }
0x218: {  	[tilespmem:s29], [sflag:$0x1] =	stream.indirect_vreg.gather [hbm4b:s7+s2], $0x80, v5, vm0, $0xb8;
	[tilespmem:$0x19400] =	vst v63  }
0x219: {  	_ =	swait.ge [sflag:s18], $0x8000  }
0x21a: {  	[sflag:s18] =	ssyncset.done $0x0  }
0x21b: {  	s8 =	simm.s32 $0x11400;
	s26 =	rddreg [dreg:$0x8];
	[sflag:s18] =	ssyncadd.s32 $0xFFFF8000  }
0x21c: {  	[hbm4b:s26+s2] =	stream.linear.scatter [tilespmem:s8], [sflag:$0x2], $0x8000, $0x38;
	[tilespmem:$0x19400] =	vst v63  }
0x21d: {  	_ =	swait.ge [sflag:s20], $0x8000  }
0x21e: {  	[sflag:s20] =	ssyncset.done $0x0  }
0x21f: {  	[sflag:s20] =	ssyncadd.s32 $0xFFFF8000  }
0x220: {  	v9 =	vld [tilespmem:$0x780];
	_ =	sdelay $0x4  }
0x221: {  	v10 =	vshll.u32 v9, $0x3  }
0x222: {  	v5 =	vand.u32 $0x7, v9;
	v6 =	vand.u32 $0xFFFFFFC0, v10  }
0x223: {  	v5 =	vor.u32 v5, v6  }
0x224: {  	v6 =	vperm.xlane v5, v2;
	_ =	sdelay $0x1  }
0x225: {  	v6 =	vadd.s32 v3, v6;
	_ =	sdelay $0x3  }
0x226: {  	s1 =	simm.s32 $0x9400  }
0x227: {  	[tilespmem:s1], [sflag:$0x1] =	stream.indirect_vreg.gather [hbm4b:s4+s2], $0x80, v6, vm0, $0xb8;
	[tilespmem:$0x19400] =	vst v63  }
0x228: {  	s26 =	simm.s32 $0x9C00;
	v5 =	vperm.xlane v5, v4  }
0x229: {  	[tilespmem:s26], [sflag:$0x1] =	stream.indirect_vreg.gather [hbm4b:s5+s2], $0x80, v6, vm0, $0xb8;
	[tilespmem:$0x19400] =	vst v63  }
0x22a: {  	s29 =	simm.s32 $0xA400;
	v5 =	vadd.s32 v3, v5  }
0x22b: {  	[tilespmem:s29], [sflag:$0x1] =	stream.indirect_vreg.gather [hbm4b:s6+s2], $0x80, v6, vm0, $0xb8;
	[tilespmem:$0x19400] =	vst v63  }
0x22c: {  	s8 =	simm.s32 $0xAC00  }
0x22d: {  	[tilespmem:s8], [sflag:$0x1] =	stream.indirect_vreg.gather [hbm4b:s7+s2], $0x80, v6, vm0, $0xb8;
	[tilespmem:$0x19400] =	vst v63  }
0x22e: {  	_ = 	snop  }
0x22f: {  	[tilespmem:s28], [sflag:$0x1] =	stream.indirect_vreg.gather [hbm4b:s4+s2], $0x80, v5, vm0, $0xb8;
	[tilespmem:$0x19400] =	vst v63  }
0x230: {  	s10 =	simm.s32 $0xBC00  }
0x231: {  	[tilespmem:s10], [sflag:$0x1] =	stream.indirect_vreg.gather [hbm4b:s5+s2], $0x80, v5, vm0, $0xb8;
	[tilespmem:$0x19400] =	vst v63  }
0x232: {  	_ = 	snop  }
0x233: {  	[tilespmem:s9], [sflag:$0x1] =	stream.indirect_vreg.gather [hbm4b:s6+s2], $0x80, v5, vm0, $0xb8;
	[tilespmem:$0x19400] =	vst v63  }
0x234: {  	s9 =	simm.s32 $0xCC00  }
0x235: {  	[tilespmem:s9], [sflag:$0x1] =	stream.indirect_vreg.gather [hbm4b:s7+s2], $0x80, v5, vm0, $0xb8;
	[tilespmem:$0x19400] =	vst v63  }
0x236: {  	v5 =	vld [tilespmem:$0x790];
	_ =	sdelay $0x4  }
0x237: {  	v11 =	vshll.u32 v5, $0x3  }
0x238: {  	v5 =	vand.u32 $0x7, v5;
	v6 =	vand.u32 $0xFFFFFFC0, v11  }
0x239: {  	v5 =	vor.u32 v5, v6  }
0x23a: {  	v6 =	vperm.xlane v5, v2;
	_ =	sdelay $0x1  }
0x23b: {  	v6 =	vadd.s32 v3, v6;
	_ =	sdelay $0x3  }
0x23c: {  	s29 =	simm.s32 $0xD400  }
0x23d: {  	[tilespmem:s29], [sflag:$0x1] =	stream.indirect_vreg.gather [hbm4b:s4+s2], $0x80, v6, vm0, $0xb8;
	[tilespmem:$0x19400] =	vst v63  }
0x23e: {  	s28 =	simm.s32 $0xDC00;
	v5 =	vperm.xlane v5, v4  }
0x23f: {  	[tilespmem:s28], [sflag:$0x1] =	stream.indirect_vreg.gather [hbm4b:s5+s2], $0x80, v6, vm0, $0xb8;
	[tilespmem:$0x19400] =	vst v63  }
0x240: {  	v5 =	vadd.s32 v3, v5  }
0x241: {  	[tilespmem:s19], [sflag:$0x1] =	stream.indirect_vreg.gather [hbm4b:s6+s2], $0x80, v6, vm0, $0xb8;
	[tilespmem:$0x19400] =	vst v63  }
0x242: {  	_ = 	snop  }
0x243: {  	[tilespmem:s11], [sflag:$0x1] =	stream.indirect_vreg.gather [hbm4b:s7+s2], $0x80, v6, vm0, $0xb8;
	[tilespmem:$0x19400] =	vst v63  }
0x244: {  	_ = 	snop  }
0x245: {  	[tilespmem:s12], [sflag:$0x1] =	stream.indirect_vreg.gather [hbm4b:s4+s2], $0x80, v5, vm0, $0xb8;
	[tilespmem:$0x19400] =	vst v63  }
0x246: {  	_ = 	snop  }
0x247: {  	[tilespmem:s13], [sflag:$0x1] =	stream.indirect_vreg.gather [hbm4b:s5+s2], $0x80, v5, vm0, $0xb8;
	[tilespmem:$0x19400] =	vst v63  }
0x248: {  	_ = 	snop  }
0x249: {  	[tilespmem:s14], [sflag:$0x1] =	stream.indirect_vreg.gather [hbm4b:s6+s2], $0x80, v5, vm0, $0xb8;
	[tilespmem:$0x19400] =	vst v63  }
0x24a: {  	s10 =	simm.s32 $0x10C00  }
0x24b: {  	[tilespmem:s10], [sflag:$0x1] =	stream.indirect_vreg.gather [hbm4b:s7+s2], $0x80, v5, vm0, $0xb8;
	[tilespmem:$0x19400] =	vst v63  }
0x24c: {  	_ =	swait.ge [sflag:s18], $0x8000  }
0x24d: {  	[sflag:s18] =	ssyncset.done $0x0  }
0x24e: {  	s13 =	simm.s32 $0x1400;
	s12 =	rddreg [dreg:$0x9];
	[sflag:s18] =	ssyncadd.s32 $0xFFFF8000  }
0x24f: {  	[hbm4b:s12+s2] =	stream.linear.scatter [tilespmem:s13], [sflag:$0x2], $0x8000, $0x38;
	[tilespmem:$0x19400] =	vst v63  }
0x250: {  	_ =	swait.ge [sflag:s20], $0x8000  }
0x251: {  	[sflag:s20] =	ssyncset.done $0x0  }
0x252: {  	[sflag:s20] =	ssyncadd.s32 $0xFFFF8000  }
0x253: {  	v9 =	vld [tilespmem:$0x800];
	_ =	sdelay $0x4  }
0x254: {  	v10 =	vshll.u32 v9, $0x3  }
0x255: {  	v5 =	vand.u32 $0x7, v9;
	v6 =	vand.u32 $0xFFFFFFC0, v10  }
0x256: {  	v5 =	vor.u32 v5, v6  }
0x257: {  	v6 =	vperm.xlane v5, v2;
	_ =	sdelay $0x1  }
0x258: {  	v6 =	vadd.s32 v3, v6;
	_ =	sdelay $0x3  }
0x259: {  	s0 =	simm.s32 $0x11400  }
0x25a: {  	[tilespmem:s0], [sflag:$0x1] =	stream.indirect_vreg.gather [hbm4b:s4+s2], $0x80, v6, vm0, $0xb8;
	[tilespmem:$0x19400] =	vst v63  }
0x25b: {  	s14 =	simm.s32 $0x11C00;
	v5 =	vperm.xlane v5, v4  }
0x25c: {  	[tilespmem:s14], [sflag:$0x1] =	stream.indirect_vreg.gather [hbm4b:s5+s2], $0x80, v6, vm0, $0xb8;
	[tilespmem:$0x19400] =	vst v63  }
0x25d: {  	v5 =	vadd.s32 v3, v5  }
0x25e: {  	[tilespmem:s30], [sflag:$0x1] =	stream.indirect_vreg.gather [hbm4b:s6+s2], $0x80, v6, vm0, $0xb8;
	[tilespmem:$0x19400] =	vst v63  }
0x25f: {  	_ = 	snop  }
0x260: {  	[tilespmem:s15], [sflag:$0x1] =	stream.indirect_vreg.gather [hbm4b:s7+s2], $0x80, v6, vm0, $0xb8;
	[tilespmem:$0x19400] =	vst v63  }
0x261: {  	_ = 	snop  }
0x262: {  	[tilespmem:s31], [sflag:$0x1] =	stream.indirect_vreg.gather [hbm4b:s4+s2], $0x80, v5, vm0, $0xb8;
	[tilespmem:$0x19400] =	vst v63  }
0x263: {  	s15 =	simm.s32 $0x13C00  }
0x264: {  	[tilespmem:s15], [sflag:$0x1] =	stream.indirect_vreg.gather [hbm4b:s5+s2], $0x80, v5, vm0, $0xb8;
	[tilespmem:$0x19400] =	vst v63  }
0x265: {  	_ = 	snop  }
0x266: {  	[tilespmem:s16], [sflag:$0x1] =	stream.indirect_vreg.gather [hbm4b:s6+s2], $0x80, v5, vm0, $0xb8;
	[tilespmem:$0x19400] =	vst v63  }
0x267: {  	s16 =	simm.s32 $0x14C00  }
0x268: {  	[tilespmem:s16], [sflag:$0x1] =	stream.indirect_vreg.gather [hbm4b:s7+s2], $0x80, v5, vm0, $0xb8;
	[tilespmem:$0x19400] =	vst v63  }
0x269: {  	v5 =	vld [tilespmem:$0x810];
	_ =	sdelay $0x4  }
0x26a: {  	v11 =	vshll.u32 v5, $0x3  }
0x26b: {  	v5 =	vand.u32 $0x7, v5;
	v6 =	vand.u32 $0xFFFFFFC0, v11  }
0x26c: {  	v5 =	vor.u32 v5, v6  }
0x26d: {  	v6 =	vperm.xlane v5, v2;
	_ =	sdelay $0x1  }
0x26e: {  	v6 =	vadd.s32 v3, v6;
	_ =	sdelay $0x3  }
0x26f: {  	s19 =	simm.s32 $0x15400  }
0x270: {  	[tilespmem:s19], [sflag:$0x1] =	stream.indirect_vreg.gather [hbm4b:s4+s2], $0x80, v6, vm0, $0xb8;
	[tilespmem:$0x19400] =	vst v63  }
0x271: {  	s21 =	simm.s32 $0x15C00;
	v5 =	vperm.xlane v5, v4  }
0x272: {  	[tilespmem:s21], [sflag:$0x1] =	stream.indirect_vreg.gather [hbm4b:s5+s2], $0x80, v6, vm0, $0xb8;
	[tilespmem:$0x19400] =	vst v63  }
0x273: {  	v5 =	vadd.s32 v3, v5  }
0x274: {  	[tilespmem:s17], [sflag:$0x1] =	stream.indirect_vreg.gather [hbm4b:s6+s2], $0x80, v6, vm0, $0xb8;
	[tilespmem:$0x19400] =	vst v63  }
0x275: {  	_ = 	snop  }
0x276: {  	[tilespmem:s22], [sflag:$0x1] =	stream.indirect_vreg.gather [hbm4b:s7+s2], $0x80, v6, vm0, $0xb8;
	[tilespmem:$0x19400] =	vst v63  }
0x277: {  	_ = 	snop  }
0x278: {  	[tilespmem:s23], [sflag:$0x1] =	stream.indirect_vreg.gather [hbm4b:s4+s2], $0x80, v5, vm0, $0xb8;
	[tilespmem:$0x19400] =	vst v63  }
0x279: {  	_ = 	snop  }
0x27a: {  	[tilespmem:s24], [sflag:$0x1] =	stream.indirect_vreg.gather [hbm4b:s5+s2], $0x80, v5, vm0, $0xb8;
	[tilespmem:$0x19400] =	vst v63  }
0x27b: {  	_ = 	snop  }
0x27c: {  	[tilespmem:s25], [sflag:$0x1] =	stream.indirect_vreg.gather [hbm4b:s6+s2], $0x80, v5, vm0, $0xb8;
	[tilespmem:$0x19400] =	vst v63  }
0x27d: {  	s31 =	simm.s32 $0x18C00  }
0x27e: {  	[tilespmem:s31], [sflag:$0x1] =	stream.indirect_vreg.gather [hbm4b:s7+s2], $0x80, v5, vm0, $0xb8;
	[tilespmem:$0x19400] =	vst v63  }
0x27f: {  	_ =	swait.ge [sflag:s18], $0x8000  }
0x280: {  	[sflag:s18] =	ssyncset.done $0x0  }
0x281: {  	s0 =	simm.s32 $0x9400;
	s1 =	rddreg [dreg:$0xa];
	[sflag:s18] =	ssyncadd.s32 $0xFFFF8000  }
0x282: {  	[hbm4b:s1+s2] =	stream.linear.scatter [tilespmem:s0], [sflag:$0x2], $0x8000, $0x38;
	[tilespmem:$0x19400] =	vst v63  }
0x283: {  	_ =	swait.ge [sflag:s20], $0x8000  }
0x284: {  	[sflag:s20] =	ssyncset.done $0x0  }
0x285: {  	[sflag:s20] =	ssyncadd.s32 $0xFFFF8000  }
0x286: {  	v9 =	vld [tilespmem:$0x880];
	_ =	sdelay $0x4  }
0x287: {  	v10 =	vshll.u32 v9, $0x3  }
0x288: {  	v5 =	vand.u32 $0x7, v9;
	v6 =	vand.u32 $0xFFFFFFC0, v10  }
0x289: {  	v5 =	vor.u32 v5, v6  }
0x28a: {  	v6 =	vperm.xlane v5, v2;
	_ =	sdelay $0x1  }
0x28b: {  	v6 =	vadd.s32 v3, v6;
	_ =	sdelay $0x4  }
0x28c: {  	[tilespmem:s13], [sflag:$0x1] =	stream.indirect_vreg.gather [hbm4b:s4+s2], $0x80, v6, vm0, $0xb8;
	[tilespmem:$0x19400] =	vst v63  }
0x28d: {  	s8 =	simm.s32 $0x1C00;
	v5 =	vperm.xlane v5, v4  }
0x28e: {  	[tilespmem:s8], [sflag:$0x1] =	stream.indirect_vreg.gather [hbm4b:s5+s2], $0x80, v6, vm0, $0xb8;
	[tilespmem:$0x19400] =	vst v63  }
0x28f: {  	s19 =	simm.s32 $0x2400;
	v5 =	vadd.s32 v3, v5  }
0x290: {  	[tilespmem:s19], [sflag:$0x1] =	stream.indirect_vreg.gather [hbm4b:s6+s2], $0x80, v6, vm0, $0xb8;
	[tilespmem:$0x19400] =	vst v63  }
0x291: {  	_ = 	snop  }
0x292: {  	[tilespmem:s3], [sflag:$0x1] =	stream.indirect_vreg.gather [hbm4b:s7+s2], $0x80, v6, vm0, $0xb8;
	[tilespmem:$0x19400] =	vst v63  }
0x293: {  	s12 =	simm.s32 $0x3400  }
0x294: {  	[tilespmem:s12], [sflag:$0x1] =	stream.indirect_vreg.gather [hbm4b:s4+s2], $0x80, v5, vm0, $0xb8;
	[tilespmem:$0x19400] =	vst v63  }
0x295: {  	s13 =	simm.s32 $0x3C00  }
0x296: {  	[tilespmem:s13], [sflag:$0x1] =	stream.indirect_vreg.gather [hbm4b:s5+s2], $0x80, v5, vm0, $0xb8;
	[tilespmem:$0x19400] =	vst v63  }
0x297: {  	s14 =	simm.s32 $0x4400  }
0x298: {  	[tilespmem:s14], [sflag:$0x1] =	stream.indirect_vreg.gather [hbm4b:s6+s2], $0x80, v5, vm0, $0xb8;
	[tilespmem:$0x19400] =	vst v63  }
0x299: {  	s15 =	simm.s32 $0x4C00  }
0x29a: {  	[tilespmem:s15], [sflag:$0x1] =	stream.indirect_vreg.gather [hbm4b:s7+s2], $0x80, v5, vm0, $0xb8;
	[tilespmem:$0x19400] =	vst v63  }
0x29b: {  	v5 =	vld [tilespmem:$0x890];
	_ =	sdelay $0x4  }
0x29c: {  	v11 =	vshll.u32 v5, $0x3  }
0x29d: {  	v5 =	vand.u32 $0x7, v5;
	v6 =	vand.u32 $0xFFFFFFC0, v11  }
0x29e: {  	v5 =	vor.u32 v5, v6  }
0x29f: {  	v6 =	vperm.xlane v5, v2;
	_ =	sdelay $0x1  }
0x2a0: {  	v6 =	vadd.s32 v3, v6;
	_ =	sdelay $0x3  }
0x2a1: {  	s17 =	simm.s32 $0x5400  }
0x2a2: {  	[tilespmem:s17], [sflag:$0x1] =	stream.indirect_vreg.gather [hbm4b:s4+s2], $0x80, v6, vm0, $0xb8;
	[tilespmem:$0x19400] =	vst v63  }
0x2a3: {  	s21 =	simm.s32 $0x5C00;
	v5 =	vperm.xlane v5, v4  }
0x2a4: {  	[tilespmem:s21], [sflag:$0x1] =	stream.indirect_vreg.gather [hbm4b:s5+s2], $0x80, v6, vm0, $0xb8;
	[tilespmem:$0x19400] =	vst v63  }
0x2a5: {  	s22 =	simm.s32 $0x6400;
	v5 =	vadd.s32 v3, v5  }
0x2a6: {  	[tilespmem:s22], [sflag:$0x1] =	stream.indirect_vreg.gather [hbm4b:s6+s2], $0x80, v6, vm0, $0xb8;
	[tilespmem:$0x19400] =	vst v63  }
0x2a7: {  	s23 =	simm.s32 $0x6C00  }
0x2a8: {  	[tilespmem:s23], [sflag:$0x1] =	stream.indirect_vreg.gather [hbm4b:s7+s2], $0x80, v6, vm0, $0xb8;
	[tilespmem:$0x19400] =	vst v63  }
0x2a9: {  	s24 =	simm.s32 $0x7400  }
0x2aa: {  	[tilespmem:s24], [sflag:$0x1] =	stream.indirect_vreg.gather [hbm4b:s4+s2], $0x80, v5, vm0, $0xb8;
	[tilespmem:$0x19400] =	vst v63  }
0x2ab: {  	s25 =	simm.s32 $0x7C00  }
0x2ac: {  	[tilespmem:s25], [sflag:$0x1] =	stream.indirect_vreg.gather [hbm4b:s5+s2], $0x80, v5, vm0, $0xb8;
	[tilespmem:$0x19400] =	vst v63  }
0x2ad: {  	s31 =	simm.s32 $0x8400  }
0x2ae: {  	[tilespmem:s31], [sflag:$0x1] =	stream.indirect_vreg.gather [hbm4b:s6+s2], $0x80, v5, vm0, $0xb8;
	[tilespmem:$0x19400] =	vst v63  }
0x2af: {  	s17 =	simm.s32 $0x8C00  }
0x2b0: {  	[tilespmem:s17], [sflag:$0x1] =	stream.indirect_vreg.gather [hbm4b:s7+s2], $0x80, v5, vm0, $0xb8;
	[tilespmem:$0x19400] =	vst v63  }
0x2b1: {  	_ =	swait.ge [sflag:s18], $0x8000  }
0x2b2: {  	[sflag:s18] =	ssyncset.done $0x0  }
0x2b3: {  	s11 =	simm.s32 $0x11400;
	s1 =	rddreg [dreg:$0xb];
	[sflag:s18] =	ssyncadd.s32 $0xFFFF8000  }
0x2b4: {  	[hbm4b:s1+s2] =	stream.linear.scatter [tilespmem:s11], [sflag:$0x2], $0x8000, $0x38;
	[tilespmem:$0x19400] =	vst v63  }
0x2b5: {  	_ =	swait.ge [sflag:s20], $0x8000  }
0x2b6: {  	[sflag:s20] =	ssyncset.done $0x0  }
0x2b7: {  	[sflag:s20] =	ssyncadd.s32 $0xFFFF8000  }
0x2b8: {  	v9 =	vld [tilespmem:$0x900];
	_ =	sdelay $0x4  }
0x2b9: {  	v10 =	vshll.u32 v9, $0x3  }
0x2ba: {  	v5 =	vand.u32 $0x7, v9;
	v6 =	vand.u32 $0xFFFFFFC0, v10  }
0x2bb: {  	v5 =	vor.u32 v5, v6  }
0x2bc: {  	v6 =	vperm.xlane v5, v2;
	_ =	sdelay $0x1  }
0x2bd: {  	v6 =	vadd.s32 v3, v6;
	_ =	sdelay $0x4  }
0x2be: {  	[tilespmem:s0], [sflag:$0x1] =	stream.indirect_vreg.gather [hbm4b:s4+s2], $0x80, v6, vm0, $0xb8;
	[tilespmem:$0x19400] =	vst v63  }
0x2bf: {  	v5 =	vperm.xlane v5, v4  }
0x2c0: {  	[tilespmem:s26], [sflag:$0x1] =	stream.indirect_vreg.gather [hbm4b:s5+s2], $0x80, v6, vm0, $0xb8;
	[tilespmem:$0x19400] =	vst v63  }
0x2c1: {  	s23 =	simm.s32 $0xA400;
	v5 =	vadd.s32 v3, v5  }
0x2c2: {  	[tilespmem:s23], [sflag:$0x1] =	stream.indirect_vreg.gather [hbm4b:s6+s2], $0x80, v6, vm0, $0xb8;
	[tilespmem:$0x19400] =	vst v63  }
0x2c3: {  	s8 =	simm.s32 $0xAC00  }
0x2c4: {  	[tilespmem:s8], [sflag:$0x1] =	stream.indirect_vreg.gather [hbm4b:s7+s2], $0x80, v6, vm0, $0xb8;
	[tilespmem:$0x19400] =	vst v63  }
0x2c5: {  	s24 =	simm.s32 $0xB400  }
0x2c6: {  	[tilespmem:s24], [sflag:$0x1] =	stream.indirect_vreg.gather [hbm4b:s4+s2], $0x80, v5, vm0, $0xb8;
	[tilespmem:$0x19400] =	vst v63  }
0x2c7: {  	s11 =	simm.s32 $0xBC00  }
0x2c8: {  	[tilespmem:s11], [sflag:$0x1] =	stream.indirect_vreg.gather [hbm4b:s5+s2], $0x80, v5, vm0, $0xb8;
	[tilespmem:$0x19400] =	vst v63  }
0x2c9: {  	s12 =	simm.s32 $0xC400  }
0x2ca: {  	[tilespmem:s12], [sflag:$0x1] =	stream.indirect_vreg.gather [hbm4b:s6+s2], $0x80, v5, vm0, $0xb8;
	[tilespmem:$0x19400] =	vst v63  }
0x2cb: {  	_ = 	snop  }
0x2cc: {  	[tilespmem:s9], [sflag:$0x1] =	stream.indirect_vreg.gather [hbm4b:s7+s2], $0x80, v5, vm0, $0xb8;
	[tilespmem:$0x19400] =	vst v63  }
0x2cd: {  	v5 =	vld [tilespmem:$0x910];
	_ =	sdelay $0x4  }
0x2ce: {  	v11 =	vshll.u32 v5, $0x3  }
0x2cf: {  	v5 =	vand.u32 $0x7, v5;
	v6 =	vand.u32 $0xFFFFFFC0, v11  }
0x2d0: {  	v5 =	vor.u32 v5, v6  }
0x2d1: {  	v6 =	vperm.xlane v5, v2;
	_ =	sdelay $0x1  }
0x2d2: {  	v6 =	vadd.s32 v3, v6;
	_ =	sdelay $0x4  }
0x2d3: {  	[tilespmem:s29], [sflag:$0x1] =	stream.indirect_vreg.gather [hbm4b:s4+s2], $0x80, v6, vm0, $0xb8;
	[tilespmem:$0x19400] =	vst v63  }
0x2d4: {  	v5 =	vperm.xlane v5, v4  }
0x2d5: {  	[tilespmem:s28], [sflag:$0x1] =	stream.indirect_vreg.gather [hbm4b:s5+s2], $0x80, v6, vm0, $0xb8;
	[tilespmem:$0x19400] =	vst v63  }
0x2d6: {  	s31 =	simm.s32 $0xE400;
	v5 =	vadd.s32 v3, v5  }
0x2d7: {  	[tilespmem:s31], [sflag:$0x1] =	stream.indirect_vreg.gather [hbm4b:s6+s2], $0x80, v6, vm0, $0xb8;
	[tilespmem:$0x19400] =	vst v63  }
0x2d8: {  	s9 =	simm.s32 $0xEC00  }
0x2d9: {  	[tilespmem:s9], [sflag:$0x1] =	stream.indirect_vreg.gather [hbm4b:s7+s2], $0x80, v6, vm0, $0xb8;
	[tilespmem:$0x19400] =	vst v63  }
0x2da: {  	s13 =	simm.s32 $0xF400  }
0x2db: {  	[tilespmem:s13], [sflag:$0x1] =	stream.indirect_vreg.gather [hbm4b:s4+s2], $0x80, v5, vm0, $0xb8;
	[tilespmem:$0x19400] =	vst v63  }
0x2dc: {  	s14 =	simm.s32 $0xFC00  }
0x2dd: {  	[tilespmem:s14], [sflag:$0x1] =	stream.indirect_vreg.gather [hbm4b:s5+s2], $0x80, v5, vm0, $0xb8;
	[tilespmem:$0x19400] =	vst v63  }
0x2de: {  	s15 =	simm.s32 $0x10400  }
0x2df: {  	[tilespmem:s15], [sflag:$0x1] =	stream.indirect_vreg.gather [hbm4b:s6+s2], $0x80, v5, vm0, $0xb8;
	[tilespmem:$0x19400] =	vst v63  }
0x2e0: {  	_ = 	snop  }
0x2e1: {  	[tilespmem:s10], [sflag:$0x1] =	stream.indirect_vreg.gather [hbm4b:s7+s2], $0x80, v5, vm0, $0xb8;
	[tilespmem:$0x19400] =	vst v63  }
0x2e2: {  	_ =	swait.ge [sflag:s18], $0x8000  }
0x2e3: {  	[sflag:s18] =	ssyncset.done $0x0  }
0x2e4: {  	s16 =	simm.s32 $0x1400;
	s25 =	rddreg [dreg:$0xc];
	[sflag:s18] =	ssyncadd.s32 $0xFFFF8000  }
0x2e5: {  	[hbm4b:s25+s2] =	stream.linear.scatter [tilespmem:s16], [sflag:$0x2], $0x8000, $0x38;
	[tilespmem:$0x19400] =	vst v63  }
0x2e6: {  	_ =	swait.ge [sflag:s20], $0x8000  }
0x2e7: {  	[sflag:s20] =	ssyncset.done $0x0  }
0x2e8: {  	[sflag:s20] =	ssyncadd.s32 $0xFFFF8000  }
0x2e9: {  	v9 =	vld [tilespmem:$0x980];
	_ =	sdelay $0x4  }
0x2ea: {  	v10 =	vshll.u32 v9, $0x3  }
0x2eb: {  	v5 =	vand.u32 $0x7, v9;
	v6 =	vand.u32 $0xFFFFFFC0, v10  }
0x2ec: {  	v5 =	vor.u32 v5, v6  }
0x2ed: {  	v6 =	vperm.xlane v5, v2;
	_ =	sdelay $0x1  }
0x2ee: {  	v6 =	vadd.s32 v3, v6;
	_ =	sdelay $0x3  }
0x2ef: {  	s3 =	simm.s32 $0x11400  }
0x2f0: {  	[tilespmem:s3], [sflag:$0x1] =	stream.indirect_vreg.gather [hbm4b:s4+s2], $0x80, v6, vm0, $0xb8;
	[tilespmem:$0x19400] =	vst v63  }
0x2f1: {  	s26 =	simm.s32 $0x11C00;
	v5 =	vperm.xlane v5, v4  }
0x2f2: {  	[tilespmem:s26], [sflag:$0x1] =	stream.indirect_vreg.gather [hbm4b:s5+s2], $0x80, v6, vm0, $0xb8;
	[tilespmem:$0x19400] =	vst v63  }
0x2f3: {  	s28 =	simm.s32 $0x12400;
	v5 =	vadd.s32 v3, v5  }
0x2f4: {  	[tilespmem:s28], [sflag:$0x1] =	stream.indirect_vreg.gather [hbm4b:s6+s2], $0x80, v6, vm0, $0xb8;
	[tilespmem:$0x19400] =	vst v63  }
0x2f5: {  	s16 =	simm.s32 $0x12C00  }
0x2f6: {  	[tilespmem:s16], [sflag:$0x1] =	stream.indirect_vreg.gather [hbm4b:s7+s2], $0x80, v6, vm0, $0xb8;
	[tilespmem:$0x19400] =	vst v63  }
0x2f7: {  	s22 =	simm.s32 $0x13400  }
0x2f8: {  	[tilespmem:s22], [sflag:$0x1] =	stream.indirect_vreg.gather [hbm4b:s4+s2], $0x80, v5, vm0, $0xb8;
	[tilespmem:$0x19400] =	vst v63  }
0x2f9: {  	s25 =	simm.s32 $0x13C00  }
0x2fa: {  	[tilespmem:s25], [sflag:$0x1] =	stream.indirect_vreg.gather [hbm4b:s5+s2], $0x80, v5, vm0, $0xb8;
	[tilespmem:$0x19400] =	vst v63  }
0x2fb: {  	s23 =	simm.s32 $0x14400  }
0x2fc: {  	[tilespmem:s23], [sflag:$0x1] =	stream.indirect_vreg.gather [hbm4b:s6+s2], $0x80, v5, vm0, $0xb8;
	[tilespmem:$0x19400] =	vst v63  }
0x2fd: {  	s30 =	simm.s32 $0x14C00  }
0x2fe: {  	[tilespmem:s30], [sflag:$0x1] =	stream.indirect_vreg.gather [hbm4b:s7+s2], $0x80, v5, vm0, $0xb8;
	[tilespmem:$0x19400] =	vst v63  }
0x2ff: {  	v5 =	vld [tilespmem:$0x990];
	_ =	sdelay $0x4  }
0x300: {  	v11 =	vshll.u32 v5, $0x3  }
0x301: {  	v5 =	vand.u32 $0x7, v5;
	v6 =	vand.u32 $0xFFFFFFC0, v11  }
0x302: {  	v5 =	vor.u32 v5, v6  }
0x303: {  	v6 =	vperm.xlane v5, v2;
	_ =	sdelay $0x1  }
0x304: {  	v6 =	vadd.s32 v3, v6;
	_ =	sdelay $0x3  }
0x305: {  	s29 =	simm.s32 $0x15400  }
0x306: {  	[tilespmem:s29], [sflag:$0x1] =	stream.indirect_vreg.gather [hbm4b:s4+s2], $0x80, v6, vm0, $0xb8;
	[tilespmem:$0x19400] =	vst v63  }
0x307: {  	s30 =	simm.s32 $0x15C00;
	v5 =	vperm.xlane v5, v4  }
0x308: {  	[tilespmem:s30], [sflag:$0x1] =	stream.indirect_vreg.gather [hbm4b:s5+s2], $0x80, v6, vm0, $0xb8;
	[tilespmem:$0x19400] =	vst v63  }
0x309: {  	s24 =	simm.s32 $0x16400;
	v5 =	vadd.s32 v3, v5  }
0x30a: {  	[tilespmem:s24], [sflag:$0x1] =	stream.indirect_vreg.gather [hbm4b:s6+s2], $0x80, v6, vm0, $0xb8;
	[tilespmem:$0x19400] =	vst v63  }
0x30b: {  	s26 =	simm.s32 $0x16C00  }
0x30c: {  	[tilespmem:s26], [sflag:$0x1] =	stream.indirect_vreg.gather [hbm4b:s7+s2], $0x80, v6, vm0, $0xb8;
	[tilespmem:$0x19400] =	vst v63  }
0x30d: {  	s28 =	simm.s32 $0x17400  }
0x30e: {  	[tilespmem:s28], [sflag:$0x1] =	stream.indirect_vreg.gather [hbm4b:s4+s2], $0x80, v5, vm0, $0xb8;
	[tilespmem:$0x19400] =	vst v63  }
0x30f: {  	s29 =	simm.s32 $0x17C00  }
0x310: {  	[tilespmem:s29], [sflag:$0x1] =	stream.indirect_vreg.gather [hbm4b:s5+s2], $0x80, v5, vm0, $0xb8;
	[tilespmem:$0x19400] =	vst v63  }
0x311: {  	s30 =	simm.s32 $0x18400  }
0x312: {  	[tilespmem:s30], [sflag:$0x1] =	stream.indirect_vreg.gather [hbm4b:s6+s2], $0x80, v5, vm0, $0xb8;
	[tilespmem:$0x19400] =	vst v63  }
0x313: {  	s21 =	simm.s32 $0x18C00  }
0x314: {  	[tilespmem:s21], [sflag:$0x1] =	stream.indirect_vreg.gather [hbm4b:s7+s2], $0x80, v5, vm0, $0xb8;
	[tilespmem:$0x19400] =	vst v63  }
0x315: {  	_ =	swait.ge [sflag:s18], $0x8000  }
0x316: {  	[sflag:s18] =	ssyncset.done $0x0  }
0x317: {  	s1 =	simm.s32 $0x9400;
	s3 =	rddreg [dreg:$0xd];
	[sflag:s18] =	ssyncadd.s32 $0xFFFF8000  }
0x318: {  	[hbm4b:s3+s2] =	stream.linear.scatter [tilespmem:s1], [sflag:$0x2], $0x8000, $0x38;
	[tilespmem:$0x19400] =	vst v63  }
0x319: {  	_ =	swait.ge [sflag:s20], $0x8000  }
0x31a: {  	[sflag:s20] =	ssyncset.done $0x0  }
0x31b: {  	[sflag:s20] =	ssyncadd.s32 $0xFFFF8000  }
0x31c: {  	v9 =	vld [tilespmem:$0xA00];
	_ =	sdelay $0x4  }
0x31d: {  	v10 =	vshll.u32 v9, $0x3  }
0x31e: {  	v5 =	vand.u32 $0x7, v9;
	v6 =	vand.u32 $0xFFFFFFC0, v10  }
0x31f: {  	v5 =	vor.u32 v5, v6  }
0x320: {  	v6 =	vperm.xlane v5, v2;
	_ =	sdelay $0x1  }
0x321: {  	v6 =	vadd.s32 v3, v6;
	_ =	sdelay $0x3  }
0x322: {  	s0 =	simm.s32 $0x1400  }
0x323: {  	[tilespmem:s0], [sflag:$0x1] =	stream.indirect_vreg.gather [hbm4b:s4+s2], $0x80, v6, vm0, $0xb8;
	[tilespmem:$0x19400] =	vst v63  }
0x324: {  	s3 =	simm.s32 $0x1C00;
	v5 =	vperm.xlane v5, v4  }
0x325: {  	[tilespmem:s3], [sflag:$0x1] =	stream.indirect_vreg.gather [hbm4b:s5+s2], $0x80, v6, vm0, $0xb8;
	[tilespmem:$0x19400] =	vst v63  }
0x326: {  	v5 =	vadd.s32 v3, v5  }
0x327: {  	[tilespmem:s19], [sflag:$0x1] =	stream.indirect_vreg.gather [hbm4b:s6+s2], $0x80, v6, vm0, $0xb8;
	[tilespmem:$0x19400] =	vst v63  }
0x328: {  	s3 =	simm.s32 $0x2C00  }
0x329: {  	[tilespmem:s3], [sflag:$0x1] =	stream.indirect_vreg.gather [hbm4b:s7+s2], $0x80, v6, vm0, $0xb8;
	[tilespmem:$0x19400] =	vst v63  }
0x32a: {  	s19 =	simm.s32 $0x3400  }
0x32b: {  	[tilespmem:s19], [sflag:$0x1] =	stream.indirect_vreg.gather [hbm4b:s4+s2], $0x80, v5, vm0, $0xb8;
	[tilespmem:$0x19400] =	vst v63  }
0x32c: {  	s21 =	simm.s32 $0x3C00  }
0x32d: {  	[tilespmem:s21], [sflag:$0x1] =	stream.indirect_vreg.gather [hbm4b:s5+s2], $0x80, v5, vm0, $0xb8;
	[tilespmem:$0x19400] =	vst v63  }
0x32e: {  	s21 =	simm.s32 $0x4400  }
0x32f: {  	[tilespmem:s21], [sflag:$0x1] =	stream.indirect_vreg.gather [hbm4b:s6+s2], $0x80, v5, vm0, $0xb8;
	[tilespmem:$0x19400] =	vst v63  }
0x330: {  	s21 =	simm.s32 $0x4C00  }
0x331: {  	[tilespmem:s21], [sflag:$0x1] =	stream.indirect_vreg.gather [hbm4b:s7+s2], $0x80, v5, vm0, $0xb8;
	[tilespmem:$0x19400] =	vst v63  }
0x332: {  	v5 =	vld [tilespmem:$0xA10];
	_ =	sdelay $0x4  }
0x333: {  	v11 =	vshll.u32 v5, $0x3  }
0x334: {  	v5 =	vand.u32 $0x7, v5;
	v6 =	vand.u32 $0xFFFFFFC0, v11  }
0x335: {  	v5 =	vor.u32 v5, v6  }
0x336: {  	v6 =	vperm.xlane v5, v2;
	_ =	sdelay $0x1  }
0x337: {  	v6 =	vadd.s32 v3, v6;
	_ =	sdelay $0x3  }
0x338: {  	s21 =	simm.s32 $0x5400  }
0x339: {  	[tilespmem:s21], [sflag:$0x1] =	stream.indirect_vreg.gather [hbm4b:s4+s2], $0x80, v6, vm0, $0xb8;
	[tilespmem:$0x19400] =	vst v63  }
0x33a: {  	v5 =	vperm.xlane v5, v4;
	s21 =	simm.s32 $0x5C00  }
0x33b: {  	[tilespmem:s21], [sflag:$0x1] =	stream.indirect_vreg.gather [hbm4b:s5+s2], $0x80, v6, vm0, $0xb8;
	[tilespmem:$0x19400] =	vst v63  }
0x33c: {  	v5 =	vadd.s32 v3, v5;
	s21 =	simm.s32 $0x6400  }
0x33d: {  	[tilespmem:s21], [sflag:$0x1] =	stream.indirect_vreg.gather [hbm4b:s6+s2], $0x80, v6, vm0, $0xb8;
	[tilespmem:$0x19400] =	vst v63  }
0x33e: {  	s21 =	simm.s32 $0x6C00  }
0x33f: {  	[tilespmem:s21], [sflag:$0x1] =	stream.indirect_vreg.gather [hbm4b:s7+s2], $0x80, v6, vm0, $0xb8;
	[tilespmem:$0x19400] =	vst v63  }
0x340: {  	s21 =	simm.s32 $0x7400  }
0x341: {  	[tilespmem:s21], [sflag:$0x1] =	stream.indirect_vreg.gather [hbm4b:s4+s2], $0x80, v5, vm0, $0xb8;
	[tilespmem:$0x19400] =	vst v63  }
0x342: {  	s21 =	simm.s32 $0x7C00  }
0x343: {  	[tilespmem:s21], [sflag:$0x1] =	stream.indirect_vreg.gather [hbm4b:s5+s2], $0x80, v5, vm0, $0xb8;
	[tilespmem:$0x19400] =	vst v63  }
0x344: {  	s21 =	simm.s32 $0x8400  }
0x345: {  	[tilespmem:s21], [sflag:$0x1] =	stream.indirect_vreg.gather [hbm4b:s6+s2], $0x80, v5, vm0, $0xb8;
	[tilespmem:$0x19400] =	vst v63  }
0x346: {  	_ = 	snop  }
0x347: {  	[tilespmem:s17], [sflag:$0x1] =	stream.indirect_vreg.gather [hbm4b:s7+s2], $0x80, v5, vm0, $0xb8;
	[tilespmem:$0x19400] =	vst v63  }
0x348: {  	_ =	swait.ge [sflag:s18], $0x8000  }
0x349: {  	[sflag:s18] =	ssyncset.done $0x0  }
0x34a: {  	s10 =	simm.s32 $0x11400;
	s0 =	rddreg [dreg:$0xe];
	[sflag:s18] =	ssyncadd.s32 $0xFFFF8000  }
0x34b: {  	[hbm4b:s0+s2] =	stream.linear.scatter [tilespmem:s10], [sflag:$0x2], $0x8000, $0x38;
	[tilespmem:$0x19400] =	vst v63  }
0x34c: {  	_ =	swait.ge [sflag:s20], $0x8000  }
0x34d: {  	[sflag:s20] =	ssyncset.done $0x0  }
0x34e: {  	[sflag:s20] =	ssyncadd.s32 $0xFFFF8000  }
0x34f: {  	v9 =	vld [tilespmem:$0xA80];
	_ =	sdelay $0x4  }
0x350: {  	v10 =	vshll.u32 v9, $0x3  }
0x351: {  	v5 =	vand.u32 $0x7, v9;
	v6 =	vand.u32 $0xFFFFFFC0, v10  }
0x352: {  	v5 =	vor.u32 v5, v6  }
0x353: {  	v6 =	vperm.xlane v5, v2;
	_ =	sdelay $0x1  }
0x354: {  	v6 =	vadd.s32 v3, v6;
	_ =	sdelay $0x3  }
0x355: {  	s1 =	simm.s32 $0x9400  }
0x356: {  	[tilespmem:s1], [sflag:$0x1] =	stream.indirect_vreg.gather [hbm4b:s4+s2], $0x80, v6, vm0, $0xb8;
	[tilespmem:$0x19400] =	vst v63  }
0x357: {  	s21 =	simm.s32 $0x9C00;
	v5 =	vperm.xlane v5, v4  }
0x358: {  	[tilespmem:s21], [sflag:$0x1] =	stream.indirect_vreg.gather [hbm4b:s5+s2], $0x80, v6, vm0, $0xb8;
	[tilespmem:$0x19400] =	vst v63  }
0x359: {  	v5 =	vadd.s32 v3, v5;
	s21 =	simm.s32 $0xA400  }
0x35a: {  	[tilespmem:s21], [sflag:$0x1] =	stream.indirect_vreg.gather [hbm4b:s6+s2], $0x80, v6, vm0, $0xb8;
	[tilespmem:$0x19400] =	vst v63  }
0x35b: {  	_ = 	snop  }
0x35c: {  	[tilespmem:s8], [sflag:$0x1] =	stream.indirect_vreg.gather [hbm4b:s7+s2], $0x80, v6, vm0, $0xb8;
	[tilespmem:$0x19400] =	vst v63  }
0x35d: {  	s8 =	simm.s32 $0xB400  }
0x35e: {  	[tilespmem:s8], [sflag:$0x1] =	stream.indirect_vreg.gather [hbm4b:s4+s2], $0x80, v5, vm0, $0xb8;
	[tilespmem:$0x19400] =	vst v63  }
0x35f: {  	_ = 	snop  }
0x360: {  	[tilespmem:s11], [sflag:$0x1] =	stream.indirect_vreg.gather [hbm4b:s5+s2], $0x80, v5, vm0, $0xb8;
	[tilespmem:$0x19400] =	vst v63  }
0x361: {  	_ = 	snop  }
0x362: {  	[tilespmem:s12], [sflag:$0x1] =	stream.indirect_vreg.gather [hbm4b:s6+s2], $0x80, v5, vm0, $0xb8;
	[tilespmem:$0x19400] =	vst v63  }
0x363: {  	s11 =	simm.s32 $0xCC00  }
0x364: {  	[tilespmem:s11], [sflag:$0x1] =	stream.indirect_vreg.gather [hbm4b:s7+s2], $0x80, v5, vm0, $0xb8;
	[tilespmem:$0x19400] =	vst v63  }
0x365: {  	v5 =	vld [tilespmem:$0xA90];
	_ =	sdelay $0x4  }
0x366: {  	v11 =	vshll.u32 v5, $0x3  }
0x367: {  	v5 =	vand.u32 $0x7, v5;
	v6 =	vand.u32 $0xFFFFFFC0, v11  }
0x368: {  	v5 =	vor.u32 v5, v6  }
0x369: {  	v6 =	vperm.xlane v5, v2;
	_ =	sdelay $0x1  }
0x36a: {  	v6 =	vadd.s32 v3, v6;
	_ =	sdelay $0x3  }
0x36b: {  	s12 =	simm.s32 $0xD400  }
0x36c: {  	[tilespmem:s12], [sflag:$0x1] =	stream.indirect_vreg.gather [hbm4b:s4+s2], $0x80, v6, vm0, $0xb8;
	[tilespmem:$0x19400] =	vst v63  }
0x36d: {  	s21 =	simm.s32 $0xDC00;
	v5 =	vperm.xlane v5, v4  }
0x36e: {  	[tilespmem:s21], [sflag:$0x1] =	stream.indirect_vreg.gather [hbm4b:s5+s2], $0x80, v6, vm0, $0xb8;
	[tilespmem:$0x19400] =	vst v63  }
0x36f: {  	v5 =	vadd.s32 v3, v5  }
0x370: {  	[tilespmem:s31], [sflag:$0x1] =	stream.indirect_vreg.gather [hbm4b:s6+s2], $0x80, v6, vm0, $0xb8;
	[tilespmem:$0x19400] =	vst v63  }
0x371: {  	_ = 	snop  }
0x372: {  	[tilespmem:s9], [sflag:$0x1] =	stream.indirect_vreg.gather [hbm4b:s7+s2], $0x80, v6, vm0, $0xb8;
	[tilespmem:$0x19400] =	vst v63  }
0x373: {  	_ = 	snop  }
0x374: {  	[tilespmem:s13], [sflag:$0x1] =	stream.indirect_vreg.gather [hbm4b:s4+s2], $0x80, v5, vm0, $0xb8;
	[tilespmem:$0x19400] =	vst v63  }
0x375: {  	_ = 	snop  }
0x376: {  	[tilespmem:s14], [sflag:$0x1] =	stream.indirect_vreg.gather [hbm4b:s5+s2], $0x80, v5, vm0, $0xb8;
	[tilespmem:$0x19400] =	vst v63  }
0x377: {  	_ = 	snop  }
0x378: {  	[tilespmem:s15], [sflag:$0x1] =	stream.indirect_vreg.gather [hbm4b:s6+s2], $0x80, v5, vm0, $0xb8;
	[tilespmem:$0x19400] =	vst v63  }
0x379: {  	s31 =	simm.s32 $0x10C00  }
0x37a: {  	[tilespmem:s31], [sflag:$0x1] =	stream.indirect_vreg.gather [hbm4b:s7+s2], $0x80, v5, vm0, $0xb8;
	[tilespmem:$0x19400] =	vst v63  }
0x37b: {  	_ =	swait.ge [sflag:s18], $0x8000  }
0x37c: {  	[sflag:s18] =	ssyncset.done $0x0  }
0x37d: {  	s9 =	simm.s32 $0x1400;
	s8 =	rddreg [dreg:$0xf];
	[sflag:s18] =	ssyncadd.s32 $0xFFFF8000  }
0x37e: {  	[hbm4b:s8+s2] =	stream.linear.scatter [tilespmem:s9], [sflag:$0x2], $0x8000, $0x38;
	[tilespmem:$0x19400] =	vst v63  }
0x37f: {  	_ =	swait.ge [sflag:s20], $0x8000  }
0x380: {  	[sflag:s20] =	ssyncset.done $0x0  }
0x381: {  	[sflag:s20] =	ssyncadd.s32 $0xFFFF8000  }
0x382: {  	v9 =	vld [tilespmem:$0xB00];
	_ =	sdelay $0x4  }
0x383: {  	v10 =	vshll.u32 v9, $0x3  }
0x384: {  	v5 =	vand.u32 $0x7, v9;
	v6 =	vand.u32 $0xFFFFFFC0, v10  }
0x385: {  	v5 =	vor.u32 v5, v6  }
0x386: {  	v6 =	vperm.xlane v5, v2;
	_ =	sdelay $0x1  }
0x387: {  	v6 =	vadd.s32 v3, v6;
	_ =	sdelay $0x3  }
0x388: {  	s0 =	simm.s32 $0x11400  }
0x389: {  	[tilespmem:s0], [sflag:$0x1] =	stream.indirect_vreg.gather [hbm4b:s4+s2], $0x80, v6, vm0, $0xb8;
	[tilespmem:$0x19400] =	vst v63  }
0x38a: {  	s15 =	simm.s32 $0x11C00;
	v5 =	vperm.xlane v5, v4  }
0x38b: {  	[tilespmem:s15], [sflag:$0x1] =	stream.indirect_vreg.gather [hbm4b:s5+s2], $0x80, v6, vm0, $0xb8;
	[tilespmem:$0x19400] =	vst v63  }
0x38c: {  	s21 =	simm.s32 $0x12400;
	v5 =	vadd.s32 v3, v5  }
0x38d: {  	[tilespmem:s21], [sflag:$0x1] =	stream.indirect_vreg.gather [hbm4b:s6+s2], $0x80, v6, vm0, $0xb8;
	[tilespmem:$0x19400] =	vst v63  }
0x38e: {  	_ = 	snop  }
0x38f: {  	[tilespmem:s16], [sflag:$0x1] =	stream.indirect_vreg.gather [hbm4b:s7+s2], $0x80, v6, vm0, $0xb8;
	[tilespmem:$0x19400] =	vst v63  }
0x390: {  	_ = 	snop  }
0x391: {  	[tilespmem:s22], [sflag:$0x1] =	stream.indirect_vreg.gather [hbm4b:s4+s2], $0x80, v5, vm0, $0xb8;
	[tilespmem:$0x19400] =	vst v63  }
0x392: {  	_ = 	snop  }
0x393: {  	[tilespmem:s25], [sflag:$0x1] =	stream.indirect_vreg.gather [hbm4b:s5+s2], $0x80, v5, vm0, $0xb8;
	[tilespmem:$0x19400] =	vst v63  }
0x394: {  	_ = 	snop  }
0x395: {  	[tilespmem:s23], [sflag:$0x1] =	stream.indirect_vreg.gather [hbm4b:s6+s2], $0x80, v5, vm0, $0xb8;
	[tilespmem:$0x19400] =	vst v63  }
0x396: {  	s22 =	simm.s32 $0x14C00  }
0x397: {  	[tilespmem:s22], [sflag:$0x1] =	stream.indirect_vreg.gather [hbm4b:s7+s2], $0x80, v5, vm0, $0xb8;
	[tilespmem:$0x19400] =	vst v63  }
0x398: {  	v5 =	vld [tilespmem:$0xB10];
	_ =	sdelay $0x4  }
0x399: {  	v11 =	vshll.u32 v5, $0x3  }
0x39a: {  	v5 =	vand.u32 $0x7, v5;
	v6 =	vand.u32 $0xFFFFFFC0, v11  }
0x39b: {  	v5 =	vor.u32 v5, v6  }
0x39c: {  	v6 =	vperm.xlane v5, v2;
	_ =	sdelay $0x1  }
0x39d: {  	v6 =	vadd.s32 v3, v6;
	_ =	sdelay $0x3  }
0x39e: {  	s23 =	simm.s32 $0x15400  }
0x39f: {  	[tilespmem:s23], [sflag:$0x1] =	stream.indirect_vreg.gather [hbm4b:s4+s2], $0x80, v6, vm0, $0xb8;
	[tilespmem:$0x19400] =	vst v63  }
0x3a0: {  	s25 =	simm.s32 $0x15C00;
	v5 =	vperm.xlane v5, v4  }
0x3a1: {  	[tilespmem:s25], [sflag:$0x1] =	stream.indirect_vreg.gather [hbm4b:s5+s2], $0x80, v6, vm0, $0xb8;
	[tilespmem:$0x19400] =	vst v63  }
0x3a2: {  	v5 =	vadd.s32 v3, v5  }
0x3a3: {  	[tilespmem:s24], [sflag:$0x1] =	stream.indirect_vreg.gather [hbm4b:s6+s2], $0x80, v6, vm0, $0xb8;
	[tilespmem:$0x19400] =	vst v63  }
0x3a4: {  	_ = 	snop  }
0x3a5: {  	[tilespmem:s26], [sflag:$0x1] =	stream.indirect_vreg.gather [hbm4b:s7+s2], $0x80, v6, vm0, $0xb8;
	[tilespmem:$0x19400] =	vst v63  }
0x3a6: {  	_ = 	snop  }
0x3a7: {  	[tilespmem:s28], [sflag:$0x1] =	stream.indirect_vreg.gather [hbm4b:s4+s2], $0x80, v5, vm0, $0xb8;
	[tilespmem:$0x19400] =	vst v63  }
0x3a8: {  	_ = 	snop  }
0x3a9: {  	[tilespmem:s29], [sflag:$0x1] =	stream.indirect_vreg.gather [hbm4b:s5+s2], $0x80, v5, vm0, $0xb8;
	[tilespmem:$0x19400] =	vst v63  }
0x3aa: {  	_ = 	snop  }
0x3ab: {  	[tilespmem:s30], [sflag:$0x1] =	stream.indirect_vreg.gather [hbm4b:s6+s2], $0x80, v5, vm0, $0xb8;
	[tilespmem:$0x19400] =	vst v63  }
0x3ac: {  	s28 =	simm.s32 $0x18C00  }
0x3ad: {  	[tilespmem:s28], [sflag:$0x1] =	stream.indirect_vreg.gather [hbm4b:s7+s2], $0x80, v5, vm0, $0xb8;
	[tilespmem:$0x19400] =	vst v63  }
0x3ae: {  	_ =	swait.ge [sflag:s18], $0x8000  }
0x3af: {  	[sflag:s18] =	ssyncset.done $0x0  }
0x3b0: {  	s10 =	simm.s32 $0x9400;
	s29 =	rddreg [dreg:$0x10];
	[sflag:s18] =	ssyncadd.s32 $0xFFFF8000  }
0x3b1: {  	[hbm4b:s29+s2] =	stream.linear.scatter [tilespmem:s10], [sflag:$0x2], $0x8000, $0x38;
	[tilespmem:$0x19400] =	vst v63  }
0x3b2: {  	_ =	swait.ge [sflag:s20], $0x8000  }
0x3b3: {  	[sflag:s20] =	ssyncset.done $0x0  }
0x3b4: {  	[sflag:s20] =	ssyncadd.s32 $0xFFFF8000  }
0x3b5: {  	v9 =	vld [tilespmem:$0xB80];
	_ =	sdelay $0x4  }
0x3b6: {  	v10 =	vshll.u32 v9, $0x3  }
0x3b7: {  	v5 =	vand.u32 $0x7, v9;
	v6 =	vand.u32 $0xFFFFFFC0, v10  }
0x3b8: {  	v5 =	vor.u32 v5, v6  }
0x3b9: {  	v6 =	vperm.xlane v5, v2;
	_ =	sdelay $0x1  }
0x3ba: {  	v6 =	vadd.s32 v3, v6;
	_ =	sdelay $0x4  }
0x3bb: {  	[tilespmem:s9], [sflag:$0x1] =	stream.indirect_vreg.gather [hbm4b:s4+s2], $0x80, v6, vm0, $0xb8;
	[tilespmem:$0x19400] =	vst v63  }
0x3bc: {  	s12 =	simm.s32 $0x1C00;
	v5 =	vperm.xlane v5, v4  }
0x3bd: {  	[tilespmem:s12], [sflag:$0x1] =	stream.indirect_vreg.gather [hbm4b:s5+s2], $0x80, v6, vm0, $0xb8;
	[tilespmem:$0x19400] =	vst v63  }
0x3be: {  	s28 =	simm.s32 $0x2400;
	v5 =	vadd.s32 v3, v5  }
0x3bf: {  	[tilespmem:s28], [sflag:$0x1] =	stream.indirect_vreg.gather [hbm4b:s6+s2], $0x80, v6, vm0, $0xb8;
	[tilespmem:$0x19400] =	vst v63  }
0x3c0: {  	_ = 	snop  }
0x3c1: {  	[tilespmem:s3], [sflag:$0x1] =	stream.indirect_vreg.gather [hbm4b:s7+s2], $0x80, v6, vm0, $0xb8;
	[tilespmem:$0x19400] =	vst v63  }
0x3c2: {  	_ = 	snop  }
0x3c3: {  	[tilespmem:s19], [sflag:$0x1] =	stream.indirect_vreg.gather [hbm4b:s4+s2], $0x80, v5, vm0, $0xb8;
	[tilespmem:$0x19400] =	vst v63  }
0x3c4: {  	s13 =	simm.s32 $0x3C00  }
0x3c5: {  	[tilespmem:s13], [sflag:$0x1] =	stream.indirect_vreg.gather [hbm4b:s5+s2], $0x80, v5, vm0, $0xb8;
	[tilespmem:$0x19400] =	vst v63  }
0x3c6: {  	s14 =	simm.s32 $0x4400  }
0x3c7: {  	[tilespmem:s14], [sflag:$0x1] =	stream.indirect_vreg.gather [hbm4b:s6+s2], $0x80, v5, vm0, $0xb8;
	[tilespmem:$0x19400] =	vst v63  }
0x3c8: {  	s15 =	simm.s32 $0x4C00  }
0x3c9: {  	[tilespmem:s15], [sflag:$0x1] =	stream.indirect_vreg.gather [hbm4b:s7+s2], $0x80, v5, vm0, $0xb8;
	[tilespmem:$0x19400] =	vst v63  }
0x3ca: {  	v5 =	vld [tilespmem:$0xB90];
	_ =	sdelay $0x4  }
0x3cb: {  	v11 =	vshll.u32 v5, $0x3  }
0x3cc: {  	v5 =	vand.u32 $0x7, v5;
	v6 =	vand.u32 $0xFFFFFFC0, v11  }
0x3cd: {  	v5 =	vor.u32 v5, v6  }
0x3ce: {  	v6 =	vperm.xlane v5, v2;
	_ =	sdelay $0x1  }
0x3cf: {  	v6 =	vadd.s32 v3, v6;
	_ =	sdelay $0x3  }
0x3d0: {  	s16 =	simm.s32 $0x5400  }
0x3d1: {  	[tilespmem:s16], [sflag:$0x1] =	stream.indirect_vreg.gather [hbm4b:s4+s2], $0x80, v6, vm0, $0xb8;
	[tilespmem:$0x19400] =	vst v63  }
0x3d2: {  	s19 =	simm.s32 $0x5C00;
	v5 =	vperm.xlane v5, v4  }
0x3d3: {  	[tilespmem:s19], [sflag:$0x1] =	stream.indirect_vreg.gather [hbm4b:s5+s2], $0x80, v6, vm0, $0xb8;
	[tilespmem:$0x19400] =	vst v63  }
0x3d4: {  	s21 =	simm.s32 $0x6400;
	v5 =	vadd.s32 v3, v5  }
0x3d5: {  	[tilespmem:s21], [sflag:$0x1] =	stream.indirect_vreg.gather [hbm4b:s6+s2], $0x80, v6, vm0, $0xb8;
	[tilespmem:$0x19400] =	vst v63  }
0x3d6: {  	s22 =	simm.s32 $0x6C00  }
0x3d7: {  	[tilespmem:s22], [sflag:$0x1] =	stream.indirect_vreg.gather [hbm4b:s7+s2], $0x80, v6, vm0, $0xb8;
	[tilespmem:$0x19400] =	vst v63  }
0x3d8: {  	s23 =	simm.s32 $0x7400  }
0x3d9: {  	[tilespmem:s23], [sflag:$0x1] =	stream.indirect_vreg.gather [hbm4b:s4+s2], $0x80, v5, vm0, $0xb8;
	[tilespmem:$0x19400] =	vst v63  }
0x3da: {  	s24 =	simm.s32 $0x7C00  }
0x3db: {  	[tilespmem:s24], [sflag:$0x1] =	stream.indirect_vreg.gather [hbm4b:s5+s2], $0x80, v5, vm0, $0xb8;
	[tilespmem:$0x19400] =	vst v63  }
0x3dc: {  	s25 =	simm.s32 $0x8400  }
0x3dd: {  	[tilespmem:s25], [sflag:$0x1] =	stream.indirect_vreg.gather [hbm4b:s6+s2], $0x80, v5, vm0, $0xb8;
	[tilespmem:$0x19400] =	vst v63  }
0x3de: {  	s17 =	simm.s32 $0x8C00  }
0x3df: {  	[tilespmem:s17], [sflag:$0x1] =	stream.indirect_vreg.gather [hbm4b:s7+s2], $0x80, v5, vm0, $0xb8;
	[tilespmem:$0x19400] =	vst v63  }
0x3e0: {  	_ =	swait.ge [sflag:s18], $0x8000  }
0x3e1: {  	[sflag:s18] =	ssyncset.done $0x0  }
0x3e2: {  	s11 =	simm.s32 $0x11400;
	s26 =	rddreg [dreg:$0x11];
	[sflag:s18] =	ssyncadd.s32 $0xFFFF8000  }
0x3e3: {  	[hbm4b:s26+s2] =	stream.linear.scatter [tilespmem:s11], [sflag:$0x2], $0x8000, $0x38;
	[tilespmem:$0x19400] =	vst v63  }
0x3e4: {  	_ =	swait.ge [sflag:s20], $0x8000  }
0x3e5: {  	[sflag:s20] =	ssyncset.done $0x0  }
0x3e6: {  	[sflag:s20] =	ssyncadd.s32 $0xFFFF8000  }
0x3e7: {  	v9 =	vld [tilespmem:$0xC00];
	_ =	sdelay $0x4  }
0x3e8: {  	v10 =	vshll.u32 v9, $0x3  }
0x3e9: {  	v5 =	vand.u32 $0x7, v9;
	v6 =	vand.u32 $0xFFFFFFC0, v10  }
0x3ea: {  	v5 =	vor.u32 v5, v6  }
0x3eb: {  	v6 =	vperm.xlane v5, v2;
	_ =	sdelay $0x1  }
0x3ec: {  	v6 =	vadd.s32 v3, v6;
	_ =	sdelay $0x3  }
0x3ed: {  	s30 =	simm.s32 $0x9400  }
0x3ee: {  	[tilespmem:s30], [sflag:$0x1] =	stream.indirect_vreg.gather [hbm4b:s4+s2], $0x80, v6, vm0, $0xb8;
	[tilespmem:$0x19400] =	vst v63  }
0x3ef: {  	s22 =	simm.s32 $0x9C00;
	v5 =	vperm.xlane v5, v4  }
0x3f0: {  	[tilespmem:s22], [sflag:$0x1] =	stream.indirect_vreg.gather [hbm4b:s5+s2], $0x80, v6, vm0, $0xb8;
	[tilespmem:$0x19400] =	vst v63  }
0x3f1: {  	v5 =	vadd.s32 v3, v5;
	s30 =	simm.s32 $0xA400  }
0x3f2: {  	[tilespmem:s30], [sflag:$0x1] =	stream.indirect_vreg.gather [hbm4b:s6+s2], $0x80, v6, vm0, $0xb8;
	[tilespmem:$0x19400] =	vst v63  }
0x3f3: {  	s9 =	simm.s32 $0xAC00  }
0x3f4: {  	[tilespmem:s9], [sflag:$0x1] =	stream.indirect_vreg.gather [hbm4b:s7+s2], $0x80, v6, vm0, $0xb8;
	[tilespmem:$0x19400] =	vst v63  }
0x3f5: {  	s11 =	simm.s32 $0xB400  }
0x3f6: {  	[tilespmem:s11], [sflag:$0x1] =	stream.indirect_vreg.gather [hbm4b:s4+s2], $0x80, v5, vm0, $0xb8;
	[tilespmem:$0x19400] =	vst v63  }
0x3f7: {  	s12 =	simm.s32 $0xBC00  }
0x3f8: {  	[tilespmem:s12], [sflag:$0x1] =	stream.indirect_vreg.gather [hbm4b:s5+s2], $0x80, v5, vm0, $0xb8;
	[tilespmem:$0x19400] =	vst v63  }
0x3f9: {  	s13 =	simm.s32 $0xC400  }
0x3fa: {  	[tilespmem:s13], [sflag:$0x1] =	stream.indirect_vreg.gather [hbm4b:s6+s2], $0x80, v5, vm0, $0xb8;
	[tilespmem:$0x19400] =	vst v63  }
0x3fb: {  	s23 =	simm.s32 $0xCC00  }
0x3fc: {  	[tilespmem:s23], [sflag:$0x1] =	stream.indirect_vreg.gather [hbm4b:s7+s2], $0x80, v5, vm0, $0xb8;
	[tilespmem:$0x19400] =	vst v63  }
0x3fd: {  	v5 =	vld [tilespmem:$0xC10];
	_ =	sdelay $0x4  }
0x3fe: {  	v11 =	vshll.u32 v5, $0x3  }
0x3ff: {  	v5 =	vand.u32 $0x7, v5;
	v6 =	vand.u32 $0xFFFFFFC0, v11  }
0x400: {  	v5 =	vor.u32 v5, v6  }
0x401: {  	v6 =	vperm.xlane v5, v2;
	_ =	sdelay $0x1  }
0x402: {  	v6 =	vadd.s32 v3, v6;
	_ =	sdelay $0x3  }
0x403: {  	s24 =	simm.s32 $0xD400  }
0x404: {  	[tilespmem:s24], [sflag:$0x1] =	stream.indirect_vreg.gather [hbm4b:s4+s2], $0x80, v6, vm0, $0xb8;
	[tilespmem:$0x19400] =	vst v63  }
0x405: {  	s25 =	simm.s32 $0xDC00;
	v5 =	vperm.xlane v5, v4  }
0x406: {  	[tilespmem:s25], [sflag:$0x1] =	stream.indirect_vreg.gather [hbm4b:s5+s2], $0x80, v6, vm0, $0xb8;
	[tilespmem:$0x19400] =	vst v63  }
0x407: {  	s14 =	simm.s32 $0xE400;
	v5 =	vadd.s32 v3, v5  }
0x408: {  	[tilespmem:s14], [sflag:$0x1] =	stream.indirect_vreg.gather [hbm4b:s6+s2], $0x80, v6, vm0, $0xb8;
	[tilespmem:$0x19400] =	vst v63  }
0x409: {  	s15 =	simm.s32 $0xEC00  }
0x40a: {  	[tilespmem:s15], [sflag:$0x1] =	stream.indirect_vreg.gather [hbm4b:s7+s2], $0x80, v6, vm0, $0xb8;
	[tilespmem:$0x19400] =	vst v63  }
0x40b: {  	s16 =	simm.s32 $0xF400  }
0x40c: {  	[tilespmem:s16], [sflag:$0x1] =	stream.indirect_vreg.gather [hbm4b:s4+s2], $0x80, v5, vm0, $0xb8;
	[tilespmem:$0x19400] =	vst v63  }
0x40d: {  	s17 =	simm.s32 $0xFC00  }
0x40e: {  	[tilespmem:s17], [sflag:$0x1] =	stream.indirect_vreg.gather [hbm4b:s5+s2], $0x80, v5, vm0, $0xb8;
	[tilespmem:$0x19400] =	vst v63  }
0x40f: {  	s19 =	simm.s32 $0x10400  }
0x410: {  	[tilespmem:s19], [sflag:$0x1] =	stream.indirect_vreg.gather [hbm4b:s6+s2], $0x80, v5, vm0, $0xb8;
	[tilespmem:$0x19400] =	vst v63  }
0x411: {  	s26 =	simm.s32 $0x10C00  }
0x412: {  	[tilespmem:s26], [sflag:$0x1] =	stream.indirect_vreg.gather [hbm4b:s7+s2], $0x80, v5, vm0, $0xb8;
	[tilespmem:$0x19400] =	vst v63  }
0x413: {  	_ =	swait.ge [sflag:s18], $0x8000  }
0x414: {  	[sflag:s18] =	ssyncset.done $0x0  }
0x415: {  	s10 =	simm.s32 $0x1400;
	s3 =	rddreg [dreg:$0x12];
	[sflag:s18] =	ssyncadd.s32 $0xFFFF8000  }
0x416: {  	[hbm4b:s3+s2] =	stream.linear.scatter [tilespmem:s10], [sflag:$0x2], $0x8000, $0x38;
	[tilespmem:$0x19400] =	vst v63  }
0x417: {  	_ =	swait.ge [sflag:s20], $0x8000  }
0x418: {  	[sflag:s20] =	ssyncset.done $0x0  }
0x419: {  	[sflag:s20] =	ssyncadd.s32 $0xFFFF8000  }
0x41a: {  	v9 =	vld [tilespmem:$0xC80];
	_ =	sdelay $0x4  }
0x41b: {  	v10 =	vshll.u32 v9, $0x3  }
0x41c: {  	v5 =	vand.u32 $0x7, v9;
	v6 =	vand.u32 $0xFFFFFFC0, v10  }
0x41d: {  	v5 =	vor.u32 v5, v6  }
0x41e: {  	v6 =	vperm.xlane v5, v2;
	_ =	sdelay $0x1  }
0x41f: {  	v6 =	vadd.s32 v3, v6;
	_ =	sdelay $0x3  }
0x420: {  	s29 =	simm.s32 $0x11400  }
0x421: {  	[tilespmem:s29], [sflag:$0x1] =	stream.indirect_vreg.gather [hbm4b:s4+s2], $0x80, v6, vm0, $0xb8;
	[tilespmem:$0x19400] =	vst v63  }
0x422: {  	s31 =	simm.s32 $0x11C00;
	v5 =	vperm.xlane v5, v4  }
0x423: {  	[tilespmem:s31], [sflag:$0x1] =	stream.indirect_vreg.gather [hbm4b:s5+s2], $0x80, v6, vm0, $0xb8;
	[tilespmem:$0x19400] =	vst v63  }
0x424: {  	s8 =	simm.s32 $0x12400;
	v5 =	vadd.s32 v3, v5  }
0x425: {  	[tilespmem:s8], [sflag:$0x1] =	stream.indirect_vreg.gather [hbm4b:s6+s2], $0x80, v6, vm0, $0xb8;
	[tilespmem:$0x19400] =	vst v63  }
0x426: {  	s8 =	simm.s32 $0x12C00  }
0x427: {  	[tilespmem:s8], [sflag:$0x1] =	stream.indirect_vreg.gather [hbm4b:s7+s2], $0x80, v6, vm0, $0xb8;
	[tilespmem:$0x19400] =	vst v63  }
0x428: {  	s10 =	simm.s32 $0x13400  }
0x429: {  	[tilespmem:s10], [sflag:$0x1] =	stream.indirect_vreg.gather [hbm4b:s4+s2], $0x80, v5, vm0, $0xb8;
	[tilespmem:$0x19400] =	vst v63  }
0x42a: {  	s30 =	simm.s32 $0x13C00  }
0x42b: {  	[tilespmem:s30], [sflag:$0x1] =	stream.indirect_vreg.gather [hbm4b:s5+s2], $0x80, v5, vm0, $0xb8;
	[tilespmem:$0x19400] =	vst v63  }
0x42c: {  	s10 =	simm.s32 $0x14400  }
0x42d: {  	[tilespmem:s10], [sflag:$0x1] =	stream.indirect_vreg.gather [hbm4b:s6+s2], $0x80, v5, vm0, $0xb8;
	[tilespmem:$0x19400] =	vst v63  }
0x42e: {  	s21 =	simm.s32 $0x14C00  }
0x42f: {  	[tilespmem:s21], [sflag:$0x1] =	stream.indirect_vreg.gather [hbm4b:s7+s2], $0x80, v5, vm0, $0xb8;
	[tilespmem:$0x19400] =	vst v63  }
0x430: {  	v5 =	vld [tilespmem:$0xC90];
	_ =	sdelay $0x4  }
0x431: {  	v11 =	vshll.u32 v5, $0x3  }
0x432: {  	v5 =	vand.u32 $0x7, v5;
	v6 =	vand.u32 $0xFFFFFFC0, v11  }
0x433: {  	v5 =	vor.u32 v5, v6  }
0x434: {  	v6 =	vperm.xlane v5, v2;
	_ =	sdelay $0x1  }
0x435: {  	v6 =	vadd.s32 v3, v6;
	_ =	sdelay $0x3  }
0x436: {  	s29 =	simm.s32 $0x15400  }
0x437: {  	[tilespmem:s29], [sflag:$0x1] =	stream.indirect_vreg.gather [hbm4b:s4+s2], $0x80, v6, vm0, $0xb8;
	[tilespmem:$0x19400] =	vst v63  }
0x438: {  	s31 =	simm.s32 $0x15C00;
	v5 =	vperm.xlane v5, v4  }
0x439: {  	[tilespmem:s31], [sflag:$0x1] =	stream.indirect_vreg.gather [hbm4b:s5+s2], $0x80, v6, vm0, $0xb8;
	[tilespmem:$0x19400] =	vst v63  }
0x43a: {  	v5 =	vadd.s32 v3, v5;
	s29 =	simm.s32 $0x16400  }
0x43b: {  	[tilespmem:s29], [sflag:$0x1] =	stream.indirect_vreg.gather [hbm4b:s6+s2], $0x80, v6, vm0, $0xb8;
	[tilespmem:$0x19400] =	vst v63  }
0x43c: {  	s31 =	simm.s32 $0x16C00  }
0x43d: {  	[tilespmem:s31], [sflag:$0x1] =	stream.indirect_vreg.gather [hbm4b:s7+s2], $0x80, v6, vm0, $0xb8;
	[tilespmem:$0x19400] =	vst v63  }
0x43e: {  	s3 =	simm.s32 $0x17400  }
0x43f: {  	[tilespmem:s3], [sflag:$0x1] =	stream.indirect_vreg.gather [hbm4b:s4+s2], $0x80, v5, vm0, $0xb8;
	[tilespmem:$0x19400] =	vst v63  }
0x440: {  	s21 =	simm.s32 $0x17C00  }
0x441: {  	[tilespmem:s21], [sflag:$0x1] =	stream.indirect_vreg.gather [hbm4b:s5+s2], $0x80, v5, vm0, $0xb8;
	[tilespmem:$0x19400] =	vst v63  }
0x442: {  	s3 =	simm.s32 $0x18400  }
0x443: {  	[tilespmem:s3], [sflag:$0x1] =	stream.indirect_vreg.gather [hbm4b:s6+s2], $0x80, v5, vm0, $0xb8;
	[tilespmem:$0x19400] =	vst v63  }
0x444: {  	s21 =	simm.s32 $0x18C00  }
0x445: {  	[tilespmem:s21], [sflag:$0x1] =	stream.indirect_vreg.gather [hbm4b:s7+s2], $0x80, v5, vm0, $0xb8;
	[tilespmem:$0x19400] =	vst v63  }
0x446: {  	_ =	swait.ge [sflag:s18], $0x8000  }
0x447: {  	[sflag:s18] =	ssyncset.done $0x0  }
0x448: {  	s0 =	simm.s32 $0x9400;
	s3 =	rddreg [dreg:$0x13];
	[sflag:s18] =	ssyncadd.s32 $0xFFFF8000  }
0x449: {  	[hbm4b:s3+s2] =	stream.linear.scatter [tilespmem:s0], [sflag:$0x2], $0x8000, $0x38;
	[tilespmem:$0x19400] =	vst v63  }
0x44a: {  	_ =	swait.ge [sflag:s20], $0x8000  }
0x44b: {  	[sflag:s20] =	ssyncset.done $0x0  }
0x44c: {  	[sflag:s20] =	ssyncadd.s32 $0xFFFF8000  }
0x44d: {  	v9 =	vld [tilespmem:$0xD00];
	_ =	sdelay $0x4  }
0x44e: {  	v10 =	vshll.u32 v9, $0x3  }
0x44f: {  	v5 =	vand.u32 $0x7, v9;
	v6 =	vand.u32 $0xFFFFFFC0, v10  }
0x450: {  	v5 =	vor.u32 v5, v6  }
0x451: {  	v6 =	vperm.xlane v5, v2;
	_ =	sdelay $0x1  }
0x452: {  	v6 =	vadd.s32 v3, v6;
	_ =	sdelay $0x3  }
0x453: {  	s1 =	simm.s32 $0x1400  }
0x454: {  	[tilespmem:s1], [sflag:$0x1] =	stream.indirect_vreg.gather [hbm4b:s4+s2], $0x80, v6, vm0, $0xb8;
	[tilespmem:$0x19400] =	vst v63  }
0x455: {  	s21 =	simm.s32 $0x1C00;
	v5 =	vperm.xlane v5, v4  }
0x456: {  	[tilespmem:s21], [sflag:$0x1] =	stream.indirect_vreg.gather [hbm4b:s5+s2], $0x80, v6, vm0, $0xb8;
	[tilespmem:$0x19400] =	vst v63  }
0x457: {  	v5 =	vadd.s32 v3, v5  }
0x458: {  	[tilespmem:s28], [sflag:$0x1] =	stream.indirect_vreg.gather [hbm4b:s6+s2], $0x80, v6, vm0, $0xb8;
	[tilespmem:$0x19400] =	vst v63  }
0x459: {  	s21 =	simm.s32 $0x2C00  }
0x45a: {  	[tilespmem:s21], [sflag:$0x1] =	stream.indirect_vreg.gather [hbm4b:s7+s2], $0x80, v6, vm0, $0xb8;
	[tilespmem:$0x19400] =	vst v63  }
0x45b: {  	s21 =	simm.s32 $0x3400  }
0x45c: {  	[tilespmem:s21], [sflag:$0x1] =	stream.indirect_vreg.gather [hbm4b:s4+s2], $0x80, v5, vm0, $0xb8;
	[tilespmem:$0x19400] =	vst v63  }
0x45d: {  	s21 =	simm.s32 $0x3C00  }
0x45e: {  	[tilespmem:s21], [sflag:$0x1] =	stream.indirect_vreg.gather [hbm4b:s5+s2], $0x80, v5, vm0, $0xb8;
	[tilespmem:$0x19400] =	vst v63  }
0x45f: {  	s21 =	simm.s32 $0x4400  }
0x460: {  	[tilespmem:s21], [sflag:$0x1] =	stream.indirect_vreg.gather [hbm4b:s6+s2], $0x80, v5, vm0, $0xb8;
	[tilespmem:$0x19400] =	vst v63  }
0x461: {  	s21 =	simm.s32 $0x4C00  }
0x462: {  	[tilespmem:s21], [sflag:$0x1] =	stream.indirect_vreg.gather [hbm4b:s7+s2], $0x80, v5, vm0, $0xb8;
	[tilespmem:$0x19400] =	vst v63  }
0x463: {  	v5 =	vld [tilespmem:$0xD10];
	_ =	sdelay $0x4  }
0x464: {  	v11 =	vshll.u32 v5, $0x3  }
0x465: {  	v5 =	vand.u32 $0x7, v5;
	v6 =	vand.u32 $0xFFFFFFC0, v11  }
0x466: {  	v5 =	vor.u32 v5, v6  }
0x467: {  	v6 =	vperm.xlane v5, v2;
	_ =	sdelay $0x1  }
0x468: {  	v6 =	vadd.s32 v3, v6;
	_ =	sdelay $0x3  }
0x469: {  	s21 =	simm.s32 $0x5400  }
0x46a: {  	[tilespmem:s21], [sflag:$0x1] =	stream.indirect_vreg.gather [hbm4b:s4+s2], $0x80, v6, vm0, $0xb8;
	[tilespmem:$0x19400] =	vst v63  }
0x46b: {  	v5 =	vperm.xlane v5, v4;
	s21 =	simm.s32 $0x5C00  }
0x46c: {  	[tilespmem:s21], [sflag:$0x1] =	stream.indirect_vreg.gather [hbm4b:s5+s2], $0x80, v6, vm0, $0xb8;
	[tilespmem:$0x19400] =	vst v63  }
0x46d: {  	v5 =	vadd.s32 v3, v5;
	s21 =	simm.s32 $0x6400  }
0x46e: {  	[tilespmem:s21], [sflag:$0x1] =	stream.indirect_vreg.gather [hbm4b:s6+s2], $0x80, v6, vm0, $0xb8;
	[tilespmem:$0x19400] =	vst v63  }
0x46f: {  	s21 =	simm.s32 $0x6C00  }
0x470: {  	[tilespmem:s21], [sflag:$0x1] =	stream.indirect_vreg.gather [hbm4b:s7+s2], $0x80, v6, vm0, $0xb8;
	[tilespmem:$0x19400] =	vst v63  }
0x471: {  	s21 =	simm.s32 $0x7400  }
0x472: {  	[tilespmem:s21], [sflag:$0x1] =	stream.indirect_vreg.gather [hbm4b:s4+s2], $0x80, v5, vm0, $0xb8;
	[tilespmem:$0x19400] =	vst v63  }
0x473: {  	s21 =	simm.s32 $0x7C00  }
0x474: {  	[tilespmem:s21], [sflag:$0x1] =	stream.indirect_vreg.gather [hbm4b:s5+s2], $0x80, v5, vm0, $0xb8;
	[tilespmem:$0x19400] =	vst v63  }
0x475: {  	s21 =	simm.s32 $0x8400  }
0x476: {  	[tilespmem:s21], [sflag:$0x1] =	stream.indirect_vreg.gather [hbm4b:s6+s2], $0x80, v5, vm0, $0xb8;
	[tilespmem:$0x19400] =	vst v63  }
0x477: {  	s21 =	simm.s32 $0x8C00  }
0x478: {  	[tilespmem:s21], [sflag:$0x1] =	stream.indirect_vreg.gather [hbm4b:s7+s2], $0x80, v5, vm0, $0xb8;
	[tilespmem:$0x19400] =	vst v63  }
0x479: {  	_ =	swait.ge [sflag:s18], $0x8000  }
0x47a: {  	[sflag:s18] =	ssyncset.done $0x0  }
0x47b: {  	s1 =	simm.s32 $0x11400;
	s21 =	rddreg [dreg:$0x14];
	[sflag:s18] =	ssyncadd.s32 $0xFFFF8000  }
0x47c: {  	[hbm4b:s21+s2] =	stream.linear.scatter [tilespmem:s1], [sflag:$0x2], $0x8000, $0x38;
	[tilespmem:$0x19400] =	vst v63  }
0x47d: {  	_ =	swait.ge [sflag:s20], $0x8000  }
0x47e: {  	[sflag:s20] =	ssyncset.done $0x0  }
0x47f: {  	[sflag:s20] =	ssyncadd.s32 $0xFFFF8000  }
0x480: {  	v9 =	vld [tilespmem:$0xD80];
	_ =	sdelay $0x4  }
0x481: {  	v10 =	vshll.u32 v9, $0x3  }
0x482: {  	v5 =	vand.u32 $0x7, v9;
	v6 =	vand.u32 $0xFFFFFFC0, v10  }
0x483: {  	v5 =	vor.u32 v5, v6  }
0x484: {  	v6 =	vperm.xlane v5, v2;
	_ =	sdelay $0x1  }
0x485: {  	v6 =	vadd.s32 v3, v6;
	_ =	sdelay $0x4  }
0x486: {  	[tilespmem:s0], [sflag:$0x1] =	stream.indirect_vreg.gather [hbm4b:s4+s2], $0x80, v6, vm0, $0xb8;
	[tilespmem:$0x19400] =	vst v63  }
0x487: {  	v5 =	vperm.xlane v5, v4  }
0x488: {  	[tilespmem:s22], [sflag:$0x1] =	stream.indirect_vreg.gather [hbm4b:s5+s2], $0x80, v6, vm0, $0xb8;
	[tilespmem:$0x19400] =	vst v63  }
0x489: {  	s21 =	simm.s32 $0xA400;
	v5 =	vadd.s32 v3, v5  }
0x48a: {  	[tilespmem:s21], [sflag:$0x1] =	stream.indirect_vreg.gather [hbm4b:s6+s2], $0x80, v6, vm0, $0xb8;
	[tilespmem:$0x19400] =	vst v63  }
0x48b: {  	_ = 	snop  }
0x48c: {  	[tilespmem:s9], [sflag:$0x1] =	stream.indirect_vreg.gather [hbm4b:s7+s2], $0x80, v6, vm0, $0xb8;
	[tilespmem:$0x19400] =	vst v63  }
0x48d: {  	_ = 	snop  }
0x48e: {  	[tilespmem:s11], [sflag:$0x1] =	stream.indirect_vreg.gather [hbm4b:s4+s2], $0x80, v5, vm0, $0xb8;
	[tilespmem:$0x19400] =	vst v63  }
0x48f: {  	_ = 	snop  }
0x490: {  	[tilespmem:s12], [sflag:$0x1] =	stream.indirect_vreg.gather [hbm4b:s5+s2], $0x80, v5, vm0, $0xb8;
	[tilespmem:$0x19400] =	vst v63  }
0x491: {  	_ = 	snop  }
0x492: {  	[tilespmem:s13], [sflag:$0x1] =	stream.indirect_vreg.gather [hbm4b:s6+s2], $0x80, v5, vm0, $0xb8;
	[tilespmem:$0x19400] =	vst v63  }
0x493: {  	_ = 	snop  }
0x494: {  	[tilespmem:s23], [sflag:$0x1] =	stream.indirect_vreg.gather [hbm4b:s7+s2], $0x80, v5, vm0, $0xb8;
	[tilespmem:$0x19400] =	vst v63  }
0x495: {  	v5 =	vld [tilespmem:$0xD90];
	_ =	sdelay $0x4  }
0x496: {  	v11 =	vshll.u32 v5, $0x3  }
0x497: {  	v5 =	vand.u32 $0x7, v5;
	v6 =	vand.u32 $0xFFFFFFC0, v11  }
0x498: {  	v5 =	vor.u32 v5, v6  }
0x499: {  	v6 =	vperm.xlane v5, v2;
	_ =	sdelay $0x1  }
0x49a: {  	v6 =	vadd.s32 v3, v6;
	_ =	sdelay $0x4  }
0x49b: {  	[tilespmem:s24], [sflag:$0x1] =	stream.indirect_vreg.gather [hbm4b:s4+s2], $0x80, v6, vm0, $0xb8;
	[tilespmem:$0x19400] =	vst v63  }
0x49c: {  	v5 =	vperm.xlane v5, v4  }
0x49d: {  	[tilespmem:s25], [sflag:$0x1] =	stream.indirect_vreg.gather [hbm4b:s5+s2], $0x80, v6, vm0, $0xb8;
	[tilespmem:$0x19400] =	vst v63  }
0x49e: {  	v5 =	vadd.s32 v3, v5  }
0x49f: {  	[tilespmem:s14], [sflag:$0x1] =	stream.indirect_vreg.gather [hbm4b:s6+s2], $0x80, v6, vm0, $0xb8;
	[tilespmem:$0x19400] =	vst v63  }
0x4a0: {  	_ = 	snop  }
0x4a1: {  	[tilespmem:s15], [sflag:$0x1] =	stream.indirect_vreg.gather [hbm4b:s7+s2], $0x80, v6, vm0, $0xb8;
	[tilespmem:$0x19400] =	vst v63  }
0x4a2: {  	_ = 	snop  }
0x4a3: {  	[tilespmem:s16], [sflag:$0x1] =	stream.indirect_vreg.gather [hbm4b:s4+s2], $0x80, v5, vm0, $0xb8;
	[tilespmem:$0x19400] =	vst v63  }
0x4a4: {  	_ = 	snop  }
0x4a5: {  	[tilespmem:s17], [sflag:$0x1] =	stream.indirect_vreg.gather [hbm4b:s5+s2], $0x80, v5, vm0, $0xb8;
	[tilespmem:$0x19400] =	vst v63  }
0x4a6: {  	_ = 	snop  }
0x4a7: {  	[tilespmem:s19], [sflag:$0x1] =	stream.indirect_vreg.gather [hbm4b:s6+s2], $0x80, v5, vm0, $0xb8;
	[tilespmem:$0x19400] =	vst v63  }
0x4a8: {  	_ = 	snop  }
0x4a9: {  	[tilespmem:s26], [sflag:$0x1] =	stream.indirect_vreg.gather [hbm4b:s7+s2], $0x80, v5, vm0, $0xb8;
	[tilespmem:$0x19400] =	vst v63  }
0x4aa: {  	_ =	swait.ge [sflag:s18], $0x8000  }
0x4ab: {  	[sflag:s18] =	ssyncset.done $0x0  }
0x4ac: {  	s3 =	simm.s32 $0x1400;
	s26 =	rddreg [dreg:$0x15];
	[sflag:s18] =	ssyncadd.s32 $0xFFFF8000  }
0x4ad: {  	[hbm4b:s26+s2] =	stream.linear.scatter [tilespmem:s3], [sflag:$0x2], $0x8000, $0x38;
	[tilespmem:$0x19400] =	vst v63  }
0x4ae: {  	_ =	swait.ge [sflag:s20], $0x8000  }
0x4af: {  	[sflag:s20] =	ssyncset.done $0x0  }
0x4b0: {  	[sflag:s20] =	ssyncadd.s32 $0xFFFF8000  }
0x4b1: {  	v9 =	vld [tilespmem:$0xE00];
	_ =	sdelay $0x4  }
0x4b2: {  	v10 =	vshll.u32 v9, $0x3  }
0x4b3: {  	v5 =	vand.u32 $0x7, v9;
	v6 =	vand.u32 $0xFFFFFFC0, v10  }
0x4b4: {  	v5 =	vor.u32 v5, v6  }
0x4b5: {  	v6 =	vperm.xlane v5, v2;
	_ =	sdelay $0x1  }
0x4b6: {  	v6 =	vadd.s32 v3, v6;
	_ =	sdelay $0x4  }
0x4b7: {  	[tilespmem:s1], [sflag:$0x1] =	stream.indirect_vreg.gather [hbm4b:s4+s2], $0x80, v6, vm0, $0xb8;
	[tilespmem:$0x19400] =	vst v63  }
0x4b8: {  	s11 =	simm.s32 $0x11C00;
	v5 =	vperm.xlane v5, v4  }
0x4b9: {  	[tilespmem:s11], [sflag:$0x1] =	stream.indirect_vreg.gather [hbm4b:s5+s2], $0x80, v6, vm0, $0xb8;
	[tilespmem:$0x19400] =	vst v63  }
0x4ba: {  	s12 =	simm.s32 $0x12400;
	v5 =	vadd.s32 v3, v5  }
0x4bb: {  	[tilespmem:s12], [sflag:$0x1] =	stream.indirect_vreg.gather [hbm4b:s6+s2], $0x80, v6, vm0, $0xb8;
	[tilespmem:$0x19400] =	vst v63  }
0x4bc: {  	_ = 	snop  }
0x4bd: {  	[tilespmem:s8], [sflag:$0x1] =	stream.indirect_vreg.gather [hbm4b:s7+s2], $0x80, v6, vm0, $0xb8;
	[tilespmem:$0x19400] =	vst v63  }
0x4be: {  	s13 =	simm.s32 $0x13400  }
0x4bf: {  	[tilespmem:s13], [sflag:$0x1] =	stream.indirect_vreg.gather [hbm4b:s4+s2], $0x80, v5, vm0, $0xb8;
	[tilespmem:$0x19400] =	vst v63  }
0x4c0: {  	_ = 	snop  }
0x4c1: {  	[tilespmem:s30], [sflag:$0x1] =	stream.indirect_vreg.gather [hbm4b:s5+s2], $0x80, v5, vm0, $0xb8;
	[tilespmem:$0x19400] =	vst v63  }
0x4c2: {  	_ = 	snop  }
0x4c3: {  	[tilespmem:s10], [sflag:$0x1] =	stream.indirect_vreg.gather [hbm4b:s6+s2], $0x80, v5, vm0, $0xb8;
	[tilespmem:$0x19400] =	vst v63  }
0x4c4: {  	s14 =	simm.s32 $0x14C00  }
0x4c5: {  	[tilespmem:s14], [sflag:$0x1] =	stream.indirect_vreg.gather [hbm4b:s7+s2], $0x80, v5, vm0, $0xb8;
	[tilespmem:$0x19400] =	vst v63  }
0x4c6: {  	v5 =	vld [tilespmem:$0xE10];
	_ =	sdelay $0x4  }
0x4c7: {  	v11 =	vshll.u32 v5, $0x3  }
0x4c8: {  	v5 =	vand.u32 $0x7, v5;
	v6 =	vand.u32 $0xFFFFFFC0, v11  }
0x4c9: {  	v5 =	vor.u32 v5, v6  }
0x4ca: {  	v6 =	vperm.xlane v5, v2;
	_ =	sdelay $0x1  }
0x4cb: {  	v6 =	vadd.s32 v3, v6;
	_ =	sdelay $0x3  }
0x4cc: {  	s15 =	simm.s32 $0x15400  }
0x4cd: {  	[tilespmem:s15], [sflag:$0x1] =	stream.indirect_vreg.gather [hbm4b:s4+s2], $0x80, v6, vm0, $0xb8;
	[tilespmem:$0x19400] =	vst v63  }
0x4ce: {  	s16 =	simm.s32 $0x15C00;
	v5 =	vperm.xlane v5, v4  }
0x4cf: {  	[tilespmem:s16], [sflag:$0x1] =	stream.indirect_vreg.gather [hbm4b:s5+s2], $0x80, v6, vm0, $0xb8;
	[tilespmem:$0x19400] =	vst v63  }
0x4d0: {  	v5 =	vadd.s32 v3, v5  }
0x4d1: {  	[tilespmem:s29], [sflag:$0x1] =	stream.indirect_vreg.gather [hbm4b:s6+s2], $0x80, v6, vm0, $0xb8;
	[tilespmem:$0x19400] =	vst v63  }
0x4d2: {  	_ = 	snop  }
0x4d3: {  	[tilespmem:s31], [sflag:$0x1] =	stream.indirect_vreg.gather [hbm4b:s7+s2], $0x80, v6, vm0, $0xb8;
	[tilespmem:$0x19400] =	vst v63  }
0x4d4: {  	s29 =	simm.s32 $0x17400  }
0x4d5: {  	[tilespmem:s29], [sflag:$0x1] =	stream.indirect_vreg.gather [hbm4b:s4+s2], $0x80, v5, vm0, $0xb8;
	[tilespmem:$0x19400] =	vst v63  }
0x4d6: {  	s30 =	simm.s32 $0x17C00  }
0x4d7: {  	[tilespmem:s30], [sflag:$0x1] =	stream.indirect_vreg.gather [hbm4b:s5+s2], $0x80, v5, vm0, $0xb8;
	[tilespmem:$0x19400] =	vst v63  }
0x4d8: {  	s31 =	simm.s32 $0x18400  }
0x4d9: {  	[tilespmem:s31], [sflag:$0x1] =	stream.indirect_vreg.gather [hbm4b:s6+s2], $0x80, v5, vm0, $0xb8;
	[tilespmem:$0x19400] =	vst v63  }
0x4da: {  	s17 =	simm.s32 $0x18C00  }
0x4db: {  	[tilespmem:s17], [sflag:$0x1] =	stream.indirect_vreg.gather [hbm4b:s7+s2], $0x80, v5, vm0, $0xb8;
	[tilespmem:$0x19400] =	vst v63  }
0x4dc: {  	_ =	swait.ge [sflag:s18], $0x8000  }
0x4dd: {  	[sflag:s18] =	ssyncset.done $0x0  }
0x4de: {  	s0 =	simm.s32 $0x9400;
	s19 =	rddreg [dreg:$0x16];
	[sflag:s18] =	ssyncadd.s32 $0xFFFF8000  }
0x4df: {  	[hbm4b:s19+s2] =	stream.linear.scatter [tilespmem:s0], [sflag:$0x2], $0x8000, $0x38;
	[tilespmem:$0x19400] =	vst v63  }
0x4e0: {  	_ =	swait.ge [sflag:s20], $0x8000  }
0x4e1: {  	[sflag:s20] =	ssyncset.done $0x0  }
0x4e2: {  	[sflag:s20] =	ssyncadd.s32 $0xFFFF8000  }
0x4e3: {  	v9 =	vld [tilespmem:$0xE80];
	_ =	sdelay $0x4  }
0x4e4: {  	v10 =	vshll.u32 v9, $0x3  }
0x4e5: {  	v5 =	vand.u32 $0x7, v9;
	v6 =	vand.u32 $0xFFFFFFC0, v10  }
0x4e6: {  	v5 =	vor.u32 v5, v6  }
0x4e7: {  	v6 =	vperm.xlane v5, v2;
	_ =	sdelay $0x1  }
0x4e8: {  	v6 =	vadd.s32 v3, v6;
	_ =	sdelay $0x3  }
0x4e9: {  	s9 =	simm.s32 $0x1400  }
0x4ea: {  	[tilespmem:s9], [sflag:$0x1] =	stream.indirect_vreg.gather [hbm4b:s4+s2], $0x80, v6, vm0, $0xb8;
	[tilespmem:$0x19400] =	vst v63  }
0x4eb: {  	s10 =	simm.s32 $0x1C00;
	v5 =	vperm.xlane v5, v4  }
0x4ec: {  	[tilespmem:s10], [sflag:$0x1] =	stream.indirect_vreg.gather [hbm4b:s5+s2], $0x80, v6, vm0, $0xb8;
	[tilespmem:$0x19400] =	vst v63  }
0x4ed: {  	s28 =	simm.s32 $0x2400;
	v5 =	vadd.s32 v3, v5  }
0x4ee: {  	[tilespmem:s28], [sflag:$0x1] =	stream.indirect_vreg.gather [hbm4b:s6+s2], $0x80, v6, vm0, $0xb8;
	[tilespmem:$0x19400] =	vst v63  }
0x4ef: {  	s21 =	simm.s32 $0x2C00  }
0x4f0: {  	[tilespmem:s21], [sflag:$0x1] =	stream.indirect_vreg.gather [hbm4b:s7+s2], $0x80, v6, vm0, $0xb8;
	[tilespmem:$0x19400] =	vst v63  }
0x4f1: {  	s25 =	simm.s32 $0x3400  }
0x4f2: {  	[tilespmem:s25], [sflag:$0x1] =	stream.indirect_vreg.gather [hbm4b:s4+s2], $0x80, v5, vm0, $0xb8;
	[tilespmem:$0x19400] =	vst v63  }
0x4f3: {  	s3 =	simm.s32 $0x3C00  }
0x4f4: {  	[tilespmem:s3], [sflag:$0x1] =	stream.indirect_vreg.gather [hbm4b:s5+s2], $0x80, v5, vm0, $0xb8;
	[tilespmem:$0x19400] =	vst v63  }
0x4f5: {  	s8 =	simm.s32 $0x4400  }
0x4f6: {  	[tilespmem:s8], [sflag:$0x1] =	stream.indirect_vreg.gather [hbm4b:s6+s2], $0x80, v5, vm0, $0xb8;
	[tilespmem:$0x19400] =	vst v63  }
0x4f7: {  	s11 =	simm.s32 $0x4C00  }
0x4f8: {  	[tilespmem:s11], [sflag:$0x1] =	stream.indirect_vreg.gather [hbm4b:s7+s2], $0x80, v5, vm0, $0xb8;
	[tilespmem:$0x19400] =	vst v63  }
0x4f9: {  	v5 =	vld [tilespmem:$0xE90];
	_ =	sdelay $0x4  }
0x4fa: {  	v11 =	vshll.u32 v5, $0x3  }
0x4fb: {  	v5 =	vand.u32 $0x7, v5;
	v6 =	vand.u32 $0xFFFFFFC0, v11  }
0x4fc: {  	v5 =	vor.u32 v5, v6  }
0x4fd: {  	v6 =	vperm.xlane v5, v2;
	_ =	sdelay $0x1  }
0x4fe: {  	v6 =	vadd.s32 v3, v6;
	_ =	sdelay $0x3  }
0x4ff: {  	s12 =	simm.s32 $0x5400  }
0x500: {  	[tilespmem:s12], [sflag:$0x1] =	stream.indirect_vreg.gather [hbm4b:s4+s2], $0x80, v6, vm0, $0xb8;
	[tilespmem:$0x19400] =	vst v63  }
0x501: {  	s13 =	simm.s32 $0x5C00;
	v5 =	vperm.xlane v5, v4  }
0x502: {  	[tilespmem:s13], [sflag:$0x1] =	stream.indirect_vreg.gather [hbm4b:s5+s2], $0x80, v6, vm0, $0xb8;
	[tilespmem:$0x19400] =	vst v63  }
0x503: {  	s9 =	simm.s32 $0x6400;
	v5 =	vadd.s32 v3, v5  }
0x504: {  	[tilespmem:s9], [sflag:$0x1] =	stream.indirect_vreg.gather [hbm4b:s6+s2], $0x80, v6, vm0, $0xb8;
	[tilespmem:$0x19400] =	vst v63  }
0x505: {  	s14 =	simm.s32 $0x6C00  }
0x506: {  	[tilespmem:s14], [sflag:$0x1] =	stream.indirect_vreg.gather [hbm4b:s7+s2], $0x80, v6, vm0, $0xb8;
	[tilespmem:$0x19400] =	vst v63  }
0x507: {  	s15 =	simm.s32 $0x7400  }
0x508: {  	[tilespmem:s15], [sflag:$0x1] =	stream.indirect_vreg.gather [hbm4b:s4+s2], $0x80, v5, vm0, $0xb8;
	[tilespmem:$0x19400] =	vst v63  }
0x509: {  	s16 =	simm.s32 $0x7C00  }
0x50a: {  	[tilespmem:s16], [sflag:$0x1] =	stream.indirect_vreg.gather [hbm4b:s5+s2], $0x80, v5, vm0, $0xb8;
	[tilespmem:$0x19400] =	vst v63  }
0x50b: {  	s17 =	simm.s32 $0x8400  }
0x50c: {  	[tilespmem:s17], [sflag:$0x1] =	stream.indirect_vreg.gather [hbm4b:s6+s2], $0x80, v5, vm0, $0xb8;
	[tilespmem:$0x19400] =	vst v63  }
0x50d: {  	s19 =	simm.s32 $0x8C00  }
0x50e: {  	[tilespmem:s19], [sflag:$0x1] =	stream.indirect_vreg.gather [hbm4b:s7+s2], $0x80, v5, vm0, $0xb8;
	[tilespmem:$0x19400] =	vst v63  }
0x50f: {  	_ =	swait.ge [sflag:s18], $0x8000  }
0x510: {  	[sflag:s18] =	ssyncset.done $0x0  }
0x511: {  	s24 =	simm.s32 $0x11400;
	s26 =	rddreg [dreg:$0x17];
	[sflag:s18] =	ssyncadd.s32 $0xFFFF8000  }
0x512: {  	[hbm4b:s26+s2] =	stream.linear.scatter [tilespmem:s24], [sflag:$0x2], $0x8000, $0x38;
	[tilespmem:$0x19400] =	vst v63  }
0x513: {  	_ =	swait.ge [sflag:s20], $0x8000  }
0x514: {  	[sflag:s20] =	ssyncset.done $0x0  }
0x515: {  	[sflag:s20] =	ssyncadd.s32 $0xFFFF8000  }
0x516: {  	v9 =	vld [tilespmem:$0xF00];
	_ =	sdelay $0x4  }
0x517: {  	v10 =	vshll.u32 v9, $0x3  }
0x518: {  	v5 =	vand.u32 $0x7, v9;
	v6 =	vand.u32 $0xFFFFFFC0, v10  }
0x519: {  	v5 =	vor.u32 v5, v6  }
0x51a: {  	v6 =	vperm.xlane v5, v2;
	_ =	sdelay $0x1  }
0x51b: {  	v6 =	vadd.s32 v3, v6;
	_ =	sdelay $0x3  }
0x51c: {  	s23 =	simm.s32 $0x9400  }
0x51d: {  	[tilespmem:s23], [sflag:$0x1] =	stream.indirect_vreg.gather [hbm4b:s4+s2], $0x80, v6, vm0, $0xb8;
	[tilespmem:$0x19400] =	vst v63  }
0x51e: {  	s22 =	simm.s32 $0x9C00;
	v5 =	vperm.xlane v5, v4  }
0x51f: {  	[tilespmem:s22], [sflag:$0x1] =	stream.indirect_vreg.gather [hbm4b:s5+s2], $0x80, v6, vm0, $0xb8;
	[tilespmem:$0x19400] =	vst v63  }
0x520: {  	s24 =	simm.s32 $0xA400;
	v5 =	vadd.s32 v3, v5  }
0x521: {  	[tilespmem:s24], [sflag:$0x1] =	stream.indirect_vreg.gather [hbm4b:s6+s2], $0x80, v6, vm0, $0xb8;
	[tilespmem:$0x19400] =	vst v63  }
0x522: {  	s25 =	simm.s32 $0xAC00  }
0x523: {  	[tilespmem:s25], [sflag:$0x1] =	stream.indirect_vreg.gather [hbm4b:s7+s2], $0x80, v6, vm0, $0xb8;
	[tilespmem:$0x19400] =	vst v63  }
0x524: {  	s26 =	simm.s32 $0xB400  }
0x525: {  	[tilespmem:s26], [sflag:$0x1] =	stream.indirect_vreg.gather [hbm4b:s4+s2], $0x80, v5, vm0, $0xb8;
	[tilespmem:$0x19400] =	vst v63  }
0x526: {  	s22 =	simm.s32 $0xBC00  }
0x527: {  	[tilespmem:s22], [sflag:$0x1] =	stream.indirect_vreg.gather [hbm4b:s5+s2], $0x80, v5, vm0, $0xb8;
	[tilespmem:$0x19400] =	vst v63  }
0x528: {  	s23 =	simm.s32 $0xC400  }
0x529: {  	[tilespmem:s23], [sflag:$0x1] =	stream.indirect_vreg.gather [hbm4b:s6+s2], $0x80, v5, vm0, $0xb8;
	[tilespmem:$0x19400] =	vst v63  }
0x52a: {  	s28 =	simm.s32 $0xCC00  }
0x52b: {  	[tilespmem:s28], [sflag:$0x1] =	stream.indirect_vreg.gather [hbm4b:s7+s2], $0x80, v5, vm0, $0xb8;
	[tilespmem:$0x19400] =	vst v63  }
0x52c: {  	v5 =	vld [tilespmem:$0xF10];
	_ =	sdelay $0x4  }
0x52d: {  	v11 =	vshll.u32 v5, $0x3  }
0x52e: {  	v5 =	vand.u32 $0x7, v5;
	v6 =	vand.u32 $0xFFFFFFC0, v11  }
0x52f: {  	v5 =	vor.u32 v5, v6  }
0x530: {  	v6 =	vperm.xlane v5, v2;
	_ =	sdelay $0x1  }
0x531: {  	v6 =	vadd.s32 v3, v6;
	_ =	sdelay $0x3  }
0x532: {  	s21 =	simm.s32 $0xD400  }
0x533: {  	[tilespmem:s21], [sflag:$0x1] =	stream.indirect_vreg.gather [hbm4b:s4+s2], $0x80, v6, vm0, $0xb8;
	[tilespmem:$0x19400] =	vst v63  }
0x534: {  	s28 =	simm.s32 $0xDC00;
	v5 =	vperm.xlane v5, v4  }
0x535: {  	[tilespmem:s28], [sflag:$0x1] =	stream.indirect_vreg.gather [hbm4b:s5+s2], $0x80, v6, vm0, $0xb8;
	[tilespmem:$0x19400] =	vst v63  }
0x536: {  	v5 =	vadd.s32 v3, v5;
	s28 =	simm.s32 $0xE400  }
0x537: {  	[tilespmem:s28], [sflag:$0x1] =	stream.indirect_vreg.gather [hbm4b:s6+s2], $0x80, v6, vm0, $0xb8;
	[tilespmem:$0x19400] =	vst v63  }
0x538: {  	s21 =	simm.s32 $0xEC00  }
0x539: {  	[tilespmem:s21], [sflag:$0x1] =	stream.indirect_vreg.gather [hbm4b:s7+s2], $0x80, v6, vm0, $0xb8;
	[tilespmem:$0x19400] =	vst v63  }
0x53a: {  	s21 =	simm.s32 $0xF400  }
0x53b: {  	[tilespmem:s21], [sflag:$0x1] =	stream.indirect_vreg.gather [hbm4b:s4+s2], $0x80, v5, vm0, $0xb8;
	[tilespmem:$0x19400] =	vst v63  }
0x53c: {  	s21 =	simm.s32 $0xFC00  }
0x53d: {  	[tilespmem:s21], [sflag:$0x1] =	stream.indirect_vreg.gather [hbm4b:s5+s2], $0x80, v5, vm0, $0xb8;
	[tilespmem:$0x19400] =	vst v63  }
0x53e: {  	s21 =	simm.s32 $0x10400  }
0x53f: {  	[tilespmem:s21], [sflag:$0x1] =	stream.indirect_vreg.gather [hbm4b:s6+s2], $0x80, v5, vm0, $0xb8;
	[tilespmem:$0x19400] =	vst v63  }
0x540: {  	s21 =	simm.s32 $0x10C00  }
0x541: {  	[tilespmem:s21], [sflag:$0x1] =	stream.indirect_vreg.gather [hbm4b:s7+s2], $0x80, v5, vm0, $0xb8;
	[tilespmem:$0x19400] =	vst v63  }
0x542: {  	_ =	swait.ge [sflag:s18], $0x8000  }
0x543: {  	[sflag:s18] =	ssyncset.done $0x0  }
0x544: {  	s0 =	simm.s32 $0x1400;
	s21 =	rddreg [dreg:$0x18];
	[sflag:s18] =	ssyncadd.s32 $0xFFFF8000  }
0x545: {  	[hbm4b:s21+s2] =	stream.linear.scatter [tilespmem:s0], [sflag:$0x2], $0x8000, $0x38;
	[tilespmem:$0x19400] =	vst v63  }
0x546: {  	_ =	swait.ge [sflag:s20], $0x8000  }
0x547: {  	[sflag:s20] =	ssyncset.done $0x0  }
0x548: {  	[sflag:s20] =	ssyncadd.s32 $0xFFFF8000  }
0x549: {  	v9 =	vld [tilespmem:$0xF80];
	_ =	sdelay $0x4  }
0x54a: {  	v10 =	vshll.u32 v9, $0x3  }
0x54b: {  	v5 =	vand.u32 $0x7, v9;
	v6 =	vand.u32 $0xFFFFFFC0, v10  }
0x54c: {  	v5 =	vor.u32 v5, v6  }
0x54d: {  	v6 =	vperm.xlane v5, v2;
	_ =	sdelay $0x1  }
0x54e: {  	v6 =	vadd.s32 v3, v6;
	_ =	sdelay $0x3  }
0x54f: {  	s1 =	simm.s32 $0x11400  }
0x550: {  	[tilespmem:s1], [sflag:$0x1] =	stream.indirect_vreg.gather [hbm4b:s4+s2], $0x80, v6, vm0, $0xb8;
	[tilespmem:$0x19400] =	vst v63  }
0x551: {  	s21 =	simm.s32 $0x11C00;
	v5 =	vperm.xlane v5, v4  }
0x552: {  	[tilespmem:s21], [sflag:$0x1] =	stream.indirect_vreg.gather [hbm4b:s5+s2], $0x80, v6, vm0, $0xb8;
	[tilespmem:$0x19400] =	vst v63  }
0x553: {  	v5 =	vadd.s32 v3, v5;
	s21 =	simm.s32 $0x12400  }
0x554: {  	[tilespmem:s21], [sflag:$0x1] =	stream.indirect_vreg.gather [hbm4b:s6+s2], $0x80, v6, vm0, $0xb8;
	[tilespmem:$0x19400] =	vst v63  }
0x555: {  	s21 =	simm.s32 $0x12C00  }
0x556: {  	[tilespmem:s21], [sflag:$0x1] =	stream.indirect_vreg.gather [hbm4b:s7+s2], $0x80, v6, vm0, $0xb8;
	[tilespmem:$0x19400] =	vst v63  }
0x557: {  	s21 =	simm.s32 $0x13400  }
0x558: {  	[tilespmem:s21], [sflag:$0x1] =	stream.indirect_vreg.gather [hbm4b:s4+s2], $0x80, v5, vm0, $0xb8;
	[tilespmem:$0x19400] =	vst v63  }
0x559: {  	s21 =	simm.s32 $0x13C00  }
0x55a: {  	[tilespmem:s21], [sflag:$0x1] =	stream.indirect_vreg.gather [hbm4b:s5+s2], $0x80, v5, vm0, $0xb8;
	[tilespmem:$0x19400] =	vst v63  }
0x55b: {  	s21 =	simm.s32 $0x14400  }
0x55c: {  	[tilespmem:s21], [sflag:$0x1] =	stream.indirect_vreg.gather [hbm4b:s6+s2], $0x80, v5, vm0, $0xb8;
	[tilespmem:$0x19400] =	vst v63  }
0x55d: {  	s21 =	simm.s32 $0x14C00  }
0x55e: {  	[tilespmem:s21], [sflag:$0x1] =	stream.indirect_vreg.gather [hbm4b:s7+s2], $0x80, v5, vm0, $0xb8;
	[tilespmem:$0x19400] =	vst v63  }
0x55f: {  	v5 =	vld [tilespmem:$0xF90];
	_ =	sdelay $0x4  }
0x560: {  	v11 =	vshll.u32 v5, $0x3  }
0x561: {  	v5 =	vand.u32 $0x7, v5;
	v6 =	vand.u32 $0xFFFFFFC0, v11  }
0x562: {  	v5 =	vor.u32 v5, v6  }
0x563: {  	v6 =	vperm.xlane v5, v2;
	_ =	sdelay $0x1  }
0x564: {  	v6 =	vadd.s32 v3, v6;
	_ =	sdelay $0x3  }
0x565: {  	s21 =	simm.s32 $0x15400  }
0x566: {  	[tilespmem:s21], [sflag:$0x1] =	stream.indirect_vreg.gather [hbm4b:s4+s2], $0x80, v6, vm0, $0xb8;
	[tilespmem:$0x19400] =	vst v63  }
0x567: {  	v5 =	vperm.xlane v5, v4;
	s21 =	simm.s32 $0x15C00  }
0x568: {  	[tilespmem:s21], [sflag:$0x1] =	stream.indirect_vreg.gather [hbm4b:s5+s2], $0x80, v6, vm0, $0xb8;
	[tilespmem:$0x19400] =	vst v63  }
0x569: {  	v5 =	vadd.s32 v3, v5;
	s21 =	simm.s32 $0x16400  }
0x56a: {  	[tilespmem:s21], [sflag:$0x1] =	stream.indirect_vreg.gather [hbm4b:s6+s2], $0x80, v6, vm0, $0xb8;
	[tilespmem:$0x19400] =	vst v63  }
0x56b: {  	s21 =	simm.s32 $0x16C00  }
0x56c: {  	[tilespmem:s21], [sflag:$0x1] =	stream.indirect_vreg.gather [hbm4b:s7+s2], $0x80, v6, vm0, $0xb8;
	[tilespmem:$0x19400] =	vst v63  }
0x56d: {  	_ = 	snop  }
0x56e: {  	[tilespmem:s29], [sflag:$0x1] =	stream.indirect_vreg.gather [hbm4b:s4+s2], $0x80, v5, vm0, $0xb8;
	[tilespmem:$0x19400] =	vst v63  }
0x56f: {  	_ = 	snop  }
0x570: {  	[tilespmem:s30], [sflag:$0x1] =	stream.indirect_vreg.gather [hbm4b:s5+s2], $0x80, v5, vm0, $0xb8;
	[tilespmem:$0x19400] =	vst v63  }
0x571: {  	_ = 	snop  }
0x572: {  	[tilespmem:s31], [sflag:$0x1] =	stream.indirect_vreg.gather [hbm4b:s6+s2], $0x80, v5, vm0, $0xb8;
	[tilespmem:$0x19400] =	vst v63  }
0x573: {  	s30 =	simm.s32 $0x18C00  }
0x574: {  	[tilespmem:s30], [sflag:$0x1] =	stream.indirect_vreg.gather [hbm4b:s7+s2], $0x80, v5, vm0, $0xb8;
	[tilespmem:$0x19400] =	vst v63  }
0x575: {  	_ =	swait.ge [sflag:s18], $0x8000  }
0x576: {  	[sflag:s18] =	ssyncset.done $0x0  }
0x577: {  	s1 =	simm.s32 $0x9400;
	s31 =	rddreg [dreg:$0x19];
	[sflag:s18] =	ssyncadd.s32 $0xFFFF8000  }
0x578: {  	[hbm4b:s31+s2] =	stream.linear.scatter [tilespmem:s1], [sflag:$0x2], $0x8000, $0x38;
	[tilespmem:$0x19400] =	vst v63  }
0x579: {  	_ =	swait.ge [sflag:s20], $0x8000  }
0x57a: {  	[sflag:s20] =	ssyncset.done $0x0  }
0x57b: {  	[sflag:s20] =	ssyncadd.s32 $0xFFFF8000  }
0x57c: {  	v9 =	vld [tilespmem:$0x1000];
	_ =	sdelay $0x4  }
0x57d: {  	v10 =	vshll.u32 v9, $0x3  }
0x57e: {  	v5 =	vand.u32 $0x7, v9;
	v6 =	vand.u32 $0xFFFFFFC0, v10  }
0x57f: {  	v5 =	vor.u32 v5, v6  }
0x580: {  	v6 =	vperm.xlane v5, v2;
	_ =	sdelay $0x1  }
0x581: {  	v6 =	vadd.s32 v3, v6;
	_ =	sdelay $0x4  }
0x582: {  	[tilespmem:s0], [sflag:$0x1] =	stream.indirect_vreg.gather [hbm4b:s4+s2], $0x80, v6, vm0, $0xb8;
	[tilespmem:$0x19400] =	vst v63  }
0x583: {  	v5 =	vperm.xlane v5, v4  }
0x584: {  	[tilespmem:s10], [sflag:$0x1] =	stream.indirect_vreg.gather [hbm4b:s5+s2], $0x80, v6, vm0, $0xb8;
	[tilespmem:$0x19400] =	vst v63  }
0x585: {  	s21 =	simm.s32 $0x2400;
	v5 =	vadd.s32 v3, v5  }
0x586: {  	[tilespmem:s21], [sflag:$0x1] =	stream.indirect_vreg.gather [hbm4b:s6+s2], $0x80, v6, vm0, $0xb8;
	[tilespmem:$0x19400] =	vst v63  }
0x587: {  	s30 =	simm.s32 $0x2C00  }
0x588: {  	[tilespmem:s30], [sflag:$0x1] =	stream.indirect_vreg.gather [hbm4b:s7+s2], $0x80, v6, vm0, $0xb8;
	[tilespmem:$0x19400] =	vst v63  }
0x589: {  	s31 =	simm.s32 $0x3400  }
0x58a: {  	[tilespmem:s31], [sflag:$0x1] =	stream.indirect_vreg.gather [hbm4b:s4+s2], $0x80, v5, vm0, $0xb8;
	[tilespmem:$0x19400] =	vst v63  }
0x58b: {  	_ = 	snop  }
0x58c: {  	[tilespmem:s3], [sflag:$0x1] =	stream.indirect_vreg.gather [hbm4b:s5+s2], $0x80, v5, vm0, $0xb8;
	[tilespmem:$0x19400] =	vst v63  }
0x58d: {  	_ = 	snop  }
0x58e: {  	[tilespmem:s8], [sflag:$0x1] =	stream.indirect_vreg.gather [hbm4b:s6+s2], $0x80, v5, vm0, $0xb8;
	[tilespmem:$0x19400] =	vst v63  }
0x58f: {  	_ = 	snop  }
0x590: {  	[tilespmem:s11], [sflag:$0x1] =	stream.indirect_vreg.gather [hbm4b:s7+s2], $0x80, v5, vm0, $0xb8;
	[tilespmem:$0x19400] =	vst v63  }
0x591: {  	v5 =	vld [tilespmem:$0x1010];
	_ =	sdelay $0x4  }
0x592: {  	v11 =	vshll.u32 v5, $0x3  }
0x593: {  	v5 =	vand.u32 $0x7, v5;
	v6 =	vand.u32 $0xFFFFFFC0, v11  }
0x594: {  	v5 =	vor.u32 v5, v6  }
0x595: {  	v6 =	vperm.xlane v5, v2;
	_ =	sdelay $0x1  }
0x596: {  	v6 =	vadd.s32 v3, v6;
	_ =	sdelay $0x4  }
0x597: {  	[tilespmem:s12], [sflag:$0x1] =	stream.indirect_vreg.gather [hbm4b:s4+s2], $0x80, v6, vm0, $0xb8;
	[tilespmem:$0x19400] =	vst v63  }
0x598: {  	v5 =	vperm.xlane v5, v4  }
0x599: {  	[tilespmem:s13], [sflag:$0x1] =	stream.indirect_vreg.gather [hbm4b:s5+s2], $0x80, v6, vm0, $0xb8;
	[tilespmem:$0x19400] =	vst v63  }
0x59a: {  	v5 =	vadd.s32 v3, v5  }
0x59b: {  	[tilespmem:s9], [sflag:$0x1] =	stream.indirect_vreg.gather [hbm4b:s6+s2], $0x80, v6, vm0, $0xb8;
	[tilespmem:$0x19400] =	vst v63  }
0x59c: {  	_ = 	snop  }
0x59d: {  	[tilespmem:s14], [sflag:$0x1] =	stream.indirect_vreg.gather [hbm4b:s7+s2], $0x80, v6, vm0, $0xb8;
	[tilespmem:$0x19400] =	vst v63  }
0x59e: {  	_ = 	snop  }
0x59f: {  	[tilespmem:s15], [sflag:$0x1] =	stream.indirect_vreg.gather [hbm4b:s4+s2], $0x80, v5, vm0, $0xb8;
	[tilespmem:$0x19400] =	vst v63  }
0x5a0: {  	_ = 	snop  }
0x5a1: {  	[tilespmem:s16], [sflag:$0x1] =	stream.indirect_vreg.gather [hbm4b:s5+s2], $0x80, v5, vm0, $0xb8;
	[tilespmem:$0x19400] =	vst v63  }
0x5a2: {  	_ = 	snop  }
0x5a3: {  	[tilespmem:s17], [sflag:$0x1] =	stream.indirect_vreg.gather [hbm4b:s6+s2], $0x80, v5, vm0, $0xb8;
	[tilespmem:$0x19400] =	vst v63  }
0x5a4: {  	_ = 	snop  }
0x5a5: {  	[tilespmem:s19], [sflag:$0x1] =	stream.indirect_vreg.gather [hbm4b:s7+s2], $0x80, v5, vm0, $0xb8;
	[tilespmem:$0x19400] =	vst v63  }
0x5a6: {  	_ =	swait.ge [sflag:s18], $0x8000  }
0x5a7: {  	[sflag:s18] =	ssyncset.done $0x0  }
0x5a8: {  	s17 =	simm.s32 $0x11400;
	s16 =	rddreg [dreg:$0x1a];
	[sflag:s18] =	ssyncadd.s32 $0xFFFF8000  }
0x5a9: {  	[hbm4b:s16+s2] =	stream.linear.scatter [tilespmem:s17], [sflag:$0x2], $0x8000, $0x38;
	[tilespmem:$0x19400] =	vst v63  }
0x5aa: {  	_ =	swait.ge [sflag:s20], $0x8000  }
0x5ab: {  	[sflag:s20] =	ssyncset.done $0x0  }
0x5ac: {  	[sflag:s20] =	ssyncadd.s32 $0xFFFF8000  }
0x5ad: {  	v9 =	vld [tilespmem:$0x1080];
	_ =	sdelay $0x4  }
0x5ae: {  	v10 =	vshll.u32 v9, $0x3  }
0x5af: {  	v5 =	vand.u32 $0x7, v9;
	v6 =	vand.u32 $0xFFFFFFC0, v10  }
0x5b0: {  	v5 =	vor.u32 v5, v6  }
0x5b1: {  	v6 =	vperm.xlane v5, v2;
	_ =	sdelay $0x1  }
0x5b2: {  	v6 =	vadd.s32 v3, v6;
	_ =	sdelay $0x4  }
0x5b3: {  	[tilespmem:s1], [sflag:$0x1] =	stream.indirect_vreg.gather [hbm4b:s4+s2], $0x80, v6, vm0, $0xb8;
	[tilespmem:$0x19400] =	vst v63  }
0x5b4: {  	s0 =	simm.s32 $0x9C00;
	v5 =	vperm.xlane v5, v4  }
0x5b5: {  	[tilespmem:s0], [sflag:$0x1] =	stream.indirect_vreg.gather [hbm4b:s5+s2], $0x80, v6, vm0, $0xb8;
	[tilespmem:$0x19400] =	vst v63  }
0x5b6: {  	v5 =	vadd.s32 v3, v5  }
0x5b7: {  	[tilespmem:s24], [sflag:$0x1] =	stream.indirect_vreg.gather [hbm4b:s6+s2], $0x80, v6, vm0, $0xb8;
	[tilespmem:$0x19400] =	vst v63  }
0x5b8: {  	_ = 	snop  }
0x5b9: {  	[tilespmem:s25], [sflag:$0x1] =	stream.indirect_vreg.gather [hbm4b:s7+s2], $0x80, v6, vm0, $0xb8;
	[tilespmem:$0x19400] =	vst v63  }
0x5ba: {  	_ = 	snop  }
0x5bb: {  	[tilespmem:s26], [sflag:$0x1] =	stream.indirect_vreg.gather [hbm4b:s4+s2], $0x80, v5, vm0, $0xb8;
	[tilespmem:$0x19400] =	vst v63  }
0x5bc: {  	_ = 	snop  }
0x5bd: {  	[tilespmem:s22], [sflag:$0x1] =	stream.indirect_vreg.gather [hbm4b:s5+s2], $0x80, v5, vm0, $0xb8;
	[tilespmem:$0x19400] =	vst v63  }
0x5be: {  	_ = 	snop  }
0x5bf: {  	[tilespmem:s23], [sflag:$0x1] =	stream.indirect_vreg.gather [hbm4b:s6+s2], $0x80, v5, vm0, $0xb8;
	[tilespmem:$0x19400] =	vst v63  }
0x5c0: {  	s19 =	simm.s32 $0xCC00  }
0x5c1: {  	[tilespmem:s19], [sflag:$0x1] =	stream.indirect_vreg.gather [hbm4b:s7+s2], $0x80, v5, vm0, $0xb8;
	[tilespmem:$0x19400] =	vst v63  }
0x5c2: {  	v5 =	vld [tilespmem:$0x1090];
	_ =	sdelay $0x4  }
0x5c3: {  	v11 =	vshll.u32 v5, $0x3  }
0x5c4: {  	v5 =	vand.u32 $0x7, v5;
	v6 =	vand.u32 $0xFFFFFFC0, v11  }
0x5c5: {  	v5 =	vor.u32 v5, v6  }
0x5c6: {  	v6 =	vperm.xlane v5, v2;
	_ =	sdelay $0x1  }
0x5c7: {  	v6 =	vadd.s32 v3, v6;
	_ =	sdelay $0x3  }
0x5c8: {  	s21 =	simm.s32 $0xD400  }
0x5c9: {  	[tilespmem:s21], [sflag:$0x1] =	stream.indirect_vreg.gather [hbm4b:s4+s2], $0x80, v6, vm0, $0xb8;
	[tilespmem:$0x19400] =	vst v63  }
0x5ca: {  	s22 =	simm.s32 $0xDC00;
	v5 =	vperm.xlane v5, v4  }
0x5cb: {  	[tilespmem:s22], [sflag:$0x1] =	stream.indirect_vreg.gather [hbm4b:s5+s2], $0x80, v6, vm0, $0xb8;
	[tilespmem:$0x19400] =	vst v63  }
0x5cc: {  	v5 =	vadd.s32 v3, v5  }
0x5cd: {  	[tilespmem:s28], [sflag:$0x1] =	stream.indirect_vreg.gather [hbm4b:s6+s2], $0x80, v6, vm0, $0xb8;
	[tilespmem:$0x19400] =	vst v63  }
0x5ce: {  	s23 =	simm.s32 $0xEC00  }
0x5cf: {  	[tilespmem:s23], [sflag:$0x1] =	stream.indirect_vreg.gather [hbm4b:s7+s2], $0x80, v6, vm0, $0xb8;
	[tilespmem:$0x19400] =	vst v63  }
0x5d0: {  	s24 =	simm.s32 $0xF400  }
0x5d1: {  	[tilespmem:s24], [sflag:$0x1] =	stream.indirect_vreg.gather [hbm4b:s4+s2], $0x80, v5, vm0, $0xb8;
	[tilespmem:$0x19400] =	vst v63  }
0x5d2: {  	s25 =	simm.s32 $0xFC00  }
0x5d3: {  	[tilespmem:s25], [sflag:$0x1] =	stream.indirect_vreg.gather [hbm4b:s5+s2], $0x80, v5, vm0, $0xb8;
	[tilespmem:$0x19400] =	vst v63  }
0x5d4: {  	s26 =	simm.s32 $0x10400  }
0x5d5: {  	[tilespmem:s26], [sflag:$0x1] =	stream.indirect_vreg.gather [hbm4b:s6+s2], $0x80, v5, vm0, $0xb8;
	[tilespmem:$0x19400] =	vst v63  }
0x5d6: {  	s28 =	simm.s32 $0x10C00  }
0x5d7: {  	[tilespmem:s28], [sflag:$0x1] =	stream.indirect_vreg.gather [hbm4b:s7+s2], $0x80, v5, vm0, $0xb8;
	[tilespmem:$0x19400] =	vst v63  }
0x5d8: {  	_ =	swait.ge [sflag:s18], $0x8000  }
0x5d9: {  	[sflag:s18] =	ssyncset.done $0x0  }
0x5da: {  	s29 =	simm.s32 $0x1400;
	s3 =	rddreg [dreg:$0x1b];
	[sflag:s18] =	ssyncadd.s32 $0xFFFF8000  }
0x5db: {  	[hbm4b:s3+s2] =	stream.linear.scatter [tilespmem:s29], [sflag:$0x2], $0x8000, $0x38;
	[tilespmem:$0x19400] =	vst v63  }
0x5dc: {  	_ =	swait.ge [sflag:s20], $0x8000  }
0x5dd: {  	[sflag:s20] =	ssyncset.done $0x0  }
0x5de: {  	[sflag:s20] =	ssyncadd.s32 $0xFFFF8000  }
0x5df: {  	v9 =	vld [tilespmem:$0x1100];
	_ =	sdelay $0x4  }
0x5e0: {  	v10 =	vshll.u32 v9, $0x3  }
0x5e1: {  	v5 =	vand.u32 $0x7, v9;
	v6 =	vand.u32 $0xFFFFFFC0, v10  }
0x5e2: {  	v5 =	vor.u32 v5, v6  }
0x5e3: {  	v6 =	vperm.xlane v5, v2;
	_ =	sdelay $0x1  }
0x5e4: {  	v6 =	vadd.s32 v3, v6;
	_ =	sdelay $0x4  }
0x5e5: {  	[tilespmem:s17], [sflag:$0x1] =	stream.indirect_vreg.gather [hbm4b:s4+s2], $0x80, v6, vm0, $0xb8;
	[tilespmem:$0x19400] =	vst v63  }
0x5e6: {  	s11 =	simm.s32 $0x11C00;
	v5 =	vperm.xlane v5, v4  }
0x5e7: {  	[tilespmem:s11], [sflag:$0x1] =	stream.indirect_vreg.gather [hbm4b:s5+s2], $0x80, v6, vm0, $0xb8;
	[tilespmem:$0x19400] =	vst v63  }
0x5e8: {  	s12 =	simm.s32 $0x12400;
	v5 =	vadd.s32 v3, v5  }
0x5e9: {  	[tilespmem:s12], [sflag:$0x1] =	stream.indirect_vreg.gather [hbm4b:s6+s2], $0x80, v6, vm0, $0xb8;
	[tilespmem:$0x19400] =	vst v63  }
0x5ea: {  	s13 =	simm.s32 $0x12C00  }
0x5eb: {  	[tilespmem:s13], [sflag:$0x1] =	stream.indirect_vreg.gather [hbm4b:s7+s2], $0x80, v6, vm0, $0xb8;
	[tilespmem:$0x19400] =	vst v63  }
0x5ec: {  	s14 =	simm.s32 $0x13400  }
0x5ed: {  	[tilespmem:s14], [sflag:$0x1] =	stream.indirect_vreg.gather [hbm4b:s4+s2], $0x80, v5, vm0, $0xb8;
	[tilespmem:$0x19400] =	vst v63  }
0x5ee: {  	s15 =	simm.s32 $0x13C00  }
0x5ef: {  	[tilespmem:s15], [sflag:$0x1] =	stream.indirect_vreg.gather [hbm4b:s5+s2], $0x80, v5, vm0, $0xb8;
	[tilespmem:$0x19400] =	vst v63  }
0x5f0: {  	s16 =	simm.s32 $0x14400  }
0x5f1: {  	[tilespmem:s16], [sflag:$0x1] =	stream.indirect_vreg.gather [hbm4b:s6+s2], $0x80, v5, vm0, $0xb8;
	[tilespmem:$0x19400] =	vst v63  }
0x5f2: {  	s17 =	simm.s32 $0x14C00  }
0x5f3: {  	[tilespmem:s17], [sflag:$0x1] =	stream.indirect_vreg.gather [hbm4b:s7+s2], $0x80, v5, vm0, $0xb8;
	[tilespmem:$0x19400] =	vst v63  }
0x5f4: {  	v5 =	vld [tilespmem:$0x1110];
	_ =	sdelay $0x4  }
0x5f5: {  	v11 =	vshll.u32 v5, $0x3  }
0x5f6: {  	v5 =	vand.u32 $0x7, v5;
	v6 =	vand.u32 $0xFFFFFFC0, v11  }
0x5f7: {  	v5 =	vor.u32 v5, v6  }
0x5f8: {  	v6 =	vperm.xlane v5, v2;
	_ =	sdelay $0x1  }
0x5f9: {  	v6 =	vadd.s32 v3, v6;
	_ =	sdelay $0x3  }
0x5fa: {  	s19 =	simm.s32 $0x15400  }
0x5fb: {  	[tilespmem:s19], [sflag:$0x1] =	stream.indirect_vreg.gather [hbm4b:s4+s2], $0x80, v6, vm0, $0xb8;
	[tilespmem:$0x19400] =	vst v63  }
0x5fc: {  	s21 =	simm.s32 $0x15C00;
	v5 =	vperm.xlane v5, v4  }
0x5fd: {  	[tilespmem:s21], [sflag:$0x1] =	stream.indirect_vreg.gather [hbm4b:s5+s2], $0x80, v6, vm0, $0xb8;
	[tilespmem:$0x19400] =	vst v63  }
0x5fe: {  	s22 =	simm.s32 $0x16400;
	v5 =	vadd.s32 v3, v5  }
0x5ff: {  	[tilespmem:s22], [sflag:$0x1] =	stream.indirect_vreg.gather [hbm4b:s6+s2], $0x80, v6, vm0, $0xb8;
	[tilespmem:$0x19400] =	vst v63  }
0x600: {  	s23 =	simm.s32 $0x16C00  }
0x601: {  	[tilespmem:s23], [sflag:$0x1] =	stream.indirect_vreg.gather [hbm4b:s7+s2], $0x80, v6, vm0, $0xb8;
	[tilespmem:$0x19400] =	vst v63  }
0x602: {  	s24 =	simm.s32 $0x17400  }
0x603: {  	[tilespmem:s24], [sflag:$0x1] =	stream.indirect_vreg.gather [hbm4b:s4+s2], $0x80, v5, vm0, $0xb8;
	[tilespmem:$0x19400] =	vst v63  }
0x604: {  	s25 =	simm.s32 $0x17C00  }
0x605: {  	[tilespmem:s25], [sflag:$0x1] =	stream.indirect_vreg.gather [hbm4b:s5+s2], $0x80, v5, vm0, $0xb8;
	[tilespmem:$0x19400] =	vst v63  }
0x606: {  	s26 =	simm.s32 $0x18400  }
0x607: {  	[tilespmem:s26], [sflag:$0x1] =	stream.indirect_vreg.gather [hbm4b:s6+s2], $0x80, v5, vm0, $0xb8;
	[tilespmem:$0x19400] =	vst v63  }
0x608: {  	s28 =	simm.s32 $0x18C00  }
0x609: {  	[tilespmem:s28], [sflag:$0x1] =	stream.indirect_vreg.gather [hbm4b:s7+s2], $0x80, v5, vm0, $0xb8;
	[tilespmem:$0x19400] =	vst v63  }
0x60a: {  	_ =	swait.ge [sflag:s18], $0x8000  }
0x60b: {  	[sflag:s18] =	ssyncset.done $0x0  }
0x60c: {  	s8 =	simm.s32 $0x9400;
	s1 =	rddreg [dreg:$0x1c];
	[sflag:s18] =	ssyncadd.s32 $0xFFFF8000  }
0x60d: {  	[hbm4b:s1+s2] =	stream.linear.scatter [tilespmem:s8], [sflag:$0x2], $0x8000, $0x38;
	[tilespmem:$0x19400] =	vst v63  }
0x60e: {  	_ =	swait.ge [sflag:s20], $0x8000  }
0x60f: {  	[sflag:s20] =	ssyncset.done $0x0  }
0x610: {  	[sflag:s20] =	ssyncadd.s32 $0xFFFF8000  }
0x611: {  	v9 =	vld [tilespmem:$0x1180];
	_ =	sdelay $0x4  }
0x612: {  	v10 =	vshll.u32 v9, $0x3  }
0x613: {  	v5 =	vand.u32 $0x7, v9;
	v6 =	vand.u32 $0xFFFFFFC0, v10  }
0x614: {  	v5 =	vor.u32 v5, v6  }
0x615: {  	v6 =	vperm.xlane v5, v2;
	_ =	sdelay $0x1  }
0x616: {  	v6 =	vadd.s32 v3, v6;
	_ =	sdelay $0x4  }
0x617: {  	[tilespmem:s29], [sflag:$0x1] =	stream.indirect_vreg.gather [hbm4b:s4+s2], $0x80, v6, vm0, $0xb8;
	[tilespmem:$0x19400] =	vst v63  }
0x618: {  	s11 =	simm.s32 $0x1C00;
	v5 =	vperm.xlane v5, v4  }
0x619: {  	[tilespmem:s11], [sflag:$0x1] =	stream.indirect_vreg.gather [hbm4b:s5+s2], $0x80, v6, vm0, $0xb8;
	[tilespmem:$0x19400] =	vst v63  }
0x61a: {  	s1 =	simm.s32 $0x2400;
	v5 =	vadd.s32 v3, v5  }
0x61b: {  	[tilespmem:s1], [sflag:$0x1] =	stream.indirect_vreg.gather [hbm4b:s6+s2], $0x80, v6, vm0, $0xb8;
	[tilespmem:$0x19400] =	vst v63  }
0x61c: {  	s10 =	simm.s32 $0x2C00  }
0x61d: {  	[tilespmem:s10], [sflag:$0x1] =	stream.indirect_vreg.gather [hbm4b:s7+s2], $0x80, v6, vm0, $0xb8;
	[tilespmem:$0x19400] =	vst v63  }
0x61e: {  	s30 =	simm.s32 $0x3400  }
0x61f: {  	[tilespmem:s30], [sflag:$0x1] =	stream.indirect_vreg.gather [hbm4b:s4+s2], $0x80, v5, vm0, $0xb8;
	[tilespmem:$0x19400] =	vst v63  }
0x620: {  	s31 =	simm.s32 $0x3C00  }
0x621: {  	[tilespmem:s31], [sflag:$0x1] =	stream.indirect_vreg.gather [hbm4b:s5+s2], $0x80, v5, vm0, $0xb8;
	[tilespmem:$0x19400] =	vst v63  }
0x622: {  	s14 =	simm.s32 $0x4400  }
0x623: {  	[tilespmem:s14], [sflag:$0x1] =	stream.indirect_vreg.gather [hbm4b:s6+s2], $0x80, v5, vm0, $0xb8;
	[tilespmem:$0x19400] =	vst v63  }
0x624: {  	s16 =	simm.s32 $0x4C00  }
0x625: {  	[tilespmem:s16], [sflag:$0x1] =	stream.indirect_vreg.gather [hbm4b:s7+s2], $0x80, v5, vm0, $0xb8;
	[tilespmem:$0x19400] =	vst v63  }
0x626: {  	v5 =	vld [tilespmem:$0x1190];
	_ =	sdelay $0x4  }
0x627: {  	v11 =	vshll.u32 v5, $0x3  }
0x628: {  	v5 =	vand.u32 $0x7, v5;
	v6 =	vand.u32 $0xFFFFFFC0, v11  }
0x629: {  	v5 =	vor.u32 v5, v6  }
0x62a: {  	v6 =	vperm.xlane v5, v2;
	_ =	sdelay $0x1  }
0x62b: {  	v6 =	vadd.s32 v3, v6;
	_ =	sdelay $0x3  }
0x62c: {  	s17 =	simm.s32 $0x5400  }
0x62d: {  	[tilespmem:s17], [sflag:$0x1] =	stream.indirect_vreg.gather [hbm4b:s4+s2], $0x80, v6, vm0, $0xb8;
	[tilespmem:$0x19400] =	vst v63  }
0x62e: {  	s19 =	simm.s32 $0x5C00;
	v5 =	vperm.xlane v5, v4  }
0x62f: {  	[tilespmem:s19], [sflag:$0x1] =	stream.indirect_vreg.gather [hbm4b:s5+s2], $0x80, v6, vm0, $0xb8;
	[tilespmem:$0x19400] =	vst v63  }
0x630: {  	s21 =	simm.s32 $0x6400;
	v5 =	vadd.s32 v3, v5  }
0x631: {  	[tilespmem:s21], [sflag:$0x1] =	stream.indirect_vreg.gather [hbm4b:s6+s2], $0x80, v6, vm0, $0xb8;
	[tilespmem:$0x19400] =	vst v63  }
0x632: {  	s22 =	simm.s32 $0x6C00  }
0x633: {  	[tilespmem:s22], [sflag:$0x1] =	stream.indirect_vreg.gather [hbm4b:s7+s2], $0x80, v6, vm0, $0xb8;
	[tilespmem:$0x19400] =	vst v63  }
0x634: {  	s23 =	simm.s32 $0x7400  }
0x635: {  	[tilespmem:s23], [sflag:$0x1] =	stream.indirect_vreg.gather [hbm4b:s4+s2], $0x80, v5, vm0, $0xb8;
	[tilespmem:$0x19400] =	vst v63  }
0x636: {  	s24 =	simm.s32 $0x7C00  }
0x637: {  	[tilespmem:s24], [sflag:$0x1] =	stream.indirect_vreg.gather [hbm4b:s5+s2], $0x80, v5, vm0, $0xb8;
	[tilespmem:$0x19400] =	vst v63  }
0x638: {  	s25 =	simm.s32 $0x8400  }
0x639: {  	[tilespmem:s25], [sflag:$0x1] =	stream.indirect_vreg.gather [hbm4b:s6+s2], $0x80, v5, vm0, $0xb8;
	[tilespmem:$0x19400] =	vst v63  }
0x63a: {  	s26 =	simm.s32 $0x8C00  }
0x63b: {  	[tilespmem:s26], [sflag:$0x1] =	stream.indirect_vreg.gather [hbm4b:s7+s2], $0x80, v5, vm0, $0xb8;
	[tilespmem:$0x19400] =	vst v63  }
0x63c: {  	_ =	swait.ge [sflag:s18], $0x8000  }
0x63d: {  	[sflag:s18] =	ssyncset.done $0x0  }
0x63e: {  	s9 =	simm.s32 $0x11400;
	s28 =	rddreg [dreg:$0x1d];
	[sflag:s18] =	ssyncadd.s32 $0xFFFF8000  }
0x63f: {  	[hbm4b:s28+s2] =	stream.linear.scatter [tilespmem:s9], [sflag:$0x2], $0x8000, $0x38;
	[tilespmem:$0x19400] =	vst v63  }
0x640: {  	_ =	swait.ge [sflag:s20], $0x8000  }
0x641: {  	[sflag:s20] =	ssyncset.done $0x0  }
0x642: {  	[sflag:s20] =	ssyncadd.s32 $0xFFFF8000  }
0x643: {  	v9 =	vld [tilespmem:$0x1200];
	_ =	sdelay $0x4  }
0x644: {  	v10 =	vshll.u32 v9, $0x3  }
0x645: {  	v5 =	vand.u32 $0x7, v9;
	v6 =	vand.u32 $0xFFFFFFC0, v10  }
0x646: {  	v5 =	vor.u32 v5, v6  }
0x647: {  	v6 =	vperm.xlane v5, v2;
	_ =	sdelay $0x1  }
0x648: {  	v6 =	vadd.s32 v3, v6;
	_ =	sdelay $0x4  }
0x649: {  	[tilespmem:s8], [sflag:$0x1] =	stream.indirect_vreg.gather [hbm4b:s4+s2], $0x80, v6, vm0, $0xb8;
	[tilespmem:$0x19400] =	vst v63  }
0x64a: {  	v5 =	vperm.xlane v5, v4  }
0x64b: {  	[tilespmem:s0], [sflag:$0x1] =	stream.indirect_vreg.gather [hbm4b:s5+s2], $0x80, v6, vm0, $0xb8;
	[tilespmem:$0x19400] =	vst v63  }
0x64c: {  	s28 =	simm.s32 $0xA400;
	v5 =	vadd.s32 v3, v5  }
0x64d: {  	[tilespmem:s28], [sflag:$0x1] =	stream.indirect_vreg.gather [hbm4b:s6+s2], $0x80, v6, vm0, $0xb8;
	[tilespmem:$0x19400] =	vst v63  }
0x64e: {  	s21 =	simm.s32 $0xAC00  }
0x64f: {  	[tilespmem:s21], [sflag:$0x1] =	stream.indirect_vreg.gather [hbm4b:s7+s2], $0x80, v6, vm0, $0xb8;
	[tilespmem:$0x19400] =	vst v63  }
0x650: {  	s21 =	simm.s32 $0xB400  }
0x651: {  	[tilespmem:s21], [sflag:$0x1] =	stream.indirect_vreg.gather [hbm4b:s4+s2], $0x80, v5, vm0, $0xb8;
	[tilespmem:$0x19400] =	vst v63  }
0x652: {  	s21 =	simm.s32 $0xBC00  }
0x653: {  	[tilespmem:s21], [sflag:$0x1] =	stream.indirect_vreg.gather [hbm4b:s5+s2], $0x80, v5, vm0, $0xb8;
	[tilespmem:$0x19400] =	vst v63  }
0x654: {  	s21 =	simm.s32 $0xC400  }
0x655: {  	[tilespmem:s21], [sflag:$0x1] =	stream.indirect_vreg.gather [hbm4b:s6+s2], $0x80, v5, vm0, $0xb8;
	[tilespmem:$0x19400] =	vst v63  }
0x656: {  	s21 =	simm.s32 $0xCC00  }
0x657: {  	[tilespmem:s21], [sflag:$0x1] =	stream.indirect_vreg.gather [hbm4b:s7+s2], $0x80, v5, vm0, $0xb8;
	[tilespmem:$0x19400] =	vst v63  }
0x658: {  	v5 =	vld [tilespmem:$0x1210];
	_ =	sdelay $0x4  }
0x659: {  	v11 =	vshll.u32 v5, $0x3  }
0x65a: {  	v5 =	vand.u32 $0x7, v5;
	v6 =	vand.u32 $0xFFFFFFC0, v11  }
0x65b: {  	v5 =	vor.u32 v5, v6  }
0x65c: {  	v6 =	vperm.xlane v5, v2;
	_ =	sdelay $0x1  }
0x65d: {  	v6 =	vadd.s32 v3, v6;
	_ =	sdelay $0x3  }
0x65e: {  	s21 =	simm.s32 $0xD400  }
0x65f: {  	[tilespmem:s21], [sflag:$0x1] =	stream.indirect_vreg.gather [hbm4b:s4+s2], $0x80, v6, vm0, $0xb8;
	[tilespmem:$0x19400] =	vst v63  }
0x660: {  	v5 =	vperm.xlane v5, v4;
	s21 =	simm.s32 $0xDC00  }
0x661: {  	[tilespmem:s21], [sflag:$0x1] =	stream.indirect_vreg.gather [hbm4b:s5+s2], $0x80, v6, vm0, $0xb8;
	[tilespmem:$0x19400] =	vst v63  }
0x662: {  	v5 =	vadd.s32 v3, v5;
	s21 =	simm.s32 $0xE400  }
0x663: {  	[tilespmem:s21], [sflag:$0x1] =	stream.indirect_vreg.gather [hbm4b:s6+s2], $0x80, v6, vm0, $0xb8;
	[tilespmem:$0x19400] =	vst v63  }
0x664: {  	s21 =	simm.s32 $0xEC00  }
0x665: {  	[tilespmem:s21], [sflag:$0x1] =	stream.indirect_vreg.gather [hbm4b:s7+s2], $0x80, v6, vm0, $0xb8;
	[tilespmem:$0x19400] =	vst v63  }
0x666: {  	s21 =	simm.s32 $0xF400  }
0x667: {  	[tilespmem:s21], [sflag:$0x1] =	stream.indirect_vreg.gather [hbm4b:s4+s2], $0x80, v5, vm0, $0xb8;
	[tilespmem:$0x19400] =	vst v63  }
0x668: {  	s21 =	simm.s32 $0xFC00  }
0x669: {  	[tilespmem:s21], [sflag:$0x1] =	stream.indirect_vreg.gather [hbm4b:s5+s2], $0x80, v5, vm0, $0xb8;
	[tilespmem:$0x19400] =	vst v63  }
0x66a: {  	s21 =	simm.s32 $0x10400  }
0x66b: {  	[tilespmem:s21], [sflag:$0x1] =	stream.indirect_vreg.gather [hbm4b:s6+s2], $0x80, v5, vm0, $0xb8;
	[tilespmem:$0x19400] =	vst v63  }
0x66c: {  	s21 =	simm.s32 $0x10C00  }
0x66d: {  	[tilespmem:s21], [sflag:$0x1] =	stream.indirect_vreg.gather [hbm4b:s7+s2], $0x80, v5, vm0, $0xb8;
	[tilespmem:$0x19400] =	vst v63  }
0x66e: {  	_ =	swait.ge [sflag:s18], $0x8000  }
0x66f: {  	[sflag:s18] =	ssyncset.done $0x0  }
0x670: {  	s21 =	rddreg [dreg:$0x1e];
	[sflag:s18] =	ssyncadd.s32 $0xFFFF8000  }
0x671: {  	[hbm4b:s21+s2] =	stream.linear.scatter [tilespmem:s29], [sflag:$0x2], $0x8000, $0x38;
	[tilespmem:$0x19400] =	vst v63  }
0x672: {  	_ =	swait.ge [sflag:s20], $0x8000  }
0x673: {  	[sflag:s20] =	ssyncset.done $0x0  }
0x674: {  	[sflag:s20] =	ssyncadd.s32 $0xFFFF8000  }
0x675: {  	v9 =	vld [tilespmem:$0x1280];
	_ =	sdelay $0x4  }
0x676: {  	v10 =	vshll.u32 v9, $0x3  }
0x677: {  	v5 =	vand.u32 $0x7, v9;
	v6 =	vand.u32 $0xFFFFFFC0, v10  }
0x678: {  	v5 =	vor.u32 v5, v6  }
0x679: {  	v6 =	vperm.xlane v5, v2;
	_ =	sdelay $0x1  }
0x67a: {  	v6 =	vadd.s32 v3, v6;
	_ =	sdelay $0x4  }
0x67b: {  	[tilespmem:s9], [sflag:$0x1] =	stream.indirect_vreg.gather [hbm4b:s4+s2], $0x80, v6, vm0, $0xb8;
	[tilespmem:$0x19400] =	vst v63  }
0x67c: {  	s21 =	simm.s32 $0x11C00;
	v5 =	vperm.xlane v5, v4  }
0x67d: {  	[tilespmem:s21], [sflag:$0x1] =	stream.indirect_vreg.gather [hbm4b:s5+s2], $0x80, v6, vm0, $0xb8;
	[tilespmem:$0x19400] =	vst v63  }
0x67e: {  	v5 =	vadd.s32 v3, v5;
	s21 =	simm.s32 $0x12400  }
0x67f: {  	[tilespmem:s21], [sflag:$0x1] =	stream.indirect_vreg.gather [hbm4b:s6+s2], $0x80, v6, vm0, $0xb8;
	[tilespmem:$0x19400] =	vst v63  }
0x680: {  	s21 =	simm.s32 $0x12C00  }
0x681: {  	[tilespmem:s21], [sflag:$0x1] =	stream.indirect_vreg.gather [hbm4b:s7+s2], $0x80, v6, vm0, $0xb8;
	[tilespmem:$0x19400] =	vst v63  }
0x682: {  	s21 =	simm.s32 $0x13400  }
0x683: {  	[tilespmem:s21], [sflag:$0x1] =	stream.indirect_vreg.gather [hbm4b:s4+s2], $0x80, v5, vm0, $0xb8;
	[tilespmem:$0x19400] =	vst v63  }
0x684: {  	s21 =	simm.s32 $0x13C00  }
0x685: {  	[tilespmem:s21], [sflag:$0x1] =	stream.indirect_vreg.gather [hbm4b:s5+s2], $0x80, v5, vm0, $0xb8;
	[tilespmem:$0x19400] =	vst v63  }
0x686: {  	s21 =	simm.s32 $0x14400  }
0x687: {  	[tilespmem:s21], [sflag:$0x1] =	stream.indirect_vreg.gather [hbm4b:s6+s2], $0x80, v5, vm0, $0xb8;
	[tilespmem:$0x19400] =	vst v63  }
0x688: {  	s21 =	simm.s32 $0x14C00  }
0x689: {  	[tilespmem:s21], [sflag:$0x1] =	stream.indirect_vreg.gather [hbm4b:s7+s2], $0x80, v5, vm0, $0xb8;
	[tilespmem:$0x19400] =	vst v63  }
0x68a: {  	v5 =	vld [tilespmem:$0x1290];
	_ =	sdelay $0x4  }
0x68b: {  	v11 =	vshll.u32 v5, $0x3  }
0x68c: {  	v5 =	vand.u32 $0x7, v5;
	v6 =	vand.u32 $0xFFFFFFC0, v11  }
0x68d: {  	v5 =	vor.u32 v5, v6  }
0x68e: {  	v6 =	vperm.xlane v5, v2;
	_ =	sdelay $0x1  }
0x68f: {  	v6 =	vadd.s32 v3, v6;
	_ =	sdelay $0x3  }
0x690: {  	s21 =	simm.s32 $0x15400  }
0x691: {  	[tilespmem:s21], [sflag:$0x1] =	stream.indirect_vreg.gather [hbm4b:s4+s2], $0x80, v6, vm0, $0xb8;
	[tilespmem:$0x19400] =	vst v63  }
0x692: {  	v5 =	vperm.xlane v5, v4;
	s21 =	simm.s32 $0x15C00  }
0x693: {  	[tilespmem:s21], [sflag:$0x1] =	stream.indirect_vreg.gather [hbm4b:s5+s2], $0x80, v6, vm0, $0xb8;
	[tilespmem:$0x19400] =	vst v63  }
0x694: {  	v5 =	vadd.s32 v3, v5;
	s21 =	simm.s32 $0x16400  }
0x695: {  	[tilespmem:s21], [sflag:$0x1] =	stream.indirect_vreg.gather [hbm4b:s6+s2], $0x80, v6, vm0, $0xb8;
	[tilespmem:$0x19400] =	vst v63  }
0x696: {  	s21 =	simm.s32 $0x16C00  }
0x697: {  	[tilespmem:s21], [sflag:$0x1] =	stream.indirect_vreg.gather [hbm4b:s7+s2], $0x80, v6, vm0, $0xb8;
	[tilespmem:$0x19400] =	vst v63  }
0x698: {  	s3 =	simm.s32 $0x17400  }
0x699: {  	[tilespmem:s3], [sflag:$0x1] =	stream.indirect_vreg.gather [hbm4b:s4+s2], $0x80, v5, vm0, $0xb8;
	[tilespmem:$0x19400] =	vst v63  }
0x69a: {  	s12 =	simm.s32 $0x17C00  }
0x69b: {  	[tilespmem:s12], [sflag:$0x1] =	stream.indirect_vreg.gather [hbm4b:s5+s2], $0x80, v5, vm0, $0xb8;
	[tilespmem:$0x19400] =	vst v63  }
0x69c: {  	s13 =	simm.s32 $0x18400  }
0x69d: {  	[tilespmem:s13], [sflag:$0x1] =	stream.indirect_vreg.gather [hbm4b:s6+s2], $0x80, v5, vm0, $0xb8;
	[tilespmem:$0x19400] =	vst v63  }
0x69e: {  	s21 =	simm.s32 $0x18C00  }
0x69f: {  	[tilespmem:s21], [sflag:$0x1] =	stream.indirect_vreg.gather [hbm4b:s7+s2], $0x80, v5, vm0, $0xb8;
	[tilespmem:$0x19400] =	vst v63  }
0x6a0: {  	_ =	swait.ge [sflag:s18], $0x8000  }
0x6a1: {  	[sflag:s18] =	ssyncset.done $0x0  }
0x6a2: {  	s3 =	rddreg [dreg:$0x1f];
	[sflag:s18] =	ssyncadd.s32 $0xFFFF8000  }
0x6a3: {  	[hbm4b:s3+s2] =	stream.linear.scatter [tilespmem:s8], [sflag:$0x2], $0x8000, $0x38;
	[tilespmem:$0x19400] =	vst v63  }
0x6a4: {  	_ =	swait.ge [sflag:s20], $0x8000  }
0x6a5: {  	[sflag:s20] =	ssyncset.done $0x0  }
0x6a6: {  	[sflag:s20] =	ssyncadd.s32 $0xFFFF8000  }
0x6a7: {  	v9 =	vld [tilespmem:$0x1300];
	_ =	sdelay $0x4  }
0x6a8: {  	v10 =	vshll.u32 v9, $0x3  }
0x6a9: {  	v5 =	vand.u32 $0x7, v9;
	v6 =	vand.u32 $0xFFFFFFC0, v10  }
0x6aa: {  	v5 =	vor.u32 v5, v6  }
0x6ab: {  	v6 =	vperm.xlane v5, v2;
	_ =	sdelay $0x1  }
0x6ac: {  	v6 =	vadd.s32 v3, v6;
	_ =	sdelay $0x4  }
0x6ad: {  	[tilespmem:s29], [sflag:$0x1] =	stream.indirect_vreg.gather [hbm4b:s4+s2], $0x80, v6, vm0, $0xb8;
	[tilespmem:$0x19400] =	vst v63  }
0x6ae: {  	s15 =	simm.s32 $0x1C00;
	v5 =	vperm.xlane v5, v4  }
0x6af: {  	[tilespmem:s15], [sflag:$0x1] =	stream.indirect_vreg.gather [hbm4b:s5+s2], $0x80, v6, vm0, $0xb8;
	[tilespmem:$0x19400] =	vst v63  }
0x6b0: {  	v5 =	vadd.s32 v3, v5  }
0x6b1: {  	[tilespmem:s1], [sflag:$0x1] =	stream.indirect_vreg.gather [hbm4b:s6+s2], $0x80, v6, vm0, $0xb8;
	[tilespmem:$0x19400] =	vst v63  }
0x6b2: {  	s10 =	simm.s32 $0x2C00  }
0x6b3: {  	[tilespmem:s10], [sflag:$0x1] =	stream.indirect_vreg.gather [hbm4b:s7+s2], $0x80, v6, vm0, $0xb8;
	[tilespmem:$0x19400] =	vst v63  }
0x6b4: {  	s11 =	simm.s32 $0x3400  }
0x6b5: {  	[tilespmem:s11], [sflag:$0x1] =	stream.indirect_vreg.gather [hbm4b:s4+s2], $0x80, v5, vm0, $0xb8;
	[tilespmem:$0x19400] =	vst v63  }
0x6b6: {  	s30 =	simm.s32 $0x3C00  }
0x6b7: {  	[tilespmem:s30], [sflag:$0x1] =	stream.indirect_vreg.gather [hbm4b:s5+s2], $0x80, v5, vm0, $0xb8;
	[tilespmem:$0x19400] =	vst v63  }
0x6b8: {  	s31 =	simm.s32 $0x4400  }
0x6b9: {  	[tilespmem:s31], [sflag:$0x1] =	stream.indirect_vreg.gather [hbm4b:s6+s2], $0x80, v5, vm0, $0xb8;
	[tilespmem:$0x19400] =	vst v63  }
0x6ba: {  	s16 =	simm.s32 $0x4C00  }
0x6bb: {  	[tilespmem:s16], [sflag:$0x1] =	stream.indirect_vreg.gather [hbm4b:s7+s2], $0x80, v5, vm0, $0xb8;
	[tilespmem:$0x19400] =	vst v63  }
0x6bc: {  	v5 =	vld [tilespmem:$0x1310];
	_ =	sdelay $0x4  }
0x6bd: {  	v11 =	vshll.u32 v5, $0x3  }
0x6be: {  	v5 =	vand.u32 $0x7, v5;
	v6 =	vand.u32 $0xFFFFFFC0, v11  }
0x6bf: {  	v5 =	vor.u32 v5, v6  }
0x6c0: {  	v6 =	vperm.xlane v5, v2;
	_ =	sdelay $0x1  }
0x6c1: {  	v6 =	vadd.s32 v3, v6;
	_ =	sdelay $0x3  }
0x6c2: {  	s17 =	simm.s32 $0x5400  }
0x6c3: {  	[tilespmem:s17], [sflag:$0x1] =	stream.indirect_vreg.gather [hbm4b:s4+s2], $0x80, v6, vm0, $0xb8;
	[tilespmem:$0x19400] =	vst v63  }
0x6c4: {  	s19 =	simm.s32 $0x5C00;
	v5 =	vperm.xlane v5, v4  }
0x6c5: {  	[tilespmem:s19], [sflag:$0x1] =	stream.indirect_vreg.gather [hbm4b:s5+s2], $0x80, v6, vm0, $0xb8;
	[tilespmem:$0x19400] =	vst v63  }
0x6c6: {  	s14 =	simm.s32 $0x6400;
	v5 =	vadd.s32 v3, v5  }
0x6c7: {  	[tilespmem:s14], [sflag:$0x1] =	stream.indirect_vreg.gather [hbm4b:s6+s2], $0x80, v6, vm0, $0xb8;
	[tilespmem:$0x19400] =	vst v63  }
0x6c8: {  	s22 =	simm.s32 $0x6C00  }
0x6c9: {  	[tilespmem:s22], [sflag:$0x1] =	stream.indirect_vreg.gather [hbm4b:s7+s2], $0x80, v6, vm0, $0xb8;
	[tilespmem:$0x19400] =	vst v63  }
0x6ca: {  	s23 =	simm.s32 $0x7400  }
0x6cb: {  	[tilespmem:s23], [sflag:$0x1] =	stream.indirect_vreg.gather [hbm4b:s4+s2], $0x80, v5, vm0, $0xb8;
	[tilespmem:$0x19400] =	vst v63  }
0x6cc: {  	s24 =	simm.s32 $0x7C00  }
0x6cd: {  	[tilespmem:s24], [sflag:$0x1] =	stream.indirect_vreg.gather [hbm4b:s5+s2], $0x80, v5, vm0, $0xb8;
	[tilespmem:$0x19400] =	vst v63  }
0x6ce: {  	s25 =	simm.s32 $0x8400  }
0x6cf: {  	[tilespmem:s25], [sflag:$0x1] =	stream.indirect_vreg.gather [hbm4b:s6+s2], $0x80, v5, vm0, $0xb8;
	[tilespmem:$0x19400] =	vst v63  }
0x6d0: {  	s26 =	simm.s32 $0x8C00  }
0x6d1: {  	[tilespmem:s26], [sflag:$0x1] =	stream.indirect_vreg.gather [hbm4b:s7+s2], $0x80, v5, vm0, $0xb8;
	[tilespmem:$0x19400] =	vst v63  }
0x6d2: {  	s11 =	sld [smem:$0x7DA];
	_ =	swait.ge [sflag:s18], $0x8000  }
0x6d3: {  	s12 =	sld [smem:$0x7DB]  }
0x6d4: {  	[sflag:s18] =	ssyncset.done $0x0  }
0x6d5: {  	[sflag:s18] =	ssyncadd.s32 $0xFFFF8000  }
0x6d6: {  	[hbm4b:s12+s2] =	stream.linear.scatter [tilespmem:s9], [sflag:$0x2], $0x8000, $0x38;
	[tilespmem:$0x19400] =	vst v63  }
0x6d7: {  	_ =	swait.ge [sflag:s20], $0x8000  }
0x6d8: {  	[sflag:s20] =	ssyncset.done $0x0  }
0x6d9: {  	[sflag:s20] =	ssyncadd.s32 $0xFFFF8000  }
0x6da: {  	v9 =	vld [tilespmem:$0x1380];
	_ =	sdelay $0x4  }
0x6db: {  	v10 =	vshll.u32 v9, $0x3  }
0x6dc: {  	v5 =	vand.u32 $0x7, v9;
	v6 =	vand.u32 $0xFFFFFFC0, v10  }
0x6dd: {  	v5 =	vor.u32 v5, v6  }
0x6de: {  	v6 =	vperm.xlane v5, v2;
	_ =	sdelay $0x1  }
0x6df: {  	v6 =	vadd.s32 v3, v6;
	_ =	sdelay $0x4  }
0x6e0: {  	[tilespmem:s8], [sflag:$0x1] =	stream.indirect_vreg.gather [hbm4b:s4+s2], $0x80, v6, vm0, $0xb8;
	[tilespmem:$0x19400] =	vst v63  }
0x6e1: {  	s0 =	simm.s32 $0x9C00;
	v5 =	vperm.xlane v5, v4  }
0x6e2: {  	[tilespmem:s0], [sflag:$0x1] =	stream.indirect_vreg.gather [hbm4b:s5+s2], $0x80, v6, vm0, $0xb8;
	[tilespmem:$0x19400] =	vst v63  }
0x6e3: {  	s28 =	simm.s32 $0xA400;
	v5 =	vadd.s32 v3, v5  }
0x6e4: {  	[tilespmem:s28], [sflag:$0x1] =	stream.indirect_vreg.gather [hbm4b:s6+s2], $0x80, v6, vm0, $0xb8;
	[tilespmem:$0x19400] =	vst v63  }
0x6e5: {  	s13 =	simm.s32 $0xAC00  }
0x6e6: {  	[tilespmem:s13], [sflag:$0x1] =	stream.indirect_vreg.gather [hbm4b:s7+s2], $0x80, v6, vm0, $0xb8;
	[tilespmem:$0x19400] =	vst v63  }
0x6e7: {  	s14 =	simm.s32 $0xB400  }
0x6e8: {  	[tilespmem:s14], [sflag:$0x1] =	stream.indirect_vreg.gather [hbm4b:s4+s2], $0x80, v5, vm0, $0xb8;
	[tilespmem:$0x19400] =	vst v63  }
0x6e9: {  	s15 =	simm.s32 $0xBC00  }
0x6ea: {  	[tilespmem:s15], [sflag:$0x1] =	stream.indirect_vreg.gather [hbm4b:s5+s2], $0x80, v5, vm0, $0xb8;
	[tilespmem:$0x19400] =	vst v63  }
0x6eb: {  	s16 =	simm.s32 $0xC400  }
0x6ec: {  	[tilespmem:s16], [sflag:$0x1] =	stream.indirect_vreg.gather [hbm4b:s6+s2], $0x80, v5, vm0, $0xb8;
	[tilespmem:$0x19400] =	vst v63  }
0x6ed: {  	s17 =	simm.s32 $0xCC00  }
0x6ee: {  	[tilespmem:s17], [sflag:$0x1] =	stream.indirect_vreg.gather [hbm4b:s7+s2], $0x80, v5, vm0, $0xb8;
	[tilespmem:$0x19400] =	vst v63  }
0x6ef: {  	v5 =	vld [tilespmem:$0x1390];
	_ =	sdelay $0x4  }
0x6f0: {  	v11 =	vshll.u32 v5, $0x3  }
0x6f1: {  	v5 =	vand.u32 $0x7, v5;
	v6 =	vand.u32 $0xFFFFFFC0, v11  }
0x6f2: {  	v5 =	vor.u32 v5, v6  }
0x6f3: {  	v2 =	vperm.xlane v5, v2;
	_ =	sdelay $0x1  }
0x6f4: {  	v2 =	vadd.s32 v3, v2;
	_ =	sdelay $0x3  }
0x6f5: {  	s19 =	simm.s32 $0xD400  }
0x6f6: {  	[tilespmem:s19], [sflag:$0x1] =	stream.indirect_vreg.gather [hbm4b:s4+s2], $0x80, v2, vm0, $0xb8;
	[tilespmem:$0x19400] =	vst v63  }
0x6f7: {  	s21 =	simm.s32 $0xDC00;
	v4 =	vperm.xlane v5, v4  }
0x6f8: {  	[tilespmem:s21], [sflag:$0x1] =	stream.indirect_vreg.gather [hbm4b:s5+s2], $0x80, v2, vm0, $0xb8;
	[tilespmem:$0x19400] =	vst v63  }
0x6f9: {  	s22 =	simm.s32 $0xE400;
	v3 =	vadd.s32 v3, v4  }
0x6fa: {  	[tilespmem:s22], [sflag:$0x1] =	stream.indirect_vreg.gather [hbm4b:s6+s2], $0x80, v2, vm0, $0xb8;
	[tilespmem:$0x19400] =	vst v63  }
0x6fb: {  	s23 =	simm.s32 $0xEC00  }
0x6fc: {  	[tilespmem:s23], [sflag:$0x1] =	stream.indirect_vreg.gather [hbm4b:s7+s2], $0x80, v2, vm0, $0xb8;
	[tilespmem:$0x19400] =	vst v63  }
0x6fd: {  	s24 =	simm.s32 $0xF400  }
0x6fe: {  	[tilespmem:s24], [sflag:$0x1] =	stream.indirect_vreg.gather [hbm4b:s4+s2], $0x80, v3, vm0, $0xb8;
	[tilespmem:$0x19400] =	vst v63  }
0x6ff: {  	s25 =	simm.s32 $0xFC00  }
0x700: {  	[tilespmem:s25], [sflag:$0x1] =	stream.indirect_vreg.gather [hbm4b:s5+s2], $0x80, v3, vm0, $0xb8;
	[tilespmem:$0x19400] =	vst v63  }
0x701: {  	s26 =	simm.s32 $0x10400  }
0x702: {  	[tilespmem:s26], [sflag:$0x1] =	stream.indirect_vreg.gather [hbm4b:s6+s2], $0x80, v3, vm0, $0xb8;
	[tilespmem:$0x19400] =	vst v63  }
0x703: {  	s28 =	simm.s32 $0x10C00  }
0x704: {  	[tilespmem:s28], [sflag:$0x1] =	stream.indirect_vreg.gather [hbm4b:s7+s2], $0x80, v3, vm0, $0xb8;
	[tilespmem:$0x19400] =	vst v63  }
0x705: {  	_ =	swait.ge [sflag:s18], $0x8000  }
0x706: {  	s30 =	sld [smem:$0x7DC]  }
0x707: {  	[sflag:s18] =	ssyncset.done $0x0  }
0x708: {  	[sflag:s18] =	ssyncadd.s32 $0xFFFF8000  }
0x709: {  	[hbm4b:s30+s2] =	stream.linear.scatter [tilespmem:s29], [sflag:$0x2], $0x8000, $0x38;
	[tilespmem:$0x19400] =	vst v63  }
0x70a: {  	_ =	swait.ge [sflag:s18], $0x8000  }
0x70b: {  	s31 =	sld [smem:$0x7DE]  }
0x70c: {  	[sflag:s18] =	ssyncset.done $0x0  }
0x70d: {  	[sflag:s18] =	ssyncadd.s32 $0xFFFF8000  }
0x70e: {  	[hbm4b:s31+s2] =	stream.linear.scatter [tilespmem:s8], [sflag:$0x2], $0x8000, $0x38;
	[tilespmem:$0x19400] =	vst v63  }
0x70f: {  	_ =	swait.ge [sflag:s20], $0x8000  }
0x710: {  	[sflag:s20] =	ssyncset.done $0x0  }
0x711: {  	[sflag:s20] =	ssyncadd.s32 $0xFFFF8000  }
0x712: {  	p0 =	sne.s32 s11, $0x1;
	_ =	swait.ge [sflag:s20], $0x8000  }
.Ltmp0:
0x713: {  	[sflag:s20] =	ssyncset.done $0x0;
	(pc) =	sbr.rel @p0 .LBB2_1-.Ltmp0, $4  }
0x714: {  	[sflag:s20] =	ssyncadd.s32 $0xFFFF8000  }
0x715: {  	_ =	swait.ge [sflag:s20], $0x8000  }
0x716: {  	[sflag:s20] =	ssyncset.done $0x0  }
0x717: {  	s3 =	sadd.s32 $0xFFFFFFFF, s11;
	[sflag:s20] =	ssyncadd.s32 $0xFFFF8000  }
0x718: {  	_ =	sfence.sel $0x180000  }
0x719: {  	[bflag:$0x0] =	sbarrier.arrive $0xFFFF  }
0x71a: {  	_ =	strace $0x90000047  }
0x71b: {  	s0 =	stileid.u32;
	[bflag:$0x2] =	sbarrier.arrive $0xFFFF  }
0x71c: {  	p0 =	sne.s32 s0, $0x0;
	s0 =	rddreg [dreg:$0x2]  }
0x71d: {  	s0 =	sadd.s32 @!p0 $0x100000, s0  }
0x71e: {  	[sflag:s0] =	ssyncadd.tile.s32 @!p0 $0x1;
	_ =	shalt  }
.Lfunc_end2:
_tile_overlayer_lowered:
.L_overlay_start_2:
0x71f: {  	(tag) =	ssettag $0x2  }
0x720: {  	s0 =	rddreg [dreg:$0x0];
	s2 =	stileid.u32  }
0x721: {  	s1 =	rddreg [dreg:$0x1];
	p0 =	sne.s32 s2, $0x0  }
0x722: {  	s3 =	rddreg [dreg:$0x2];
	[bflag:$0x3] =	sbarrier.arrive $0xFFFF;
	s2 =	simm.s32 @!p0 $0x1C03  }
0x723: {  	[timem:s3], [sflag:s2] =	dma.local @!p0 [hbm:s0], s1  }
0x724: {  	s0 =	simm.s32 @!p0 $0x3  }
0x725: {  	_ =	swait.ge @!p0 [sflag:s0], s1  }
0x726: {  	s1 =	ssub.s32 @!p0 $0x0, s1;
	[sflag:s0] =	ssyncset.done @!p0 $0x0  }
0x727: {  	[sflag:s0] =	ssyncadd.s32 @!p0 s1  }
0x728: {  	[bflag:$0x3] =	sbarrier.arrive $0xFFFF  }
0x729: {  	_ =	shalt  }

</sc_bundles>
